<compile_context>
chip_gen: v7x
topology: tpu7x:2x2x1
jax: 0.10.2.dev20260603
libtpu: 0.0.44.dev20260713+nightly
codegen_flags: <defaults>
</compile_context>

<pallas_src>
import functools

import jax
import jax.numpy as jnp
from jax import lax
from jax.experimental import pallas as pl
from jax.experimental.pallas import tpu as pltpu
from jax.experimental.pallas import tpu_sc as plsc

NSUB = 16
NCORE = 2
G = 128
DEPTH = 5
BLK = 1024
BPB = BLK // G


def _bcast16(v, i):
    return lax.gather(
        v,
        jnp.full((16, 1), i, jnp.int32),
        lax.GatherDimensionNumbers(
            offset_dims=(), collapsed_slice_dims=(0,), start_index_map=(0,)),
        (1,),
        mode=lax.GatherScatterMode.PROMISE_IN_BOUNDS)


def _make_prop(npad, ept, dh):
    rows_pt = npad // NSUB
    nbat = ept // G
    nblk = ept // BLK
    mesh = plsc.VectorSubcoreMesh(core_axis_name="c", subcore_axis_name="s")

    @functools.partial(
        pl.kernel,
        mesh=mesh,
        out_type=tuple(
            jax.ShapeDtypeStruct((2 * npad, dh), jnp.float32)
            for _ in range(3)),
        compiler_params=pltpu.CompilerParams(use_tc_tiling_on_sc=False),
        scratch_types=[
            pltpu.VMEM((2 * BLK,), jnp.int32),
            pltpu.VMEM((2 * BLK,), jnp.int32),
            pltpu.VMEM((2 * BLK,), jnp.float32),
            pltpu.VMEM((DEPTH * G,), jnp.int32),
            pltpu.VMEM((DEPTH * G, dh), jnp.float32),
            pltpu.VMEM_SHARED((npad, dh), jnp.float32),
            pltpu.SemaphoreType.DMA,
            pltpu.SemaphoreType.DMA,
            pltpu.SemaphoreType.DMA,
        ],
    )
    def prop(t0_hbm, src_hbm, dst_hbm, val_hbm, z_hbm, o1, o2, o3,
             src_v, dst_v, val_v, loc_v, rows_v, acc_sh, esem, gsem, ssem):
        c = lax.axis_index("c")
        s = lax.axis_index("s")
        cbase = c * npad
        t_base = s * ept

        for t_hbm, out_hbm in ((t0_hbm, o1), (o1, o2), (o2, o3)):
            pltpu.sync_copy(z_hbm, acc_sh.at[pl.ds(s * rows_pt, rows_pt)])
            plsc.subcore_barrier()

            def fire_block(k):
                off = t_base + k * BLK
                stg = (k % 2) * BLK
                pltpu.async_copy(src_hbm.at[pl.ds(off, BLK)],
                                 src_v.at[pl.ds(stg, BLK)], esem)
                pltpu.async_copy(dst_hbm.at[pl.ds(off, BLK)],
                                 dst_v.at[pl.ds(stg, BLK)], esem)
                pltpu.async_copy(val_hbm.at[pl.ds(off, BLK)],
                                 val_v.at[pl.ds(stg, BLK)], esem)

            def drain_block():
                for _ in range(3):
                    pltpu.make_async_copy(
                        src_hbm.at[pl.ds(0, BLK)],
                        src_v.at[pl.ds(0, BLK)], esem).wait()

            fire_block(0)

            def lbatch(bb, _, t_hbm=t_hbm):
                @pl.when((bb % BPB == 0) & (bb < nbat))
                def _():
                    drain_block()
                    stg0 = ((bb // BPB) % 2) * BLK

                    def addb(i, _2):
                        sl = pl.ds(stg0 + i * 16, 16)
                        src_v[sl] = src_v[sl] + cbase
                        return 0

                    lax.fori_loop(0, BLK // 16, addb, 0)

                @pl.when((bb % BPB == 3) & (bb // BPB + 1 < nblk))
                def _():
                    fire_block(bb // BPB + 1)

                @pl.when(bb < nbat)
                def _():
                    @pl.when(bb >= DEPTH)
                    def _():
                        pltpu.make_async_copy(
                            rows_v.at[pl.ds((bb % DEPTH) * G, G)],
                            acc_sh.at[pl.ds(0, G)], ssem).wait()
                    stg = ((bb // BPB) % 2) * BLK + (bb % BPB) * G
                    pltpu.async_copy(
                        t_hbm.at[src_v.at[pl.ds(stg, G)]],
                        rows_v.at[pl.ds((bb % DEPTH) * G, G)], gsem)

                x = bb - 3

                @pl.when(bb >= 3)
                def _():
                    pltpu.make_async_copy(
                        t_hbm.at[pl.ds(0, G)],
                        rows_v.at[pl.ds((x % DEPTH) * G, G)], gsem).wait()
                    xstg = ((x // BPB) % 2) * BLK + (x % BPB) * G
                    rbase = (x % DEPTH) * G

                    def group(g, _2):
                        e0 = xstg + g * 16
                        val16 = val_v[pl.ds(e0, 16)]
                        loc_v[pl.ds(rbase + g * 16, 16)] = (
                            dst_v[pl.ds(e0, 16)])
                        for i in range(16):
                            bv = _bcast16(val16, i)
                            e = rbase + g * 16 + i
                            for jj in range(dh // 16):
                                rows_v[e, pl.ds(jj * 16, 16)] = (
                                    rows_v[e, pl.ds(jj * 16, 16)] * bv)
                        return 0

                    lax.fori_loop(0, G // 16, group, 0)
                    pltpu.async_copy(
                        rows_v.at[pl.ds(rbase, G)],
                        acc_sh.at[loc_v.at[pl.ds(rbase, G)]],
                        ssem, add=True)
                return 0

            lax.fori_loop(0, nbat + 3, lbatch, 0)

            for t in range(DEPTH):
                pltpu.make_async_copy(
                    rows_v.at[pl.ds(t * G, G)],
                    acc_sh.at[pl.ds(0, G)], ssem).wait()

            plsc.subcore_barrier()
            pltpu.sync_copy(
                acc_sh.at[pl.ds(s * rows_pt, rows_pt)],
                out_hbm.at[pl.ds(cbase + s * rows_pt, rows_pt)])
            plsc.subcore_barrier()

    return prop


def _make_gather_mean(npad, nidx, dh):
    per_tile = nidx // (NCORE * NSUB)
    idx_rows = per_tile // 128
    mesh = plsc.VectorSubcoreMesh(core_axis_name="c", subcore_axis_name="s")

    @functools.partial(
        pl.kernel,
        mesh=mesh,
        out_type=jax.ShapeDtypeStruct((nidx, 2 * dh), jnp.float32),
        compiler_params=pltpu.CompilerParams(use_tc_tiling_on_sc=False),
        scratch_types=[
            pltpu.VMEM((per_tile,), jnp.int32),
            pltpu.VMEM((per_tile,), jnp.int32),
            pltpu.VMEM((8 * per_tile, dh), jnp.float32),
            pltpu.VMEM((per_tile, 2 * dh), jnp.float32),
            pltpu.SemaphoreType.DMA,
        ],
    )
    def gmean(t0, t1, t2, t3, gidx_hbm, gidx2_hbm, out_hbm,
              idx_v, idx2_v, tbl_v, out_v, sem):
        c = lax.axis_index("c")
        s = lax.axis_index("s")
        wid = c * NSUB + s
        pltpu.sync_copy(gidx_hbm.at[pl.ds(wid * per_tile, per_tile)], idx_v)
        pltpu.sync_copy(gidx2_hbm.at[pl.ds(wid * per_tile, per_tile)], idx2_v)
        handles = []
        for k, t in enumerate((t0, t1, t2, t3)):
            for half, iv in enumerate((idx_v, idx2_v)):
                for sb in range(idx_rows):
                    handles.append(pltpu.async_copy(
                        t.at[iv.at[pl.ds(sb * 128, 128)]],
                        tbl_v.at[pl.ds((4 * half + k) * per_tile + sb * 128,
                                       128)], sem))
        for h in handles:
            h.wait()

        def row(r, _):
            for half in range(2):
                o = 4 * half * per_tile
                for jj in range(dh // 16):
                    sl = pl.ds(jj * 16, 16)
                    acc = (tbl_v[o + r, sl]
                           + tbl_v[o + per_tile + r, sl]
                           + tbl_v[o + 2 * per_tile + r, sl]
                           + tbl_v[o + 3 * per_tile + r, sl])
                    out_v[r, pl.ds(half * dh + jj * 16, 16)] = acc * 0.25
            return 0

        lax.fori_loop(0, per_tile, row, 0)
        pltpu.sync_copy(out_v, out_hbm.at[pl.ds(wid * per_tile, per_tile)])

    return gmean


def _dense_body(ue_ref, ie_ref, wk_ref, bk_ref, ws_ref, out_ref):
    ue = ue_ref[...]
    ie = ie_ref[...]
    nf = wk_ref.shape[0]

    def factors(x):
        fs = []
        for k in range(nf):
            w = wk_ref[k]
            f = lax.dot_general(
                x, w, (((1,), (1,)), ((), ())),
                precision=lax.Precision.HIGHEST,
                preferred_element_type=jnp.float32)
            f = jnp.maximum(f + bk_ref[k][None, :], 0.0)
            n = jnp.sqrt(jnp.sum(f * f, axis=1, keepdims=True))
            fs.append(f / jnp.maximum(n, 1e-12))
        return fs

    uf = factors(ue)
    itf = factors(ie)
    acc = jnp.zeros((ue.shape[0],), jnp.float32)
    for i in range(nf):
        for j in range(nf):
            acc = acc + ws_ref[i, j] * jnp.sum(uf[i] * itf[j], axis=1)
    out_ref[...] = acc


def _dense_scores(ue, ie, wk, bk, ws):
    b, d = ue.shape
    bs = 512
    nf = wk.shape[0]
    return pl.pallas_call(
        _dense_body,
        grid=(b // bs,),
        in_specs=[
            pl.BlockSpec((bs, d), lambda i: (i, 0)),
            pl.BlockSpec((bs, d), lambda i: (i, 0)),
            pl.BlockSpec((nf, d, d), lambda i: (0, 0, 0)),
            pl.BlockSpec((nf, d), lambda i: (0, 0)),
            pl.BlockSpec((nf, nf), lambda i: (0, 0)),
        ],
        out_specs=pl.BlockSpec((bs,), lambda i: (i,)),
        out_shape=jax.ShapeDtypeStruct((b,), jnp.float32),
    )(ue, ie, wk, bk, ws)


def kernel(users, items, user_emb, item_emb, edge_index, edge_vals, Wk, bk, W_s):
    nu, d = user_emb.shape
    ni = item_emb.shape[0]
    n = nu + ni
    e = edge_index.shape[1]
    bsz = users.shape[0]
    assert d % 32 == 0
    dh = d // 2
    npad = ((n + 127) // 128) * 128

    t0 = jnp.concatenate([user_emb, item_emb], axis=0)
    t0 = jnp.pad(t0, ((0, npad - n), (0, 0)))
    t0s = jnp.concatenate([t0[:, :dh], t0[:, dh:]], axis=0)

    src = edge_index[0]
    dst = edge_index[1]

    ept = ((e // NSUB + BLK - 1) // BLK) * BLK
    e_pad = ept * NSUB
    pad_n = e_pad - e
    src_p = jnp.pad(src, (0, pad_n))
    dst_p = jnp.pad(dst, (0, pad_n))
    val_p = jnp.pad(edge_vals, (0, pad_n))

    zrows = jnp.zeros((npad // NSUB, dh), jnp.float32)

    prop = _make_prop(npad, ept, dh)
    t1s, t2s, t3s = prop(t0s, src_p, dst_p, val_p, zrows)

    gidx = jnp.concatenate([users, items + nu])
    gidx2 = gidx + npad
    gmean = _make_gather_mean(npad, 2 * bsz, dh)
    ui = gmean(t0s, t1s, t2s, t3s, gidx, gidx2)

    return _dense_scores(ui[:bsz], ui[bsz:], Wk, bk, W_s)

# --- scband reference (transcript-rebuilt; emitter-appended) ---
"""Pipeline reference for scband-dlight-gcn-51144470560839 (READ-ONLY COPY).

The authoritative reference and input builder live on the scoring server;
editing this copy changes nothing except your own understanding.
"""

import jax, jax.numpy as jnp
import numpy as np

NUM_USERS = 25000
NUM_ITEMS = 25000
N = NUM_USERS + NUM_ITEMS
E = 800000
D = 64
N_FACTORS = 4
N_LAYERS = 3
B = 4096


def setup_inputs(seed: int = 0) -> dict:
    key = jax.random.key(seed)
    ks = jax.random.split(key, 10)
    user_emb = jax.random.normal(ks[0], (NUM_USERS, D), dtype=jnp.float32) * 0.1
    item_emb = jax.random.normal(ks[1], (NUM_ITEMS, D), dtype=jnp.float32) * 0.1
    # normalized bipartite adjacency stored as COO edges (src, dst) with values
    edge_index = jax.random.randint(ks[2], (2, E), 0, N, dtype=jnp.int32)
    edge_vals = jax.random.uniform(ks[3], (E,), dtype=jnp.float32) * 0.1
    # disentangled factor projections: n_factors Linear(D, D) layers
    Wk = jax.random.normal(ks[4], (N_FACTORS, D, D), dtype=jnp.float32) * (1.0 / np.sqrt(D))
    bk = jnp.zeros((N_FACTORS, D), dtype=jnp.float32)
    W_s = jax.random.normal(ks[5], (N_FACTORS, N_FACTORS), dtype=jnp.float32) * 0.5
    users = jax.random.randint(ks[6], (B,), 0, NUM_USERS, dtype=jnp.int32)
    items = jax.random.randint(ks[7], (B,), 0, NUM_ITEMS, dtype=jnp.int32)
    return {
        'users': users,
        'items': items,
        'user_emb': user_emb,
        'item_emb': item_emb,
        'edge_index': edge_index,
        'edge_vals': edge_vals,
        'Wk': Wk,
        'bk': bk,
        'W_s': W_s,
    }


def _get_factors(x, Wk, bk):
    # x: [B, D]; Wk: [K, D_out, D_in]; bk: [K, D_out]
    f = jnp.einsum('bd,kod->kbo', x, Wk) + bk[:, None, :]
    f = jax.nn.relu(f)
    n = jnp.linalg.norm(f, axis=2, keepdims=True)
    return f / jnp.maximum(n, 1e-12)  # [K, B, D]


def reference(users, items, user_emb, item_emb, edge_index, edge_vals, Wk, bk, W_s):
    # --- computer(): LightGCN propagation via sparse.mm == gather + scatter-add ---
    all_emb = jnp.concatenate([user_emb, item_emb], axis=0)  # [N, D]
    embs = [all_emb]
    src = edge_index[0]
    dst = edge_index[1]
    for _ in range(N_LAYERS):
        msgs = jnp.take(all_emb, src, axis=0) * edge_vals[:, None]  # gather [E, D]
        all_emb = jax.ops.segment_sum(msgs, dst, num_segments=N)    # scatter-add
        embs.append(all_emb)
    light_out = jnp.mean(jnp.stack(embs, axis=1), axis=1)  # [N, D]
    users_all = light_out[:NUM_USERS]
    items_all = light_out[NUM_USERS:]
    # --- forward(users, items) ---
    users_emb = jnp.take(users_all, users, axis=0)  # [B, D]
    items_emb = jnp.take(items_all, items, axis=0)  # [B, D]
    uf = _get_factors(users_emb, Wk, bk)  # [K, B, D]
    itf = _get_factors(items_emb, Wk, bk)  # [K, B, D]
    H_ui = jnp.einsum('ibd,jbd->bij', uf, itf)  # [B, K, K]
    scores = jnp.sum(H_ui * W_s[None, :, :], axis=(1, 2))  # [B]
    return scores

if __name__ == "__main__":
    import jax
    _d = setup_inputs()
    print(jax.jit(kernel)(*tuple(_d.values())))

</pallas_src>

<mosaic_0001>
#map = affine_map<(d0, d1) -> (0, 0)>
#map1 = affine_map<(d0, d1) -> (0)>
module attributes {stable_mosaic.version = 14 : i64} {
  func.func @prop(%arg0: i32, %arg1: i32, %arg2: memref<100096x32xf32, #tpu.memory_space<hbm>>, %arg3: memref<802816xi32, #tpu.memory_space<hbm>>, %arg4: memref<802816xi32, #tpu.memory_space<hbm>>, %arg5: memref<802816xf32, #tpu.memory_space<hbm>>, %arg6: memref<3128x32xf32, #tpu.memory_space<hbm>>, %arg7: memref<100096x32xf32, #tpu.memory_space<hbm>>, %arg8: memref<100096x32xf32, #tpu.memory_space<hbm>>, %arg9: memref<100096x32xf32, #tpu.memory_space<hbm>>, %arg10: memref<2048xi32, #tpu.memory_space<vmem>>, %arg11: memref<2048xi32, #tpu.memory_space<vmem>>, %arg12: memref<2048xf32, #tpu.memory_space<vmem>>, %arg13: memref<640xi32, #tpu.memory_space<vmem>>, %arg14: memref<640x32xf32, #tpu.memory_space<vmem>>, %arg15: memref<50048x32xf32, #tpu.memory_space<vmem_shared>>, %arg16: memref<!tpu.dma_semaphore, #tpu.memory_space<semaphore_mem>>, %arg17: memref<!tpu.dma_semaphore, #tpu.memory_space<semaphore_mem>>, %arg18: memref<!tpu.dma_semaphore, #tpu.memory_space<semaphore_mem>>) attributes {dimension_semantics = [#tpu.dimension_semantics<core_parallel>, #tpu.dimension_semantics<subcore_parallel>], iteration_bounds = array<i64: 2, 16>, scalar_prefetch = 0 : i64, scratch_operands = 9 : i64, tpu.core_type = #tpu.core_type<sc_vector_subcore>, window_params = [{transform_indices = #map}, {transform_indices = #map1}, {transform_indices = #map1}, {transform_indices = #map1}, {transform_indices = #map}, {transform_indices = #map}, {transform_indices = #map}, {transform_indices = #map}]} {
    %mul3A = arith.constant 50048 : i32
    %mul3A_0 = arith.muli %arg0, %mul3A : i32
    %mul3A_1 = arith.constant 50176 : i32
    %mul3A_2 = arith.muli %arg1, %mul3A_1 : i32
    %mul3A_3 = arith.constant 3128 : i32
    %mul3A_4 = arith.muli %arg1, %mul3A_3 : i32
    "tpu.region"() ({
      %run_scoped3A = tpu.sem_alloc : memref<!tpu.dma_semaphore, #tpu.memory_space<semaphore_mem>>
      %dma_start3A_289 = arith.constant 0 : i32
      %dma_start3A_290 = tpu.memref_slice %arg15[%mul3A_4, %dma_start3A_289] : memref<50048x32xf32, #tpu.memory_space<vmem_shared>> -> memref<3128x32xf32, #tpu.memory_space<vmem_shared>>
      tpu.enqueue_dma source(%arg6 : memref<3128x32xf32, #tpu.memory_space<hbm>>) target(%dma_start3A_290 : memref<3128x32xf32, #tpu.memory_space<vmem_shared>>) target_semaphore(%run_scoped3A : memref<!tpu.dma_semaphore, #tpu.memory_space<semaphore_mem>>)
      %dma_wait3A_291 = arith.constant 0 : i32
      %dma_wait3A_292 = tpu.memref_slice %arg15[%mul3A_4, %dma_wait3A_291] : memref<50048x32xf32, #tpu.memory_space<vmem_shared>> -> memref<3128x32xf32, #tpu.memory_space<vmem_shared>>
      tpu.wait_dma2 semaphore(%run_scoped3A : memref<!tpu.dma_semaphore, #tpu.memory_space<semaphore_mem>>) src(%arg6 : memref<3128x32xf32, #tpu.memory_space<hbm>>) dst(%dma_wait3A_292 : memref<3128x32xf32, #tpu.memory_space<vmem_shared>>)
      tpu.yield
    }) : () -> ()
    %barrier3A = arith.constant 0 : index
    tpu.barrier barrier_id(%barrier3A)
    %add3A = arith.constant 0 : i32
    %add3A_5 = arith.addi %mul3A_2, %add3A : i32
    %dma_start3A = arith.constant 0 : i32
    %dma_start3A_6 = tpu.memref_slice %arg10[%dma_start3A] : memref<2048xi32, #tpu.memory_space<vmem>> -> memref<1024xi32, #tpu.memory_space<vmem>>
    %dma_start3A_7 = tpu.memref_slice %arg3[%add3A_5] : memref<802816xi32, #tpu.memory_space<hbm>> -> memref<1024xi32, #tpu.memory_space<hbm>>
    %dma_start3A_8 = arith.constant 0 : i32
    %dma_start3A_9 = tpu.memref_slice %arg10[%dma_start3A_8] : memref<2048xi32, #tpu.memory_space<vmem>> -> memref<1024xi32, #tpu.memory_space<vmem>>
    %dma_start3A_10 = tpu.memref_slice %arg3[%add3A_5] : memref<802816xi32, #tpu.memory_space<hbm>> -> memref<1024xi32, #tpu.memory_space<hbm>>
    tpu.enqueue_dma source(%dma_start3A_10 : memref<1024xi32, #tpu.memory_space<hbm>>) target(%dma_start3A_9 : memref<1024xi32, #tpu.memory_space<vmem>>) target_semaphore(%arg16 : memref<!tpu.dma_semaphore, #tpu.memory_space<semaphore_mem>>)
    %dma_start3A_11 = arith.constant 0 : i32
    %dma_start3A_12 = tpu.memref_slice %arg11[%dma_start3A_11] : memref<2048xi32, #tpu.memory_space<vmem>> -> memref<1024xi32, #tpu.memory_space<vmem>>
    %dma_start3A_13 = tpu.memref_slice %arg4[%add3A_5] : memref<802816xi32, #tpu.memory_space<hbm>> -> memref<1024xi32, #tpu.memory_space<hbm>>
    %dma_start3A_14 = arith.constant 0 : i32
    %dma_start3A_15 = tpu.memref_slice %arg11[%dma_start3A_14] : memref<2048xi32, #tpu.memory_space<vmem>> -> memref<1024xi32, #tpu.memory_space<vmem>>
    %dma_start3A_16 = tpu.memref_slice %arg4[%add3A_5] : memref<802816xi32, #tpu.memory_space<hbm>> -> memref<1024xi32, #tpu.memory_space<hbm>>
    tpu.enqueue_dma source(%dma_start3A_16 : memref<1024xi32, #tpu.memory_space<hbm>>) target(%dma_start3A_15 : memref<1024xi32, #tpu.memory_space<vmem>>) target_semaphore(%arg16 : memref<!tpu.dma_semaphore, #tpu.memory_space<semaphore_mem>>)
    %dma_start3A_17 = arith.constant 0 : i32
    %dma_start3A_18 = tpu.memref_slice %arg12[%dma_start3A_17] : memref<2048xf32, #tpu.memory_space<vmem>> -> memref<1024xf32, #tpu.memory_space<vmem>>
    %dma_start3A_19 = tpu.memref_slice %arg5[%add3A_5] : memref<802816xf32, #tpu.memory_space<hbm>> -> memref<1024xf32, #tpu.memory_space<hbm>>
    %dma_start3A_20 = arith.constant 0 : i32
    %dma_start3A_21 = tpu.memref_slice %arg12[%dma_start3A_20] : memref<2048xf32, #tpu.memory_space<vmem>> -> memref<1024xf32, #tpu.memory_space<vmem>>
    %dma_start3A_22 = tpu.memref_slice %arg5[%add3A_5] : memref<802816xf32, #tpu.memory_space<hbm>> -> memref<1024xf32, #tpu.memory_space<hbm>>
    tpu.enqueue_dma source(%dma_start3A_22 : memref<1024xf32, #tpu.memory_space<hbm>>) target(%dma_start3A_21 : memref<1024xf32, #tpu.memory_space<vmem>>) target_semaphore(%arg16 : memref<!tpu.dma_semaphore, #tpu.memory_space<semaphore_mem>>)
    %scan3A = arith.constant 0 : i32
    %scan3A_23 = arith.constant 0 : i32
    %scan3A_24 = arith.constant 395 : i32
    %scan3A_25 = arith.addi %scan3A_23, %scan3A_24 : i32
    %scan3A_26 = arith.constant 1 : i32
    %scan3A_27 = scf.for %scan3A_289 = %scan3A_23 to %scan3A_25 step %scan3A_26 iter_args(%scan3A_290 = %scan3A) -> (i32)  : i32 {
      %jit3A = arith.constant 8 : i32
      %eq3A = arith.constant 0 : i32
      %eq3A_291 = arith.cmpi eq, %jit3A, %eq3A : i32
      %jit3A_292 = arith.constant 1 : i32
      %select_n3A = arith.select %eq3A_291, %jit3A_292, %jit3A : i32
      %rem3A = arith.remsi %scan3A_289, %select_n3A : i32
      %ne3A = arith.constant 0 : i32
      %ne3A_293 = arith.cmpi ne, %rem3A, %ne3A : i32
      %lt3A = arith.constant 0 : i32
      %lt3A_294 = arith.cmpi slt, %rem3A, %lt3A : i32
      %lt3A_295 = arith.constant 0 : i32
      %lt3A_296 = arith.cmpi slt, %select_n3A, %lt3A_295 : i32
      %ne3A_297 = arith.xori %lt3A_294, %lt3A_296 : i1
      %and3A = arith.andi %ne3A_297, %ne3A_293 : i1
      %add3A_298 = arith.addi %rem3A, %select_n3A : i32
      %select_n3A_299 = arith.select %and3A, %add3A_298, %rem3A : i32
      %eq3A_300 = arith.constant 0 : i32
      %eq3A_301 = arith.cmpi eq, %select_n3A_299, %eq3A_300 : i32
      %lt3A_302 = arith.constant 392 : i32
      %lt3A_303 = arith.cmpi slt, %scan3A_289, %lt3A_302 : i32
      %and3A_304 = arith.andi %eq3A_301, %lt3A_303 : i1
      %convert_element_type3A = arith.extui %and3A_304 : i1 to i32
      %cond3A = arith.constant 0 : i32
      %cond3A_305 = arith.cmpi ne, %convert_element_type3A, %cond3A : i32
      scf.if %cond3A_305 {
        %dma_wait3A_365 = arith.constant 0 : i32
        %dma_wait3A_366 = tpu.memref_slice %arg10[%dma_wait3A_365] : memref<2048xi32, #tpu.memory_space<vmem>> -> memref<1024xi32, #tpu.memory_space<vmem>>
        %dma_wait3A_367 = arith.constant 0 : i32
        %dma_wait3A_368 = tpu.memref_slice %arg3[%dma_wait3A_367] : memref<802816xi32, #tpu.memory_space<hbm>> -> memref<1024xi32, #tpu.memory_space<hbm>>
        %dma_wait3A_369 = arith.constant 0 : i32
        %dma_wait3A_370 = tpu.memref_slice %arg10[%dma_wait3A_369] : memref<2048xi32, #tpu.memory_space<vmem>> -> memref<1024xi32, #tpu.memory_space<vmem>>
        %dma_wait3A_371 = arith.constant 0 : i32
        %dma_wait3A_372 = tpu.memref_slice %arg3[%dma_wait3A_371] : memref<802816xi32, #tpu.memory_space<hbm>> -> memref<1024xi32, #tpu.memory_space<hbm>>
        tpu.wait_dma2 semaphore(%arg16 : memref<!tpu.dma_semaphore, #tpu.memory_space<semaphore_mem>>) src(%dma_wait3A_372 : memref<1024xi32, #tpu.memory_space<hbm>>) dst(%dma_wait3A_370 : memref<1024xi32, #tpu.memory_space<vmem>>)
        %dma_wait3A_373 = arith.constant 0 : i32
        %dma_wait3A_374 = tpu.memref_slice %arg10[%dma_wait3A_373] : memref<2048xi32, #tpu.memory_space<vmem>> -> memref<1024xi32, #tpu.memory_space<vmem>>
        %dma_wait3A_375 = arith.constant 0 : i32
        %dma_wait3A_376 = tpu.memref_slice %arg3[%dma_wait3A_375] : memref<802816xi32, #tpu.memory_space<hbm>> -> memref<1024xi32, #tpu.memory_space<hbm>>
        %dma_wait3A_377 = arith.constant 0 : i32
        %dma_wait3A_378 = tpu.memref_slice %arg10[%dma_wait3A_377] : memref<2048xi32, #tpu.memory_space<vmem>> -> memref<1024xi32, #tpu.memory_space<vmem>>
        %dma_wait3A_379 = arith.constant 0 : i32
        %dma_wait3A_380 = tpu.memref_slice %arg3[%dma_wait3A_379] : memref<802816xi32, #tpu.memory_space<hbm>> -> memref<1024xi32, #tpu.memory_space<hbm>>
        tpu.wait_dma2 semaphore(%arg16 : memref<!tpu.dma_semaphore, #tpu.memory_space<semaphore_mem>>) src(%dma_wait3A_380 : memref<1024xi32, #tpu.memory_space<hbm>>) dst(%dma_wait3A_378 : memref<1024xi32, #tpu.memory_space<vmem>>)
        %dma_wait3A_381 = arith.constant 0 : i32
        %dma_wait3A_382 = tpu.memref_slice %arg10[%dma_wait3A_381] : memref<2048xi32, #tpu.memory_space<vmem>> -> memref<1024xi32, #tpu.memory_space<vmem>>
        %dma_wait3A_383 = arith.constant 0 : i32
        %dma_wait3A_384 = tpu.memref_slice %arg3[%dma_wait3A_383] : memref<802816xi32, #tpu.memory_space<hbm>> -> memref<1024xi32, #tpu.memory_space<hbm>>
        %dma_wait3A_385 = arith.constant 0 : i32
        %dma_wait3A_386 = tpu.memref_slice %arg10[%dma_wait3A_385] : memref<2048xi32, #tpu.memory_space<vmem>> -> memref<1024xi32, #tpu.memory_space<vmem>>
        %dma_wait3A_387 = arith.constant 0 : i32
        %dma_wait3A_388 = tpu.memref_slice %arg3[%dma_wait3A_387] : memref<802816xi32, #tpu.memory_space<hbm>> -> memref<1024xi32, #tpu.memory_space<hbm>>
        tpu.wait_dma2 semaphore(%arg16 : memref<!tpu.dma_semaphore, #tpu.memory_space<semaphore_mem>>) src(%dma_wait3A_388 : memref<1024xi32, #tpu.memory_space<hbm>>) dst(%dma_wait3A_386 : memref<1024xi32, #tpu.memory_space<vmem>>)
        %jit3A_389 = arith.constant 8 : i32
        %div3A_390 = arith.divsi %scan3A_289, %jit3A_389 : i32
        %sign3A_391 = arith.constant 0 : i32
        %sign3A_392 = arith.cmpi sgt, %scan3A_289, %sign3A_391 : i32
        %sign3A_393 = arith.extui %sign3A_392 : i1 to i32
        %sign3A_394 = arith.constant 0 : i32
        %sign3A_395 = arith.cmpi slt, %scan3A_289, %sign3A_394 : i32
        %sign3A_396 = arith.extui %sign3A_395 : i1 to i32
        %sign3A_397 = arith.subi %sign3A_393, %sign3A_396 : i32
        %sign3A_398 = arith.constant 0 : i32
        %sign3A_399 = arith.cmpi sgt, %jit3A_389, %sign3A_398 : i32
        %sign3A_400 = arith.extui %sign3A_399 : i1 to i32
        %sign3A_401 = arith.constant 0 : i32
        %sign3A_402 = arith.cmpi slt, %jit3A_389, %sign3A_401 : i32
        %sign3A_403 = arith.extui %sign3A_402 : i1 to i32
        %sign3A_404 = arith.subi %sign3A_400, %sign3A_403 : i32
        %ne3A_405 = arith.cmpi ne, %sign3A_397, %sign3A_404 : i32
        %rem3A_406 = arith.remsi %scan3A_289, %jit3A_389 : i32
        %ne3A_407 = arith.constant 0 : i32
        %ne3A_408 = arith.cmpi ne, %rem3A_406, %ne3A_407 : i32
        %and3A_409 = arith.andi %ne3A_405, %ne3A_408 : i1
        %sub3A_410 = arith.constant 1 : i32
        %sub3A_411 = arith.subi %div3A_390, %sub3A_410 : i32
        %select_n3A_412 = arith.select %and3A_409, %sub3A_411, %div3A_390 : i32
        %jit3A_413 = arith.constant 2 : i32
        %eq3A_414 = arith.constant 0 : i32
        %eq3A_415 = arith.cmpi eq, %jit3A_413, %eq3A_414 : i32
        %jit3A_416 = arith.constant 1 : i32
        %select_n3A_417 = arith.select %eq3A_415, %jit3A_416, %jit3A_413 : i32
        %rem3A_418 = arith.remsi %select_n3A_412, %select_n3A_417 : i32
        %ne3A_419 = arith.constant 0 : i32
        %ne3A_420 = arith.cmpi ne, %rem3A_418, %ne3A_419 : i32
        %lt3A_421 = arith.constant 0 : i32
        %lt3A_422 = arith.cmpi slt, %rem3A_418, %lt3A_421 : i32
        %lt3A_423 = arith.constant 0 : i32
        %lt3A_424 = arith.cmpi slt, %select_n3A_417, %lt3A_423 : i32
        %ne3A_425 = arith.xori %lt3A_422, %lt3A_424 : i1
        %and3A_426 = arith.andi %ne3A_425, %ne3A_420 : i1
        %add3A_427 = arith.addi %rem3A_418, %select_n3A_417 : i32
        %select_n3A_428 = arith.select %and3A_426, %add3A_427, %rem3A_418 : i32
        %mul3A_429 = arith.constant 1024 : i32
        %mul3A_430 = arith.muli %select_n3A_428, %mul3A_429 : i32
        %scan3A_431 = arith.constant 0 : i32
        %scan3A_432 = arith.constant 0 : i32
        %scan3A_433 = arith.constant 64 : i32
        %scan3A_434 = arith.addi %scan3A_432, %scan3A_433 : i32
        %scan3A_435 = arith.constant 1 : i32
        %scan3A_436 = scf.for %scan3A_438 = %scan3A_432 to %scan3A_434 step %scan3A_435 iter_args(%scan3A_439 = %scan3A_431) -> (i32)  : i32 {
          %mul3A_440 = arith.constant 16 : i32
          %mul3A_441 = arith.muli %scan3A_438, %mul3A_440 : i32
          %add3A_442 = arith.addi %mul3A_430, %mul3A_441 : i32
          %get3A = arith.index_cast %add3A_442 : i32 to index
          %get3A_443 = tpu.vector_load %arg10[%get3A] {strides = array<i32>} : memref<2048xi32, #tpu.memory_space<vmem>>, vector<16xi32>,
          %get3A_444 = vector.shape_cast %get3A_443 : vector<16xi32> to vector<16xi32>
          %add3A_445 = vector.broadcast %mul3A_0 : i32 to vector<16xi32>
          %add3A_446 = arith.addi %get3A_444, %add3A_445 : vector<16xi32>
          %swap3A = arith.index_cast %add3A_442 : i32 to index
          %swap3A_447 = tpu.vector_load %arg10[%swap3A] {strides = array<i32>} : memref<2048xi32, #tpu.memory_space<vmem>>, vector<16xi32>,
          %swap3A_448 = vector.shape_cast %swap3A_447 : vector<16xi32> to vector<16xi32>
          %swap3A_449 = vector.shape_cast %add3A_446 : vector<16xi32> to vector<16xi32>
          tpu.vector_store %arg10[%swap3A], %swap3A_449 {strides = array<i32>} : memref<2048xi32, #tpu.memory_space<vmem>>, vector<16xi32>,
          %scan3A_450 = arith.constant 0 : i32
          scf.yield %scan3A_450 : i32
        }
        %scan3A_437 = arith.constant 64 : i32
      } else {
      }
      %jit3A_306 = arith.constant 8 : i32
      %eq3A_307 = arith.constant 0 : i32
      %eq3A_308 = arith.cmpi eq, %jit3A_306, %eq3A_307 : i32
      %jit3A_309 = arith.constant 1 : i32
      %select_n3A_310 = arith.select %eq3A_308, %jit3A_309, %jit3A_306 : i32
      %rem3A_311 = arith.remsi %scan3A_289, %select_n3A_310 : i32
      %ne3A_312 = arith.constant 0 : i32
      %ne3A_313 = arith.cmpi ne, %rem3A_311, %ne3A_312 : i32
      %lt3A_314 = arith.constant 0 : i32
      %lt3A_315 = arith.cmpi slt, %rem3A_311, %lt3A_314 : i32
      %lt3A_316 = arith.constant 0 : i32
      %lt3A_317 = arith.cmpi slt, %select_n3A_310, %lt3A_316 : i32
      %ne3A_318 = arith.xori %lt3A_315, %lt3A_317 : i1
      %and3A_319 = arith.andi %ne3A_318, %ne3A_313 : i1
      %add3A_320 = arith.addi %rem3A_311, %select_n3A_310 : i32
      %select_n3A_321 = arith.select %and3A_319, %add3A_320, %rem3A_311 : i32
      %eq3A_322 = arith.constant 3 : i32
      %eq3A_323 = arith.cmpi eq, %select_n3A_321, %eq3A_322 : i32
      %jit3A_324 = arith.constant 8 : i32
      %div3A = arith.divsi %scan3A_289, %jit3A_324 : i32
      %sign3A = arith.constant 0 : i32
      %sign3A_325 = arith.cmpi sgt, %scan3A_289, %sign3A : i32
      %sign3A_326 = arith.extui %sign3A_325 : i1 to i32
      %sign3A_327 = arith.constant 0 : i32
      %sign3A_328 = arith.cmpi slt, %scan3A_289, %sign3A_327 : i32
      %sign3A_329 = arith.extui %sign3A_328 : i1 to i32
      %sign3A_330 = arith.subi %sign3A_326, %sign3A_329 : i32
      %sign3A_331 = arith.constant 0 : i32
      %sign3A_332 = arith.cmpi sgt, %jit3A_324, %sign3A_331 : i32
      %sign3A_333 = arith.extui %sign3A_332 : i1 to i32
      %sign3A_334 = arith.constant 0 : i32
      %sign3A_335 = arith.cmpi slt, %jit3A_324, %sign3A_334 : i32
      %sign3A_336 = arith.extui %sign3A_335 : i1 to i32
      %sign3A_337 = arith.subi %sign3A_333, %sign3A_336 : i32
      %ne3A_338 = arith.cmpi ne, %sign3A_330, %sign3A_337 : i32
      %rem3A_339 = arith.remsi %scan3A_289, %jit3A_324 : i32
      %ne3A_340 = arith.constant 0 : i32
      %ne3A_341 = arith.cmpi ne, %rem3A_339, %ne3A_340 : i32
      %and3A_342 = arith.andi %ne3A_338, %ne3A_341 : i1
      %sub3A = arith.constant 1 : i32
      %sub3A_343 = arith.subi %div3A, %sub3A : i32
      %select_n3A_344 = arith.select %and3A_342, %sub3A_343, %div3A : i32
      %add3A_345 = arith.constant 1 : i32
      %add3A_346 = arith.addi %select_n3A_344, %add3A_345 : i32
      %lt3A_347 = arith.constant 49 : i32
      %lt3A_348 = arith.cmpi slt, %add3A_346, %lt3A_347 : i32
      %and3A_349 = arith.andi %eq3A_323, %lt3A_348 : i1
      %convert_element_type3A_350 = arith.extui %and3A_349 : i1 to i32
      %cond3A_351 = arith.constant 0 : i32
      %cond3A_352 = arith.cmpi ne, %convert_element_type3A_350, %cond3A_351 : i32
      scf.if %cond3A_352 {
        %jit3A_365 = arith.constant 8 : i32
        %div3A_366 = arith.divsi %scan3A_289, %jit3A_365 : i32
        %sign3A_367 = arith.constant 0 : i32
        %sign3A_368 = arith.cmpi sgt, %scan3A_289, %sign3A_367 : i32
        %sign3A_369 = arith.extui %sign3A_368 : i1 to i32
        %sign3A_370 = arith.constant 0 : i32
        %sign3A_371 = arith.cmpi slt, %scan3A_289, %sign3A_370 : i32
        %sign3A_372 = arith.extui %sign3A_371 : i1 to i32
        %sign3A_373 = arith.subi %sign3A_369, %sign3A_372 : i32
        %sign3A_374 = arith.constant 0 : i32
        %sign3A_375 = arith.cmpi sgt, %jit3A_365, %sign3A_374 : i32
        %sign3A_376 = arith.extui %sign3A_375 : i1 to i32
        %sign3A_377 = arith.constant 0 : i32
        %sign3A_378 = arith.cmpi slt, %jit3A_365, %sign3A_377 : i32
        %sign3A_379 = arith.extui %sign3A_378 : i1 to i32
        %sign3A_380 = arith.subi %sign3A_376, %sign3A_379 : i32
        %ne3A_381 = arith.cmpi ne, %sign3A_373, %sign3A_380 : i32
        %rem3A_382 = arith.remsi %scan3A_289, %jit3A_365 : i32
        %ne3A_383 = arith.constant 0 : i32
        %ne3A_384 = arith.cmpi ne, %rem3A_382, %ne3A_383 : i32
        %and3A_385 = arith.andi %ne3A_381, %ne3A_384 : i1
        %sub3A_386 = arith.constant 1 : i32
        %sub3A_387 = arith.subi %div3A_366, %sub3A_386 : i32
        %select_n3A_388 = arith.select %and3A_385, %sub3A_387, %div3A_366 : i32
        %add3A_389 = arith.constant 1 : i32
        %add3A_390 = arith.addi %select_n3A_388, %add3A_389 : i32
        %mul3A_391 = arith.constant 1024 : i32
        %mul3A_392 = arith.muli %add3A_390, %mul3A_391 : i32
        %add3A_393 = arith.addi %mul3A_2, %mul3A_392 : i32
        %jit3A_394 = arith.constant 2 : i32
        %eq3A_395 = arith.constant 0 : i32
        %eq3A_396 = arith.cmpi eq, %jit3A_394, %eq3A_395 : i32
        %jit3A_397 = arith.constant 1 : i32
        %select_n3A_398 = arith.select %eq3A_396, %jit3A_397, %jit3A_394 : i32
        %rem3A_399 = arith.remsi %add3A_390, %select_n3A_398 : i32
        %ne3A_400 = arith.constant 0 : i32
        %ne3A_401 = arith.cmpi ne, %rem3A_399, %ne3A_400 : i32
        %lt3A_402 = arith.constant 0 : i32
        %lt3A_403 = arith.cmpi slt, %rem3A_399, %lt3A_402 : i32
        %lt3A_404 = arith.constant 0 : i32
        %lt3A_405 = arith.cmpi slt, %select_n3A_398, %lt3A_404 : i32
        %ne3A_406 = arith.xori %lt3A_403, %lt3A_405 : i1
        %and3A_407 = arith.andi %ne3A_406, %ne3A_401 : i1
        %add3A_408 = arith.addi %rem3A_399, %select_n3A_398 : i32
        %select_n3A_409 = arith.select %and3A_407, %add3A_408, %rem3A_399 : i32
        %mul3A_410 = arith.constant 1024 : i32
        %mul3A_411 = arith.muli %select_n3A_409, %mul3A_410 : i32
        %dma_start3A_412 = tpu.memref_slice %arg10[%mul3A_411] : memref<2048xi32, #tpu.memory_space<vmem>> -> memref<1024xi32, #tpu.memory_space<vmem>>
        %dma_start3A_413 = tpu.memref_slice %arg3[%add3A_393] : memref<802816xi32, #tpu.memory_space<hbm>> -> memref<1024xi32, #tpu.memory_space<hbm>>
        %dma_start3A_414 = tpu.memref_slice %arg10[%mul3A_411] : memref<2048xi32, #tpu.memory_space<vmem>> -> memref<1024xi32, #tpu.memory_space<vmem>>
        %dma_start3A_415 = tpu.memref_slice %arg3[%add3A_393] : memref<802816xi32, #tpu.memory_space<hbm>> -> memref<1024xi32, #tpu.memory_space<hbm>>
        tpu.enqueue_dma source(%dma_start3A_415 : memref<1024xi32, #tpu.memory_space<hbm>>) target(%dma_start3A_414 : memref<1024xi32, #tpu.memory_space<vmem>>) target_semaphore(%arg16 : memref<!tpu.dma_semaphore, #tpu.memory_space<semaphore_mem>>)
        %dma_start3A_416 = tpu.memref_slice %arg11[%mul3A_411] : memref<2048xi32, #tpu.memory_space<vmem>> -> memref<1024xi32, #tpu.memory_space<vmem>>
        %dma_start3A_417 = tpu.memref_slice %arg4[%add3A_393] : memref<802816xi32, #tpu.memory_space<hbm>> -> memref<1024xi32, #tpu.memory_space<hbm>>
        %dma_start3A_418 = tpu.memref_slice %arg11[%mul3A_411] : memref<2048xi32, #tpu.memory_space<vmem>> -> memref<1024xi32, #tpu.memory_space<vmem>>
        %dma_start3A_419 = tpu.memref_slice %arg4[%add3A_393] : memref<802816xi32, #tpu.memory_space<hbm>> -> memref<1024xi32, #tpu.memory_space<hbm>>
        tpu.enqueue_dma source(%dma_start3A_419 : memref<1024xi32, #tpu.memory_space<hbm>>) target(%dma_start3A_418 : memref<1024xi32, #tpu.memory_space<vmem>>) target_semaphore(%arg16 : memref<!tpu.dma_semaphore, #tpu.memory_space<semaphore_mem>>)
        %dma_start3A_420 = tpu.memref_slice %arg12[%mul3A_411] : memref<2048xf32, #tpu.memory_space<vmem>> -> memref<1024xf32, #tpu.memory_space<vmem>>
        %dma_start3A_421 = tpu.memref_slice %arg5[%add3A_393] : memref<802816xf32, #tpu.memory_space<hbm>> -> memref<1024xf32, #tpu.memory_space<hbm>>
        %dma_start3A_422 = tpu.memref_slice %arg12[%mul3A_411] : memref<2048xf32, #tpu.memory_space<vmem>> -> memref<1024xf32, #tpu.memory_space<vmem>>
        %dma_start3A_423 = tpu.memref_slice %arg5[%add3A_393] : memref<802816xf32, #tpu.memory_space<hbm>> -> memref<1024xf32, #tpu.memory_space<hbm>>
        tpu.enqueue_dma source(%dma_start3A_423 : memref<1024xf32, #tpu.memory_space<hbm>>) target(%dma_start3A_422 : memref<1024xf32, #tpu.memory_space<vmem>>) target_semaphore(%arg16 : memref<!tpu.dma_semaphore, #tpu.memory_space<semaphore_mem>>)
      } else {
      }
      %lt3A_353 = arith.constant 392 : i32
      %lt3A_354 = arith.cmpi slt, %scan3A_289, %lt3A_353 : i32
      %convert_element_type3A_355 = arith.extui %lt3A_354 : i1 to i32
      %cond3A_356 = arith.constant 0 : i32
      %cond3A_357 = arith.cmpi ne, %convert_element_type3A_355, %cond3A_356 : i32
      scf.if %cond3A_357 {
        %ge3A_365 = arith.constant 5 : i32
        %ge3A_366 = arith.cmpi sge, %scan3A_289, %ge3A_365 : i32
        %convert_element_type3A_367 = arith.extui %ge3A_366 : i1 to i32
        %cond3A_368 = arith.constant 0 : i32
        %cond3A_369 = arith.cmpi ne, %convert_element_type3A_367, %cond3A_368 : i32
        scf.if %cond3A_369 {
          %jit3A_455 = arith.constant 5 : i32
          %eq3A_456 = arith.constant 0 : i32
          %eq3A_457 = arith.cmpi eq, %jit3A_455, %eq3A_456 : i32
          %jit3A_458 = arith.constant 1 : i32
          %select_n3A_459 = arith.select %eq3A_457, %jit3A_458, %jit3A_455 : i32
          %rem3A_460 = arith.remsi %scan3A_289, %select_n3A_459 : i32
          %ne3A_461 = arith.constant 0 : i32
          %ne3A_462 = arith.cmpi ne, %rem3A_460, %ne3A_461 : i32
          %lt3A_463 = arith.constant 0 : i32
          %lt3A_464 = arith.cmpi slt, %rem3A_460, %lt3A_463 : i32
          %lt3A_465 = arith.constant 0 : i32
          %lt3A_466 = arith.cmpi slt, %select_n3A_459, %lt3A_465 : i32
          %ne3A_467 = arith.xori %lt3A_464, %lt3A_466 : i1
          %and3A_468 = arith.andi %ne3A_467, %ne3A_462 : i1
          %add3A_469 = arith.addi %rem3A_460, %select_n3A_459 : i32
          %select_n3A_470 = arith.select %and3A_468, %add3A_469, %rem3A_460 : i32
          %mul3A_471 = arith.constant 128 : i32
          %mul3A_472 = arith.muli %select_n3A_470, %mul3A_471 : i32
          %dma_wait3A_473 = arith.constant 0 : i32
          %dma_wait3A_474 = tpu.memref_slice %arg14[%mul3A_472, %dma_wait3A_473] : memref<640x32xf32, #tpu.memory_space<vmem>> -> memref<128x32xf32, #tpu.memory_space<vmem>>
          %dma_wait3A_475 = arith.constant 0 : i32
          %dma_wait3A_476 = arith.constant 0 : i32
          %dma_wait3A_477 = tpu.memref_slice %arg15[%dma_wait3A_475, %dma_wait3A_476] : memref<50048x32xf32, #tpu.memory_space<vmem_shared>> -> memref<128x32xf32, #tpu.memory_space<vmem_shared>>
          %dma_wait3A_478 = arith.constant 0 : i32
          %dma_wait3A_479 = arith.constant 0 : i32
          %dma_wait3A_480 = tpu.memref_slice %arg15[%dma_wait3A_478, %dma_wait3A_479] : memref<50048x32xf32, #tpu.memory_space<vmem_shared>> -> memref<128x32xf32, #tpu.memory_space<vmem_shared>>
          %dma_wait3A_481 = arith.constant 0 : i32
          %dma_wait3A_482 = tpu.memref_slice %arg14[%mul3A_472, %dma_wait3A_481] : memref<640x32xf32, #tpu.memory_space<vmem>> -> memref<128x32xf32, #tpu.memory_space<vmem>>
          tpu.wait_dma2 semaphore(%arg18 : memref<!tpu.dma_semaphore, #tpu.memory_space<semaphore_mem>>) src(%dma_wait3A_482 : memref<128x32xf32, #tpu.memory_space<vmem>>) dst(%dma_wait3A_480 : memref<128x32xf32, #tpu.memory_space<vmem_shared>>)
        } else {
        }
        %jit3A_370 = arith.constant 8 : i32
        %div3A_371 = arith.divsi %scan3A_289, %jit3A_370 : i32
        %sign3A_372 = arith.constant 0 : i32
        %sign3A_373 = arith.cmpi sgt, %scan3A_289, %sign3A_372 : i32
        %sign3A_374 = arith.extui %sign3A_373 : i1 to i32
        %sign3A_375 = arith.constant 0 : i32
        %sign3A_376 = arith.cmpi slt, %scan3A_289, %sign3A_375 : i32
        %sign3A_377 = arith.extui %sign3A_376 : i1 to i32
        %sign3A_378 = arith.subi %sign3A_374, %sign3A_377 : i32
        %sign3A_379 = arith.constant 0 : i32
        %sign3A_380 = arith.cmpi sgt, %jit3A_370, %sign3A_379 : i32
        %sign3A_381 = arith.extui %sign3A_380 : i1 to i32
        %sign3A_382 = arith.constant 0 : i32
        %sign3A_383 = arith.cmpi slt, %jit3A_370, %sign3A_382 : i32
        %sign3A_384 = arith.extui %sign3A_383 : i1 to i32
        %sign3A_385 = arith.subi %sign3A_381, %sign3A_384 : i32
        %ne3A_386 = arith.cmpi ne, %sign3A_378, %sign3A_385 : i32
        %rem3A_387 = arith.remsi %scan3A_289, %jit3A_370 : i32
        %ne3A_388 = arith.constant 0 : i32
        %ne3A_389 = arith.cmpi ne, %rem3A_387, %ne3A_388 : i32
        %and3A_390 = arith.andi %ne3A_386, %ne3A_389 : i1
        %sub3A_391 = arith.constant 1 : i32
        %sub3A_392 = arith.subi %div3A_371, %sub3A_391 : i32
        %select_n3A_393 = arith.select %and3A_390, %sub3A_392, %div3A_371 : i32
        %jit3A_394 = arith.constant 2 : i32
        %eq3A_395 = arith.constant 0 : i32
        %eq3A_396 = arith.cmpi eq, %jit3A_394, %eq3A_395 : i32
        %jit3A_397 = arith.constant 1 : i32
        %select_n3A_398 = arith.select %eq3A_396, %jit3A_397, %jit3A_394 : i32
        %rem3A_399 = arith.remsi %select_n3A_393, %select_n3A_398 : i32
        %ne3A_400 = arith.constant 0 : i32
        %ne3A_401 = arith.cmpi ne, %rem3A_399, %ne3A_400 : i32
        %lt3A_402 = arith.constant 0 : i32
        %lt3A_403 = arith.cmpi slt, %rem3A_399, %lt3A_402 : i32
        %lt3A_404 = arith.constant 0 : i32
        %lt3A_405 = arith.cmpi slt, %select_n3A_398, %lt3A_404 : i32
        %ne3A_406 = arith.xori %lt3A_403, %lt3A_405 : i1
        %and3A_407 = arith.andi %ne3A_406, %ne3A_401 : i1
        %add3A_408 = arith.addi %rem3A_399, %select_n3A_398 : i32
        %select_n3A_409 = arith.select %and3A_407, %add3A_408, %rem3A_399 : i32
        %mul3A_410 = arith.constant 1024 : i32
        %mul3A_411 = arith.muli %select_n3A_409, %mul3A_410 : i32
        %jit3A_412 = arith.constant 8 : i32
        %eq3A_413 = arith.constant 0 : i32
        %eq3A_414 = arith.cmpi eq, %jit3A_412, %eq3A_413 : i32
        %jit3A_415 = arith.constant 1 : i32
        %select_n3A_416 = arith.select %eq3A_414, %jit3A_415, %jit3A_412 : i32
        %rem3A_417 = arith.remsi %scan3A_289, %select_n3A_416 : i32
        %ne3A_418 = arith.constant 0 : i32
        %ne3A_419 = arith.cmpi ne, %rem3A_417, %ne3A_418 : i32
        %lt3A_420 = arith.constant 0 : i32
        %lt3A_421 = arith.cmpi slt, %rem3A_417, %lt3A_420 : i32
        %lt3A_422 = arith.constant 0 : i32
        %lt3A_423 = arith.cmpi slt, %select_n3A_416, %lt3A_422 : i32
        %ne3A_424 = arith.xori %lt3A_421, %lt3A_423 : i1
        %and3A_425 = arith.andi %ne3A_424, %ne3A_419 : i1
        %add3A_426 = arith.addi %rem3A_417, %select_n3A_416 : i32
        %select_n3A_427 = arith.select %and3A_425, %add3A_426, %rem3A_417 : i32
        %mul3A_428 = arith.constant 128 : i32
        %mul3A_429 = arith.muli %select_n3A_427, %mul3A_428 : i32
        %add3A_430 = arith.addi %mul3A_411, %mul3A_429 : i32
        %jit3A_431 = arith.constant 5 : i32
        %eq3A_432 = arith.constant 0 : i32
        %eq3A_433 = arith.cmpi eq, %jit3A_431, %eq3A_432 : i32
        %jit3A_434 = arith.constant 1 : i32
        %select_n3A_435 = arith.select %eq3A_433, %jit3A_434, %jit3A_431 : i32
        %rem3A_436 = arith.remsi %scan3A_289, %select_n3A_435 : i32
        %ne3A_437 = arith.constant 0 : i32
        %ne3A_438 = arith.cmpi ne, %rem3A_436, %ne3A_437 : i32
        %lt3A_439 = arith.constant 0 : i32
        %lt3A_440 = arith.cmpi slt, %rem3A_436, %lt3A_439 : i32
        %lt3A_441 = arith.constant 0 : i32
        %lt3A_442 = arith.cmpi slt, %select_n3A_435, %lt3A_441 : i32
        %ne3A_443 = arith.xori %lt3A_440, %lt3A_442 : i1
        %and3A_444 = arith.andi %ne3A_443, %ne3A_438 : i1
        %add3A_445 = arith.addi %rem3A_436, %select_n3A_435 : i32
        %select_n3A_446 = arith.select %and3A_444, %add3A_445, %rem3A_436 : i32
        %mul3A_447 = arith.constant 128 : i32
        %mul3A_448 = arith.muli %select_n3A_446, %mul3A_447 : i32
        %dma_start3A_449 = arith.constant 0 : i32
        %dma_start3A_450 = tpu.memref_slice %arg14[%mul3A_448, %dma_start3A_449] : memref<640x32xf32, #tpu.memory_space<vmem>> -> memref<128x32xf32, #tpu.memory_space<vmem>>
        %dma_start3A_451 = tpu.memref_slice %arg10[%add3A_430] : memref<2048xi32, #tpu.memory_space<vmem>> -> memref<128xi32, #tpu.memory_space<vmem>>
        %dma_start3A_452 = arith.constant 0 : i32
        %dma_start3A_453 = arith.constant 0 : i32
        %dma_start3A_454 = tpu.memref_slice %arg2[%dma_start3A_452, %dma_start3A_453] : memref<100096x32xf32, #tpu.memory_space<hbm>> -> memref<100096x32xf32, #tpu.memory_space<hbm>>
        tpu.enqueue_indirect_dma source(%dma_start3A_454 : memref<100096x32xf32, #tpu.memory_space<hbm>>) target(%dma_start3A_450 : memref<128x32xf32, #tpu.memory_space<vmem>>) offsets(%dma_start3A_451 : memref<128xi32, #tpu.memory_space<vmem>>) semaphore(%arg17 : memref<!tpu.dma_semaphore, #tpu.memory_space<semaphore_mem>>)
      } else {
      }
      %sub3A_358 = arith.constant 3 : i32
      %sub3A_359 = arith.subi %scan3A_289, %sub3A_358 : i32
      %ge3A = arith.constant 3 : i32
      %ge3A_360 = arith.cmpi sge, %scan3A_289, %ge3A : i32
      %convert_element_type3A_361 = arith.extui %ge3A_360 : i1 to i32
      %cond3A_362 = arith.constant 0 : i32
      %cond3A_363 = arith.cmpi ne, %convert_element_type3A_361, %cond3A_362 : i32
      scf.if %cond3A_363 {
        %jit3A_365 = arith.constant 5 : i32
        %eq3A_366 = arith.constant 0 : i32
        %eq3A_367 = arith.cmpi eq, %jit3A_365, %eq3A_366 : i32
        %jit3A_368 = arith.constant 1 : i32
        %select_n3A_369 = arith.select %eq3A_367, %jit3A_368, %jit3A_365 : i32
        %rem3A_370 = arith.remsi %sub3A_359, %select_n3A_369 : i32
        %ne3A_371 = arith.constant 0 : i32
        %ne3A_372 = arith.cmpi ne, %rem3A_370, %ne3A_371 : i32
        %lt3A_373 = arith.constant 0 : i32
        %lt3A_374 = arith.cmpi slt, %rem3A_370, %lt3A_373 : i32
        %lt3A_375 = arith.constant 0 : i32
        %lt3A_376 = arith.cmpi slt, %select_n3A_369, %lt3A_375 : i32
        %ne3A_377 = arith.xori %lt3A_374, %lt3A_376 : i1
        %and3A_378 = arith.andi %ne3A_377, %ne3A_372 : i1
        %add3A_379 = arith.addi %rem3A_370, %select_n3A_369 : i32
        %select_n3A_380 = arith.select %and3A_378, %add3A_379, %rem3A_370 : i32
        %mul3A_381 = arith.constant 128 : i32
        %mul3A_382 = arith.muli %select_n3A_380, %mul3A_381 : i32
        %dma_wait3A_383 = arith.constant 0 : i32
        %dma_wait3A_384 = tpu.memref_slice %arg14[%mul3A_382, %dma_wait3A_383] : memref<640x32xf32, #tpu.memory_space<vmem>> -> memref<128x32xf32, #tpu.memory_space<vmem>>
        %dma_wait3A_385 = arith.constant 0 : i32
        %dma_wait3A_386 = arith.constant 0 : i32
        %dma_wait3A_387 = tpu.memref_slice %arg2[%dma_wait3A_385, %dma_wait3A_386] : memref<100096x32xf32, #tpu.memory_space<hbm>> -> memref<128x32xf32, #tpu.memory_space<hbm>>
        %dma_wait3A_388 = arith.constant 0 : i32
        %dma_wait3A_389 = tpu.memref_slice %arg14[%mul3A_382, %dma_wait3A_388] : memref<640x32xf32, #tpu.memory_space<vmem>> -> memref<128x32xf32, #tpu.memory_space<vmem>>
        %dma_wait3A_390 = arith.constant 0 : i32
        %dma_wait3A_391 = arith.constant 0 : i32
        %dma_wait3A_392 = tpu.memref_slice %arg2[%dma_wait3A_390, %dma_wait3A_391] : memref<100096x32xf32, #tpu.memory_space<hbm>> -> memref<128x32xf32, #tpu.memory_space<hbm>>
        tpu.wait_dma2 semaphore(%arg17 : memref<!tpu.dma_semaphore, #tpu.memory_space<semaphore_mem>>) src(%dma_wait3A_392 : memref<128x32xf32, #tpu.memory_space<hbm>>) dst(%dma_wait3A_389 : memref<128x32xf32, #tpu.memory_space<vmem>>)
        %jit3A_393 = arith.constant 8 : i32
        %div3A_394 = arith.divsi %sub3A_359, %jit3A_393 : i32
        %sign3A_395 = arith.constant 0 : i32
        %sign3A_396 = arith.cmpi sgt, %sub3A_359, %sign3A_395 : i32
        %sign3A_397 = arith.extui %sign3A_396 : i1 to i32
        %sign3A_398 = arith.constant 0 : i32
        %sign3A_399 = arith.cmpi slt, %sub3A_359, %sign3A_398 : i32
        %sign3A_400 = arith.extui %sign3A_399 : i1 to i32
        %sign3A_401 = arith.subi %sign3A_397, %sign3A_400 : i32
        %sign3A_402 = arith.constant 0 : i32
        %sign3A_403 = arith.cmpi sgt, %jit3A_393, %sign3A_402 : i32
        %sign3A_404 = arith.extui %sign3A_403 : i1 to i32
        %sign3A_405 = arith.constant 0 : i32
        %sign3A_406 = arith.cmpi slt, %jit3A_393, %sign3A_405 : i32
        %sign3A_407 = arith.extui %sign3A_406 : i1 to i32
        %sign3A_408 = arith.subi %sign3A_404, %sign3A_407 : i32
        %ne3A_409 = arith.cmpi ne, %sign3A_401, %sign3A_408 : i32
        %rem3A_410 = arith.remsi %sub3A_359, %jit3A_393 : i32
        %ne3A_411 = arith.constant 0 : i32
        %ne3A_412 = arith.cmpi ne, %rem3A_410, %ne3A_411 : i32
        %and3A_413 = arith.andi %ne3A_409, %ne3A_412 : i1
        %sub3A_414 = arith.constant 1 : i32
        %sub3A_415 = arith.subi %div3A_394, %sub3A_414 : i32
        %select_n3A_416 = arith.select %and3A_413, %sub3A_415, %div3A_394 : i32
        %jit3A_417 = arith.constant 2 : i32
        %eq3A_418 = arith.constant 0 : i32
        %eq3A_419 = arith.cmpi eq, %jit3A_417, %eq3A_418 : i32
        %jit3A_420 = arith.constant 1 : i32
        %select_n3A_421 = arith.select %eq3A_419, %jit3A_420, %jit3A_417 : i32
        %rem3A_422 = arith.remsi %select_n3A_416, %select_n3A_421 : i32
        %ne3A_423 = arith.constant 0 : i32
        %ne3A_424 = arith.cmpi ne, %rem3A_422, %ne3A_423 : i32
        %lt3A_425 = arith.constant 0 : i32
        %lt3A_426 = arith.cmpi slt, %rem3A_422, %lt3A_425 : i32
        %lt3A_427 = arith.constant 0 : i32
        %lt3A_428 = arith.cmpi slt, %select_n3A_421, %lt3A_427 : i32
        %ne3A_429 = arith.xori %lt3A_426, %lt3A_428 : i1
        %and3A_430 = arith.andi %ne3A_429, %ne3A_424 : i1
        %add3A_431 = arith.addi %rem3A_422, %select_n3A_421 : i32
        %select_n3A_432 = arith.select %and3A_430, %add3A_431, %rem3A_422 : i32
        %mul3A_433 = arith.constant 1024 : i32
        %mul3A_434 = arith.muli %select_n3A_432, %mul3A_433 : i32
        %jit3A_435 = arith.constant 8 : i32
        %eq3A_436 = arith.constant 0 : i32
        %eq3A_437 = arith.cmpi eq, %jit3A_435, %eq3A_436 : i32
        %jit3A_438 = arith.constant 1 : i32
        %select_n3A_439 = arith.select %eq3A_437, %jit3A_438, %jit3A_435 : i32
        %rem3A_440 = arith.remsi %sub3A_359, %select_n3A_439 : i32
        %ne3A_441 = arith.constant 0 : i32
        %ne3A_442 = arith.cmpi ne, %rem3A_440, %ne3A_441 : i32
        %lt3A_443 = arith.constant 0 : i32
        %lt3A_444 = arith.cmpi slt, %rem3A_440, %lt3A_443 : i32
        %lt3A_445 = arith.constant 0 : i32
        %lt3A_446 = arith.cmpi slt, %select_n3A_439, %lt3A_445 : i32
        %ne3A_447 = arith.xori %lt3A_444, %lt3A_446 : i1
        %and3A_448 = arith.andi %ne3A_447, %ne3A_442 : i1
        %add3A_449 = arith.addi %rem3A_440, %select_n3A_439 : i32
        %select_n3A_450 = arith.select %and3A_448, %add3A_449, %rem3A_440 : i32
        %mul3A_451 = arith.constant 128 : i32
        %mul3A_452 = arith.muli %select_n3A_450, %mul3A_451 : i32
        %add3A_453 = arith.addi %mul3A_434, %mul3A_452 : i32
        %jit3A_454 = arith.constant 5 : i32
        %eq3A_455 = arith.constant 0 : i32
        %eq3A_456 = arith.cmpi eq, %jit3A_454, %eq3A_455 : i32
        %jit3A_457 = arith.constant 1 : i32
        %select_n3A_458 = arith.select %eq3A_456, %jit3A_457, %jit3A_454 : i32
        %rem3A_459 = arith.remsi %sub3A_359, %select_n3A_458 : i32
        %ne3A_460 = arith.constant 0 : i32
        %ne3A_461 = arith.cmpi ne, %rem3A_459, %ne3A_460 : i32
        %lt3A_462 = arith.constant 0 : i32
        %lt3A_463 = arith.cmpi slt, %rem3A_459, %lt3A_462 : i32
        %lt3A_464 = arith.constant 0 : i32
        %lt3A_465 = arith.cmpi slt, %select_n3A_458, %lt3A_464 : i32
        %ne3A_466 = arith.xori %lt3A_463, %lt3A_465 : i1
        %and3A_467 = arith.andi %ne3A_466, %ne3A_461 : i1
        %add3A_468 = arith.addi %rem3A_459, %select_n3A_458 : i32
        %select_n3A_469 = arith.select %and3A_467, %add3A_468, %rem3A_459 : i32
        %mul3A_470 = arith.constant 128 : i32
        %mul3A_471 = arith.muli %select_n3A_469, %mul3A_470 : i32
        %scan3A_472 = arith.constant 0 : i32
        %scan3A_473 = arith.constant 0 : i32
        %scan3A_474 = arith.constant 8 : i32
        %scan3A_475 = arith.addi %scan3A_473, %scan3A_474 : i32
        %scan3A_476 = arith.constant 1 : i32
        %scan3A_477 = scf.for %scan3A_485 = %scan3A_473 to %scan3A_475 step %scan3A_476 iter_args(%scan3A_486 = %scan3A_472) -> (i32)  : i32 {
          %mul3A_487 = arith.constant 16 : i32
          %mul3A_488 = arith.muli %scan3A_485, %mul3A_487 : i32
          %add3A_489 = arith.addi %add3A_453, %mul3A_488 : i32
          %get3A = arith.index_cast %add3A_489 : i32 to index
          %get3A_490 = tpu.vector_load %arg12[%get3A] {strides = array<i32>} : memref<2048xf32, #tpu.memory_space<vmem>>, vector<16xf32>,
          %get3A_491 = vector.shape_cast %get3A_490 : vector<16xf32> to vector<16xf32>
          %get3A_492 = arith.index_cast %add3A_489 : i32 to index
          %get3A_493 = tpu.vector_load %arg11[%get3A_492] {strides = array<i32>} : memref<2048xi32, #tpu.memory_space<vmem>>, vector<16xi32>,
          %get3A_494 = vector.shape_cast %get3A_493 : vector<16xi32> to vector<16xi32>
          %mul3A_495 = arith.constant 16 : i32
          %mul3A_496 = arith.muli %scan3A_485, %mul3A_495 : i32
          %add3A_497 = arith.addi %mul3A_471, %mul3A_496 : i32
          %swap3A = arith.index_cast %add3A_497 : i32 to index
          %swap3A_498 = tpu.vector_load %arg13[%swap3A] {strides = array<i32>} : memref<640xi32, #tpu.memory_space<vmem>>, vector<16xi32>,
          %swap3A_499 = vector.shape_cast %swap3A_498 : vector<16xi32> to vector<16xi32>
          %swap3A_500 = vector.shape_cast %get3A_494 : vector<16xi32> to vector<16xi32>
          tpu.vector_store %arg13[%swap3A], %swap3A_500 {strides = array<i32>} : memref<640xi32, #tpu.memory_space<vmem>>, vector<16xi32>,
          %broadcast_in_dim3A = arith.constant 0 : i32
          %broadcast_in_dim3A_501 = vector.broadcast %broadcast_in_dim3A : i32 to vector<16x1xi32>
          %gather3A = vector.shape_cast %broadcast_in_dim3A_501 : vector<16x1xi32> to vector<16xi32>
          %gather3A_502 = tpu.dynamic_gather %get3A_491[%gather3A] in [0] : vector<16xf32>, vector<16xi32> -> vector<16xf32>
          %mul3A_503 = arith.constant 16 : i32
          %mul3A_504 = arith.muli %scan3A_485, %mul3A_503 : i32
          %add3A_505 = arith.addi %mul3A_471, %mul3A_504 : i32
          %add3A_506 = arith.constant 0 : i32
          %add3A_507 = arith.addi %add3A_505, %add3A_506 : i32
          %get3A_508 = arith.index_cast %add3A_507 : i32 to index
          %get3A_509 = arith.constant 0 : index
          %get3A_510 = tpu.vector_load %arg14[%get3A_508, %get3A_509] {strides = array<i32>} : memref<640x32xf32, #tpu.memory_space<vmem>>, vector<1x16xf32>,
          %get3A_511 = vector.shape_cast %get3A_510 : vector<1x16xf32> to vector<16xf32>
          %mul3A_512 = arith.mulf %get3A_511, %gather3A_502 : vector<16xf32>
          %swap3A_513 = arith.index_cast %add3A_507 : i32 to index
          %swap3A_514 = arith.constant 0 : index
          %swap3A_515 = tpu.vector_load %arg14[%swap3A_513, %swap3A_514] {strides = array<i32>} : memref<640x32xf32, #tpu.memory_space<vmem>>, vector<1x16xf32>,
          %swap3A_516 = vector.shape_cast %swap3A_515 : vector<1x16xf32> to vector<16xf32>
          %swap3A_517 = vector.shape_cast %mul3A_512 : vector<16xf32> to vector<1x16xf32>
          tpu.vector_store %arg14[%swap3A_513, %swap3A_514], %swap3A_517 {strides = array<i32>} : memref<640x32xf32, #tpu.memory_space<vmem>>, vector<1x16xf32>,
          %get3A_518 = arith.index_cast %add3A_507 : i32 to index
          %get3A_519 = arith.constant 16 : index
          %get3A_520 = tpu.vector_load %arg14[%get3A_518, %get3A_519] {strides = array<i32>} : memref<640x32xf32, #tpu.memory_space<vmem>>, vector<1x16xf32>,
          %get3A_521 = vector.shape_cast %get3A_520 : vector<1x16xf32> to vector<16xf32>
          %mul3A_522 = arith.mulf %get3A_521, %gather3A_502 : vector<16xf32>
          %swap3A_523 = arith.index_cast %add3A_507 : i32 to index
          %swap3A_524 = arith.constant 16 : index
          %swap3A_525 = tpu.vector_load %arg14[%swap3A_523, %swap3A_524] {strides = array<i32>} : memref<640x32xf32, #tpu.memory_space<vmem>>, vector<1x16xf32>,
          %swap3A_526 = vector.shape_cast %swap3A_525 : vector<1x16xf32> to vector<16xf32>
          %swap3A_527 = vector.shape_cast %mul3A_522 : vector<16xf32> to vector<1x16xf32>
          tpu.vector_store %arg14[%swap3A_523, %swap3A_524], %swap3A_527 {strides = array<i32>} : memref<640x32xf32, #tpu.memory_space<vmem>>, vector<1x16xf32>,
          %broadcast_in_dim3A_528 = arith.constant 1 : i32
          %broadcast_in_dim3A_529 = vector.broadcast %broadcast_in_dim3A_528 : i32 to vector<16x1xi32>
          %gather3A_530 = vector.shape_cast %broadcast_in_dim3A_529 : vector<16x1xi32> to vector<16xi32>
          %gather3A_531 = tpu.dynamic_gather %get3A_491[%gather3A_530] in [0] : vector<16xf32>, vector<16xi32> -> vector<16xf32>
          %mul3A_532 = arith.constant 16 : i32
          %mul3A_533 = arith.muli %scan3A_485, %mul3A_532 : i32
          %add3A_534 = arith.addi %mul3A_471, %mul3A_533 : i32
          %add3A_535 = arith.constant 1 : i32
          %add3A_536 = arith.addi %add3A_534, %add3A_535 : i32
          %get3A_537 = arith.index_cast %add3A_536 : i32 to index
          %get3A_538 = arith.constant 0 : index
          %get3A_539 = tpu.vector_load %arg14[%get3A_537, %get3A_538] {strides = array<i32>} : memref<640x32xf32, #tpu.memory_space<vmem>>, vector<1x16xf32>,
          %get3A_540 = vector.shape_cast %get3A_539 : vector<1x16xf32> to vector<16xf32>
          %mul3A_541 = arith.mulf %get3A_540, %gather3A_531 : vector<16xf32>
          %swap3A_542 = arith.index_cast %add3A_536 : i32 to index
          %swap3A_543 = arith.constant 0 : index
          %swap3A_544 = tpu.vector_load %arg14[%swap3A_542, %swap3A_543] {strides = array<i32>} : memref<640x32xf32, #tpu.memory_space<vmem>>, vector<1x16xf32>,
          %swap3A_545 = vector.shape_cast %swap3A_544 : vector<1x16xf32> to vector<16xf32>
          %swap3A_546 = vector.shape_cast %mul3A_541 : vector<16xf32> to vector<1x16xf32>
          tpu.vector_store %arg14[%swap3A_542, %swap3A_543], %swap3A_546 {strides = array<i32>} : memref<640x32xf32, #tpu.memory_space<vmem>>, vector<1x16xf32>,
          %get3A_547 = arith.index_cast %add3A_536 : i32 to index
          %get3A_548 = arith.constant 16 : index
          %get3A_549 = tpu.vector_load %arg14[%get3A_547, %get3A_548] {strides = array<i32>} : memref<640x32xf32, #tpu.memory_space<vmem>>, vector<1x16xf32>,
          %get3A_550 = vector.shape_cast %get3A_549 : vector<1x16xf32> to vector<16xf32>
          %mul3A_551 = arith.mulf %get3A_550, %gather3A_531 : vector<16xf32>
          %swap3A_552 = arith.index_cast %add3A_536 : i32 to index
          %swap3A_553 = arith.constant 16 : index
          %swap3A_554 = tpu.vector_load %arg14[%swap3A_552, %swap3A_553] {strides = array<i32>} : memref<640x32xf32, #tpu.memory_space<vmem>>, vector<1x16xf32>,
          %swap3A_555 = vector.shape_cast %swap3A_554 : vector<1x16xf32> to vector<16xf32>
          %swap3A_556 = vector.shape_cast %mul3A_551 : vector<16xf32> to vector<1x16xf32>
          tpu.vector_store %arg14[%swap3A_552, %swap3A_553], %swap3A_556 {strides = array<i32>} : memref<640x32xf32, #tpu.memory_space<vmem>>, vector<1x16xf32>,
          %broadcast_in_dim3A_557 = arith.constant 2 : i32
          %broadcast_in_dim3A_558 = vector.broadcast %broadcast_in_dim3A_557 : i32 to vector<16x1xi32>
          %gather3A_559 = vector.shape_cast %broadcast_in_dim3A_558 : vector<16x1xi32> to vector<16xi32>
          %gather3A_560 = tpu.dynamic_gather %get3A_491[%gather3A_559] in [0] : vector<16xf32>, vector<16xi32> -> vector<16xf32>
          %mul3A_561 = arith.constant 16 : i32
          %mul3A_562 = arith.muli %scan3A_485, %mul3A_561 : i32
          %add3A_563 = arith.addi %mul3A_471, %mul3A_562 : i32
          %add3A_564 = arith.constant 2 : i32
          %add3A_565 = arith.addi %add3A_563, %add3A_564 : i32
          %get3A_566 = arith.index_cast %add3A_565 : i32 to index
          %get3A_567 = arith.constant 0 : index
          %get3A_568 = tpu.vector_load %arg14[%get3A_566, %get3A_567] {strides = array<i32>} : memref<640x32xf32, #tpu.memory_space<vmem>>, vector<1x16xf32>,
          %get3A_569 = vector.shape_cast %get3A_568 : vector<1x16xf32> to vector<16xf32>
          %mul3A_570 = arith.mulf %get3A_569, %gather3A_560 : vector<16xf32>
          %swap3A_571 = arith.index_cast %add3A_565 : i32 to index
          %swap3A_572 = arith.constant 0 : index
          %swap3A_573 = tpu.vector_load %arg14[%swap3A_571, %swap3A_572] {strides = array<i32>} : memref<640x32xf32, #tpu.memory_space<vmem>>, vector<1x16xf32>,
          %swap3A_574 = vector.shape_cast %swap3A_573 : vector<1x16xf32> to vector<16xf32>
          %swap3A_575 = vector.shape_cast %mul3A_570 : vector<16xf32> to vector<1x16xf32>
          tpu.vector_store %arg14[%swap3A_571, %swap3A_572], %swap3A_575 {strides = array<i32>} : memref<640x32xf32, #tpu.memory_space<vmem>>, vector<1x16xf32>,
          %get3A_576 = arith.index_cast %add3A_565 : i32 to index
          %get3A_577 = arith.constant 16 : index
          %get3A_578 = tpu.vector_load %arg14[%get3A_576, %get3A_577] {strides = array<i32>} : memref<640x32xf32, #tpu.memory_space<vmem>>, vector<1x16xf32>,
          %get3A_579 = vector.shape_cast %get3A_578 : vector<1x16xf32> to vector<16xf32>
          %mul3A_580 = arith.mulf %get3A_579, %gather3A_560 : vector<16xf32>
          %swap3A_581 = arith.index_cast %add3A_565 : i32 to index
          %swap3A_582 = arith.constant 16 : index
          %swap3A_583 = tpu.vector_load %arg14[%swap3A_581, %swap3A_582] {strides = array<i32>} : memref<640x32xf32, #tpu.memory_space<vmem>>, vector<1x16xf32>,
          %swap3A_584 = vector.shape_cast %swap3A_583 : vector<1x16xf32> to vector<16xf32>
          %swap3A_585 = vector.shape_cast %mul3A_580 : vector<16xf32> to vector<1x16xf32>
          tpu.vector_store %arg14[%swap3A_581, %swap3A_582], %swap3A_585 {strides = array<i32>} : memref<640x32xf32, #tpu.memory_space<vmem>>, vector<1x16xf32>,
          %broadcast_in_dim3A_586 = arith.constant 3 : i32
          %broadcast_in_dim3A_587 = vector.broadcast %broadcast_in_dim3A_586 : i32 to vector<16x1xi32>
          %gather3A_588 = vector.shape_cast %broadcast_in_dim3A_587 : vector<16x1xi32> to vector<16xi32>
          %gather3A_589 = tpu.dynamic_gather %get3A_491[%gather3A_588] in [0] : vector<16xf32>, vector<16xi32> -> vector<16xf32>
          %mul3A_590 = arith.constant 16 : i32
          %mul3A_591 = arith.muli %scan3A_485, %mul3A_590 : i32
          %add3A_592 = arith.addi %mul3A_471, %mul3A_591 : i32
          %add3A_593 = arith.constant 3 : i32
          %add3A_594 = arith.addi %add3A_592, %add3A_593 : i32
          %get3A_595 = arith.index_cast %add3A_594 : i32 to index
          %get3A_596 = arith.constant 0 : index
          %get3A_597 = tpu.vector_load %arg14[%get3A_595, %get3A_596] {strides = array<i32>} : memref<640x32xf32, #tpu.memory_space<vmem>>, vector<1x16xf32>,
          %get3A_598 = vector.shape_cast %get3A_597 : vector<1x16xf32> to vector<16xf32>
          %mul3A_599 = arith.mulf %get3A_598, %gather3A_589 : vector<16xf32>
          %swap3A_600 = arith.index_cast %add3A_594 : i32 to index
          %swap3A_601 = arith.constant 0 : index
          %swap3A_602 = tpu.vector_load %arg14[%swap3A_600, %swap3A_601] {strides = array<i32>} : memref<640x32xf32, #tpu.memory_space<vmem>>, vector<1x16xf32>,
          %swap3A_603 = vector.shape_cast %swap3A_602 : vector<1x16xf32> to vector<16xf32>
          %swap3A_604 = vector.shape_cast %mul3A_599 : vector<16xf32> to vector<1x16xf32>
          tpu.vector_store %arg14[%swap3A_600, %swap3A_601], %swap3A_604 {strides = array<i32>} : memref<640x32xf32, #tpu.memory_space<vmem>>, vector<1x16xf32>,
          %get3A_605 = arith.index_cast %add3A_594 : i32 to index
          %get3A_606 = arith.constant 16 : index
          %get3A_607 = tpu.vector_load %arg14[%get3A_605, %get3A_606] {strides = array<i32>} : memref<640x32xf32, #tpu.memory_space<vmem>>, vector<1x16xf32>,
          %get3A_608 = vector.shape_cast %get3A_607 : vector<1x16xf32> to vector<16xf32>
          %mul3A_609 = arith.mulf %get3A_608, %gather3A_589 : vector<16xf32>
          %swap3A_610 = arith.index_cast %add3A_594 : i32 to index
          %swap3A_611 = arith.constant 16 : index
          %swap3A_612 = tpu.vector_load %arg14[%swap3A_610, %swap3A_611] {strides = array<i32>} : memref<640x32xf32, #tpu.memory_space<vmem>>, vector<1x16xf32>,
          %swap3A_613 = vector.shape_cast %swap3A_612 : vector<1x16xf32> to vector<16xf32>
          %swap3A_614 = vector.shape_cast %mul3A_609 : vector<16xf32> to vector<1x16xf32>
          tpu.vector_store %arg14[%swap3A_610, %swap3A_611], %swap3A_614 {strides = array<i32>} : memref<640x32xf32, #tpu.memory_space<vmem>>, vector<1x16xf32>,
          %broadcast_in_dim3A_615 = arith.constant 4 : i32
          %broadcast_in_dim3A_616 = vector.broadcast %broadcast_in_dim3A_615 : i32 to vector<16x1xi32>
          %gather3A_617 = vector.shape_cast %broadcast_in_dim3A_616 : vector<16x1xi32> to vector<16xi32>
          %gather3A_618 = tpu.dynamic_gather %get3A_491[%gather3A_617] in [0] : vector<16xf32>, vector<16xi32> -> vector<16xf32>
          %mul3A_619 = arith.constant 16 : i32
          %mul3A_620 = arith.muli %scan3A_485, %mul3A_619 : i32
          %add3A_621 = arith.addi %mul3A_471, %mul3A_620 : i32
          %add3A_622 = arith.constant 4 : i32
          %add3A_623 = arith.addi %add3A_621, %add3A_622 : i32
          %get3A_624 = arith.index_cast %add3A_623 : i32 to index
          %get3A_625 = arith.constant 0 : index
          %get3A_626 = tpu.vector_load %arg14[%get3A_624, %get3A_625] {strides = array<i32>} : memref<640x32xf32, #tpu.memory_space<vmem>>, vector<1x16xf32>,
          %get3A_627 = vector.shape_cast %get3A_626 : vector<1x16xf32> to vector<16xf32>
          %mul3A_628 = arith.mulf %get3A_627, %gather3A_618 : vector<16xf32>
          %swap3A_629 = arith.index_cast %add3A_623 : i32 to index
          %swap3A_630 = arith.constant 0 : index
          %swap3A_631 = tpu.vector_load %arg14[%swap3A_629, %swap3A_630] {strides = array<i32>} : memref<640x32xf32, #tpu.memory_space<vmem>>, vector<1x16xf32>,
          %swap3A_632 = vector.shape_cast %swap3A_631 : vector<1x16xf32> to vector<16xf32>
          %swap3A_633 = vector.shape_cast %mul3A_628 : vector<16xf32> to vector<1x16xf32>
          tpu.vector_store %arg14[%swap3A_629, %swap3A_630], %swap3A_633 {strides = array<i32>} : memref<640x32xf32, #tpu.memory_space<vmem>>, vector<1x16xf32>,
          %get3A_634 = arith.index_cast %add3A_623 : i32 to index
          %get3A_635 = arith.constant 16 : index
          %get3A_636 = tpu.vector_load %arg14[%get3A_634, %get3A_635] {strides = array<i32>} : memref<640x32xf32, #tpu.memory_space<vmem>>, vector<1x16xf32>,
          %get3A_637 = vector.shape_cast %get3A_636 : vector<1x16xf32> to vector<16xf32>
          %mul3A_638 = arith.mulf %get3A_637, %gather3A_618 : vector<16xf32>
          %swap3A_639 = arith.index_cast %add3A_623 : i32 to index
          %swap3A_640 = arith.constant 16 : index
          %swap3A_641 = tpu.vector_load %arg14[%swap3A_639, %swap3A_640] {strides = array<i32>} : memref<640x32xf32, #tpu.memory_space<vmem>>, vector<1x16xf32>,
          %swap3A_642 = vector.shape_cast %swap3A_641 : vector<1x16xf32> to vector<16xf32>
          %swap3A_643 = vector.shape_cast %mul3A_638 : vector<16xf32> to vector<1x16xf32>
          tpu.vector_store %arg14[%swap3A_639, %swap3A_640], %swap3A_643 {strides = array<i32>} : memref<640x32xf32, #tpu.memory_space<vmem>>, vector<1x16xf32>,
          %broadcast_in_dim3A_644 = arith.constant 5 : i32
          %broadcast_in_dim3A_645 = vector.broadcast %broadcast_in_dim3A_644 : i32 to vector<16x1xi32>
          %gather3A_646 = vector.shape_cast %broadcast_in_dim3A_645 : vector<16x1xi32> to vector<16xi32>
          %gather3A_647 = tpu.dynamic_gather %get3A_491[%gather3A_646] in [0] : vector<16xf32>, vector<16xi32> -> vector<16xf32>
          %mul3A_648 = arith.constant 16 : i32
          %mul3A_649 = arith.muli %scan3A_485, %mul3A_648 : i32
          %add3A_650 = arith.addi %mul3A_471, %mul3A_649 : i32
          %add3A_651 = arith.constant 5 : i32
          %add3A_652 = arith.addi %add3A_650, %add3A_651 : i32
          %get3A_653 = arith.index_cast %add3A_652 : i32 to index
          %get3A_654 = arith.constant 0 : index
          %get3A_655 = tpu.vector_load %arg14[%get3A_653, %get3A_654] {strides = array<i32>} : memref<640x32xf32, #tpu.memory_space<vmem>>, vector<1x16xf32>,
          %get3A_656 = vector.shape_cast %get3A_655 : vector<1x16xf32> to vector<16xf32>
          %mul3A_657 = arith.mulf %get3A_656, %gather3A_647 : vector<16xf32>
          %swap3A_658 = arith.index_cast %add3A_652 : i32 to index
          %swap3A_659 = arith.constant 0 : index
          %swap3A_660 = tpu.vector_load %arg14[%swap3A_658, %swap3A_659] {strides = array<i32>} : memref<640x32xf32, #tpu.memory_space<vmem>>, vector<1x16xf32>,
          %swap3A_661 = vector.shape_cast %swap3A_660 : vector<1x16xf32> to vector<16xf32>
          %swap3A_662 = vector.shape_cast %mul3A_657 : vector<16xf32> to vector<1x16xf32>
          tpu.vector_store %arg14[%swap3A_658, %swap3A_659], %swap3A_662 {strides = array<i32>} : memref<640x32xf32, #tpu.memory_space<vmem>>, vector<1x16xf32>,
          %get3A_663 = arith.index_cast %add3A_652 : i32 to index
          %get3A_664 = arith.constant 16 : index
          %get3A_665 = tpu.vector_load %arg14[%get3A_663, %get3A_664] {strides = array<i32>} : memref<640x32xf32, #tpu.memory_space<vmem>>, vector<1x16xf32>,
          %get3A_666 = vector.shape_cast %get3A_665 : vector<1x16xf32> to vector<16xf32>
          %mul3A_667 = arith.mulf %get3A_666, %gather3A_647 : vector<16xf32>
          %swap3A_668 = arith.index_cast %add3A_652 : i32 to index
          %swap3A_669 = arith.constant 16 : index
          %swap3A_670 = tpu.vector_load %arg14[%swap3A_668, %swap3A_669] {strides = array<i32>} : memref<640x32xf32, #tpu.memory_space<vmem>>, vector<1x16xf32>,
          %swap3A_671 = vector.shape_cast %swap3A_670 : vector<1x16xf32> to vector<16xf32>
          %swap3A_672 = vector.shape_cast %mul3A_667 : vector<16xf32> to vector<1x16xf32>
          tpu.vector_store %arg14[%swap3A_668, %swap3A_669], %swap3A_672 {strides = array<i32>} : memref<640x32xf32, #tpu.memory_space<vmem>>, vector<1x16xf32>,
          %broadcast_in_dim3A_673 = arith.constant 6 : i32
          %broadcast_in_dim3A_674 = vector.broadcast %broadcast_in_dim3A_673 : i32 to vector<16x1xi32>
          %gather3A_675 = vector.shape_cast %broadcast_in_dim3A_674 : vector<16x1xi32> to vector<16xi32>
          %gather3A_676 = tpu.dynamic_gather %get3A_491[%gather3A_675] in [0] : vector<16xf32>, vector<16xi32> -> vector<16xf32>
          %mul3A_677 = arith.constant 16 : i32
          %mul3A_678 = arith.muli %scan3A_485, %mul3A_677 : i32
          %add3A_679 = arith.addi %mul3A_471, %mul3A_678 : i32
          %add3A_680 = arith.constant 6 : i32
          %add3A_681 = arith.addi %add3A_679, %add3A_680 : i32
          %get3A_682 = arith.index_cast %add3A_681 : i32 to index
          %get3A_683 = arith.constant 0 : index
          %get3A_684 = tpu.vector_load %arg14[%get3A_682, %get3A_683] {strides = array<i32>} : memref<640x32xf32, #tpu.memory_space<vmem>>, vector<1x16xf32>,
          %get3A_685 = vector.shape_cast %get3A_684 : vector<1x16xf32> to vector<16xf32>
          %mul3A_686 = arith.mulf %get3A_685, %gather3A_676 : vector<16xf32>
          %swap3A_687 = arith.index_cast %add3A_681 : i32 to index
          %swap3A_688 = arith.constant 0 : index
          %swap3A_689 = tpu.vector_load %arg14[%swap3A_687, %swap3A_688] {strides = array<i32>} : memref<640x32xf32, #tpu.memory_space<vmem>>, vector<1x16xf32>,
          %swap3A_690 = vector.shape_cast %swap3A_689 : vector<1x16xf32> to vector<16xf32>
          %swap3A_691 = vector.shape_cast %mul3A_686 : vector<16xf32> to vector<1x16xf32>
          tpu.vector_store %arg14[%swap3A_687, %swap3A_688], %swap3A_691 {strides = array<i32>} : memref<640x32xf32, #tpu.memory_space<vmem>>, vector<1x16xf32>,
          %get3A_692 = arith.index_cast %add3A_681 : i32 to index
          %get3A_693 = arith.constant 16 : index
          %get3A_694 = tpu.vector_load %arg14[%get3A_692, %get3A_693] {strides = array<i32>} : memref<640x32xf32, #tpu.memory_space<vmem>>, vector<1x16xf32>,
          %get3A_695 = vector.shape_cast %get3A_694 : vector<1x16xf32> to vector<16xf32>
          %mul3A_696 = arith.mulf %get3A_695, %gather3A_676 : vector<16xf32>
          %swap3A_697 = arith.index_cast %add3A_681 : i32 to index
          %swap3A_698 = arith.constant 16 : index
          %swap3A_699 = tpu.vector_load %arg14[%swap3A_697, %swap3A_698] {strides = array<i32>} : memref<640x32xf32, #tpu.memory_space<vmem>>, vector<1x16xf32>,
          %swap3A_700 = vector.shape_cast %swap3A_699 : vector<1x16xf32> to vector<16xf32>
          %swap3A_701 = vector.shape_cast %mul3A_696 : vector<16xf32> to vector<1x16xf32>
          tpu.vector_store %arg14[%swap3A_697, %swap3A_698], %swap3A_701 {strides = array<i32>} : memref<640x32xf32, #tpu.memory_space<vmem>>, vector<1x16xf32>,
          %broadcast_in_dim3A_702 = arith.constant 7 : i32
          %broadcast_in_dim3A_703 = vector.broadcast %broadcast_in_dim3A_702 : i32 to vector<16x1xi32>
          %gather3A_704 = vector.shape_cast %broadcast_in_dim3A_703 : vector<16x1xi32> to vector<16xi32>
          %gather3A_705 = tpu.dynamic_gather %get3A_491[%gather3A_704] in [0] : vector<16xf32>, vector<16xi32> -> vector<16xf32>
          %mul3A_706 = arith.constant 16 : i32
          %mul3A_707 = arith.muli %scan3A_485, %mul3A_706 : i32
          %add3A_708 = arith.addi %mul3A_471, %mul3A_707 : i32
          %add3A_709 = arith.constant 7 : i32
          %add3A_710 = arith.addi %add3A_708, %add3A_709 : i32
          %get3A_711 = arith.index_cast %add3A_710 : i32 to index
          %get3A_712 = arith.constant 0 : index
          %get3A_713 = tpu.vector_load %arg14[%get3A_711, %get3A_712] {strides = array<i32>} : memref<640x32xf32, #tpu.memory_space<vmem>>, vector<1x16xf32>,
          %get3A_714 = vector.shape_cast %get3A_713 : vector<1x16xf32> to vector<16xf32>
          %mul3A_715 = arith.mulf %get3A_714, %gather3A_705 : vector<16xf32>
          %swap3A_716 = arith.index_cast %add3A_710 : i32 to index
          %swap3A_717 = arith.constant 0 : index
          %swap3A_718 = tpu.vector_load %arg14[%swap3A_716, %swap3A_717] {strides = array<i32>} : memref<640x32xf32, #tpu.memory_space<vmem>>, vector<1x16xf32>,
          %swap3A_719 = vector.shape_cast %swap3A_718 : vector<1x16xf32> to vector<16xf32>
          %swap3A_720 = vector.shape_cast %mul3A_715 : vector<16xf32> to vector<1x16xf32>
          tpu.vector_store %arg14[%swap3A_716, %swap3A_717], %swap3A_720 {strides = array<i32>} : memref<640x32xf32, #tpu.memory_space<vmem>>, vector<1x16xf32>,
          %get3A_721 = arith.index_cast %add3A_710 : i32 to index
          %get3A_722 = arith.constant 16 : index
          %get3A_723 = tpu.vector_load %arg14[%get3A_721, %get3A_722] {strides = array<i32>} : memref<640x32xf32, #tpu.memory_space<vmem>>, vector<1x16xf32>,
          %get3A_724 = vector.shape_cast %get3A_723 : vector<1x16xf32> to vector<16xf32>
          %mul3A_725 = arith.mulf %get3A_724, %gather3A_705 : vector<16xf32>
          %swap3A_726 = arith.index_cast %add3A_710 : i32 to index
          %swap3A_727 = arith.constant 16 : index
          %swap3A_728 = tpu.vector_load %arg14[%swap3A_726, %swap3A_727] {strides = array<i32>} : memref<640x32xf32, #tpu.memory_space<vmem>>, vector<1x16xf32>,
          %swap3A_729 = vector.shape_cast %swap3A_728 : vector<1x16xf32> to vector<16xf32>
          %swap3A_730 = vector.shape_cast %mul3A_725 : vector<16xf32> to vector<1x16xf32>
          tpu.vector_store %arg14[%swap3A_726, %swap3A_727], %swap3A_730 {strides = array<i32>} : memref<640x32xf32, #tpu.memory_space<vmem>>, vector<1x16xf32>,
          %broadcast_in_dim3A_731 = arith.constant 8 : i32
          %broadcast_in_dim3A_732 = vector.broadcast %broadcast_in_dim3A_731 : i32 to vector<16x1xi32>
          %gather3A_733 = vector.shape_cast %broadcast_in_dim3A_732 : vector<16x1xi32> to vector<16xi32>
          %gather3A_734 = tpu.dynamic_gather %get3A_491[%gather3A_733] in [0] : vector<16xf32>, vector<16xi32> -> vector<16xf32>
          %mul3A_735 = arith.constant 16 : i32
          %mul3A_736 = arith.muli %scan3A_485, %mul3A_735 : i32
          %add3A_737 = arith.addi %mul3A_471, %mul3A_736 : i32
          %add3A_738 = arith.constant 8 : i32
          %add3A_739 = arith.addi %add3A_737, %add3A_738 : i32
          %get3A_740 = arith.index_cast %add3A_739 : i32 to index
          %get3A_741 = arith.constant 0 : index
          %get3A_742 = tpu.vector_load %arg14[%get3A_740, %get3A_741] {strides = array<i32>} : memref<640x32xf32, #tpu.memory_space<vmem>>, vector<1x16xf32>,
          %get3A_743 = vector.shape_cast %get3A_742 : vector<1x16xf32> to vector<16xf32>
          %mul3A_744 = arith.mulf %get3A_743, %gather3A_734 : vector<16xf32>
          %swap3A_745 = arith.index_cast %add3A_739 : i32 to index
          %swap3A_746 = arith.constant 0 : index
          %swap3A_747 = tpu.vector_load %arg14[%swap3A_745, %swap3A_746] {strides = array<i32>} : memref<640x32xf32, #tpu.memory_space<vmem>>, vector<1x16xf32>,
          %swap3A_748 = vector.shape_cast %swap3A_747 : vector<1x16xf32> to vector<16xf32>
          %swap3A_749 = vector.shape_cast %mul3A_744 : vector<16xf32> to vector<1x16xf32>
          tpu.vector_store %arg14[%swap3A_745, %swap3A_746], %swap3A_749 {strides = array<i32>} : memref<640x32xf32, #tpu.memory_space<vmem>>, vector<1x16xf32>,
          %get3A_750 = arith.index_cast %add3A_739 : i32 to index
          %get3A_751 = arith.constant 16 : index
          %get3A_752 = tpu.vector_load %arg14[%get3A_750, %get3A_751] {strides = array<i32>} : memref<640x32xf32, #tpu.memory_space<vmem>>, vector<1x16xf32>,
          %get3A_753 = vector.shape_cast %get3A_752 : vector<1x16xf32> to vector<16xf32>
          %mul3A_754 = arith.mulf %get3A_753, %gather3A_734 : vector<16xf32>
          %swap3A_755 = arith.index_cast %add3A_739 : i32 to index
          %swap3A_756 = arith.constant 16 : index
          %swap3A_757 = tpu.vector_load %arg14[%swap3A_755, %swap3A_756] {strides = array<i32>} : memref<640x32xf32, #tpu.memory_space<vmem>>, vector<1x16xf32>,
          %swap3A_758 = vector.shape_cast %swap3A_757 : vector<1x16xf32> to vector<16xf32>
          %swap3A_759 = vector.shape_cast %mul3A_754 : vector<16xf32> to vector<1x16xf32>
          tpu.vector_store %arg14[%swap3A_755, %swap3A_756], %swap3A_759 {strides = array<i32>} : memref<640x32xf32, #tpu.memory_space<vmem>>, vector<1x16xf32>,
          %broadcast_in_dim3A_760 = arith.constant 9 : i32
          %broadcast_in_dim3A_761 = vector.broadcast %broadcast_in_dim3A_760 : i32 to vector<16x1xi32>
          %gather3A_762 = vector.shape_cast %broadcast_in_dim3A_761 : vector<16x1xi32> to vector<16xi32>
          %gather3A_763 = tpu.dynamic_gather %get3A_491[%gather3A_762] in [0] : vector<16xf32>, vector<16xi32> -> vector<16xf32>
          %mul3A_764 = arith.constant 16 : i32
          %mul3A_765 = arith.muli %scan3A_485, %mul3A_764 : i32
          %add3A_766 = arith.addi %mul3A_471, %mul3A_765 : i32
          %add3A_767 = arith.constant 9 : i32
          %add3A_768 = arith.addi %add3A_766, %add3A_767 : i32
          %get3A_769 = arith.index_cast %add3A_768 : i32 to index
          %get3A_770 = arith.constant 0 : index
          %get3A_771 = tpu.vector_load %arg14[%get3A_769, %get3A_770] {strides = array<i32>} : memref<640x32xf32, #tpu.memory_space<vmem>>, vector<1x16xf32>,
          %get3A_772 = vector.shape_cast %get3A_771 : vector<1x16xf32> to vector<16xf32>
          %mul3A_773 = arith.mulf %get3A_772, %gather3A_763 : vector<16xf32>
          %swap3A_774 = arith.index_cast %add3A_768 : i32 to index
          %swap3A_775 = arith.constant 0 : index
          %swap3A_776 = tpu.vector_load %arg14[%swap3A_774, %swap3A_775] {strides = array<i32>} : memref<640x32xf32, #tpu.memory_space<vmem>>, vector<1x16xf32>,
          %swap3A_777 = vector.shape_cast %swap3A_776 : vector<1x16xf32> to vector<16xf32>
          %swap3A_778 = vector.shape_cast %mul3A_773 : vector<16xf32> to vector<1x16xf32>
          tpu.vector_store %arg14[%swap3A_774, %swap3A_775], %swap3A_778 {strides = array<i32>} : memref<640x32xf32, #tpu.memory_space<vmem>>, vector<1x16xf32>,
          %get3A_779 = arith.index_cast %add3A_768 : i32 to index
          %get3A_780 = arith.constant 16 : index
          %get3A_781 = tpu.vector_load %arg14[%get3A_779, %get3A_780] {strides = array<i32>} : memref<640x32xf32, #tpu.memory_space<vmem>>, vector<1x16xf32>,
          %get3A_782 = vector.shape_cast %get3A_781 : vector<1x16xf32> to vector<16xf32>
          %mul3A_783 = arith.mulf %get3A_782, %gather3A_763 : vector<16xf32>
          %swap3A_784 = arith.index_cast %add3A_768 : i32 to index
          %swap3A_785 = arith.constant 16 : index
          %swap3A_786 = tpu.vector_load %arg14[%swap3A_784, %swap3A_785] {strides = array<i32>} : memref<640x32xf32, #tpu.memory_space<vmem>>, vector<1x16xf32>,
          %swap3A_787 = vector.shape_cast %swap3A_786 : vector<1x16xf32> to vector<16xf32>
          %swap3A_788 = vector.shape_cast %mul3A_783 : vector<16xf32> to vector<1x16xf32>
          tpu.vector_store %arg14[%swap3A_784, %swap3A_785], %swap3A_788 {strides = array<i32>} : memref<640x32xf32, #tpu.memory_space<vmem>>, vector<1x16xf32>,
          %broadcast_in_dim3A_789 = arith.constant 10 : i32
          %broadcast_in_dim3A_790 = vector.broadcast %broadcast_in_dim3A_789 : i32 to vector<16x1xi32>
          %gather3A_791 = vector.shape_cast %broadcast_in_dim3A_790 : vector<16x1xi32> to vector<16xi32>
          %gather3A_792 = tpu.dynamic_gather %get3A_491[%gather3A_791] in [0] : vector<16xf32>, vector<16xi32> -> vector<16xf32>
          %mul3A_793 = arith.constant 16 : i32
          %mul3A_794 = arith.muli %scan3A_485, %mul3A_793 : i32
          %add3A_795 = arith.addi %mul3A_471, %mul3A_794 : i32
          %add3A_796 = arith.constant 10 : i32
          %add3A_797 = arith.addi %add3A_795, %add3A_796 : i32
          %get3A_798 = arith.index_cast %add3A_797 : i32 to index
          %get3A_799 = arith.constant 0 : index
          %get3A_800 = tpu.vector_load %arg14[%get3A_798, %get3A_799] {strides = array<i32>} : memref<640x32xf32, #tpu.memory_space<vmem>>, vector<1x16xf32>,
          %get3A_801 = vector.shape_cast %get3A_800 : vector<1x16xf32> to vector<16xf32>
          %mul3A_802 = arith.mulf %get3A_801, %gather3A_792 : vector<16xf32>
          %swap3A_803 = arith.index_cast %add3A_797 : i32 to index
          %swap3A_804 = arith.constant 0 : index
          %swap3A_805 = tpu.vector_load %arg14[%swap3A_803, %swap3A_804] {strides = array<i32>} : memref<640x32xf32, #tpu.memory_space<vmem>>, vector<1x16xf32>,
          %swap3A_806 = vector.shape_cast %swap3A_805 : vector<1x16xf32> to vector<16xf32>
          %swap3A_807 = vector.shape_cast %mul3A_802 : vector<16xf32> to vector<1x16xf32>
          tpu.vector_store %arg14[%swap3A_803, %swap3A_804], %swap3A_807 {strides = array<i32>} : memref<640x32xf32, #tpu.memory_space<vmem>>, vector<1x16xf32>,
          %get3A_808 = arith.index_cast %add3A_797 : i32 to index
          %get3A_809 = arith.constant 16 : index
          %get3A_810 = tpu.vector_load %arg14[%get3A_808, %get3A_809] {strides = array<i32>} : memref<640x32xf32, #tpu.memory_space<vmem>>, vector<1x16xf32>,
          %get3A_811 = vector.shape_cast %get3A_810 : vector<1x16xf32> to vector<16xf32>
          %mul3A_812 = arith.mulf %get3A_811, %gather3A_792 : vector<16xf32>
          %swap3A_813 = arith.index_cast %add3A_797 : i32 to index
          %swap3A_814 = arith.constant 16 : index
          %swap3A_815 = tpu.vector_load %arg14[%swap3A_813, %swap3A_814] {strides = array<i32>} : memref<640x32xf32, #tpu.memory_space<vmem>>, vector<1x16xf32>,
          %swap3A_816 = vector.shape_cast %swap3A_815 : vector<1x16xf32> to vector<16xf32>
          %swap3A_817 = vector.shape_cast %mul3A_812 : vector<16xf32> to vector<1x16xf32>
          tpu.vector_store %arg14[%swap3A_813, %swap3A_814], %swap3A_817 {strides = array<i32>} : memref<640x32xf32, #tpu.memory_space<vmem>>, vector<1x16xf32>,
          %broadcast_in_dim3A_818 = arith.constant 11 : i32
          %broadcast_in_dim3A_819 = vector.broadcast %broadcast_in_dim3A_818 : i32 to vector<16x1xi32>
          %gather3A_820 = vector.shape_cast %broadcast_in_dim3A_819 : vector<16x1xi32> to vector<16xi32>
          %gather3A_821 = tpu.dynamic_gather %get3A_491[%gather3A_820] in [0] : vector<16xf32>, vector<16xi32> -> vector<16xf32>
          %mul3A_822 = arith.constant 16 : i32
          %mul3A_823 = arith.muli %scan3A_485, %mul3A_822 : i32
          %add3A_824 = arith.addi %mul3A_471, %mul3A_823 : i32
          %add3A_825 = arith.constant 11 : i32
          %add3A_826 = arith.addi %add3A_824, %add3A_825 : i32
          %get3A_827 = arith.index_cast %add3A_826 : i32 to index
          %get3A_828 = arith.constant 0 : index
          %get3A_829 = tpu.vector_load %arg14[%get3A_827, %get3A_828] {strides = array<i32>} : memref<640x32xf32, #tpu.memory_space<vmem>>, vector<1x16xf32>,
          %get3A_830 = vector.shape_cast %get3A_829 : vector<1x16xf32> to vector<16xf32>
          %mul3A_831 = arith.mulf %get3A_830, %gather3A_821 : vector<16xf32>
          %swap3A_832 = arith.index_cast %add3A_826 : i32 to index
          %swap3A_833 = arith.constant 0 : index
          %swap3A_834 = tpu.vector_load %arg14[%swap3A_832, %swap3A_833] {strides = array<i32>} : memref<640x32xf32, #tpu.memory_space<vmem>>, vector<1x16xf32>,
          %swap3A_835 = vector.shape_cast %swap3A_834 : vector<1x16xf32> to vector<16xf32>
          %swap3A_836 = vector.shape_cast %mul3A_831 : vector<16xf32> to vector<1x16xf32>
          tpu.vector_store %arg14[%swap3A_832, %swap3A_833], %swap3A_836 {strides = array<i32>} : memref<640x32xf32, #tpu.memory_space<vmem>>, vector<1x16xf32>,
          %get3A_837 = arith.index_cast %add3A_826 : i32 to index
          %get3A_838 = arith.constant 16 : index
          %get3A_839 = tpu.vector_load %arg14[%get3A_837, %get3A_838] {strides = array<i32>} : memref<640x32xf32, #tpu.memory_space<vmem>>, vector<1x16xf32>,
          %get3A_840 = vector.shape_cast %get3A_839 : vector<1x16xf32> to vector<16xf32>
          %mul3A_841 = arith.mulf %get3A_840, %gather3A_821 : vector<16xf32>
          %swap3A_842 = arith.index_cast %add3A_826 : i32 to index
          %swap3A_843 = arith.constant 16 : index
          %swap3A_844 = tpu.vector_load %arg14[%swap3A_842, %swap3A_843] {strides = array<i32>} : memref<640x32xf32, #tpu.memory_space<vmem>>, vector<1x16xf32>,
          %swap3A_845 = vector.shape_cast %swap3A_844 : vector<1x16xf32> to vector<16xf32>
          %swap3A_846 = vector.shape_cast %mul3A_841 : vector<16xf32> to vector<1x16xf32>
          tpu.vector_store %arg14[%swap3A_842, %swap3A_843], %swap3A_846 {strides = array<i32>} : memref<640x32xf32, #tpu.memory_space<vmem>>, vector<1x16xf32>,
          %broadcast_in_dim3A_847 = arith.constant 12 : i32
          %broadcast_in_dim3A_848 = vector.broadcast %broadcast_in_dim3A_847 : i32 to vector<16x1xi32>
          %gather3A_849 = vector.shape_cast %broadcast_in_dim3A_848 : vector<16x1xi32> to vector<16xi32>
          %gather3A_850 = tpu.dynamic_gather %get3A_491[%gather3A_849] in [0] : vector<16xf32>, vector<16xi32> -> vector<16xf32>
          %mul3A_851 = arith.constant 16 : i32
          %mul3A_852 = arith.muli %scan3A_485, %mul3A_851 : i32
          %add3A_853 = arith.addi %mul3A_471, %mul3A_852 : i32
          %add3A_854 = arith.constant 12 : i32
          %add3A_855 = arith.addi %add3A_853, %add3A_854 : i32
          %get3A_856 = arith.index_cast %add3A_855 : i32 to index
          %get3A_857 = arith.constant 0 : index
          %get3A_858 = tpu.vector_load %arg14[%get3A_856, %get3A_857] {strides = array<i32>} : memref<640x32xf32, #tpu.memory_space<vmem>>, vector<1x16xf32>,
          %get3A_859 = vector.shape_cast %get3A_858 : vector<1x16xf32> to vector<16xf32>
          %mul3A_860 = arith.mulf %get3A_859, %gather3A_850 : vector<16xf32>
          %swap3A_861 = arith.index_cast %add3A_855 : i32 to index
          %swap3A_862 = arith.constant 0 : index
          %swap3A_863 = tpu.vector_load %arg14[%swap3A_861, %swap3A_862] {strides = array<i32>} : memref<640x32xf32, #tpu.memory_space<vmem>>, vector<1x16xf32>,
          %swap3A_864 = vector.shape_cast %swap3A_863 : vector<1x16xf32> to vector<16xf32>
          %swap3A_865 = vector.shape_cast %mul3A_860 : vector<16xf32> to vector<1x16xf32>
          tpu.vector_store %arg14[%swap3A_861, %swap3A_862], %swap3A_865 {strides = array<i32>} : memref<640x32xf32, #tpu.memory_space<vmem>>, vector<1x16xf32>,
          %get3A_866 = arith.index_cast %add3A_855 : i32 to index
          %get3A_867 = arith.constant 16 : index
          %get3A_868 = tpu.vector_load %arg14[%get3A_866, %get3A_867] {strides = array<i32>} : memref<640x32xf32, #tpu.memory_space<vmem>>, vector<1x16xf32>,
          %get3A_869 = vector.shape_cast %get3A_868 : vector<1x16xf32> to vector<16xf32>
          %mul3A_870 = arith.mulf %get3A_869, %gather3A_850 : vector<16xf32>
          %swap3A_871 = arith.index_cast %add3A_855 : i32 to index
          %swap3A_872 = arith.constant 16 : index
          %swap3A_873 = tpu.vector_load %arg14[%swap3A_871, %swap3A_872] {strides = array<i32>} : memref<640x32xf32, #tpu.memory_space<vmem>>, vector<1x16xf32>,
          %swap3A_874 = vector.shape_cast %swap3A_873 : vector<1x16xf32> to vector<16xf32>
          %swap3A_875 = vector.shape_cast %mul3A_870 : vector<16xf32> to vector<1x16xf32>
          tpu.vector_store %arg14[%swap3A_871, %swap3A_872], %swap3A_875 {strides = array<i32>} : memref<640x32xf32, #tpu.memory_space<vmem>>, vector<1x16xf32>,
          %broadcast_in_dim3A_876 = arith.constant 13 : i32
          %broadcast_in_dim3A_877 = vector.broadcast %broadcast_in_dim3A_876 : i32 to vector<16x1xi32>
          %gather3A_878 = vector.shape_cast %broadcast_in_dim3A_877 : vector<16x1xi32> to vector<16xi32>
          %gather3A_879 = tpu.dynamic_gather %get3A_491[%gather3A_878] in [0] : vector<16xf32>, vector<16xi32> -> vector<16xf32>
          %mul3A_880 = arith.constant 16 : i32
          %mul3A_881 = arith.muli %scan3A_485, %mul3A_880 : i32
          %add3A_882 = arith.addi %mul3A_471, %mul3A_881 : i32
          %add3A_883 = arith.constant 13 : i32
          %add3A_884 = arith.addi %add3A_882, %add3A_883 : i32
          %get3A_885 = arith.index_cast %add3A_884 : i32 to index
          %get3A_886 = arith.constant 0 : index
          %get3A_887 = tpu.vector_load %arg14[%get3A_885, %get3A_886] {strides = array<i32>} : memref<640x32xf32, #tpu.memory_space<vmem>>, vector<1x16xf32>,
          %get3A_888 = vector.shape_cast %get3A_887 : vector<1x16xf32> to vector<16xf32>
          %mul3A_889 = arith.mulf %get3A_888, %gather3A_879 : vector<16xf32>
          %swap3A_890 = arith.index_cast %add3A_884 : i32 to index
          %swap3A_891 = arith.constant 0 : index
          %swap3A_892 = tpu.vector_load %arg14[%swap3A_890, %swap3A_891] {strides = array<i32>} : memref<640x32xf32, #tpu.memory_space<vmem>>, vector<1x16xf32>,
          %swap3A_893 = vector.shape_cast %swap3A_892 : vector<1x16xf32> to vector<16xf32>
          %swap3A_894 = vector.shape_cast %mul3A_889 : vector<16xf32> to vector<1x16xf32>
          tpu.vector_store %arg14[%swap3A_890, %swap3A_891], %swap3A_894 {strides = array<i32>} : memref<640x32xf32, #tpu.memory_space<vmem>>, vector<1x16xf32>,
          %get3A_895 = arith.index_cast %add3A_884 : i32 to index
          %get3A_896 = arith.constant 16 : index
          %get3A_897 = tpu.vector_load %arg14[%get3A_895, %get3A_896] {strides = array<i32>} : memref<640x32xf32, #tpu.memory_space<vmem>>, vector<1x16xf32>,
          %get3A_898 = vector.shape_cast %get3A_897 : vector<1x16xf32> to vector<16xf32>
          %mul3A_899 = arith.mulf %get3A_898, %gather3A_879 : vector<16xf32>
          %swap3A_900 = arith.index_cast %add3A_884 : i32 to index
          %swap3A_901 = arith.constant 16 : index
          %swap3A_902 = tpu.vector_load %arg14[%swap3A_900, %swap3A_901] {strides = array<i32>} : memref<640x32xf32, #tpu.memory_space<vmem>>, vector<1x16xf32>,
          %swap3A_903 = vector.shape_cast %swap3A_902 : vector<1x16xf32> to vector<16xf32>
          %swap3A_904 = vector.shape_cast %mul3A_899 : vector<16xf32> to vector<1x16xf32>
          tpu.vector_store %arg14[%swap3A_900, %swap3A_901], %swap3A_904 {strides = array<i32>} : memref<640x32xf32, #tpu.memory_space<vmem>>, vector<1x16xf32>,
          %broadcast_in_dim3A_905 = arith.constant 14 : i32
          %broadcast_in_dim3A_906 = vector.broadcast %broadcast_in_dim3A_905 : i32 to vector<16x1xi32>
          %gather3A_907 = vector.shape_cast %broadcast_in_dim3A_906 : vector<16x1xi32> to vector<16xi32>
          %gather3A_908 = tpu.dynamic_gather %get3A_491[%gather3A_907] in [0] : vector<16xf32>, vector<16xi32> -> vector<16xf32>
          %mul3A_909 = arith.constant 16 : i32
          %mul3A_910 = arith.muli %scan3A_485, %mul3A_909 : i32
          %add3A_911 = arith.addi %mul3A_471, %mul3A_910 : i32
          %add3A_912 = arith.constant 14 : i32
          %add3A_913 = arith.addi %add3A_911, %add3A_912 : i32
          %get3A_914 = arith.index_cast %add3A_913 : i32 to index
          %get3A_915 = arith.constant 0 : index
          %get3A_916 = tpu.vector_load %arg14[%get3A_914, %get3A_915] {strides = array<i32>} : memref<640x32xf32, #tpu.memory_space<vmem>>, vector<1x16xf32>,
          %get3A_917 = vector.shape_cast %get3A_916 : vector<1x16xf32> to vector<16xf32>
          %mul3A_918 = arith.mulf %get3A_917, %gather3A_908 : vector<16xf32>
          %swap3A_919 = arith.index_cast %add3A_913 : i32 to index
          %swap3A_920 = arith.constant 0 : index
          %swap3A_921 = tpu.vector_load %arg14[%swap3A_919, %swap3A_920] {strides = array<i32>} : memref<640x32xf32, #tpu.memory_space<vmem>>, vector<1x16xf32>,
          %swap3A_922 = vector.shape_cast %swap3A_921 : vector<1x16xf32> to vector<16xf32>
          %swap3A_923 = vector.shape_cast %mul3A_918 : vector<16xf32> to vector<1x16xf32>
          tpu.vector_store %arg14[%swap3A_919, %swap3A_920], %swap3A_923 {strides = array<i32>} : memref<640x32xf32, #tpu.memory_space<vmem>>, vector<1x16xf32>,
          %get3A_924 = arith.index_cast %add3A_913 : i32 to index
          %get3A_925 = arith.constant 16 : index
          %get3A_926 = tpu.vector_load %arg14[%get3A_924, %get3A_925] {strides = array<i32>} : memref<640x32xf32, #tpu.memory_space<vmem>>, vector<1x16xf32>,
          %get3A_927 = vector.shape_cast %get3A_926 : vector<1x16xf32> to vector<16xf32>
          %mul3A_928 = arith.mulf %get3A_927, %gather3A_908 : vector<16xf32>
          %swap3A_929 = arith.index_cast %add3A_913 : i32 to index
          %swap3A_930 = arith.constant 16 : index
          %swap3A_931 = tpu.vector_load %arg14[%swap3A_929, %swap3A_930] {strides = array<i32>} : memref<640x32xf32, #tpu.memory_space<vmem>>, vector<1x16xf32>,
          %swap3A_932 = vector.shape_cast %swap3A_931 : vector<1x16xf32> to vector<16xf32>
          %swap3A_933 = vector.shape_cast %mul3A_928 : vector<16xf32> to vector<1x16xf32>
          tpu.vector_store %arg14[%swap3A_929, %swap3A_930], %swap3A_933 {strides = array<i32>} : memref<640x32xf32, #tpu.memory_space<vmem>>, vector<1x16xf32>,
          %broadcast_in_dim3A_934 = arith.constant 15 : i32
          %broadcast_in_dim3A_935 = vector.broadcast %broadcast_in_dim3A_934 : i32 to vector<16x1xi32>
          %gather3A_936 = vector.shape_cast %broadcast_in_dim3A_935 : vector<16x1xi32> to vector<16xi32>
          %gather3A_937 = tpu.dynamic_gather %get3A_491[%gather3A_936] in [0] : vector<16xf32>, vector<16xi32> -> vector<16xf32>
          %mul3A_938 = arith.constant 16 : i32
          %mul3A_939 = arith.muli %scan3A_485, %mul3A_938 : i32
          %add3A_940 = arith.addi %mul3A_471, %mul3A_939 : i32
          %add3A_941 = arith.constant 15 : i32
          %add3A_942 = arith.addi %add3A_940, %add3A_941 : i32
          %get3A_943 = arith.index_cast %add3A_942 : i32 to index
          %get3A_944 = arith.constant 0 : index
          %get3A_945 = tpu.vector_load %arg14[%get3A_943, %get3A_944] {strides = array<i32>} : memref<640x32xf32, #tpu.memory_space<vmem>>, vector<1x16xf32>,
          %get3A_946 = vector.shape_cast %get3A_945 : vector<1x16xf32> to vector<16xf32>
          %mul3A_947 = arith.mulf %get3A_946, %gather3A_937 : vector<16xf32>
          %swap3A_948 = arith.index_cast %add3A_942 : i32 to index
          %swap3A_949 = arith.constant 0 : index
          %swap3A_950 = tpu.vector_load %arg14[%swap3A_948, %swap3A_949] {strides = array<i32>} : memref<640x32xf32, #tpu.memory_space<vmem>>, vector<1x16xf32>,
          %swap3A_951 = vector.shape_cast %swap3A_950 : vector<1x16xf32> to vector<16xf32>
          %swap3A_952 = vector.shape_cast %mul3A_947 : vector<16xf32> to vector<1x16xf32>
          tpu.vector_store %arg14[%swap3A_948, %swap3A_949], %swap3A_952 {strides = array<i32>} : memref<640x32xf32, #tpu.memory_space<vmem>>, vector<1x16xf32>,
          %get3A_953 = arith.index_cast %add3A_942 : i32 to index
          %get3A_954 = arith.constant 16 : index
          %get3A_955 = tpu.vector_load %arg14[%get3A_953, %get3A_954] {strides = array<i32>} : memref<640x32xf32, #tpu.memory_space<vmem>>, vector<1x16xf32>,
          %get3A_956 = vector.shape_cast %get3A_955 : vector<1x16xf32> to vector<16xf32>
          %mul3A_957 = arith.mulf %get3A_956, %gather3A_937 : vector<16xf32>
          %swap3A_958 = arith.index_cast %add3A_942 : i32 to index
          %swap3A_959 = arith.constant 16 : index
          %swap3A_960 = tpu.vector_load %arg14[%swap3A_958, %swap3A_959] {strides = array<i32>} : memref<640x32xf32, #tpu.memory_space<vmem>>, vector<1x16xf32>,
          %swap3A_961 = vector.shape_cast %swap3A_960 : vector<1x16xf32> to vector<16xf32>
          %swap3A_962 = vector.shape_cast %mul3A_957 : vector<16xf32> to vector<1x16xf32>
          tpu.vector_store %arg14[%swap3A_958, %swap3A_959], %swap3A_962 {strides = array<i32>} : memref<640x32xf32, #tpu.memory_space<vmem>>, vector<1x16xf32>,
          %scan3A_963 = arith.constant 0 : i32
          scf.yield %scan3A_963 : i32
        }
        %scan3A_478 = arith.constant 8 : i32
        %dma_start3A_479 = arith.constant 0 : i32
        %dma_start3A_480 = tpu.memref_slice %arg14[%mul3A_471, %dma_start3A_479] : memref<640x32xf32, #tpu.memory_space<vmem>> -> memref<128x32xf32, #tpu.memory_space<vmem>>
        %dma_start3A_481 = tpu.memref_slice %arg13[%mul3A_471] : memref<640xi32, #tpu.memory_space<vmem>> -> memref<128xi32, #tpu.memory_space<vmem>>
        %dma_start3A_482 = arith.constant 0 : i32
        %dma_start3A_483 = arith.constant 0 : i32
        %dma_start3A_484 = tpu.memref_slice %arg15[%dma_start3A_482, %dma_start3A_483] : memref<50048x32xf32, #tpu.memory_space<vmem_shared>> -> memref<50048x32xf32, #tpu.memory_space<vmem_shared>>
        tpu.enqueue_indirect_dma source(%dma_start3A_480 : memref<128x32xf32, #tpu.memory_space<vmem>>) target(%dma_start3A_484 : memref<50048x32xf32, #tpu.memory_space<vmem_shared>>) offsets(%dma_start3A_481 : memref<128xi32, #tpu.memory_space<vmem>>) semaphore(%arg18 : memref<!tpu.dma_semaphore, #tpu.memory_space<semaphore_mem>>) {add = true}
      } else {
      }
      %scan3A_364 = arith.constant 0 : i32
      scf.yield %scan3A_364 : i32
    }
    %scan3A_28 = arith.constant 395 : i32
    %dma_wait3A = arith.constant 0 : i32
    %dma_wait3A_29 = arith.constant 0 : i32
    %dma_wait3A_30 = tpu.memref_slice %arg14[%dma_wait3A, %dma_wait3A_29] : memref<640x32xf32, #tpu.memory_space<vmem>> -> memref<128x32xf32, #tpu.memory_space<vmem>>
    %dma_wait3A_31 = arith.constant 0 : i32
    %dma_wait3A_32 = arith.constant 0 : i32
    %dma_wait3A_33 = tpu.memref_slice %arg15[%dma_wait3A_31, %dma_wait3A_32] : memref<50048x32xf32, #tpu.memory_space<vmem_shared>> -> memref<128x32xf32, #tpu.memory_space<vmem_shared>>
    %dma_wait3A_34 = arith.constant 0 : i32
    %dma_wait3A_35 = arith.constant 0 : i32
    %dma_wait3A_36 = tpu.memref_slice %arg15[%dma_wait3A_34, %dma_wait3A_35] : memref<50048x32xf32, #tpu.memory_space<vmem_shared>> -> memref<128x32xf32, #tpu.memory_space<vmem_shared>>
    %dma_wait3A_37 = arith.constant 0 : i32
    %dma_wait3A_38 = arith.constant 0 : i32
    %dma_wait3A_39 = tpu.memref_slice %arg14[%dma_wait3A_37, %dma_wait3A_38] : memref<640x32xf32, #tpu.memory_space<vmem>> -> memref<128x32xf32, #tpu.memory_space<vmem>>
    tpu.wait_dma2 semaphore(%arg18 : memref<!tpu.dma_semaphore, #tpu.memory_space<semaphore_mem>>) src(%dma_wait3A_39 : memref<128x32xf32, #tpu.memory_space<vmem>>) dst(%dma_wait3A_36 : memref<128x32xf32, #tpu.memory_space<vmem_shared>>)
    %dma_wait3A_40 = arith.constant 128 : i32
    %dma_wait3A_41 = arith.constant 0 : i32
    %dma_wait3A_42 = tpu.memref_slice %arg14[%dma_wait3A_40, %dma_wait3A_41] : memref<640x32xf32, #tpu.memory_space<vmem>> -> memref<128x32xf32, #tpu.memory_space<vmem>>
    %dma_wait3A_43 = arith.constant 0 : i32
    %dma_wait3A_44 = arith.constant 0 : i32
    %dma_wait3A_45 = tpu.memref_slice %arg15[%dma_wait3A_43, %dma_wait3A_44] : memref<50048x32xf32, #tpu.memory_space<vmem_shared>> -> memref<128x32xf32, #tpu.memory_space<vmem_shared>>
    %dma_wait3A_46 = arith.constant 0 : i32
    %dma_wait3A_47 = arith.constant 0 : i32
    %dma_wait3A_48 = tpu.memref_slice %arg15[%dma_wait3A_46, %dma_wait3A_47] : memref<50048x32xf32, #tpu.memory_space<vmem_shared>> -> memref<128x32xf32, #tpu.memory_space<vmem_shared>>
    %dma_wait3A_49 = arith.constant 128 : i32
    %dma_wait3A_50 = arith.constant 0 : i32
    %dma_wait3A_51 = tpu.memref_slice %arg14[%dma_wait3A_49, %dma_wait3A_50] : memref<640x32xf32, #tpu.memory_space<vmem>> -> memref<128x32xf32, #tpu.memory_space<vmem>>
    tpu.wait_dma2 semaphore(%arg18 : memref<!tpu.dma_semaphore, #tpu.memory_space<semaphore_mem>>) src(%dma_wait3A_51 : memref<128x32xf32, #tpu.memory_space<vmem>>) dst(%dma_wait3A_48 : memref<128x32xf32, #tpu.memory_space<vmem_shared>>)
    %dma_wait3A_52 = arith.constant 256 : i32
    %dma_wait3A_53 = arith.constant 0 : i32
    %dma_wait3A_54 = tpu.memref_slice %arg14[%dma_wait3A_52, %dma_wait3A_53] : memref<640x32xf32, #tpu.memory_space<vmem>> -> memref<128x32xf32, #tpu.memory_space<vmem>>
    %dma_wait3A_55 = arith.constant 0 : i32
    %dma_wait3A_56 = arith.constant 0 : i32
    %dma_wait3A_57 = tpu.memref_slice %arg15[%dma_wait3A_55, %dma_wait3A_56] : memref<50048x32xf32, #tpu.memory_space<vmem_shared>> -> memref<128x32xf32, #tpu.memory_space<vmem_shared>>
    %dma_wait3A_58 = arith.constant 0 : i32
    %dma_wait3A_59 = arith.constant 0 : i32
    %dma_wait3A_60 = tpu.memref_slice %arg15[%dma_wait3A_58, %dma_wait3A_59] : memref<50048x32xf32, #tpu.memory_space<vmem_shared>> -> memref<128x32xf32, #tpu.memory_space<vmem_shared>>
    %dma_wait3A_61 = arith.constant 256 : i32
    %dma_wait3A_62 = arith.constant 0 : i32
    %dma_wait3A_63 = tpu.memref_slice %arg14[%dma_wait3A_61, %dma_wait3A_62] : memref<640x32xf32, #tpu.memory_space<vmem>> -> memref<128x32xf32, #tpu.memory_space<vmem>>
    tpu.wait_dma2 semaphore(%arg18 : memref<!tpu.dma_semaphore, #tpu.memory_space<semaphore_mem>>) src(%dma_wait3A_63 : memref<128x32xf32, #tpu.memory_space<vmem>>) dst(%dma_wait3A_60 : memref<128x32xf32, #tpu.memory_space<vmem_shared>>)
    %dma_wait3A_64 = arith.constant 384 : i32
    %dma_wait3A_65 = arith.constant 0 : i32
    %dma_wait3A_66 = tpu.memref_slice %arg14[%dma_wait3A_64, %dma_wait3A_65] : memref<640x32xf32, #tpu.memory_space<vmem>> -> memref<128x32xf32, #tpu.memory_space<vmem>>
    %dma_wait3A_67 = arith.constant 0 : i32
    %dma_wait3A_68 = arith.constant 0 : i32
    %dma_wait3A_69 = tpu.memref_slice %arg15[%dma_wait3A_67, %dma_wait3A_68] : memref<50048x32xf32, #tpu.memory_space<vmem_shared>> -> memref<128x32xf32, #tpu.memory_space<vmem_shared>>
    %dma_wait3A_70 = arith.constant 0 : i32
    %dma_wait3A_71 = arith.constant 0 : i32
    %dma_wait3A_72 = tpu.memref_slice %arg15[%dma_wait3A_70, %dma_wait3A_71] : memref<50048x32xf32, #tpu.memory_space<vmem_shared>> -> memref<128x32xf32, #tpu.memory_space<vmem_shared>>
    %dma_wait3A_73 = arith.constant 384 : i32
    %dma_wait3A_74 = arith.constant 0 : i32
    %dma_wait3A_75 = tpu.memref_slice %arg14[%dma_wait3A_73, %dma_wait3A_74] : memref<640x32xf32, #tpu.memory_space<vmem>> -> memref<128x32xf32, #tpu.memory_space<vmem>>
    tpu.wait_dma2 semaphore(%arg18 : memref<!tpu.dma_semaphore, #tpu.memory_space<semaphore_mem>>) src(%dma_wait3A_75 : memref<128x32xf32, #tpu.memory_space<vmem>>) dst(%dma_wait3A_72 : memref<128x32xf32, #tpu.memory_space<vmem_shared>>)
    %dma_wait3A_76 = arith.constant 512 : i32
    %dma_wait3A_77 = arith.constant 0 : i32
    %dma_wait3A_78 = tpu.memref_slice %arg14[%dma_wait3A_76, %dma_wait3A_77] : memref<640x32xf32, #tpu.memory_space<vmem>> -> memref<128x32xf32, #tpu.memory_space<vmem>>
    %dma_wait3A_79 = arith.constant 0 : i32
    %dma_wait3A_80 = arith.constant 0 : i32
    %dma_wait3A_81 = tpu.memref_slice %arg15[%dma_wait3A_79, %dma_wait3A_80] : memref<50048x32xf32, #tpu.memory_space<vmem_shared>> -> memref<128x32xf32, #tpu.memory_space<vmem_shared>>
    %dma_wait3A_82 = arith.constant 0 : i32
    %dma_wait3A_83 = arith.constant 0 : i32
    %dma_wait3A_84 = tpu.memref_slice %arg15[%dma_wait3A_82, %dma_wait3A_83] : memref<50048x32xf32, #tpu.memory_space<vmem_shared>> -> memref<128x32xf32, #tpu.memory_space<vmem_shared>>
    %dma_wait3A_85 = arith.constant 512 : i32
    %dma_wait3A_86 = arith.constant 0 : i32
    %dma_wait3A_87 = tpu.memref_slice %arg14[%dma_wait3A_85, %dma_wait3A_86] : memref<640x32xf32, #tpu.memory_space<vmem>> -> memref<128x32xf32, #tpu.memory_space<vmem>>
    tpu.wait_dma2 semaphore(%arg18 : memref<!tpu.dma_semaphore, #tpu.memory_space<semaphore_mem>>) src(%dma_wait3A_87 : memref<128x32xf32, #tpu.memory_space<vmem>>) dst(%dma_wait3A_84 : memref<128x32xf32, #tpu.memory_space<vmem_shared>>)
    %barrier3A_88 = arith.constant 0 : index
    tpu.barrier barrier_id(%barrier3A_88)
    %mul3A_89 = arith.constant 3128 : i32
    %mul3A_90 = arith.muli %arg1, %mul3A_89 : i32
    %mul3A_91 = arith.constant 3128 : i32
    %mul3A_92 = arith.muli %arg1, %mul3A_91 : i32
    %add3A_93 = arith.addi %mul3A_0, %mul3A_92 : i32
    "tpu.region"() ({
      %run_scoped3A = tpu.sem_alloc : memref<!tpu.dma_semaphore, #tpu.memory_space<semaphore_mem>>
      %dma_start3A_289 = arith.constant 0 : i32
      %dma_start3A_290 = tpu.memref_slice %arg7[%add3A_93, %dma_start3A_289] : memref<100096x32xf32, #tpu.memory_space<hbm>> -> memref<3128x32xf32, #tpu.memory_space<hbm>>
      %dma_start3A_291 = arith.constant 0 : i32
      %dma_start3A_292 = tpu.memref_slice %arg15[%mul3A_90, %dma_start3A_291] : memref<50048x32xf32, #tpu.memory_space<vmem_shared>> -> memref<3128x32xf32, #tpu.memory_space<vmem_shared>>
      tpu.enqueue_dma source(%dma_start3A_292 : memref<3128x32xf32, #tpu.memory_space<vmem_shared>>) target(%dma_start3A_290 : memref<3128x32xf32, #tpu.memory_space<hbm>>) target_semaphore(%run_scoped3A : memref<!tpu.dma_semaphore, #tpu.memory_space<semaphore_mem>>)
      %dma_wait3A_293 = arith.constant 0 : i32
      %dma_wait3A_294 = tpu.memref_slice %arg7[%add3A_93, %dma_wait3A_293] : memref<100096x32xf32, #tpu.memory_space<hbm>> -> memref<3128x32xf32, #tpu.memory_space<hbm>>
      %dma_wait3A_295 = arith.constant 0 : i32
      %dma_wait3A_296 = tpu.memref_slice %arg15[%mul3A_90, %dma_wait3A_295] : memref<50048x32xf32, #tpu.memory_space<vmem_shared>> -> memref<3128x32xf32, #tpu.memory_space<vmem_shared>>
      tpu.wait_dma2 semaphore(%run_scoped3A : memref<!tpu.dma_semaphore, #tpu.memory_space<semaphore_mem>>) src(%dma_wait3A_296 : memref<3128x32xf32, #tpu.memory_space<vmem_shared>>) dst(%dma_wait3A_294 : memref<3128x32xf32, #tpu.memory_space<hbm>>)
      tpu.yield
    }) : () -> ()
    %barrier3A_94 = arith.constant 0 : index
    tpu.barrier barrier_id(%barrier3A_94)
    %mul3A_95 = arith.constant 3128 : i32
    %mul3A_96 = arith.muli %arg1, %mul3A_95 : i32
    "tpu.region"() ({
      %run_scoped3A = tpu.sem_alloc : memref<!tpu.dma_semaphore, #tpu.memory_space<semaphore_mem>>
      %dma_start3A_289 = arith.constant 0 : i32
      %dma_start3A_290 = tpu.memref_slice %arg15[%mul3A_96, %dma_start3A_289] : memref<50048x32xf32, #tpu.memory_space<vmem_shared>> -> memref<3128x32xf32, #tpu.memory_space<vmem_shared>>
      tpu.enqueue_dma source(%arg6 : memref<3128x32xf32, #tpu.memory_space<hbm>>) target(%dma_start3A_290 : memref<3128x32xf32, #tpu.memory_space<vmem_shared>>) target_semaphore(%run_scoped3A : memref<!tpu.dma_semaphore, #tpu.memory_space<semaphore_mem>>)
      %dma_wait3A_291 = arith.constant 0 : i32
      %dma_wait3A_292 = tpu.memref_slice %arg15[%mul3A_96, %dma_wait3A_291] : memref<50048x32xf32, #tpu.memory_space<vmem_shared>> -> memref<3128x32xf32, #tpu.memory_space<vmem_shared>>
      tpu.wait_dma2 semaphore(%run_scoped3A : memref<!tpu.dma_semaphore, #tpu.memory_space<semaphore_mem>>) src(%arg6 : memref<3128x32xf32, #tpu.memory_space<hbm>>) dst(%dma_wait3A_292 : memref<3128x32xf32, #tpu.memory_space<vmem_shared>>)
      tpu.yield
    }) : () -> ()
    %barrier3A_97 = arith.constant 0 : index
    tpu.barrier barrier_id(%barrier3A_97)
    %add3A_98 = arith.constant 0 : i32
    %add3A_99 = arith.addi %mul3A_2, %add3A_98 : i32
    %dma_start3A_100 = arith.constant 0 : i32
    %dma_start3A_101 = tpu.memref_slice %arg10[%dma_start3A_100] : memref<2048xi32, #tpu.memory_space<vmem>> -> memref<1024xi32, #tpu.memory_space<vmem>>
    %dma_start3A_102 = tpu.memref_slice %arg3[%add3A_99] : memref<802816xi32, #tpu.memory_space<hbm>> -> memref<1024xi32, #tpu.memory_space<hbm>>
    %dma_start3A_103 = arith.constant 0 : i32
    %dma_start3A_104 = tpu.memref_slice %arg10[%dma_start3A_103] : memref<2048xi32, #tpu.memory_space<vmem>> -> memref<1024xi32, #tpu.memory_space<vmem>>
    %dma_start3A_105 = tpu.memref_slice %arg3[%add3A_99] : memref<802816xi32, #tpu.memory_space<hbm>> -> memref<1024xi32, #tpu.memory_space<hbm>>
    tpu.enqueue_dma source(%dma_start3A_105 : memref<1024xi32, #tpu.memory_space<hbm>>) target(%dma_start3A_104 : memref<1024xi32, #tpu.memory_space<vmem>>) target_semaphore(%arg16 : memref<!tpu.dma_semaphore, #tpu.memory_space<semaphore_mem>>)
    %dma_start3A_106 = arith.constant 0 : i32
    %dma_start3A_107 = tpu.memref_slice %arg11[%dma_start3A_106] : memref<2048xi32, #tpu.memory_space<vmem>> -> memref<1024xi32, #tpu.memory_space<vmem>>
    %dma_start3A_108 = tpu.memref_slice %arg4[%add3A_99] : memref<802816xi32, #tpu.memory_space<hbm>> -> memref<1024xi32, #tpu.memory_space<hbm>>
    %dma_start3A_109 = arith.constant 0 : i32
    %dma_start3A_110 = tpu.memref_slice %arg11[%dma_start3A_109] : memref<2048xi32, #tpu.memory_space<vmem>> -> memref<1024xi32, #tpu.memory_space<vmem>>
    %dma_start3A_111 = tpu.memref_slice %arg4[%add3A_99] : memref<802816xi32, #tpu.memory_space<hbm>> -> memref<1024xi32, #tpu.memory_space<hbm>>
    tpu.enqueue_dma source(%dma_start3A_111 : memref<1024xi32, #tpu.memory_space<hbm>>) target(%dma_start3A_110 : memref<1024xi32, #tpu.memory_space<vmem>>) target_semaphore(%arg16 : memref<!tpu.dma_semaphore, #tpu.memory_space<semaphore_mem>>)
    %dma_start3A_112 = arith.constant 0 : i32
    %dma_start3A_113 = tpu.memref_slice %arg12[%dma_start3A_112] : memref<2048xf32, #tpu.memory_space<vmem>> -> memref<1024xf32, #tpu.memory_space<vmem>>
    %dma_start3A_114 = tpu.memref_slice %arg5[%add3A_99] : memref<802816xf32, #tpu.memory_space<hbm>> -> memref<1024xf32, #tpu.memory_space<hbm>>
    %dma_start3A_115 = arith.constant 0 : i32
    %dma_start3A_116 = tpu.memref_slice %arg12[%dma_start3A_115] : memref<2048xf32, #tpu.memory_space<vmem>> -> memref<1024xf32, #tpu.memory_space<vmem>>
    %dma_start3A_117 = tpu.memref_slice %arg5[%add3A_99] : memref<802816xf32, #tpu.memory_space<hbm>> -> memref<1024xf32, #tpu.memory_space<hbm>>
    tpu.enqueue_dma source(%dma_start3A_117 : memref<1024xf32, #tpu.memory_space<hbm>>) target(%dma_start3A_116 : memref<1024xf32, #tpu.memory_space<vmem>>) target_semaphore(%arg16 : memref<!tpu.dma_semaphore, #tpu.memory_space<semaphore_mem>>)
    %scan3A_118 = arith.constant 0 : i32
    %scan3A_119 = arith.constant 0 : i32
    %scan3A_120 = arith.constant 395 : i32
    %scan3A_121 = arith.addi %scan3A_119, %scan3A_120 : i32
    %scan3A_122 = arith.constant 1 : i32
    %scan3A_123 = scf.for %scan3A_289 = %scan3A_119 to %scan3A_121 step %scan3A_122 iter_args(%scan3A_290 = %scan3A_118) -> (i32)  : i32 {
      %jit3A = arith.constant 8 : i32
      %eq3A = arith.constant 0 : i32
      %eq3A_291 = arith.cmpi eq, %jit3A, %eq3A : i32
      %jit3A_292 = arith.constant 1 : i32
      %select_n3A = arith.select %eq3A_291, %jit3A_292, %jit3A : i32
      %rem3A = arith.remsi %scan3A_289, %select_n3A : i32
      %ne3A = arith.constant 0 : i32
      %ne3A_293 = arith.cmpi ne, %rem3A, %ne3A : i32
      %lt3A = arith.constant 0 : i32
      %lt3A_294 = arith.cmpi slt, %rem3A, %lt3A : i32
      %lt3A_295 = arith.constant 0 : i32
      %lt3A_296 = arith.cmpi slt, %select_n3A, %lt3A_295 : i32
      %ne3A_297 = arith.xori %lt3A_294, %lt3A_296 : i1
      %and3A = arith.andi %ne3A_297, %ne3A_293 : i1
      %add3A_298 = arith.addi %rem3A, %select_n3A : i32
      %select_n3A_299 = arith.select %and3A, %add3A_298, %rem3A : i32
      %eq3A_300 = arith.constant 0 : i32
      %eq3A_301 = arith.cmpi eq, %select_n3A_299, %eq3A_300 : i32
      %lt3A_302 = arith.constant 392 : i32
      %lt3A_303 = arith.cmpi slt, %scan3A_289, %lt3A_302 : i32
      %and3A_304 = arith.andi %eq3A_301, %lt3A_303 : i1
      %convert_element_type3A = arith.extui %and3A_304 : i1 to i32
      %cond3A = arith.constant 0 : i32
      %cond3A_305 = arith.cmpi ne, %convert_element_type3A, %cond3A : i32
      scf.if %cond3A_305 {
        %dma_wait3A_365 = arith.constant 0 : i32
        %dma_wait3A_366 = tpu.memref_slice %arg10[%dma_wait3A_365] : memref<2048xi32, #tpu.memory_space<vmem>> -> memref<1024xi32, #tpu.memory_space<vmem>>
        %dma_wait3A_367 = arith.constant 0 : i32
        %dma_wait3A_368 = tpu.memref_slice %arg3[%dma_wait3A_367] : memref<802816xi32, #tpu.memory_space<hbm>> -> memref<1024xi32, #tpu.memory_space<hbm>>
        %dma_wait3A_369 = arith.constant 0 : i32
        %dma_wait3A_370 = tpu.memref_slice %arg10[%dma_wait3A_369] : memref<2048xi32, #tpu.memory_space<vmem>> -> memref<1024xi32, #tpu.memory_space<vmem>>
        %dma_wait3A_371 = arith.constant 0 : i32
        %dma_wait3A_372 = tpu.memref_slice %arg3[%dma_wait3A_371] : memref<802816xi32, #tpu.memory_space<hbm>> -> memref<1024xi32, #tpu.memory_space<hbm>>
        tpu.wait_dma2 semaphore(%arg16 : memref<!tpu.dma_semaphore, #tpu.memory_space<semaphore_mem>>) src(%dma_wait3A_372 : memref<1024xi32, #tpu.memory_space<hbm>>) dst(%dma_wait3A_370 : memref<1024xi32, #tpu.memory_space<vmem>>)
        %dma_wait3A_373 = arith.constant 0 : i32
        %dma_wait3A_374 = tpu.memref_slice %arg10[%dma_wait3A_373] : memref<2048xi32, #tpu.memory_space<vmem>> -> memref<1024xi32, #tpu.memory_space<vmem>>
        %dma_wait3A_375 = arith.constant 0 : i32
        %dma_wait3A_376 = tpu.memref_slice %arg3[%dma_wait3A_375] : memref<802816xi32, #tpu.memory_space<hbm>> -> memref<1024xi32, #tpu.memory_space<hbm>>
        %dma_wait3A_377 = arith.constant 0 : i32
        %dma_wait3A_378 = tpu.memref_slice %arg10[%dma_wait3A_377] : memref<2048xi32, #tpu.memory_space<vmem>> -> memref<1024xi32, #tpu.memory_space<vmem>>
        %dma_wait3A_379 = arith.constant 0 : i32
        %dma_wait3A_380 = tpu.memref_slice %arg3[%dma_wait3A_379] : memref<802816xi32, #tpu.memory_space<hbm>> -> memref<1024xi32, #tpu.memory_space<hbm>>
        tpu.wait_dma2 semaphore(%arg16 : memref<!tpu.dma_semaphore, #tpu.memory_space<semaphore_mem>>) src(%dma_wait3A_380 : memref<1024xi32, #tpu.memory_space<hbm>>) dst(%dma_wait3A_378 : memref<1024xi32, #tpu.memory_space<vmem>>)
        %dma_wait3A_381 = arith.constant 0 : i32
        %dma_wait3A_382 = tpu.memref_slice %arg10[%dma_wait3A_381] : memref<2048xi32, #tpu.memory_space<vmem>> -> memref<1024xi32, #tpu.memory_space<vmem>>
        %dma_wait3A_383 = arith.constant 0 : i32
        %dma_wait3A_384 = tpu.memref_slice %arg3[%dma_wait3A_383] : memref<802816xi32, #tpu.memory_space<hbm>> -> memref<1024xi32, #tpu.memory_space<hbm>>
        %dma_wait3A_385 = arith.constant 0 : i32
        %dma_wait3A_386 = tpu.memref_slice %arg10[%dma_wait3A_385] : memref<2048xi32, #tpu.memory_space<vmem>> -> memref<1024xi32, #tpu.memory_space<vmem>>
        %dma_wait3A_387 = arith.constant 0 : i32
        %dma_wait3A_388 = tpu.memref_slice %arg3[%dma_wait3A_387] : memref<802816xi32, #tpu.memory_space<hbm>> -> memref<1024xi32, #tpu.memory_space<hbm>>
        tpu.wait_dma2 semaphore(%arg16 : memref<!tpu.dma_semaphore, #tpu.memory_space<semaphore_mem>>) src(%dma_wait3A_388 : memref<1024xi32, #tpu.memory_space<hbm>>) dst(%dma_wait3A_386 : memref<1024xi32, #tpu.memory_space<vmem>>)
        %jit3A_389 = arith.constant 8 : i32
        %div3A_390 = arith.divsi %scan3A_289, %jit3A_389 : i32
        %sign3A_391 = arith.constant 0 : i32
        %sign3A_392 = arith.cmpi sgt, %scan3A_289, %sign3A_391 : i32
        %sign3A_393 = arith.extui %sign3A_392 : i1 to i32
        %sign3A_394 = arith.constant 0 : i32
        %sign3A_395 = arith.cmpi slt, %scan3A_289, %sign3A_394 : i32
        %sign3A_396 = arith.extui %sign3A_395 : i1 to i32
        %sign3A_397 = arith.subi %sign3A_393, %sign3A_396 : i32
        %sign3A_398 = arith.constant 0 : i32
        %sign3A_399 = arith.cmpi sgt, %jit3A_389, %sign3A_398 : i32
        %sign3A_400 = arith.extui %sign3A_399 : i1 to i32
        %sign3A_401 = arith.constant 0 : i32
        %sign3A_402 = arith.cmpi slt, %jit3A_389, %sign3A_401 : i32
        %sign3A_403 = arith.extui %sign3A_402 : i1 to i32
        %sign3A_404 = arith.subi %sign3A_400, %sign3A_403 : i32
        %ne3A_405 = arith.cmpi ne, %sign3A_397, %sign3A_404 : i32
        %rem3A_406 = arith.remsi %scan3A_289, %jit3A_389 : i32
        %ne3A_407 = arith.constant 0 : i32
        %ne3A_408 = arith.cmpi ne, %rem3A_406, %ne3A_407 : i32
        %and3A_409 = arith.andi %ne3A_405, %ne3A_408 : i1
        %sub3A_410 = arith.constant 1 : i32
        %sub3A_411 = arith.subi %div3A_390, %sub3A_410 : i32
        %select_n3A_412 = arith.select %and3A_409, %sub3A_411, %div3A_390 : i32
        %jit3A_413 = arith.constant 2 : i32
        %eq3A_414 = arith.constant 0 : i32
        %eq3A_415 = arith.cmpi eq, %jit3A_413, %eq3A_414 : i32
        %jit3A_416 = arith.constant 1 : i32
        %select_n3A_417 = arith.select %eq3A_415, %jit3A_416, %jit3A_413 : i32
        %rem3A_418 = arith.remsi %select_n3A_412, %select_n3A_417 : i32
        %ne3A_419 = arith.constant 0 : i32
        %ne3A_420 = arith.cmpi ne, %rem3A_418, %ne3A_419 : i32
        %lt3A_421 = arith.constant 0 : i32
        %lt3A_422 = arith.cmpi slt, %rem3A_418, %lt3A_421 : i32
        %lt3A_423 = arith.constant 0 : i32
        %lt3A_424 = arith.cmpi slt, %select_n3A_417, %lt3A_423 : i32
        %ne3A_425 = arith.xori %lt3A_422, %lt3A_424 : i1
        %and3A_426 = arith.andi %ne3A_425, %ne3A_420 : i1
        %add3A_427 = arith.addi %rem3A_418, %select_n3A_417 : i32
        %select_n3A_428 = arith.select %and3A_426, %add3A_427, %rem3A_418 : i32
        %mul3A_429 = arith.constant 1024 : i32
        %mul3A_430 = arith.muli %select_n3A_428, %mul3A_429 : i32
        %scan3A_431 = arith.constant 0 : i32
        %scan3A_432 = arith.constant 0 : i32
        %scan3A_433 = arith.constant 64 : i32
        %scan3A_434 = arith.addi %scan3A_432, %scan3A_433 : i32
        %scan3A_435 = arith.constant 1 : i32
        %scan3A_436 = scf.for %scan3A_438 = %scan3A_432 to %scan3A_434 step %scan3A_435 iter_args(%scan3A_439 = %scan3A_431) -> (i32)  : i32 {
          %mul3A_440 = arith.constant 16 : i32
          %mul3A_441 = arith.muli %scan3A_438, %mul3A_440 : i32
          %add3A_442 = arith.addi %mul3A_430, %mul3A_441 : i32
          %get3A = arith.index_cast %add3A_442 : i32 to index
          %get3A_443 = tpu.vector_load %arg10[%get3A] {strides = array<i32>} : memref<2048xi32, #tpu.memory_space<vmem>>, vector<16xi32>,
          %get3A_444 = vector.shape_cast %get3A_443 : vector<16xi32> to vector<16xi32>
          %add3A_445 = vector.broadcast %mul3A_0 : i32 to vector<16xi32>
          %add3A_446 = arith.addi %get3A_444, %add3A_445 : vector<16xi32>
          %swap3A = arith.index_cast %add3A_442 : i32 to index
          %swap3A_447 = tpu.vector_load %arg10[%swap3A] {strides = array<i32>} : memref<2048xi32, #tpu.memory_space<vmem>>, vector<16xi32>,
          %swap3A_448 = vector.shape_cast %swap3A_447 : vector<16xi32> to vector<16xi32>
          %swap3A_449 = vector.shape_cast %add3A_446 : vector<16xi32> to vector<16xi32>
          tpu.vector_store %arg10[%swap3A], %swap3A_449 {strides = array<i32>} : memref<2048xi32, #tpu.memory_space<vmem>>, vector<16xi32>,
          %scan3A_450 = arith.constant 0 : i32
          scf.yield %scan3A_450 : i32
        }
        %scan3A_437 = arith.constant 64 : i32
      } else {
      }
      %jit3A_306 = arith.constant 8 : i32
      %eq3A_307 = arith.constant 0 : i32
      %eq3A_308 = arith.cmpi eq, %jit3A_306, %eq3A_307 : i32
      %jit3A_309 = arith.constant 1 : i32
      %select_n3A_310 = arith.select %eq3A_308, %jit3A_309, %jit3A_306 : i32
      %rem3A_311 = arith.remsi %scan3A_289, %select_n3A_310 : i32
      %ne3A_312 = arith.constant 0 : i32
      %ne3A_313 = arith.cmpi ne, %rem3A_311, %ne3A_312 : i32
      %lt3A_314 = arith.constant 0 : i32
      %lt3A_315 = arith.cmpi slt, %rem3A_311, %lt3A_314 : i32
      %lt3A_316 = arith.constant 0 : i32
      %lt3A_317 = arith.cmpi slt, %select_n3A_310, %lt3A_316 : i32
      %ne3A_318 = arith.xori %lt3A_315, %lt3A_317 : i1
      %and3A_319 = arith.andi %ne3A_318, %ne3A_313 : i1
      %add3A_320 = arith.addi %rem3A_311, %select_n3A_310 : i32
      %select_n3A_321 = arith.select %and3A_319, %add3A_320, %rem3A_311 : i32
      %eq3A_322 = arith.constant 3 : i32
      %eq3A_323 = arith.cmpi eq, %select_n3A_321, %eq3A_322 : i32
      %jit3A_324 = arith.constant 8 : i32
      %div3A = arith.divsi %scan3A_289, %jit3A_324 : i32
      %sign3A = arith.constant 0 : i32
      %sign3A_325 = arith.cmpi sgt, %scan3A_289, %sign3A : i32
      %sign3A_326 = arith.extui %sign3A_325 : i1 to i32
      %sign3A_327 = arith.constant 0 : i32
      %sign3A_328 = arith.cmpi slt, %scan3A_289, %sign3A_327 : i32
      %sign3A_329 = arith.extui %sign3A_328 : i1 to i32
      %sign3A_330 = arith.subi %sign3A_326, %sign3A_329 : i32
      %sign3A_331 = arith.constant 0 : i32
      %sign3A_332 = arith.cmpi sgt, %jit3A_324, %sign3A_331 : i32
      %sign3A_333 = arith.extui %sign3A_332 : i1 to i32
      %sign3A_334 = arith.constant 0 : i32
      %sign3A_335 = arith.cmpi slt, %jit3A_324, %sign3A_334 : i32
      %sign3A_336 = arith.extui %sign3A_335 : i1 to i32
      %sign3A_337 = arith.subi %sign3A_333, %sign3A_336 : i32
      %ne3A_338 = arith.cmpi ne, %sign3A_330, %sign3A_337 : i32
      %rem3A_339 = arith.remsi %scan3A_289, %jit3A_324 : i32
      %ne3A_340 = arith.constant 0 : i32
      %ne3A_341 = arith.cmpi ne, %rem3A_339, %ne3A_340 : i32
      %and3A_342 = arith.andi %ne3A_338, %ne3A_341 : i1
      %sub3A = arith.constant 1 : i32
      %sub3A_343 = arith.subi %div3A, %sub3A : i32
      %select_n3A_344 = arith.select %and3A_342, %sub3A_343, %div3A : i32
      %add3A_345 = arith.constant 1 : i32
      %add3A_346 = arith.addi %select_n3A_344, %add3A_345 : i32
      %lt3A_347 = arith.constant 49 : i32
      %lt3A_348 = arith.cmpi slt, %add3A_346, %lt3A_347 : i32
      %and3A_349 = arith.andi %eq3A_323, %lt3A_348 : i1
      %convert_element_type3A_350 = arith.extui %and3A_349 : i1 to i32
      %cond3A_351 = arith.constant 0 : i32
      %cond3A_352 = arith.cmpi ne, %convert_element_type3A_350, %cond3A_351 : i32
      scf.if %cond3A_352 {
        %jit3A_365 = arith.constant 8 : i32
        %div3A_366 = arith.divsi %scan3A_289, %jit3A_365 : i32
        %sign3A_367 = arith.constant 0 : i32
        %sign3A_368 = arith.cmpi sgt, %scan3A_289, %sign3A_367 : i32
        %sign3A_369 = arith.extui %sign3A_368 : i1 to i32
        %sign3A_370 = arith.constant 0 : i32
        %sign3A_371 = arith.cmpi slt, %scan3A_289, %sign3A_370 : i32
        %sign3A_372 = arith.extui %sign3A_371 : i1 to i32
        %sign3A_373 = arith.subi %sign3A_369, %sign3A_372 : i32
        %sign3A_374 = arith.constant 0 : i32
        %sign3A_375 = arith.cmpi sgt, %jit3A_365, %sign3A_374 : i32
        %sign3A_376 = arith.extui %sign3A_375 : i1 to i32
        %sign3A_377 = arith.constant 0 : i32
        %sign3A_378 = arith.cmpi slt, %jit3A_365, %sign3A_377 : i32
        %sign3A_379 = arith.extui %sign3A_378 : i1 to i32
        %sign3A_380 = arith.subi %sign3A_376, %sign3A_379 : i32
        %ne3A_381 = arith.cmpi ne, %sign3A_373, %sign3A_380 : i32
        %rem3A_382 = arith.remsi %scan3A_289, %jit3A_365 : i32
        %ne3A_383 = arith.constant 0 : i32
        %ne3A_384 = arith.cmpi ne, %rem3A_382, %ne3A_383 : i32
        %and3A_385 = arith.andi %ne3A_381, %ne3A_384 : i1
        %sub3A_386 = arith.constant 1 : i32
        %sub3A_387 = arith.subi %div3A_366, %sub3A_386 : i32
        %select_n3A_388 = arith.select %and3A_385, %sub3A_387, %div3A_366 : i32
        %add3A_389 = arith.constant 1 : i32
        %add3A_390 = arith.addi %select_n3A_388, %add3A_389 : i32
        %mul3A_391 = arith.constant 1024 : i32
        %mul3A_392 = arith.muli %add3A_390, %mul3A_391 : i32
        %add3A_393 = arith.addi %mul3A_2, %mul3A_392 : i32
        %jit3A_394 = arith.constant 2 : i32
        %eq3A_395 = arith.constant 0 : i32
        %eq3A_396 = arith.cmpi eq, %jit3A_394, %eq3A_395 : i32
        %jit3A_397 = arith.constant 1 : i32
        %select_n3A_398 = arith.select %eq3A_396, %jit3A_397, %jit3A_394 : i32
        %rem3A_399 = arith.remsi %add3A_390, %select_n3A_398 : i32
        %ne3A_400 = arith.constant 0 : i32
        %ne3A_401 = arith.cmpi ne, %rem3A_399, %ne3A_400 : i32
        %lt3A_402 = arith.constant 0 : i32
        %lt3A_403 = arith.cmpi slt, %rem3A_399, %lt3A_402 : i32
        %lt3A_404 = arith.constant 0 : i32
        %lt3A_405 = arith.cmpi slt, %select_n3A_398, %lt3A_404 : i32
        %ne3A_406 = arith.xori %lt3A_403, %lt3A_405 : i1
        %and3A_407 = arith.andi %ne3A_406, %ne3A_401 : i1
        %add3A_408 = arith.addi %rem3A_399, %select_n3A_398 : i32
        %select_n3A_409 = arith.select %and3A_407, %add3A_408, %rem3A_399 : i32
        %mul3A_410 = arith.constant 1024 : i32
        %mul3A_411 = arith.muli %select_n3A_409, %mul3A_410 : i32
        %dma_start3A_412 = tpu.memref_slice %arg10[%mul3A_411] : memref<2048xi32, #tpu.memory_space<vmem>> -> memref<1024xi32, #tpu.memory_space<vmem>>
        %dma_start3A_413 = tpu.memref_slice %arg3[%add3A_393] : memref<802816xi32, #tpu.memory_space<hbm>> -> memref<1024xi32, #tpu.memory_space<hbm>>
        %dma_start3A_414 = tpu.memref_slice %arg10[%mul3A_411] : memref<2048xi32, #tpu.memory_space<vmem>> -> memref<1024xi32, #tpu.memory_space<vmem>>
        %dma_start3A_415 = tpu.memref_slice %arg3[%add3A_393] : memref<802816xi32, #tpu.memory_space<hbm>> -> memref<1024xi32, #tpu.memory_space<hbm>>
        tpu.enqueue_dma source(%dma_start3A_415 : memref<1024xi32, #tpu.memory_space<hbm>>) target(%dma_start3A_414 : memref<1024xi32, #tpu.memory_space<vmem>>) target_semaphore(%arg16 : memref<!tpu.dma_semaphore, #tpu.memory_space<semaphore_mem>>)
        %dma_start3A_416 = tpu.memref_slice %arg11[%mul3A_411] : memref<2048xi32, #tpu.memory_space<vmem>> -> memref<1024xi32, #tpu.memory_space<vmem>>
        %dma_start3A_417 = tpu.memref_slice %arg4[%add3A_393] : memref<802816xi32, #tpu.memory_space<hbm>> -> memref<1024xi32, #tpu.memory_space<hbm>>
        %dma_start3A_418 = tpu.memref_slice %arg11[%mul3A_411] : memref<2048xi32, #tpu.memory_space<vmem>> -> memref<1024xi32, #tpu.memory_space<vmem>>
        %dma_start3A_419 = tpu.memref_slice %arg4[%add3A_393] : memref<802816xi32, #tpu.memory_space<hbm>> -> memref<1024xi32, #tpu.memory_space<hbm>>
        tpu.enqueue_dma source(%dma_start3A_419 : memref<1024xi32, #tpu.memory_space<hbm>>) target(%dma_start3A_418 : memref<1024xi32, #tpu.memory_space<vmem>>) target_semaphore(%arg16 : memref<!tpu.dma_semaphore, #tpu.memory_space<semaphore_mem>>)
        %dma_start3A_420 = tpu.memref_slice %arg12[%mul3A_411] : memref<2048xf32, #tpu.memory_space<vmem>> -> memref<1024xf32, #tpu.memory_space<vmem>>
        %dma_start3A_421 = tpu.memref_slice %arg5[%add3A_393] : memref<802816xf32, #tpu.memory_space<hbm>> -> memref<1024xf32, #tpu.memory_space<hbm>>
        %dma_start3A_422 = tpu.memref_slice %arg12[%mul3A_411] : memref<2048xf32, #tpu.memory_space<vmem>> -> memref<1024xf32, #tpu.memory_space<vmem>>
        %dma_start3A_423 = tpu.memref_slice %arg5[%add3A_393] : memref<802816xf32, #tpu.memory_space<hbm>> -> memref<1024xf32, #tpu.memory_space<hbm>>
        tpu.enqueue_dma source(%dma_start3A_423 : memref<1024xf32, #tpu.memory_space<hbm>>) target(%dma_start3A_422 : memref<1024xf32, #tpu.memory_space<vmem>>) target_semaphore(%arg16 : memref<!tpu.dma_semaphore, #tpu.memory_space<semaphore_mem>>)
      } else {
      }
      %lt3A_353 = arith.constant 392 : i32
      %lt3A_354 = arith.cmpi slt, %scan3A_289, %lt3A_353 : i32
      %convert_element_type3A_355 = arith.extui %lt3A_354 : i1 to i32
      %cond3A_356 = arith.constant 0 : i32
      %cond3A_357 = arith.cmpi ne, %convert_element_type3A_355, %cond3A_356 : i32
      scf.if %cond3A_357 {
        %ge3A_365 = arith.constant 5 : i32
        %ge3A_366 = arith.cmpi sge, %scan3A_289, %ge3A_365 : i32
        %convert_element_type3A_367 = arith.extui %ge3A_366 : i1 to i32
        %cond3A_368 = arith.constant 0 : i32
        %cond3A_369 = arith.cmpi ne, %convert_element_type3A_367, %cond3A_368 : i32
        scf.if %cond3A_369 {
          %jit3A_455 = arith.constant 5 : i32
          %eq3A_456 = arith.constant 0 : i32
          %eq3A_457 = arith.cmpi eq, %jit3A_455, %eq3A_456 : i32
          %jit3A_458 = arith.constant 1 : i32
          %select_n3A_459 = arith.select %eq3A_457, %jit3A_458, %jit3A_455 : i32
          %rem3A_460 = arith.remsi %scan3A_289, %select_n3A_459 : i32
          %ne3A_461 = arith.constant 0 : i32
          %ne3A_462 = arith.cmpi ne, %rem3A_460, %ne3A_461 : i32
          %lt3A_463 = arith.constant 0 : i32
          %lt3A_464 = arith.cmpi slt, %rem3A_460, %lt3A_463 : i32
          %lt3A_465 = arith.constant 0 : i32
          %lt3A_466 = arith.cmpi slt, %select_n3A_459, %lt3A_465 : i32
          %ne3A_467 = arith.xori %lt3A_464, %lt3A_466 : i1
          %and3A_468 = arith.andi %ne3A_467, %ne3A_462 : i1
          %add3A_469 = arith.addi %rem3A_460, %select_n3A_459 : i32
          %select_n3A_470 = arith.select %and3A_468, %add3A_469, %rem3A_460 : i32
          %mul3A_471 = arith.constant 128 : i32
          %mul3A_472 = arith.muli %select_n3A_470, %mul3A_471 : i32
          %dma_wait3A_473 = arith.constant 0 : i32
          %dma_wait3A_474 = tpu.memref_slice %arg14[%mul3A_472, %dma_wait3A_473] : memref<640x32xf32, #tpu.memory_space<vmem>> -> memref<128x32xf32, #tpu.memory_space<vmem>>
          %dma_wait3A_475 = arith.constant 0 : i32
          %dma_wait3A_476 = arith.constant 0 : i32
          %dma_wait3A_477 = tpu.memref_slice %arg15[%dma_wait3A_475, %dma_wait3A_476] : memref<50048x32xf32, #tpu.memory_space<vmem_shared>> -> memref<128x32xf32, #tpu.memory_space<vmem_shared>>
          %dma_wait3A_478 = arith.constant 0 : i32
          %dma_wait3A_479 = arith.constant 0 : i32
          %dma_wait3A_480 = tpu.memref_slice %arg15[%dma_wait3A_478, %dma_wait3A_479] : memref<50048x32xf32, #tpu.memory_space<vmem_shared>> -> memref<128x32xf32, #tpu.memory_space<vmem_shared>>
          %dma_wait3A_481 = arith.constant 0 : i32
          %dma_wait3A_482 = tpu.memref_slice %arg14[%mul3A_472, %dma_wait3A_481] : memref<640x32xf32, #tpu.memory_space<vmem>> -> memref<128x32xf32, #tpu.memory_space<vmem>>
          tpu.wait_dma2 semaphore(%arg18 : memref<!tpu.dma_semaphore, #tpu.memory_space<semaphore_mem>>) src(%dma_wait3A_482 : memref<128x32xf32, #tpu.memory_space<vmem>>) dst(%dma_wait3A_480 : memref<128x32xf32, #tpu.memory_space<vmem_shared>>)
        } else {
        }
        %jit3A_370 = arith.constant 8 : i32
        %div3A_371 = arith.divsi %scan3A_289, %jit3A_370 : i32
        %sign3A_372 = arith.constant 0 : i32
        %sign3A_373 = arith.cmpi sgt, %scan3A_289, %sign3A_372 : i32
        %sign3A_374 = arith.extui %sign3A_373 : i1 to i32
        %sign3A_375 = arith.constant 0 : i32
        %sign3A_376 = arith.cmpi slt, %scan3A_289, %sign3A_375 : i32
        %sign3A_377 = arith.extui %sign3A_376 : i1 to i32
        %sign3A_378 = arith.subi %sign3A_374, %sign3A_377 : i32
        %sign3A_379 = arith.constant 0 : i32
        %sign3A_380 = arith.cmpi sgt, %jit3A_370, %sign3A_379 : i32
        %sign3A_381 = arith.extui %sign3A_380 : i1 to i32
        %sign3A_382 = arith.constant 0 : i32
        %sign3A_383 = arith.cmpi slt, %jit3A_370, %sign3A_382 : i32
        %sign3A_384 = arith.extui %sign3A_383 : i1 to i32
        %sign3A_385 = arith.subi %sign3A_381, %sign3A_384 : i32
        %ne3A_386 = arith.cmpi ne, %sign3A_378, %sign3A_385 : i32
        %rem3A_387 = arith.remsi %scan3A_289, %jit3A_370 : i32
        %ne3A_388 = arith.constant 0 : i32
        %ne3A_389 = arith.cmpi ne, %rem3A_387, %ne3A_388 : i32
        %and3A_390 = arith.andi %ne3A_386, %ne3A_389 : i1
        %sub3A_391 = arith.constant 1 : i32
        %sub3A_392 = arith.subi %div3A_371, %sub3A_391 : i32
        %select_n3A_393 = arith.select %and3A_390, %sub3A_392, %div3A_371 : i32
        %jit3A_394 = arith.constant 2 : i32
        %eq3A_395 = arith.constant 0 : i32
        %eq3A_396 = arith.cmpi eq, %jit3A_394, %eq3A_395 : i32
        %jit3A_397 = arith.constant 1 : i32
        %select_n3A_398 = arith.select %eq3A_396, %jit3A_397, %jit3A_394 : i32
        %rem3A_399 = arith.remsi %select_n3A_393, %select_n3A_398 : i32
        %ne3A_400 = arith.constant 0 : i32
        %ne3A_401 = arith.cmpi ne, %rem3A_399, %ne3A_400 : i32
        %lt3A_402 = arith.constant 0 : i32
        %lt3A_403 = arith.cmpi slt, %rem3A_399, %lt3A_402 : i32
        %lt3A_404 = arith.constant 0 : i32
        %lt3A_405 = arith.cmpi slt, %select_n3A_398, %lt3A_404 : i32
        %ne3A_406 = arith.xori %lt3A_403, %lt3A_405 : i1
        %and3A_407 = arith.andi %ne3A_406, %ne3A_401 : i1
        %add3A_408 = arith.addi %rem3A_399, %select_n3A_398 : i32
        %select_n3A_409 = arith.select %and3A_407, %add3A_408, %rem3A_399 : i32
        %mul3A_410 = arith.constant 1024 : i32
        %mul3A_411 = arith.muli %select_n3A_409, %mul3A_410 : i32
        %jit3A_412 = arith.constant 8 : i32
        %eq3A_413 = arith.constant 0 : i32
        %eq3A_414 = arith.cmpi eq, %jit3A_412, %eq3A_413 : i32
        %jit3A_415 = arith.constant 1 : i32
        %select_n3A_416 = arith.select %eq3A_414, %jit3A_415, %jit3A_412 : i32
        %rem3A_417 = arith.remsi %scan3A_289, %select_n3A_416 : i32
        %ne3A_418 = arith.constant 0 : i32
        %ne3A_419 = arith.cmpi ne, %rem3A_417, %ne3A_418 : i32
        %lt3A_420 = arith.constant 0 : i32
        %lt3A_421 = arith.cmpi slt, %rem3A_417, %lt3A_420 : i32
        %lt3A_422 = arith.constant 0 : i32
        %lt3A_423 = arith.cmpi slt, %select_n3A_416, %lt3A_422 : i32
        %ne3A_424 = arith.xori %lt3A_421, %lt3A_423 : i1
        %and3A_425 = arith.andi %ne3A_424, %ne3A_419 : i1
        %add3A_426 = arith.addi %rem3A_417, %select_n3A_416 : i32
        %select_n3A_427 = arith.select %and3A_425, %add3A_426, %rem3A_417 : i32
        %mul3A_428 = arith.constant 128 : i32
        %mul3A_429 = arith.muli %select_n3A_427, %mul3A_428 : i32
        %add3A_430 = arith.addi %mul3A_411, %mul3A_429 : i32
        %jit3A_431 = arith.constant 5 : i32
        %eq3A_432 = arith.constant 0 : i32
        %eq3A_433 = arith.cmpi eq, %jit3A_431, %eq3A_432 : i32
        %jit3A_434 = arith.constant 1 : i32
        %select_n3A_435 = arith.select %eq3A_433, %jit3A_434, %jit3A_431 : i32
        %rem3A_436 = arith.remsi %scan3A_289, %select_n3A_435 : i32
        %ne3A_437 = arith.constant 0 : i32
        %ne3A_438 = arith.cmpi ne, %rem3A_436, %ne3A_437 : i32
        %lt3A_439 = arith.constant 0 : i32
        %lt3A_440 = arith.cmpi slt, %rem3A_436, %lt3A_439 : i32
        %lt3A_441 = arith.constant 0 : i32
        %lt3A_442 = arith.cmpi slt, %select_n3A_435, %lt3A_441 : i32
        %ne3A_443 = arith.xori %lt3A_440, %lt3A_442 : i1
        %and3A_444 = arith.andi %ne3A_443, %ne3A_438 : i1
        %add3A_445 = arith.addi %rem3A_436, %select_n3A_435 : i32
        %select_n3A_446 = arith.select %and3A_444, %add3A_445, %rem3A_436 : i32
        %mul3A_447 = arith.constant 128 : i32
        %mul3A_448 = arith.muli %select_n3A_446, %mul3A_447 : i32
        %dma_start3A_449 = arith.constant 0 : i32
        %dma_start3A_450 = tpu.memref_slice %arg14[%mul3A_448, %dma_start3A_449] : memref<640x32xf32, #tpu.memory_space<vmem>> -> memref<128x32xf32, #tpu.memory_space<vmem>>
        %dma_start3A_451 = tpu.memref_slice %arg10[%add3A_430] : memref<2048xi32, #tpu.memory_space<vmem>> -> memref<128xi32, #tpu.memory_space<vmem>>
        %dma_start3A_452 = arith.constant 0 : i32
        %dma_start3A_453 = arith.constant 0 : i32
        %dma_start3A_454 = tpu.memref_slice %arg7[%dma_start3A_452, %dma_start3A_453] : memref<100096x32xf32, #tpu.memory_space<hbm>> -> memref<100096x32xf32, #tpu.memory_space<hbm>>
        tpu.enqueue_indirect_dma source(%dma_start3A_454 : memref<100096x32xf32, #tpu.memory_space<hbm>>) target(%dma_start3A_450 : memref<128x32xf32, #tpu.memory_space<vmem>>) offsets(%dma_start3A_451 : memref<128xi32, #tpu.memory_space<vmem>>) semaphore(%arg17 : memref<!tpu.dma_semaphore, #tpu.memory_space<semaphore_mem>>)
      } else {
      }
      %sub3A_358 = arith.constant 3 : i32
      %sub3A_359 = arith.subi %scan3A_289, %sub3A_358 : i32
      %ge3A = arith.constant 3 : i32
      %ge3A_360 = arith.cmpi sge, %scan3A_289, %ge3A : i32
      %convert_element_type3A_361 = arith.extui %ge3A_360 : i1 to i32
      %cond3A_362 = arith.constant 0 : i32
      %cond3A_363 = arith.cmpi ne, %convert_element_type3A_361, %cond3A_362 : i32
      scf.if %cond3A_363 {
        %jit3A_365 = arith.constant 5 : i32
        %eq3A_366 = arith.constant 0 : i32
        %eq3A_367 = arith.cmpi eq, %jit3A_365, %eq3A_366 : i32
        %jit3A_368 = arith.constant 1 : i32
        %select_n3A_369 = arith.select %eq3A_367, %jit3A_368, %jit3A_365 : i32
        %rem3A_370 = arith.remsi %sub3A_359, %select_n3A_369 : i32
        %ne3A_371 = arith.constant 0 : i32
        %ne3A_372 = arith.cmpi ne, %rem3A_370, %ne3A_371 : i32
        %lt3A_373 = arith.constant 0 : i32
        %lt3A_374 = arith.cmpi slt, %rem3A_370, %lt3A_373 : i32
        %lt3A_375 = arith.constant 0 : i32
        %lt3A_376 = arith.cmpi slt, %select_n3A_369, %lt3A_375 : i32
        %ne3A_377 = arith.xori %lt3A_374, %lt3A_376 : i1
        %and3A_378 = arith.andi %ne3A_377, %ne3A_372 : i1
        %add3A_379 = arith.addi %rem3A_370, %select_n3A_369 : i32
        %select_n3A_380 = arith.select %and3A_378, %add3A_379, %rem3A_370 : i32
        %mul3A_381 = arith.constant 128 : i32
        %mul3A_382 = arith.muli %select_n3A_380, %mul3A_381 : i32
        %dma_wait3A_383 = arith.constant 0 : i32
        %dma_wait3A_384 = tpu.memref_slice %arg14[%mul3A_382, %dma_wait3A_383] : memref<640x32xf32, #tpu.memory_space<vmem>> -> memref<128x32xf32, #tpu.memory_space<vmem>>
        %dma_wait3A_385 = arith.constant 0 : i32
        %dma_wait3A_386 = arith.constant 0 : i32
        %dma_wait3A_387 = tpu.memref_slice %arg7[%dma_wait3A_385, %dma_wait3A_386] : memref<100096x32xf32, #tpu.memory_space<hbm>> -> memref<128x32xf32, #tpu.memory_space<hbm>>
        %dma_wait3A_388 = arith.constant 0 : i32
        %dma_wait3A_389 = tpu.memref_slice %arg14[%mul3A_382, %dma_wait3A_388] : memref<640x32xf32, #tpu.memory_space<vmem>> -> memref<128x32xf32, #tpu.memory_space<vmem>>
        %dma_wait3A_390 = arith.constant 0 : i32
        %dma_wait3A_391 = arith.constant 0 : i32
        %dma_wait3A_392 = tpu.memref_slice %arg7[%dma_wait3A_390, %dma_wait3A_391] : memref<100096x32xf32, #tpu.memory_space<hbm>> -> memref<128x32xf32, #tpu.memory_space<hbm>>
        tpu.wait_dma2 semaphore(%arg17 : memref<!tpu.dma_semaphore, #tpu.memory_space<semaphore_mem>>) src(%dma_wait3A_392 : memref<128x32xf32, #tpu.memory_space<hbm>>) dst(%dma_wait3A_389 : memref<128x32xf32, #tpu.memory_space<vmem>>)
        %jit3A_393 = arith.constant 8 : i32
        %div3A_394 = arith.divsi %sub3A_359, %jit3A_393 : i32
        %sign3A_395 = arith.constant 0 : i32
        %sign3A_396 = arith.cmpi sgt, %sub3A_359, %sign3A_395 : i32
        %sign3A_397 = arith.extui %sign3A_396 : i1 to i32
        %sign3A_398 = arith.constant 0 : i32
        %sign3A_399 = arith.cmpi slt, %sub3A_359, %sign3A_398 : i32
        %sign3A_400 = arith.extui %sign3A_399 : i1 to i32
        %sign3A_401 = arith.subi %sign3A_397, %sign3A_400 : i32
        %sign3A_402 = arith.constant 0 : i32
        %sign3A_403 = arith.cmpi sgt, %jit3A_393, %sign3A_402 : i32
        %sign3A_404 = arith.extui %sign3A_403 : i1 to i32
        %sign3A_405 = arith.constant 0 : i32
        %sign3A_406 = arith.cmpi slt, %jit3A_393, %sign3A_405 : i32
        %sign3A_407 = arith.extui %sign3A_406 : i1 to i32
        %sign3A_408 = arith.subi %sign3A_404, %sign3A_407 : i32
        %ne3A_409 = arith.cmpi ne, %sign3A_401, %sign3A_408 : i32
        %rem3A_410 = arith.remsi %sub3A_359, %jit3A_393 : i32
        %ne3A_411 = arith.constant 0 : i32
        %ne3A_412 = arith.cmpi ne, %rem3A_410, %ne3A_411 : i32
        %and3A_413 = arith.andi %ne3A_409, %ne3A_412 : i1
        %sub3A_414 = arith.constant 1 : i32
        %sub3A_415 = arith.subi %div3A_394, %sub3A_414 : i32
        %select_n3A_416 = arith.select %and3A_413, %sub3A_415, %div3A_394 : i32
        %jit3A_417 = arith.constant 2 : i32
        %eq3A_418 = arith.constant 0 : i32
        %eq3A_419 = arith.cmpi eq, %jit3A_417, %eq3A_418 : i32
        %jit3A_420 = arith.constant 1 : i32
        %select_n3A_421 = arith.select %eq3A_419, %jit3A_420, %jit3A_417 : i32
        %rem3A_422 = arith.remsi %select_n3A_416, %select_n3A_421 : i32
        %ne3A_423 = arith.constant 0 : i32
        %ne3A_424 = arith.cmpi ne, %rem3A_422, %ne3A_423 : i32
        %lt3A_425 = arith.constant 0 : i32
        %lt3A_426 = arith.cmpi slt, %rem3A_422, %lt3A_425 : i32
        %lt3A_427 = arith.constant 0 : i32
        %lt3A_428 = arith.cmpi slt, %select_n3A_421, %lt3A_427 : i32
        %ne3A_429 = arith.xori %lt3A_426, %lt3A_428 : i1
        %and3A_430 = arith.andi %ne3A_429, %ne3A_424 : i1
        %add3A_431 = arith.addi %rem3A_422, %select_n3A_421 : i32
        %select_n3A_432 = arith.select %and3A_430, %add3A_431, %rem3A_422 : i32
        %mul3A_433 = arith.constant 1024 : i32
        %mul3A_434 = arith.muli %select_n3A_432, %mul3A_433 : i32
        %jit3A_435 = arith.constant 8 : i32
        %eq3A_436 = arith.constant 0 : i32
        %eq3A_437 = arith.cmpi eq, %jit3A_435, %eq3A_436 : i32
        %jit3A_438 = arith.constant 1 : i32
        %select_n3A_439 = arith.select %eq3A_437, %jit3A_438, %jit3A_435 : i32
        %rem3A_440 = arith.remsi %sub3A_359, %select_n3A_439 : i32
        %ne3A_441 = arith.constant 0 : i32
        %ne3A_442 = arith.cmpi ne, %rem3A_440, %ne3A_441 : i32
        %lt3A_443 = arith.constant 0 : i32
        %lt3A_444 = arith.cmpi slt, %rem3A_440, %lt3A_443 : i32
        %lt3A_445 = arith.constant 0 : i32
        %lt3A_446 = arith.cmpi slt, %select_n3A_439, %lt3A_445 : i32
        %ne3A_447 = arith.xori %lt3A_444, %lt3A_446 : i1
        %and3A_448 = arith.andi %ne3A_447, %ne3A_442 : i1
        %add3A_449 = arith.addi %rem3A_440, %select_n3A_439 : i32
        %select_n3A_450 = arith.select %and3A_448, %add3A_449, %rem3A_440 : i32
        %mul3A_451 = arith.constant 128 : i32
        %mul3A_452 = arith.muli %select_n3A_450, %mul3A_451 : i32
        %add3A_453 = arith.addi %mul3A_434, %mul3A_452 : i32
        %jit3A_454 = arith.constant 5 : i32
        %eq3A_455 = arith.constant 0 : i32
        %eq3A_456 = arith.cmpi eq, %jit3A_454, %eq3A_455 : i32
        %jit3A_457 = arith.constant 1 : i32
        %select_n3A_458 = arith.select %eq3A_456, %jit3A_457, %jit3A_454 : i32
        %rem3A_459 = arith.remsi %sub3A_359, %select_n3A_458 : i32
        %ne3A_460 = arith.constant 0 : i32
        %ne3A_461 = arith.cmpi ne, %rem3A_459, %ne3A_460 : i32
        %lt3A_462 = arith.constant 0 : i32
        %lt3A_463 = arith.cmpi slt, %rem3A_459, %lt3A_462 : i32
        %lt3A_464 = arith.constant 0 : i32
        %lt3A_465 = arith.cmpi slt, %select_n3A_458, %lt3A_464 : i32
        %ne3A_466 = arith.xori %lt3A_463, %lt3A_465 : i1
        %and3A_467 = arith.andi %ne3A_466, %ne3A_461 : i1
        %add3A_468 = arith.addi %rem3A_459, %select_n3A_458 : i32
        %select_n3A_469 = arith.select %and3A_467, %add3A_468, %rem3A_459 : i32
        %mul3A_470 = arith.constant 128 : i32
        %mul3A_471 = arith.muli %select_n3A_469, %mul3A_470 : i32
        %scan3A_472 = arith.constant 0 : i32
        %scan3A_473 = arith.constant 0 : i32
        %scan3A_474 = arith.constant 8 : i32
        %scan3A_475 = arith.addi %scan3A_473, %scan3A_474 : i32
        %scan3A_476 = arith.constant 1 : i32
        %scan3A_477 = scf.for %scan3A_485 = %scan3A_473 to %scan3A_475 step %scan3A_476 iter_args(%scan3A_486 = %scan3A_472) -> (i32)  : i32 {
          %mul3A_487 = arith.constant 16 : i32
          %mul3A_488 = arith.muli %scan3A_485, %mul3A_487 : i32
          %add3A_489 = arith.addi %add3A_453, %mul3A_488 : i32
          %get3A = arith.index_cast %add3A_489 : i32 to index
          %get3A_490 = tpu.vector_load %arg12[%get3A] {strides = array<i32>} : memref<2048xf32, #tpu.memory_space<vmem>>, vector<16xf32>,
          %get3A_491 = vector.shape_cast %get3A_490 : vector<16xf32> to vector<16xf32>
          %get3A_492 = arith.index_cast %add3A_489 : i32 to index
          %get3A_493 = tpu.vector_load %arg11[%get3A_492] {strides = array<i32>} : memref<2048xi32, #tpu.memory_space<vmem>>, vector<16xi32>,
          %get3A_494 = vector.shape_cast %get3A_493 : vector<16xi32> to vector<16xi32>
          %mul3A_495 = arith.constant 16 : i32
          %mul3A_496 = arith.muli %scan3A_485, %mul3A_495 : i32
          %add3A_497 = arith.addi %mul3A_471, %mul3A_496 : i32
          %swap3A = arith.index_cast %add3A_497 : i32 to index
          %swap3A_498 = tpu.vector_load %arg13[%swap3A] {strides = array<i32>} : memref<640xi32, #tpu.memory_space<vmem>>, vector<16xi32>,
          %swap3A_499 = vector.shape_cast %swap3A_498 : vector<16xi32> to vector<16xi32>
          %swap3A_500 = vector.shape_cast %get3A_494 : vector<16xi32> to vector<16xi32>
          tpu.vector_store %arg13[%swap3A], %swap3A_500 {strides = array<i32>} : memref<640xi32, #tpu.memory_space<vmem>>, vector<16xi32>,
          %broadcast_in_dim3A = arith.constant 0 : i32
          %broadcast_in_dim3A_501 = vector.broadcast %broadcast_in_dim3A : i32 to vector<16x1xi32>
          %gather3A = vector.shape_cast %broadcast_in_dim3A_501 : vector<16x1xi32> to vector<16xi32>
          %gather3A_502 = tpu.dynamic_gather %get3A_491[%gather3A] in [0] : vector<16xf32>, vector<16xi32> -> vector<16xf32>
          %mul3A_503 = arith.constant 16 : i32
          %mul3A_504 = arith.muli %scan3A_485, %mul3A_503 : i32
          %add3A_505 = arith.addi %mul3A_471, %mul3A_504 : i32
          %add3A_506 = arith.constant 0 : i32
          %add3A_507 = arith.addi %add3A_505, %add3A_506 : i32
          %get3A_508 = arith.index_cast %add3A_507 : i32 to index
          %get3A_509 = arith.constant 0 : index
          %get3A_510 = tpu.vector_load %arg14[%get3A_508, %get3A_509] {strides = array<i32>} : memref<640x32xf32, #tpu.memory_space<vmem>>, vector<1x16xf32>,
          %get3A_511 = vector.shape_cast %get3A_510 : vector<1x16xf32> to vector<16xf32>
          %mul3A_512 = arith.mulf %get3A_511, %gather3A_502 : vector<16xf32>
          %swap3A_513 = arith.index_cast %add3A_507 : i32 to index
          %swap3A_514 = arith.constant 0 : index
          %swap3A_515 = tpu.vector_load %arg14[%swap3A_513, %swap3A_514] {strides = array<i32>} : memref<640x32xf32, #tpu.memory_space<vmem>>, vector<1x16xf32>,
          %swap3A_516 = vector.shape_cast %swap3A_515 : vector<1x16xf32> to vector<16xf32>
          %swap3A_517 = vector.shape_cast %mul3A_512 : vector<16xf32> to vector<1x16xf32>
          tpu.vector_store %arg14[%swap3A_513, %swap3A_514], %swap3A_517 {strides = array<i32>} : memref<640x32xf32, #tpu.memory_space<vmem>>, vector<1x16xf32>,
          %get3A_518 = arith.index_cast %add3A_507 : i32 to index
          %get3A_519 = arith.constant 16 : index
          %get3A_520 = tpu.vector_load %arg14[%get3A_518, %get3A_519] {strides = array<i32>} : memref<640x32xf32, #tpu.memory_space<vmem>>, vector<1x16xf32>,
          %get3A_521 = vector.shape_cast %get3A_520 : vector<1x16xf32> to vector<16xf32>
          %mul3A_522 = arith.mulf %get3A_521, %gather3A_502 : vector<16xf32>
          %swap3A_523 = arith.index_cast %add3A_507 : i32 to index
          %swap3A_524 = arith.constant 16 : index
          %swap3A_525 = tpu.vector_load %arg14[%swap3A_523, %swap3A_524] {strides = array<i32>} : memref<640x32xf32, #tpu.memory_space<vmem>>, vector<1x16xf32>,
          %swap3A_526 = vector.shape_cast %swap3A_525 : vector<1x16xf32> to vector<16xf32>
          %swap3A_527 = vector.shape_cast %mul3A_522 : vector<16xf32> to vector<1x16xf32>
          tpu.vector_store %arg14[%swap3A_523, %swap3A_524], %swap3A_527 {strides = array<i32>} : memref<640x32xf32, #tpu.memory_space<vmem>>, vector<1x16xf32>,
          %broadcast_in_dim3A_528 = arith.constant 1 : i32
          %broadcast_in_dim3A_529 = vector.broadcast %broadcast_in_dim3A_528 : i32 to vector<16x1xi32>
          %gather3A_530 = vector.shape_cast %broadcast_in_dim3A_529 : vector<16x1xi32> to vector<16xi32>
          %gather3A_531 = tpu.dynamic_gather %get3A_491[%gather3A_530] in [0] : vector<16xf32>, vector<16xi32> -> vector<16xf32>
          %mul3A_532 = arith.constant 16 : i32
          %mul3A_533 = arith.muli %scan3A_485, %mul3A_532 : i32
          %add3A_534 = arith.addi %mul3A_471, %mul3A_533 : i32
          %add3A_535 = arith.constant 1 : i32
          %add3A_536 = arith.addi %add3A_534, %add3A_535 : i32
          %get3A_537 = arith.index_cast %add3A_536 : i32 to index
          %get3A_538 = arith.constant 0 : index
          %get3A_539 = tpu.vector_load %arg14[%get3A_537, %get3A_538] {strides = array<i32>} : memref<640x32xf32, #tpu.memory_space<vmem>>, vector<1x16xf32>,
          %get3A_540 = vector.shape_cast %get3A_539 : vector<1x16xf32> to vector<16xf32>
          %mul3A_541 = arith.mulf %get3A_540, %gather3A_531 : vector<16xf32>
          %swap3A_542 = arith.index_cast %add3A_536 : i32 to index
          %swap3A_543 = arith.constant 0 : index
          %swap3A_544 = tpu.vector_load %arg14[%swap3A_542, %swap3A_543] {strides = array<i32>} : memref<640x32xf32, #tpu.memory_space<vmem>>, vector<1x16xf32>,
          %swap3A_545 = vector.shape_cast %swap3A_544 : vector<1x16xf32> to vector<16xf32>
          %swap3A_546 = vector.shape_cast %mul3A_541 : vector<16xf32> to vector<1x16xf32>
          tpu.vector_store %arg14[%swap3A_542, %swap3A_543], %swap3A_546 {strides = array<i32>} : memref<640x32xf32, #tpu.memory_space<vmem>>, vector<1x16xf32>,
          %get3A_547 = arith.index_cast %add3A_536 : i32 to index
          %get3A_548 = arith.constant 16 : index
          %get3A_549 = tpu.vector_load %arg14[%get3A_547, %get3A_548] {strides = array<i32>} : memref<640x32xf32, #tpu.memory_space<vmem>>, vector<1x16xf32>,
          %get3A_550 = vector.shape_cast %get3A_549 : vector<1x16xf32> to vector<16xf32>
          %mul3A_551 = arith.mulf %get3A_550, %gather3A_531 : vector<16xf32>
          %swap3A_552 = arith.index_cast %add3A_536 : i32 to index
          %swap3A_553 = arith.constant 16 : index
          %swap3A_554 = tpu.vector_load %arg14[%swap3A_552, %swap3A_553] {strides = array<i32>} : memref<640x32xf32, #tpu.memory_space<vmem>>, vector<1x16xf32>,
          %swap3A_555 = vector.shape_cast %swap3A_554 : vector<1x16xf32> to vector<16xf32>
          %swap3A_556 = vector.shape_cast %mul3A_551 : vector<16xf32> to vector<1x16xf32>
          tpu.vector_store %arg14[%swap3A_552, %swap3A_553], %swap3A_556 {strides = array<i32>} : memref<640x32xf32, #tpu.memory_space<vmem>>, vector<1x16xf32>,
          %broadcast_in_dim3A_557 = arith.constant 2 : i32
          %broadcast_in_dim3A_558 = vector.broadcast %broadcast_in_dim3A_557 : i32 to vector<16x1xi32>
          %gather3A_559 = vector.shape_cast %broadcast_in_dim3A_558 : vector<16x1xi32> to vector<16xi32>
          %gather3A_560 = tpu.dynamic_gather %get3A_491[%gather3A_559] in [0] : vector<16xf32>, vector<16xi32> -> vector<16xf32>
          %mul3A_561 = arith.constant 16 : i32
          %mul3A_562 = arith.muli %scan3A_485, %mul3A_561 : i32
          %add3A_563 = arith.addi %mul3A_471, %mul3A_562 : i32
          %add3A_564 = arith.constant 2 : i32
          %add3A_565 = arith.addi %add3A_563, %add3A_564 : i32
          %get3A_566 = arith.index_cast %add3A_565 : i32 to index
          %get3A_567 = arith.constant 0 : index
          %get3A_568 = tpu.vector_load %arg14[%get3A_566, %get3A_567] {strides = array<i32>} : memref<640x32xf32, #tpu.memory_space<vmem>>, vector<1x16xf32>,
          %get3A_569 = vector.shape_cast %get3A_568 : vector<1x16xf32> to vector<16xf32>
          %mul3A_570 = arith.mulf %get3A_569, %gather3A_560 : vector<16xf32>
          %swap3A_571 = arith.index_cast %add3A_565 : i32 to index
          %swap3A_572 = arith.constant 0 : index
          %swap3A_573 = tpu.vector_load %arg14[%swap3A_571, %swap3A_572] {strides = array<i32>} : memref<640x32xf32, #tpu.memory_space<vmem>>, vector<1x16xf32>,
          %swap3A_574 = vector.shape_cast %swap3A_573 : vector<1x16xf32> to vector<16xf32>
          %swap3A_575 = vector.shape_cast %mul3A_570 : vector<16xf32> to vector<1x16xf32>
          tpu.vector_store %arg14[%swap3A_571, %swap3A_572], %swap3A_575 {strides = array<i32>} : memref<640x32xf32, #tpu.memory_space<vmem>>, vector<1x16xf32>,
          %get3A_576 = arith.index_cast %add3A_565 : i32 to index
          %get3A_577 = arith.constant 16 : index
          %get3A_578 = tpu.vector_load %arg14[%get3A_576, %get3A_577] {strides = array<i32>} : memref<640x32xf32, #tpu.memory_space<vmem>>, vector<1x16xf32>,
          %get3A_579 = vector.shape_cast %get3A_578 : vector<1x16xf32> to vector<16xf32>
          %mul3A_580 = arith.mulf %get3A_579, %gather3A_560 : vector<16xf32>
          %swap3A_581 = arith.index_cast %add3A_565 : i32 to index
          %swap3A_582 = arith.constant 16 : index
          %swap3A_583 = tpu.vector_load %arg14[%swap3A_581, %swap3A_582] {strides = array<i32>} : memref<640x32xf32, #tpu.memory_space<vmem>>, vector<1x16xf32>,
          %swap3A_584 = vector.shape_cast %swap3A_583 : vector<1x16xf32> to vector<16xf32>
          %swap3A_585 = vector.shape_cast %mul3A_580 : vector<16xf32> to vector<1x16xf32>
          tpu.vector_store %arg14[%swap3A_581, %swap3A_582], %swap3A_585 {strides = array<i32>} : memref<640x32xf32, #tpu.memory_space<vmem>>, vector<1x16xf32>,
          %broadcast_in_dim3A_586 = arith.constant 3 : i32
          %broadcast_in_dim3A_587 = vector.broadcast %broadcast_in_dim3A_586 : i32 to vector<16x1xi32>
          %gather3A_588 = vector.shape_cast %broadcast_in_dim3A_587 : vector<16x1xi32> to vector<16xi32>
          %gather3A_589 = tpu.dynamic_gather %get3A_491[%gather3A_588] in [0] : vector<16xf32>, vector<16xi32> -> vector<16xf32>
          %mul3A_590 = arith.constant 16 : i32
          %mul3A_591 = arith.muli %scan3A_485, %mul3A_590 : i32
          %add3A_592 = arith.addi %mul3A_471, %mul3A_591 : i32
          %add3A_593 = arith.constant 3 : i32
          %add3A_594 = arith.addi %add3A_592, %add3A_593 : i32
          %get3A_595 = arith.index_cast %add3A_594 : i32 to index
          %get3A_596 = arith.constant 0 : index
          %get3A_597 = tpu.vector_load %arg14[%get3A_595, %get3A_596] {strides = array<i32>} : memref<640x32xf32, #tpu.memory_space<vmem>>, vector<1x16xf32>,
          %get3A_598 = vector.shape_cast %get3A_597 : vector<1x16xf32> to vector<16xf32>
          %mul3A_599 = arith.mulf %get3A_598, %gather3A_589 : vector<16xf32>
          %swap3A_600 = arith.index_cast %add3A_594 : i32 to index
          %swap3A_601 = arith.constant 0 : index
          %swap3A_602 = tpu.vector_load %arg14[%swap3A_600, %swap3A_601] {strides = array<i32>} : memref<640x32xf32, #tpu.memory_space<vmem>>, vector<1x16xf32>,
          %swap3A_603 = vector.shape_cast %swap3A_602 : vector<1x16xf32> to vector<16xf32>
          %swap3A_604 = vector.shape_cast %mul3A_599 : vector<16xf32> to vector<1x16xf32>
          tpu.vector_store %arg14[%swap3A_600, %swap3A_601], %swap3A_604 {strides = array<i32>} : memref<640x32xf32, #tpu.memory_space<vmem>>, vector<1x16xf32>,
          %get3A_605 = arith.index_cast %add3A_594 : i32 to index
          %get3A_606 = arith.constant 16 : index
          %get3A_607 = tpu.vector_load %arg14[%get3A_605, %get3A_606] {strides = array<i32>} : memref<640x32xf32, #tpu.memory_space<vmem>>, vector<1x16xf32>,
          %get3A_608 = vector.shape_cast %get3A_607 : vector<1x16xf32> to vector<16xf32>
          %mul3A_609 = arith.mulf %get3A_608, %gather3A_589 : vector<16xf32>
          %swap3A_610 = arith.index_cast %add3A_594 : i32 to index
          %swap3A_611 = arith.constant 16 : index
          %swap3A_612 = tpu.vector_load %arg14[%swap3A_610, %swap3A_611] {strides = array<i32>} : memref<640x32xf32, #tpu.memory_space<vmem>>, vector<1x16xf32>,
          %swap3A_613 = vector.shape_cast %swap3A_612 : vector<1x16xf32> to vector<16xf32>
          %swap3A_614 = vector.shape_cast %mul3A_609 : vector<16xf32> to vector<1x16xf32>
          tpu.vector_store %arg14[%swap3A_610, %swap3A_611], %swap3A_614 {strides = array<i32>} : memref<640x32xf32, #tpu.memory_space<vmem>>, vector<1x16xf32>,
          %broadcast_in_dim3A_615 = arith.constant 4 : i32
          %broadcast_in_dim3A_616 = vector.broadcast %broadcast_in_dim3A_615 : i32 to vector<16x1xi32>
          %gather3A_617 = vector.shape_cast %broadcast_in_dim3A_616 : vector<16x1xi32> to vector<16xi32>
          %gather3A_618 = tpu.dynamic_gather %get3A_491[%gather3A_617] in [0] : vector<16xf32>, vector<16xi32> -> vector<16xf32>
          %mul3A_619 = arith.constant 16 : i32
          %mul3A_620 = arith.muli %scan3A_485, %mul3A_619 : i32
          %add3A_621 = arith.addi %mul3A_471, %mul3A_620 : i32
          %add3A_622 = arith.constant 4 : i32
          %add3A_623 = arith.addi %add3A_621, %add3A_622 : i32
          %get3A_624 = arith.index_cast %add3A_623 : i32 to index
          %get3A_625 = arith.constant 0 : index
          %get3A_626 = tpu.vector_load %arg14[%get3A_624, %get3A_625] {strides = array<i32>} : memref<640x32xf32, #tpu.memory_space<vmem>>, vector<1x16xf32>,
          %get3A_627 = vector.shape_cast %get3A_626 : vector<1x16xf32> to vector<16xf32>
          %mul3A_628 = arith.mulf %get3A_627, %gather3A_618 : vector<16xf32>
          %swap3A_629 = arith.index_cast %add3A_623 : i32 to index
          %swap3A_630 = arith.constant 0 : index
          %swap3A_631 = tpu.vector_load %arg14[%swap3A_629, %swap3A_630] {strides = array<i32>} : memref<640x32xf32, #tpu.memory_space<vmem>>, vector<1x16xf32>,
          %swap3A_632 = vector.shape_cast %swap3A_631 : vector<1x16xf32> to vector<16xf32>
          %swap3A_633 = vector.shape_cast %mul3A_628 : vector<16xf32> to vector<1x16xf32>
          tpu.vector_store %arg14[%swap3A_629, %swap3A_630], %swap3A_633 {strides = array<i32>} : memref<640x32xf32, #tpu.memory_space<vmem>>, vector<1x16xf32>,
          %get3A_634 = arith.index_cast %add3A_623 : i32 to index
          %get3A_635 = arith.constant 16 : index
          %get3A_636 = tpu.vector_load %arg14[%get3A_634, %get3A_635] {strides = array<i32>} : memref<640x32xf32, #tpu.memory_space<vmem>>, vector<1x16xf32>,
          %get3A_637 = vector.shape_cast %get3A_636 : vector<1x16xf32> to vector<16xf32>
          %mul3A_638 = arith.mulf %get3A_637, %gather3A_618 : vector<16xf32>
          %swap3A_639 = arith.index_cast %add3A_623 : i32 to index
          %swap3A_640 = arith.constant 16 : index
          %swap3A_641 = tpu.vector_load %arg14[%swap3A_639, %swap3A_640] {strides = array<i32>} : memref<640x32xf32, #tpu.memory_space<vmem>>, vector<1x16xf32>,
          %swap3A_642 = vector.shape_cast %swap3A_641 : vector<1x16xf32> to vector<16xf32>
          %swap3A_643 = vector.shape_cast %mul3A_638 : vector<16xf32> to vector<1x16xf32>
          tpu.vector_store %arg14[%swap3A_639, %swap3A_640], %swap3A_643 {strides = array<i32>} : memref<640x32xf32, #tpu.memory_space<vmem>>, vector<1x16xf32>,
          %broadcast_in_dim3A_644 = arith.constant 5 : i32
          %broadcast_in_dim3A_645 = vector.broadcast %broadcast_in_dim3A_644 : i32 to vector<16x1xi32>
          %gather3A_646 = vector.shape_cast %broadcast_in_dim3A_645 : vector<16x1xi32> to vector<16xi32>
          %gather3A_647 = tpu.dynamic_gather %get3A_491[%gather3A_646] in [0] : vector<16xf32>, vector<16xi32> -> vector<16xf32>
          %mul3A_648 = arith.constant 16 : i32
          %mul3A_649 = arith.muli %scan3A_485, %mul3A_648 : i32
          %add3A_650 = arith.addi %mul3A_471, %mul3A_649 : i32
          %add3A_651 = arith.constant 5 : i32
          %add3A_652 = arith.addi %add3A_650, %add3A_651 : i32
          %get3A_653 = arith.index_cast %add3A_652 : i32 to index
          %get3A_654 = arith.constant 0 : index
          %get3A_655 = tpu.vector_load %arg14[%get3A_653, %get3A_654] {strides = array<i32>} : memref<640x32xf32, #tpu.memory_space<vmem>>, vector<1x16xf32>,
          %get3A_656 = vector.shape_cast %get3A_655 : vector<1x16xf32> to vector<16xf32>
          %mul3A_657 = arith.mulf %get3A_656, %gather3A_647 : vector<16xf32>
          %swap3A_658 = arith.index_cast %add3A_652 : i32 to index
          %swap3A_659 = arith.constant 0 : index
          %swap3A_660 = tpu.vector_load %arg14[%swap3A_658, %swap3A_659] {strides = array<i32>} : memref<640x32xf32, #tpu.memory_space<vmem>>, vector<1x16xf32>,
          %swap3A_661 = vector.shape_cast %swap3A_660 : vector<1x16xf32> to vector<16xf32>
          %swap3A_662 = vector.shape_cast %mul3A_657 : vector<16xf32> to vector<1x16xf32>
          tpu.vector_store %arg14[%swap3A_658, %swap3A_659], %swap3A_662 {strides = array<i32>} : memref<640x32xf32, #tpu.memory_space<vmem>>, vector<1x16xf32>,
          %get3A_663 = arith.index_cast %add3A_652 : i32 to index
          %get3A_664 = arith.constant 16 : index
          %get3A_665 = tpu.vector_load %arg14[%get3A_663, %get3A_664] {strides = array<i32>} : memref<640x32xf32, #tpu.memory_space<vmem>>, vector<1x16xf32>,
          %get3A_666 = vector.shape_cast %get3A_665 : vector<1x16xf32> to vector<16xf32>
          %mul3A_667 = arith.mulf %get3A_666, %gather3A_647 : vector<16xf32>
          %swap3A_668 = arith.index_cast %add3A_652 : i32 to index
          %swap3A_669 = arith.constant 16 : index
          %swap3A_670 = tpu.vector_load %arg14[%swap3A_668, %swap3A_669] {strides = array<i32>} : memref<640x32xf32, #tpu.memory_space<vmem>>, vector<1x16xf32>,
          %swap3A_671 = vector.shape_cast %swap3A_670 : vector<1x16xf32> to vector<16xf32>
          %swap3A_672 = vector.shape_cast %mul3A_667 : vector<16xf32> to vector<1x16xf32>
          tpu.vector_store %arg14[%swap3A_668, %swap3A_669], %swap3A_672 {strides = array<i32>} : memref<640x32xf32, #tpu.memory_space<vmem>>, vector<1x16xf32>,
          %broadcast_in_dim3A_673 = arith.constant 6 : i32
          %broadcast_in_dim3A_674 = vector.broadcast %broadcast_in_dim3A_673 : i32 to vector<16x1xi32>
          %gather3A_675 = vector.shape_cast %broadcast_in_dim3A_674 : vector<16x1xi32> to vector<16xi32>
          %gather3A_676 = tpu.dynamic_gather %get3A_491[%gather3A_675] in [0] : vector<16xf32>, vector<16xi32> -> vector<16xf32>
          %mul3A_677 = arith.constant 16 : i32
          %mul3A_678 = arith.muli %scan3A_485, %mul3A_677 : i32
          %add3A_679 = arith.addi %mul3A_471, %mul3A_678 : i32
          %add3A_680 = arith.constant 6 : i32
          %add3A_681 = arith.addi %add3A_679, %add3A_680 : i32
          %get3A_682 = arith.index_cast %add3A_681 : i32 to index
          %get3A_683 = arith.constant 0 : index
          %get3A_684 = tpu.vector_load %arg14[%get3A_682, %get3A_683] {strides = array<i32>} : memref<640x32xf32, #tpu.memory_space<vmem>>, vector<1x16xf32>,
          %get3A_685 = vector.shape_cast %get3A_684 : vector<1x16xf32> to vector<16xf32>
          %mul3A_686 = arith.mulf %get3A_685, %gather3A_676 : vector<16xf32>
          %swap3A_687 = arith.index_cast %add3A_681 : i32 to index
          %swap3A_688 = arith.constant 0 : index
          %swap3A_689 = tpu.vector_load %arg14[%swap3A_687, %swap3A_688] {strides = array<i32>} : memref<640x32xf32, #tpu.memory_space<vmem>>, vector<1x16xf32>,
          %swap3A_690 = vector.shape_cast %swap3A_689 : vector<1x16xf32> to vector<16xf32>
          %swap3A_691 = vector.shape_cast %mul3A_686 : vector<16xf32> to vector<1x16xf32>
          tpu.vector_store %arg14[%swap3A_687, %swap3A_688], %swap3A_691 {strides = array<i32>} : memref<640x32xf32, #tpu.memory_space<vmem>>, vector<1x16xf32>,
          %get3A_692 = arith.index_cast %add3A_681 : i32 to index
          %get3A_693 = arith.constant 16 : index
          %get3A_694 = tpu.vector_load %arg14[%get3A_692, %get3A_693] {strides = array<i32>} : memref<640x32xf32, #tpu.memory_space<vmem>>, vector<1x16xf32>,
          %get3A_695 = vector.shape_cast %get3A_694 : vector<1x16xf32> to vector<16xf32>
          %mul3A_696 = arith.mulf %get3A_695, %gather3A_676 : vector<16xf32>
          %swap3A_697 = arith.index_cast %add3A_681 : i32 to index
          %swap3A_698 = arith.constant 16 : index
          %swap3A_699 = tpu.vector_load %arg14[%swap3A_697, %swap3A_698] {strides = array<i32>} : memref<640x32xf32, #tpu.memory_space<vmem>>, vector<1x16xf32>,
          %swap3A_700 = vector.shape_cast %swap3A_699 : vector<1x16xf32> to vector<16xf32>
          %swap3A_701 = vector.shape_cast %mul3A_696 : vector<16xf32> to vector<1x16xf32>
          tpu.vector_store %arg14[%swap3A_697, %swap3A_698], %swap3A_701 {strides = array<i32>} : memref<640x32xf32, #tpu.memory_space<vmem>>, vector<1x16xf32>,
          %broadcast_in_dim3A_702 = arith.constant 7 : i32
          %broadcast_in_dim3A_703 = vector.broadcast %broadcast_in_dim3A_702 : i32 to vector<16x1xi32>
          %gather3A_704 = vector.shape_cast %broadcast_in_dim3A_703 : vector<16x1xi32> to vector<16xi32>
          %gather3A_705 = tpu.dynamic_gather %get3A_491[%gather3A_704] in [0] : vector<16xf32>, vector<16xi32> -> vector<16xf32>
          %mul3A_706 = arith.constant 16 : i32
          %mul3A_707 = arith.muli %scan3A_485, %mul3A_706 : i32
          %add3A_708 = arith.addi %mul3A_471, %mul3A_707 : i32
          %add3A_709 = arith.constant 7 : i32
          %add3A_710 = arith.addi %add3A_708, %add3A_709 : i32
          %get3A_711 = arith.index_cast %add3A_710 : i32 to index
          %get3A_712 = arith.constant 0 : index
          %get3A_713 = tpu.vector_load %arg14[%get3A_711, %get3A_712] {strides = array<i32>} : memref<640x32xf32, #tpu.memory_space<vmem>>, vector<1x16xf32>,
          %get3A_714 = vector.shape_cast %get3A_713 : vector<1x16xf32> to vector<16xf32>
          %mul3A_715 = arith.mulf %get3A_714, %gather3A_705 : vector<16xf32>
          %swap3A_716 = arith.index_cast %add3A_710 : i32 to index
          %swap3A_717 = arith.constant 0 : index
          %swap3A_718 = tpu.vector_load %arg14[%swap3A_716, %swap3A_717] {strides = array<i32>} : memref<640x32xf32, #tpu.memory_space<vmem>>, vector<1x16xf32>,
          %swap3A_719 = vector.shape_cast %swap3A_718 : vector<1x16xf32> to vector<16xf32>
          %swap3A_720 = vector.shape_cast %mul3A_715 : vector<16xf32> to vector<1x16xf32>
          tpu.vector_store %arg14[%swap3A_716, %swap3A_717], %swap3A_720 {strides = array<i32>} : memref<640x32xf32, #tpu.memory_space<vmem>>, vector<1x16xf32>,
          %get3A_721 = arith.index_cast %add3A_710 : i32 to index
          %get3A_722 = arith.constant 16 : index
          %get3A_723 = tpu.vector_load %arg14[%get3A_721, %get3A_722] {strides = array<i32>} : memref<640x32xf32, #tpu.memory_space<vmem>>, vector<1x16xf32>,
          %get3A_724 = vector.shape_cast %get3A_723 : vector<1x16xf32> to vector<16xf32>
          %mul3A_725 = arith.mulf %get3A_724, %gather3A_705 : vector<16xf32>
          %swap3A_726 = arith.index_cast %add3A_710 : i32 to index
          %swap3A_727 = arith.constant 16 : index
          %swap3A_728 = tpu.vector_load %arg14[%swap3A_726, %swap3A_727] {strides = array<i32>} : memref<640x32xf32, #tpu.memory_space<vmem>>, vector<1x16xf32>,
          %swap3A_729 = vector.shape_cast %swap3A_728 : vector<1x16xf32> to vector<16xf32>
          %swap3A_730 = vector.shape_cast %mul3A_725 : vector<16xf32> to vector<1x16xf32>
          tpu.vector_store %arg14[%swap3A_726, %swap3A_727], %swap3A_730 {strides = array<i32>} : memref<640x32xf32, #tpu.memory_space<vmem>>, vector<1x16xf32>,
          %broadcast_in_dim3A_731 = arith.constant 8 : i32
          %broadcast_in_dim3A_732 = vector.broadcast %broadcast_in_dim3A_731 : i32 to vector<16x1xi32>
          %gather3A_733 = vector.shape_cast %broadcast_in_dim3A_732 : vector<16x1xi32> to vector<16xi32>
          %gather3A_734 = tpu.dynamic_gather %get3A_491[%gather3A_733] in [0] : vector<16xf32>, vector<16xi32> -> vector<16xf32>
          %mul3A_735 = arith.constant 16 : i32
          %mul3A_736 = arith.muli %scan3A_485, %mul3A_735 : i32
          %add3A_737 = arith.addi %mul3A_471, %mul3A_736 : i32
          %add3A_738 = arith.constant 8 : i32
          %add3A_739 = arith.addi %add3A_737, %add3A_738 : i32
          %get3A_740 = arith.index_cast %add3A_739 : i32 to index
          %get3A_741 = arith.constant 0 : index
          %get3A_742 = tpu.vector_load %arg14[%get3A_740, %get3A_741] {strides = array<i32>} : memref<640x32xf32, #tpu.memory_space<vmem>>, vector<1x16xf32>,
          %get3A_743 = vector.shape_cast %get3A_742 : vector<1x16xf32> to vector<16xf32>
          %mul3A_744 = arith.mulf %get3A_743, %gather3A_734 : vector<16xf32>
          %swap3A_745 = arith.index_cast %add3A_739 : i32 to index
          %swap3A_746 = arith.constant 0 : index
          %swap3A_747 = tpu.vector_load %arg14[%swap3A_745, %swap3A_746] {strides = array<i32>} : memref<640x32xf32, #tpu.memory_space<vmem>>, vector<1x16xf32>,
          %swap3A_748 = vector.shape_cast %swap3A_747 : vector<1x16xf32> to vector<16xf32>
          %swap3A_749 = vector.shape_cast %mul3A_744 : vector<16xf32> to vector<1x16xf32>
          tpu.vector_store %arg14[%swap3A_745, %swap3A_746], %swap3A_749 {strides = array<i32>} : memref<640x32xf32, #tpu.memory_space<vmem>>, vector<1x16xf32>,
          %get3A_750 = arith.index_cast %add3A_739 : i32 to index
          %get3A_751 = arith.constant 16 : index
          %get3A_752 = tpu.vector_load %arg14[%get3A_750, %get3A_751] {strides = array<i32>} : memref<640x32xf32, #tpu.memory_space<vmem>>, vector<1x16xf32>,
          %get3A_753 = vector.shape_cast %get3A_752 : vector<1x16xf32> to vector<16xf32>
          %mul3A_754 = arith.mulf %get3A_753, %gather3A_734 : vector<16xf32>
          %swap3A_755 = arith.index_cast %add3A_739 : i32 to index
          %swap3A_756 = arith.constant 16 : index
          %swap3A_757 = tpu.vector_load %arg14[%swap3A_755, %swap3A_756] {strides = array<i32>} : memref<640x32xf32, #tpu.memory_space<vmem>>, vector<1x16xf32>,
          %swap3A_758 = vector.shape_cast %swap3A_757 : vector<1x16xf32> to vector<16xf32>
          %swap3A_759 = vector.shape_cast %mul3A_754 : vector<16xf32> to vector<1x16xf32>
          tpu.vector_store %arg14[%swap3A_755, %swap3A_756], %swap3A_759 {strides = array<i32>} : memref<640x32xf32, #tpu.memory_space<vmem>>, vector<1x16xf32>,
          %broadcast_in_dim3A_760 = arith.constant 9 : i32
          %broadcast_in_dim3A_761 = vector.broadcast %broadcast_in_dim3A_760 : i32 to vector<16x1xi32>
          %gather3A_762 = vector.shape_cast %broadcast_in_dim3A_761 : vector<16x1xi32> to vector<16xi32>
          %gather3A_763 = tpu.dynamic_gather %get3A_491[%gather3A_762] in [0] : vector<16xf32>, vector<16xi32> -> vector<16xf32>
          %mul3A_764 = arith.constant 16 : i32
          %mul3A_765 = arith.muli %scan3A_485, %mul3A_764 : i32
          %add3A_766 = arith.addi %mul3A_471, %mul3A_765 : i32
          %add3A_767 = arith.constant 9 : i32
          %add3A_768 = arith.addi %add3A_766, %add3A_767 : i32
          %get3A_769 = arith.index_cast %add3A_768 : i32 to index
          %get3A_770 = arith.constant 0 : index
          %get3A_771 = tpu.vector_load %arg14[%get3A_769, %get3A_770] {strides = array<i32>} : memref<640x32xf32, #tpu.memory_space<vmem>>, vector<1x16xf32>,
          %get3A_772 = vector.shape_cast %get3A_771 : vector<1x16xf32> to vector<16xf32>
          %mul3A_773 = arith.mulf %get3A_772, %gather3A_763 : vector<16xf32>
          %swap3A_774 = arith.index_cast %add3A_768 : i32 to index
          %swap3A_775 = arith.constant 0 : index
          %swap3A_776 = tpu.vector_load %arg14[%swap3A_774, %swap3A_775] {strides = array<i32>} : memref<640x32xf32, #tpu.memory_space<vmem>>, vector<1x16xf32>,
          %swap3A_777 = vector.shape_cast %swap3A_776 : vector<1x16xf32> to vector<16xf32>
          %swap3A_778 = vector.shape_cast %mul3A_773 : vector<16xf32> to vector<1x16xf32>
          tpu.vector_store %arg14[%swap3A_774, %swap3A_775], %swap3A_778 {strides = array<i32>} : memref<640x32xf32, #tpu.memory_space<vmem>>, vector<1x16xf32>,
          %get3A_779 = arith.index_cast %add3A_768 : i32 to index
          %get3A_780 = arith.constant 16 : index
          %get3A_781 = tpu.vector_load %arg14[%get3A_779, %get3A_780] {strides = array<i32>} : memref<640x32xf32, #tpu.memory_space<vmem>>, vector<1x16xf32>,
          %get3A_782 = vector.shape_cast %get3A_781 : vector<1x16xf32> to vector<16xf32>
          %mul3A_783 = arith.mulf %get3A_782, %gather3A_763 : vector<16xf32>
          %swap3A_784 = arith.index_cast %add3A_768 : i32 to index
          %swap3A_785 = arith.constant 16 : index
          %swap3A_786 = tpu.vector_load %arg14[%swap3A_784, %swap3A_785] {strides = array<i32>} : memref<640x32xf32, #tpu.memory_space<vmem>>, vector<1x16xf32>,
          %swap3A_787 = vector.shape_cast %swap3A_786 : vector<1x16xf32> to vector<16xf32>
          %swap3A_788 = vector.shape_cast %mul3A_783 : vector<16xf32> to vector<1x16xf32>
          tpu.vector_store %arg14[%swap3A_784, %swap3A_785], %swap3A_788 {strides = array<i32>} : memref<640x32xf32, #tpu.memory_space<vmem>>, vector<1x16xf32>,
          %broadcast_in_dim3A_789 = arith.constant 10 : i32
          %broadcast_in_dim3A_790 = vector.broadcast %broadcast_in_dim3A_789 : i32 to vector<16x1xi32>
          %gather3A_791 = vector.shape_cast %broadcast_in_dim3A_790 : vector<16x1xi32> to vector<16xi32>
          %gather3A_792 = tpu.dynamic_gather %get3A_491[%gather3A_791] in [0] : vector<16xf32>, vector<16xi32> -> vector<16xf32>
          %mul3A_793 = arith.constant 16 : i32
          %mul3A_794 = arith.muli %scan3A_485, %mul3A_793 : i32
          %add3A_795 = arith.addi %mul3A_471, %mul3A_794 : i32
          %add3A_796 = arith.constant 10 : i32
          %add3A_797 = arith.addi %add3A_795, %add3A_796 : i32
          %get3A_798 = arith.index_cast %add3A_797 : i32 to index
          %get3A_799 = arith.constant 0 : index
          %get3A_800 = tpu.vector_load %arg14[%get3A_798, %get3A_799] {strides = array<i32>} : memref<640x32xf32, #tpu.memory_space<vmem>>, vector<1x16xf32>,
          %get3A_801 = vector.shape_cast %get3A_800 : vector<1x16xf32> to vector<16xf32>
          %mul3A_802 = arith.mulf %get3A_801, %gather3A_792 : vector<16xf32>
          %swap3A_803 = arith.index_cast %add3A_797 : i32 to index
          %swap3A_804 = arith.constant 0 : index
          %swap3A_805 = tpu.vector_load %arg14[%swap3A_803, %swap3A_804] {strides = array<i32>} : memref<640x32xf32, #tpu.memory_space<vmem>>, vector<1x16xf32>,
          %swap3A_806 = vector.shape_cast %swap3A_805 : vector<1x16xf32> to vector<16xf32>
          %swap3A_807 = vector.shape_cast %mul3A_802 : vector<16xf32> to vector<1x16xf32>
          tpu.vector_store %arg14[%swap3A_803, %swap3A_804], %swap3A_807 {strides = array<i32>} : memref<640x32xf32, #tpu.memory_space<vmem>>, vector<1x16xf32>,
          %get3A_808 = arith.index_cast %add3A_797 : i32 to index
          %get3A_809 = arith.constant 16 : index
          %get3A_810 = tpu.vector_load %arg14[%get3A_808, %get3A_809] {strides = array<i32>} : memref<640x32xf32, #tpu.memory_space<vmem>>, vector<1x16xf32>,
          %get3A_811 = vector.shape_cast %get3A_810 : vector<1x16xf32> to vector<16xf32>
          %mul3A_812 = arith.mulf %get3A_811, %gather3A_792 : vector<16xf32>
          %swap3A_813 = arith.index_cast %add3A_797 : i32 to index
          %swap3A_814 = arith.constant 16 : index
          %swap3A_815 = tpu.vector_load %arg14[%swap3A_813, %swap3A_814] {strides = array<i32>} : memref<640x32xf32, #tpu.memory_space<vmem>>, vector<1x16xf32>,
          %swap3A_816 = vector.shape_cast %swap3A_815 : vector<1x16xf32> to vector<16xf32>
          %swap3A_817 = vector.shape_cast %mul3A_812 : vector<16xf32> to vector<1x16xf32>
          tpu.vector_store %arg14[%swap3A_813, %swap3A_814], %swap3A_817 {strides = array<i32>} : memref<640x32xf32, #tpu.memory_space<vmem>>, vector<1x16xf32>,
          %broadcast_in_dim3A_818 = arith.constant 11 : i32
          %broadcast_in_dim3A_819 = vector.broadcast %broadcast_in_dim3A_818 : i32 to vector<16x1xi32>
          %gather3A_820 = vector.shape_cast %broadcast_in_dim3A_819 : vector<16x1xi32> to vector<16xi32>
          %gather3A_821 = tpu.dynamic_gather %get3A_491[%gather3A_820] in [0] : vector<16xf32>, vector<16xi32> -> vector<16xf32>
          %mul3A_822 = arith.constant 16 : i32
          %mul3A_823 = arith.muli %scan3A_485, %mul3A_822 : i32
          %add3A_824 = arith.addi %mul3A_471, %mul3A_823 : i32
          %add3A_825 = arith.constant 11 : i32
          %add3A_826 = arith.addi %add3A_824, %add3A_825 : i32
          %get3A_827 = arith.index_cast %add3A_826 : i32 to index
          %get3A_828 = arith.constant 0 : index
          %get3A_829 = tpu.vector_load %arg14[%get3A_827, %get3A_828] {strides = array<i32>} : memref<640x32xf32, #tpu.memory_space<vmem>>, vector<1x16xf32>,
          %get3A_830 = vector.shape_cast %get3A_829 : vector<1x16xf32> to vector<16xf32>
          %mul3A_831 = arith.mulf %get3A_830, %gather3A_821 : vector<16xf32>
          %swap3A_832 = arith.index_cast %add3A_826 : i32 to index
          %swap3A_833 = arith.constant 0 : index
          %swap3A_834 = tpu.vector_load %arg14[%swap3A_832, %swap3A_833] {strides = array<i32>} : memref<640x32xf32, #tpu.memory_space<vmem>>, vector<1x16xf32>,
          %swap3A_835 = vector.shape_cast %swap3A_834 : vector<1x16xf32> to vector<16xf32>
          %swap3A_836 = vector.shape_cast %mul3A_831 : vector<16xf32> to vector<1x16xf32>
          tpu.vector_store %arg14[%swap3A_832, %swap3A_833], %swap3A_836 {strides = array<i32>} : memref<640x32xf32, #tpu.memory_space<vmem>>, vector<1x16xf32>,
          %get3A_837 = arith.index_cast %add3A_826 : i32 to index
          %get3A_838 = arith.constant 16 : index
          %get3A_839 = tpu.vector_load %arg14[%get3A_837, %get3A_838] {strides = array<i32>} : memref<640x32xf32, #tpu.memory_space<vmem>>, vector<1x16xf32>,
          %get3A_840 = vector.shape_cast %get3A_839 : vector<1x16xf32> to vector<16xf32>
          %mul3A_841 = arith.mulf %get3A_840, %gather3A_821 : vector<16xf32>
          %swap3A_842 = arith.index_cast %add3A_826 : i32 to index
          %swap3A_843 = arith.constant 16 : index
          %swap3A_844 = tpu.vector_load %arg14[%swap3A_842, %swap3A_843] {strides = array<i32>} : memref<640x32xf32, #tpu.memory_space<vmem>>, vector<1x16xf32>,
          %swap3A_845 = vector.shape_cast %swap3A_844 : vector<1x16xf32> to vector<16xf32>
          %swap3A_846 = vector.shape_cast %mul3A_841 : vector<16xf32> to vector<1x16xf32>
          tpu.vector_store %arg14[%swap3A_842, %swap3A_843], %swap3A_846 {strides = array<i32>} : memref<640x32xf32, #tpu.memory_space<vmem>>, vector<1x16xf32>,
          %broadcast_in_dim3A_847 = arith.constant 12 : i32
          %broadcast_in_dim3A_848 = vector.broadcast %broadcast_in_dim3A_847 : i32 to vector<16x1xi32>
          %gather3A_849 = vector.shape_cast %broadcast_in_dim3A_848 : vector<16x1xi32> to vector<16xi32>
          %gather3A_850 = tpu.dynamic_gather %get3A_491[%gather3A_849] in [0] : vector<16xf32>, vector<16xi32> -> vector<16xf32>
          %mul3A_851 = arith.constant 16 : i32
          %mul3A_852 = arith.muli %scan3A_485, %mul3A_851 : i32
          %add3A_853 = arith.addi %mul3A_471, %mul3A_852 : i32
          %add3A_854 = arith.constant 12 : i32
          %add3A_855 = arith.addi %add3A_853, %add3A_854 : i32
          %get3A_856 = arith.index_cast %add3A_855 : i32 to index
          %get3A_857 = arith.constant 0 : index
          %get3A_858 = tpu.vector_load %arg14[%get3A_856, %get3A_857] {strides = array<i32>} : memref<640x32xf32, #tpu.memory_space<vmem>>, vector<1x16xf32>,
          %get3A_859 = vector.shape_cast %get3A_858 : vector<1x16xf32> to vector<16xf32>
          %mul3A_860 = arith.mulf %get3A_859, %gather3A_850 : vector<16xf32>
          %swap3A_861 = arith.index_cast %add3A_855 : i32 to index
          %swap3A_862 = arith.constant 0 : index
          %swap3A_863 = tpu.vector_load %arg14[%swap3A_861, %swap3A_862] {strides = array<i32>} : memref<640x32xf32, #tpu.memory_space<vmem>>, vector<1x16xf32>,
          %swap3A_864 = vector.shape_cast %swap3A_863 : vector<1x16xf32> to vector<16xf32>
          %swap3A_865 = vector.shape_cast %mul3A_860 : vector<16xf32> to vector<1x16xf32>
          tpu.vector_store %arg14[%swap3A_861, %swap3A_862], %swap3A_865 {strides = array<i32>} : memref<640x32xf32, #tpu.memory_space<vmem>>, vector<1x16xf32>,
          %get3A_866 = arith.index_cast %add3A_855 : i32 to index
          %get3A_867 = arith.constant 16 : index
          %get3A_868 = tpu.vector_load %arg14[%get3A_866, %get3A_867] {strides = array<i32>} : memref<640x32xf32, #tpu.memory_space<vmem>>, vector<1x16xf32>,
          %get3A_869 = vector.shape_cast %get3A_868 : vector<1x16xf32> to vector<16xf32>
          %mul3A_870 = arith.mulf %get3A_869, %gather3A_850 : vector<16xf32>
          %swap3A_871 = arith.index_cast %add3A_855 : i32 to index
          %swap3A_872 = arith.constant 16 : index
          %swap3A_873 = tpu.vector_load %arg14[%swap3A_871, %swap3A_872] {strides = array<i32>} : memref<640x32xf32, #tpu.memory_space<vmem>>, vector<1x16xf32>,
          %swap3A_874 = vector.shape_cast %swap3A_873 : vector<1x16xf32> to vector<16xf32>
          %swap3A_875 = vector.shape_cast %mul3A_870 : vector<16xf32> to vector<1x16xf32>
          tpu.vector_store %arg14[%swap3A_871, %swap3A_872], %swap3A_875 {strides = array<i32>} : memref<640x32xf32, #tpu.memory_space<vmem>>, vector<1x16xf32>,
          %broadcast_in_dim3A_876 = arith.constant 13 : i32
          %broadcast_in_dim3A_877 = vector.broadcast %broadcast_in_dim3A_876 : i32 to vector<16x1xi32>
          %gather3A_878 = vector.shape_cast %broadcast_in_dim3A_877 : vector<16x1xi32> to vector<16xi32>
          %gather3A_879 = tpu.dynamic_gather %get3A_491[%gather3A_878] in [0] : vector<16xf32>, vector<16xi32> -> vector<16xf32>
          %mul3A_880 = arith.constant 16 : i32
          %mul3A_881 = arith.muli %scan3A_485, %mul3A_880 : i32
          %add3A_882 = arith.addi %mul3A_471, %mul3A_881 : i32
          %add3A_883 = arith.constant 13 : i32
          %add3A_884 = arith.addi %add3A_882, %add3A_883 : i32
          %get3A_885 = arith.index_cast %add3A_884 : i32 to index
          %get3A_886 = arith.constant 0 : index
          %get3A_887 = tpu.vector_load %arg14[%get3A_885, %get3A_886] {strides = array<i32>} : memref<640x32xf32, #tpu.memory_space<vmem>>, vector<1x16xf32>,
          %get3A_888 = vector.shape_cast %get3A_887 : vector<1x16xf32> to vector<16xf32>
          %mul3A_889 = arith.mulf %get3A_888, %gather3A_879 : vector<16xf32>
          %swap3A_890 = arith.index_cast %add3A_884 : i32 to index
          %swap3A_891 = arith.constant 0 : index
          %swap3A_892 = tpu.vector_load %arg14[%swap3A_890, %swap3A_891] {strides = array<i32>} : memref<640x32xf32, #tpu.memory_space<vmem>>, vector<1x16xf32>,
          %swap3A_893 = vector.shape_cast %swap3A_892 : vector<1x16xf32> to vector<16xf32>
          %swap3A_894 = vector.shape_cast %mul3A_889 : vector<16xf32> to vector<1x16xf32>
          tpu.vector_store %arg14[%swap3A_890, %swap3A_891], %swap3A_894 {strides = array<i32>} : memref<640x32xf32, #tpu.memory_space<vmem>>, vector<1x16xf32>,
          %get3A_895 = arith.index_cast %add3A_884 : i32 to index
          %get3A_896 = arith.constant 16 : index
          %get3A_897 = tpu.vector_load %arg14[%get3A_895, %get3A_896] {strides = array<i32>} : memref<640x32xf32, #tpu.memory_space<vmem>>, vector<1x16xf32>,
          %get3A_898 = vector.shape_cast %get3A_897 : vector<1x16xf32> to vector<16xf32>
          %mul3A_899 = arith.mulf %get3A_898, %gather3A_879 : vector<16xf32>
          %swap3A_900 = arith.index_cast %add3A_884 : i32 to index
          %swap3A_901 = arith.constant 16 : index
          %swap3A_902 = tpu.vector_load %arg14[%swap3A_900, %swap3A_901] {strides = array<i32>} : memref<640x32xf32, #tpu.memory_space<vmem>>, vector<1x16xf32>,
          %swap3A_903 = vector.shape_cast %swap3A_902 : vector<1x16xf32> to vector<16xf32>
          %swap3A_904 = vector.shape_cast %mul3A_899 : vector<16xf32> to vector<1x16xf32>
          tpu.vector_store %arg14[%swap3A_900, %swap3A_901], %swap3A_904 {strides = array<i32>} : memref<640x32xf32, #tpu.memory_space<vmem>>, vector<1x16xf32>,
          %broadcast_in_dim3A_905 = arith.constant 14 : i32
          %broadcast_in_dim3A_906 = vector.broadcast %broadcast_in_dim3A_905 : i32 to vector<16x1xi32>
          %gather3A_907 = vector.shape_cast %broadcast_in_dim3A_906 : vector<16x1xi32> to vector<16xi32>
          %gather3A_908 = tpu.dynamic_gather %get3A_491[%gather3A_907] in [0] : vector<16xf32>, vector<16xi32> -> vector<16xf32>
          %mul3A_909 = arith.constant 16 : i32
          %mul3A_910 = arith.muli %scan3A_485, %mul3A_909 : i32
          %add3A_911 = arith.addi %mul3A_471, %mul3A_910 : i32
          %add3A_912 = arith.constant 14 : i32
          %add3A_913 = arith.addi %add3A_911, %add3A_912 : i32
          %get3A_914 = arith.index_cast %add3A_913 : i32 to index
          %get3A_915 = arith.constant 0 : index
          %get3A_916 = tpu.vector_load %arg14[%get3A_914, %get3A_915] {strides = array<i32>} : memref<640x32xf32, #tpu.memory_space<vmem>>, vector<1x16xf32>,
          %get3A_917 = vector.shape_cast %get3A_916 : vector<1x16xf32> to vector<16xf32>
          %mul3A_918 = arith.mulf %get3A_917, %gather3A_908 : vector<16xf32>
          %swap3A_919 = arith.index_cast %add3A_913 : i32 to index
          %swap3A_920 = arith.constant 0 : index
          %swap3A_921 = tpu.vector_load %arg14[%swap3A_919, %swap3A_920] {strides = array<i32>} : memref<640x32xf32, #tpu.memory_space<vmem>>, vector<1x16xf32>,
          %swap3A_922 = vector.shape_cast %swap3A_921 : vector<1x16xf32> to vector<16xf32>
          %swap3A_923 = vector.shape_cast %mul3A_918 : vector<16xf32> to vector<1x16xf32>
          tpu.vector_store %arg14[%swap3A_919, %swap3A_920], %swap3A_923 {strides = array<i32>} : memref<640x32xf32, #tpu.memory_space<vmem>>, vector<1x16xf32>,
          %get3A_924 = arith.index_cast %add3A_913 : i32 to index
          %get3A_925 = arith.constant 16 : index
          %get3A_926 = tpu.vector_load %arg14[%get3A_924, %get3A_925] {strides = array<i32>} : memref<640x32xf32, #tpu.memory_space<vmem>>, vector<1x16xf32>,
          %get3A_927 = vector.shape_cast %get3A_926 : vector<1x16xf32> to vector<16xf32>
          %mul3A_928 = arith.mulf %get3A_927, %gather3A_908 : vector<16xf32>
          %swap3A_929 = arith.index_cast %add3A_913 : i32 to index
          %swap3A_930 = arith.constant 16 : index
          %swap3A_931 = tpu.vector_load %arg14[%swap3A_929, %swap3A_930] {strides = array<i32>} : memref<640x32xf32, #tpu.memory_space<vmem>>, vector<1x16xf32>,
          %swap3A_932 = vector.shape_cast %swap3A_931 : vector<1x16xf32> to vector<16xf32>
          %swap3A_933 = vector.shape_cast %mul3A_928 : vector<16xf32> to vector<1x16xf32>
          tpu.vector_store %arg14[%swap3A_929, %swap3A_930], %swap3A_933 {strides = array<i32>} : memref<640x32xf32, #tpu.memory_space<vmem>>, vector<1x16xf32>,
          %broadcast_in_dim3A_934 = arith.constant 15 : i32
          %broadcast_in_dim3A_935 = vector.broadcast %broadcast_in_dim3A_934 : i32 to vector<16x1xi32>
          %gather3A_936 = vector.shape_cast %broadcast_in_dim3A_935 : vector<16x1xi32> to vector<16xi32>
          %gather3A_937 = tpu.dynamic_gather %get3A_491[%gather3A_936] in [0] : vector<16xf32>, vector<16xi32> -> vector<16xf32>
          %mul3A_938 = arith.constant 16 : i32
          %mul3A_939 = arith.muli %scan3A_485, %mul3A_938 : i32
          %add3A_940 = arith.addi %mul3A_471, %mul3A_939 : i32
          %add3A_941 = arith.constant 15 : i32
          %add3A_942 = arith.addi %add3A_940, %add3A_941 : i32
          %get3A_943 = arith.index_cast %add3A_942 : i32 to index
          %get3A_944 = arith.constant 0 : index
          %get3A_945 = tpu.vector_load %arg14[%get3A_943, %get3A_944] {strides = array<i32>} : memref<640x32xf32, #tpu.memory_space<vmem>>, vector<1x16xf32>,
          %get3A_946 = vector.shape_cast %get3A_945 : vector<1x16xf32> to vector<16xf32>
          %mul3A_947 = arith.mulf %get3A_946, %gather3A_937 : vector<16xf32>
          %swap3A_948 = arith.index_cast %add3A_942 : i32 to index
          %swap3A_949 = arith.constant 0 : index
          %swap3A_950 = tpu.vector_load %arg14[%swap3A_948, %swap3A_949] {strides = array<i32>} : memref<640x32xf32, #tpu.memory_space<vmem>>, vector<1x16xf32>,
          %swap3A_951 = vector.shape_cast %swap3A_950 : vector<1x16xf32> to vector<16xf32>
          %swap3A_952 = vector.shape_cast %mul3A_947 : vector<16xf32> to vector<1x16xf32>
          tpu.vector_store %arg14[%swap3A_948, %swap3A_949], %swap3A_952 {strides = array<i32>} : memref<640x32xf32, #tpu.memory_space<vmem>>, vector<1x16xf32>,
          %get3A_953 = arith.index_cast %add3A_942 : i32 to index
          %get3A_954 = arith.constant 16 : index
          %get3A_955 = tpu.vector_load %arg14[%get3A_953, %get3A_954] {strides = array<i32>} : memref<640x32xf32, #tpu.memory_space<vmem>>, vector<1x16xf32>,
          %get3A_956 = vector.shape_cast %get3A_955 : vector<1x16xf32> to vector<16xf32>
          %mul3A_957 = arith.mulf %get3A_956, %gather3A_937 : vector<16xf32>
          %swap3A_958 = arith.index_cast %add3A_942 : i32 to index
          %swap3A_959 = arith.constant 16 : index
          %swap3A_960 = tpu.vector_load %arg14[%swap3A_958, %swap3A_959] {strides = array<i32>} : memref<640x32xf32, #tpu.memory_space<vmem>>, vector<1x16xf32>,
          %swap3A_961 = vector.shape_cast %swap3A_960 : vector<1x16xf32> to vector<16xf32>
          %swap3A_962 = vector.shape_cast %mul3A_957 : vector<16xf32> to vector<1x16xf32>
          tpu.vector_store %arg14[%swap3A_958, %swap3A_959], %swap3A_962 {strides = array<i32>} : memref<640x32xf32, #tpu.memory_space<vmem>>, vector<1x16xf32>,
          %scan3A_963 = arith.constant 0 : i32
          scf.yield %scan3A_963 : i32
        }
        %scan3A_478 = arith.constant 8 : i32
        %dma_start3A_479 = arith.constant 0 : i32
        %dma_start3A_480 = tpu.memref_slice %arg14[%mul3A_471, %dma_start3A_479] : memref<640x32xf32, #tpu.memory_space<vmem>> -> memref<128x32xf32, #tpu.memory_space<vmem>>
        %dma_start3A_481 = tpu.memref_slice %arg13[%mul3A_471] : memref<640xi32, #tpu.memory_space<vmem>> -> memref<128xi32, #tpu.memory_space<vmem>>
        %dma_start3A_482 = arith.constant 0 : i32
        %dma_start3A_483 = arith.constant 0 : i32
        %dma_start3A_484 = tpu.memref_slice %arg15[%dma_start3A_482, %dma_start3A_483] : memref<50048x32xf32, #tpu.memory_space<vmem_shared>> -> memref<50048x32xf32, #tpu.memory_space<vmem_shared>>
        tpu.enqueue_indirect_dma source(%dma_start3A_480 : memref<128x32xf32, #tpu.memory_space<vmem>>) target(%dma_start3A_484 : memref<50048x32xf32, #tpu.memory_space<vmem_shared>>) offsets(%dma_start3A_481 : memref<128xi32, #tpu.memory_space<vmem>>) semaphore(%arg18 : memref<!tpu.dma_semaphore, #tpu.memory_space<semaphore_mem>>) {add = true}
      } else {
      }
      %scan3A_364 = arith.constant 0 : i32
      scf.yield %scan3A_364 : i32
    }
    %scan3A_124 = arith.constant 395 : i32
    %dma_wait3A_125 = arith.constant 0 : i32
    %dma_wait3A_126 = arith.constant 0 : i32
    %dma_wait3A_127 = tpu.memref_slice %arg14[%dma_wait3A_125, %dma_wait3A_126] : memref<640x32xf32, #tpu.memory_space<vmem>> -> memref<128x32xf32, #tpu.memory_space<vmem>>
    %dma_wait3A_128 = arith.constant 0 : i32
    %dma_wait3A_129 = arith.constant 0 : i32
    %dma_wait3A_130 = tpu.memref_slice %arg15[%dma_wait3A_128, %dma_wait3A_129] : memref<50048x32xf32, #tpu.memory_space<vmem_shared>> -> memref<128x32xf32, #tpu.memory_space<vmem_shared>>
    %dma_wait3A_131 = arith.constant 0 : i32
    %dma_wait3A_132 = arith.constant 0 : i32
    %dma_wait3A_133 = tpu.memref_slice %arg15[%dma_wait3A_131, %dma_wait3A_132] : memref<50048x32xf32, #tpu.memory_space<vmem_shared>> -> memref<128x32xf32, #tpu.memory_space<vmem_shared>>
    %dma_wait3A_134 = arith.constant 0 : i32
    %dma_wait3A_135 = arith.constant 0 : i32
    %dma_wait3A_136 = tpu.memref_slice %arg14[%dma_wait3A_134, %dma_wait3A_135] : memref<640x32xf32, #tpu.memory_space<vmem>> -> memref<128x32xf32, #tpu.memory_space<vmem>>
    tpu.wait_dma2 semaphore(%arg18 : memref<!tpu.dma_semaphore, #tpu.memory_space<semaphore_mem>>) src(%dma_wait3A_136 : memref<128x32xf32, #tpu.memory_space<vmem>>) dst(%dma_wait3A_133 : memref<128x32xf32, #tpu.memory_space<vmem_shared>>)
    %dma_wait3A_137 = arith.constant 128 : i32
    %dma_wait3A_138 = arith.constant 0 : i32
    %dma_wait3A_139 = tpu.memref_slice %arg14[%dma_wait3A_137, %dma_wait3A_138] : memref<640x32xf32, #tpu.memory_space<vmem>> -> memref<128x32xf32, #tpu.memory_space<vmem>>
    %dma_wait3A_140 = arith.constant 0 : i32
    %dma_wait3A_141 = arith.constant 0 : i32
    %dma_wait3A_142 = tpu.memref_slice %arg15[%dma_wait3A_140, %dma_wait3A_141] : memref<50048x32xf32, #tpu.memory_space<vmem_shared>> -> memref<128x32xf32, #tpu.memory_space<vmem_shared>>
    %dma_wait3A_143 = arith.constant 0 : i32
    %dma_wait3A_144 = arith.constant 0 : i32
    %dma_wait3A_145 = tpu.memref_slice %arg15[%dma_wait3A_143, %dma_wait3A_144] : memref<50048x32xf32, #tpu.memory_space<vmem_shared>> -> memref<128x32xf32, #tpu.memory_space<vmem_shared>>
    %dma_wait3A_146 = arith.constant 128 : i32
    %dma_wait3A_147 = arith.constant 0 : i32
    %dma_wait3A_148 = tpu.memref_slice %arg14[%dma_wait3A_146, %dma_wait3A_147] : memref<640x32xf32, #tpu.memory_space<vmem>> -> memref<128x32xf32, #tpu.memory_space<vmem>>
    tpu.wait_dma2 semaphore(%arg18 : memref<!tpu.dma_semaphore, #tpu.memory_space<semaphore_mem>>) src(%dma_wait3A_148 : memref<128x32xf32, #tpu.memory_space<vmem>>) dst(%dma_wait3A_145 : memref<128x32xf32, #tpu.memory_space<vmem_shared>>)
    %dma_wait3A_149 = arith.constant 256 : i32
    %dma_wait3A_150 = arith.constant 0 : i32
    %dma_wait3A_151 = tpu.memref_slice %arg14[%dma_wait3A_149, %dma_wait3A_150] : memref<640x32xf32, #tpu.memory_space<vmem>> -> memref<128x32xf32, #tpu.memory_space<vmem>>
    %dma_wait3A_152 = arith.constant 0 : i32
    %dma_wait3A_153 = arith.constant 0 : i32
    %dma_wait3A_154 = tpu.memref_slice %arg15[%dma_wait3A_152, %dma_wait3A_153] : memref<50048x32xf32, #tpu.memory_space<vmem_shared>> -> memref<128x32xf32, #tpu.memory_space<vmem_shared>>
    %dma_wait3A_155 = arith.constant 0 : i32
    %dma_wait3A_156 = arith.constant 0 : i32
    %dma_wait3A_157 = tpu.memref_slice %arg15[%dma_wait3A_155, %dma_wait3A_156] : memref<50048x32xf32, #tpu.memory_space<vmem_shared>> -> memref<128x32xf32, #tpu.memory_space<vmem_shared>>
    %dma_wait3A_158 = arith.constant 256 : i32
    %dma_wait3A_159 = arith.constant 0 : i32
    %dma_wait3A_160 = tpu.memref_slice %arg14[%dma_wait3A_158, %dma_wait3A_159] : memref<640x32xf32, #tpu.memory_space<vmem>> -> memref<128x32xf32, #tpu.memory_space<vmem>>
    tpu.wait_dma2 semaphore(%arg18 : memref<!tpu.dma_semaphore, #tpu.memory_space<semaphore_mem>>) src(%dma_wait3A_160 : memref<128x32xf32, #tpu.memory_space<vmem>>) dst(%dma_wait3A_157 : memref<128x32xf32, #tpu.memory_space<vmem_shared>>)
    %dma_wait3A_161 = arith.constant 384 : i32
    %dma_wait3A_162 = arith.constant 0 : i32
    %dma_wait3A_163 = tpu.memref_slice %arg14[%dma_wait3A_161, %dma_wait3A_162] : memref<640x32xf32, #tpu.memory_space<vmem>> -> memref<128x32xf32, #tpu.memory_space<vmem>>
    %dma_wait3A_164 = arith.constant 0 : i32
    %dma_wait3A_165 = arith.constant 0 : i32
    %dma_wait3A_166 = tpu.memref_slice %arg15[%dma_wait3A_164, %dma_wait3A_165] : memref<50048x32xf32, #tpu.memory_space<vmem_shared>> -> memref<128x32xf32, #tpu.memory_space<vmem_shared>>
    %dma_wait3A_167 = arith.constant 0 : i32
    %dma_wait3A_168 = arith.constant 0 : i32
    %dma_wait3A_169 = tpu.memref_slice %arg15[%dma_wait3A_167, %dma_wait3A_168] : memref<50048x32xf32, #tpu.memory_space<vmem_shared>> -> memref<128x32xf32, #tpu.memory_space<vmem_shared>>
    %dma_wait3A_170 = arith.constant 384 : i32
    %dma_wait3A_171 = arith.constant 0 : i32
    %dma_wait3A_172 = tpu.memref_slice %arg14[%dma_wait3A_170, %dma_wait3A_171] : memref<640x32xf32, #tpu.memory_space<vmem>> -> memref<128x32xf32, #tpu.memory_space<vmem>>
    tpu.wait_dma2 semaphore(%arg18 : memref<!tpu.dma_semaphore, #tpu.memory_space<semaphore_mem>>) src(%dma_wait3A_172 : memref<128x32xf32, #tpu.memory_space<vmem>>) dst(%dma_wait3A_169 : memref<128x32xf32, #tpu.memory_space<vmem_shared>>)
    %dma_wait3A_173 = arith.constant 512 : i32
    %dma_wait3A_174 = arith.constant 0 : i32
    %dma_wait3A_175 = tpu.memref_slice %arg14[%dma_wait3A_173, %dma_wait3A_174] : memref<640x32xf32, #tpu.memory_space<vmem>> -> memref<128x32xf32, #tpu.memory_space<vmem>>
    %dma_wait3A_176 = arith.constant 0 : i32
    %dma_wait3A_177 = arith.constant 0 : i32
    %dma_wait3A_178 = tpu.memref_slice %arg15[%dma_wait3A_176, %dma_wait3A_177] : memref<50048x32xf32, #tpu.memory_space<vmem_shared>> -> memref<128x32xf32, #tpu.memory_space<vmem_shared>>
    %dma_wait3A_179 = arith.constant 0 : i32
    %dma_wait3A_180 = arith.constant 0 : i32
    %dma_wait3A_181 = tpu.memref_slice %arg15[%dma_wait3A_179, %dma_wait3A_180] : memref<50048x32xf32, #tpu.memory_space<vmem_shared>> -> memref<128x32xf32, #tpu.memory_space<vmem_shared>>
    %dma_wait3A_182 = arith.constant 512 : i32
    %dma_wait3A_183 = arith.constant 0 : i32
    %dma_wait3A_184 = tpu.memref_slice %arg14[%dma_wait3A_182, %dma_wait3A_183] : memref<640x32xf32, #tpu.memory_space<vmem>> -> memref<128x32xf32, #tpu.memory_space<vmem>>
    tpu.wait_dma2 semaphore(%arg18 : memref<!tpu.dma_semaphore, #tpu.memory_space<semaphore_mem>>) src(%dma_wait3A_184 : memref<128x32xf32, #tpu.memory_space<vmem>>) dst(%dma_wait3A_181 : memref<128x32xf32, #tpu.memory_space<vmem_shared>>)
    %barrier3A_185 = arith.constant 0 : index
    tpu.barrier barrier_id(%barrier3A_185)
    %mul3A_186 = arith.constant 3128 : i32
    %mul3A_187 = arith.muli %arg1, %mul3A_186 : i32
    %mul3A_188 = arith.constant 3128 : i32
    %mul3A_189 = arith.muli %arg1, %mul3A_188 : i32
    %add3A_190 = arith.addi %mul3A_0, %mul3A_189 : i32
    "tpu.region"() ({
      %run_scoped3A = tpu.sem_alloc : memref<!tpu.dma_semaphore, #tpu.memory_space<semaphore_mem>>
      %dma_start3A_289 = arith.constant 0 : i32
      %dma_start3A_290 = tpu.memref_slice %arg8[%add3A_190, %dma_start3A_289] : memref<100096x32xf32, #tpu.memory_space<hbm>> -> memref<3128x32xf32, #tpu.memory_space<hbm>>
      %dma_start3A_291 = arith.constant 0 : i32
      %dma_start3A_292 = tpu.memref_slice %arg15[%mul3A_187, %dma_start3A_291] : memref<50048x32xf32, #tpu.memory_space<vmem_shared>> -> memref<3128x32xf32, #tpu.memory_space<vmem_shared>>
      tpu.enqueue_dma source(%dma_start3A_292 : memref<3128x32xf32, #tpu.memory_space<vmem_shared>>) target(%dma_start3A_290 : memref<3128x32xf32, #tpu.memory_space<hbm>>) target_semaphore(%run_scoped3A : memref<!tpu.dma_semaphore, #tpu.memory_space<semaphore_mem>>)
      %dma_wait3A_293 = arith.constant 0 : i32
      %dma_wait3A_294 = tpu.memref_slice %arg8[%add3A_190, %dma_wait3A_293] : memref<100096x32xf32, #tpu.memory_space<hbm>> -> memref<3128x32xf32, #tpu.memory_space<hbm>>
      %dma_wait3A_295 = arith.constant 0 : i32
      %dma_wait3A_296 = tpu.memref_slice %arg15[%mul3A_187, %dma_wait3A_295] : memref<50048x32xf32, #tpu.memory_space<vmem_shared>> -> memref<3128x32xf32, #tpu.memory_space<vmem_shared>>
      tpu.wait_dma2 semaphore(%run_scoped3A : memref<!tpu.dma_semaphore, #tpu.memory_space<semaphore_mem>>) src(%dma_wait3A_296 : memref<3128x32xf32, #tpu.memory_space<vmem_shared>>) dst(%dma_wait3A_294 : memref<3128x32xf32, #tpu.memory_space<hbm>>)
      tpu.yield
    }) : () -> ()
    %barrier3A_191 = arith.constant 0 : index
    tpu.barrier barrier_id(%barrier3A_191)
    %mul3A_192 = arith.constant 3128 : i32
    %mul3A_193 = arith.muli %arg1, %mul3A_192 : i32
    "tpu.region"() ({
      %run_scoped3A = tpu.sem_alloc : memref<!tpu.dma_semaphore, #tpu.memory_space<semaphore_mem>>
      %dma_start3A_289 = arith.constant 0 : i32
      %dma_start3A_290 = tpu.memref_slice %arg15[%mul3A_193, %dma_start3A_289] : memref<50048x32xf32, #tpu.memory_space<vmem_shared>> -> memref<3128x32xf32, #tpu.memory_space<vmem_shared>>
      tpu.enqueue_dma source(%arg6 : memref<3128x32xf32, #tpu.memory_space<hbm>>) target(%dma_start3A_290 : memref<3128x32xf32, #tpu.memory_space<vmem_shared>>) target_semaphore(%run_scoped3A : memref<!tpu.dma_semaphore, #tpu.memory_space<semaphore_mem>>)
      %dma_wait3A_291 = arith.constant 0 : i32
      %dma_wait3A_292 = tpu.memref_slice %arg15[%mul3A_193, %dma_wait3A_291] : memref<50048x32xf32, #tpu.memory_space<vmem_shared>> -> memref<3128x32xf32, #tpu.memory_space<vmem_shared>>
      tpu.wait_dma2 semaphore(%run_scoped3A : memref<!tpu.dma_semaphore, #tpu.memory_space<semaphore_mem>>) src(%arg6 : memref<3128x32xf32, #tpu.memory_space<hbm>>) dst(%dma_wait3A_292 : memref<3128x32xf32, #tpu.memory_space<vmem_shared>>)
      tpu.yield
    }) : () -> ()
    %barrier3A_194 = arith.constant 0 : index
    tpu.barrier barrier_id(%barrier3A_194)
    %add3A_195 = arith.constant 0 : i32
    %add3A_196 = arith.addi %mul3A_2, %add3A_195 : i32
    %dma_start3A_197 = arith.constant 0 : i32
    %dma_start3A_198 = tpu.memref_slice %arg10[%dma_start3A_197] : memref<2048xi32, #tpu.memory_space<vmem>> -> memref<1024xi32, #tpu.memory_space<vmem>>
    %dma_start3A_199 = tpu.memref_slice %arg3[%add3A_196] : memref<802816xi32, #tpu.memory_space<hbm>> -> memref<1024xi32, #tpu.memory_space<hbm>>
    %dma_start3A_200 = arith.constant 0 : i32
    %dma_start3A_201 = tpu.memref_slice %arg10[%dma_start3A_200] : memref<2048xi32, #tpu.memory_space<vmem>> -> memref<1024xi32, #tpu.memory_space<vmem>>
    %dma_start3A_202 = tpu.memref_slice %arg3[%add3A_196] : memref<802816xi32, #tpu.memory_space<hbm>> -> memref<1024xi32, #tpu.memory_space<hbm>>
    tpu.enqueue_dma source(%dma_start3A_202 : memref<1024xi32, #tpu.memory_space<hbm>>) target(%dma_start3A_201 : memref<1024xi32, #tpu.memory_space<vmem>>) target_semaphore(%arg16 : memref<!tpu.dma_semaphore, #tpu.memory_space<semaphore_mem>>)
    %dma_start3A_203 = arith.constant 0 : i32
    %dma_start3A_204 = tpu.memref_slice %arg11[%dma_start3A_203] : memref<2048xi32, #tpu.memory_space<vmem>> -> memref<1024xi32, #tpu.memory_space<vmem>>
    %dma_start3A_205 = tpu.memref_slice %arg4[%add3A_196] : memref<802816xi32, #tpu.memory_space<hbm>> -> memref<1024xi32, #tpu.memory_space<hbm>>
    %dma_start3A_206 = arith.constant 0 : i32
    %dma_start3A_207 = tpu.memref_slice %arg11[%dma_start3A_206] : memref<2048xi32, #tpu.memory_space<vmem>> -> memref<1024xi32, #tpu.memory_space<vmem>>
    %dma_start3A_208 = tpu.memref_slice %arg4[%add3A_196] : memref<802816xi32, #tpu.memory_space<hbm>> -> memref<1024xi32, #tpu.memory_space<hbm>>
    tpu.enqueue_dma source(%dma_start3A_208 : memref<1024xi32, #tpu.memory_space<hbm>>) target(%dma_start3A_207 : memref<1024xi32, #tpu.memory_space<vmem>>) target_semaphore(%arg16 : memref<!tpu.dma_semaphore, #tpu.memory_space<semaphore_mem>>)
    %dma_start3A_209 = arith.constant 0 : i32
    %dma_start3A_210 = tpu.memref_slice %arg12[%dma_start3A_209] : memref<2048xf32, #tpu.memory_space<vmem>> -> memref<1024xf32, #tpu.memory_space<vmem>>
    %dma_start3A_211 = tpu.memref_slice %arg5[%add3A_196] : memref<802816xf32, #tpu.memory_space<hbm>> -> memref<1024xf32, #tpu.memory_space<hbm>>
    %dma_start3A_212 = arith.constant 0 : i32
    %dma_start3A_213 = tpu.memref_slice %arg12[%dma_start3A_212] : memref<2048xf32, #tpu.memory_space<vmem>> -> memref<1024xf32, #tpu.memory_space<vmem>>
    %dma_start3A_214 = tpu.memref_slice %arg5[%add3A_196] : memref<802816xf32, #tpu.memory_space<hbm>> -> memref<1024xf32, #tpu.memory_space<hbm>>
    tpu.enqueue_dma source(%dma_start3A_214 : memref<1024xf32, #tpu.memory_space<hbm>>) target(%dma_start3A_213 : memref<1024xf32, #tpu.memory_space<vmem>>) target_semaphore(%arg16 : memref<!tpu.dma_semaphore, #tpu.memory_space<semaphore_mem>>)
    %scan3A_215 = arith.constant 0 : i32
    %scan3A_216 = arith.constant 0 : i32
    %scan3A_217 = arith.constant 395 : i32
    %scan3A_218 = arith.addi %scan3A_216, %scan3A_217 : i32
    %scan3A_219 = arith.constant 1 : i32
    %scan3A_220 = scf.for %scan3A_289 = %scan3A_216 to %scan3A_218 step %scan3A_219 iter_args(%scan3A_290 = %scan3A_215) -> (i32)  : i32 {
      %jit3A = arith.constant 8 : i32
      %eq3A = arith.constant 0 : i32
      %eq3A_291 = arith.cmpi eq, %jit3A, %eq3A : i32
      %jit3A_292 = arith.constant 1 : i32
      %select_n3A = arith.select %eq3A_291, %jit3A_292, %jit3A : i32
      %rem3A = arith.remsi %scan3A_289, %select_n3A : i32
      %ne3A = arith.constant 0 : i32
      %ne3A_293 = arith.cmpi ne, %rem3A, %ne3A : i32
      %lt3A = arith.constant 0 : i32
      %lt3A_294 = arith.cmpi slt, %rem3A, %lt3A : i32
      %lt3A_295 = arith.constant 0 : i32
      %lt3A_296 = arith.cmpi slt, %select_n3A, %lt3A_295 : i32
      %ne3A_297 = arith.xori %lt3A_294, %lt3A_296 : i1
      %and3A = arith.andi %ne3A_297, %ne3A_293 : i1
      %add3A_298 = arith.addi %rem3A, %select_n3A : i32
      %select_n3A_299 = arith.select %and3A, %add3A_298, %rem3A : i32
      %eq3A_300 = arith.constant 0 : i32
      %eq3A_301 = arith.cmpi eq, %select_n3A_299, %eq3A_300 : i32
      %lt3A_302 = arith.constant 392 : i32
      %lt3A_303 = arith.cmpi slt, %scan3A_289, %lt3A_302 : i32
      %and3A_304 = arith.andi %eq3A_301, %lt3A_303 : i1
      %convert_element_type3A = arith.extui %and3A_304 : i1 to i32
      %cond3A = arith.constant 0 : i32
      %cond3A_305 = arith.cmpi ne, %convert_element_type3A, %cond3A : i32
      scf.if %cond3A_305 {
        %dma_wait3A_365 = arith.constant 0 : i32
        %dma_wait3A_366 = tpu.memref_slice %arg10[%dma_wait3A_365] : memref<2048xi32, #tpu.memory_space<vmem>> -> memref<1024xi32, #tpu.memory_space<vmem>>
        %dma_wait3A_367 = arith.constant 0 : i32
        %dma_wait3A_368 = tpu.memref_slice %arg3[%dma_wait3A_367] : memref<802816xi32, #tpu.memory_space<hbm>> -> memref<1024xi32, #tpu.memory_space<hbm>>
        %dma_wait3A_369 = arith.constant 0 : i32
        %dma_wait3A_370 = tpu.memref_slice %arg10[%dma_wait3A_369] : memref<2048xi32, #tpu.memory_space<vmem>> -> memref<1024xi32, #tpu.memory_space<vmem>>
        %dma_wait3A_371 = arith.constant 0 : i32
        %dma_wait3A_372 = tpu.memref_slice %arg3[%dma_wait3A_371] : memref<802816xi32, #tpu.memory_space<hbm>> -> memref<1024xi32, #tpu.memory_space<hbm>>
        tpu.wait_dma2 semaphore(%arg16 : memref<!tpu.dma_semaphore, #tpu.memory_space<semaphore_mem>>) src(%dma_wait3A_372 : memref<1024xi32, #tpu.memory_space<hbm>>) dst(%dma_wait3A_370 : memref<1024xi32, #tpu.memory_space<vmem>>)
        %dma_wait3A_373 = arith.constant 0 : i32
        %dma_wait3A_374 = tpu.memref_slice %arg10[%dma_wait3A_373] : memref<2048xi32, #tpu.memory_space<vmem>> -> memref<1024xi32, #tpu.memory_space<vmem>>
        %dma_wait3A_375 = arith.constant 0 : i32
        %dma_wait3A_376 = tpu.memref_slice %arg3[%dma_wait3A_375] : memref<802816xi32, #tpu.memory_space<hbm>> -> memref<1024xi32, #tpu.memory_space<hbm>>
        %dma_wait3A_377 = arith.constant 0 : i32
        %dma_wait3A_378 = tpu.memref_slice %arg10[%dma_wait3A_377] : memref<2048xi32, #tpu.memory_space<vmem>> -> memref<1024xi32, #tpu.memory_space<vmem>>
        %dma_wait3A_379 = arith.constant 0 : i32
        %dma_wait3A_380 = tpu.memref_slice %arg3[%dma_wait3A_379] : memref<802816xi32, #tpu.memory_space<hbm>> -> memref<1024xi32, #tpu.memory_space<hbm>>
        tpu.wait_dma2 semaphore(%arg16 : memref<!tpu.dma_semaphore, #tpu.memory_space<semaphore_mem>>) src(%dma_wait3A_380 : memref<1024xi32, #tpu.memory_space<hbm>>) dst(%dma_wait3A_378 : memref<1024xi32, #tpu.memory_space<vmem>>)
        %dma_wait3A_381 = arith.constant 0 : i32
        %dma_wait3A_382 = tpu.memref_slice %arg10[%dma_wait3A_381] : memref<2048xi32, #tpu.memory_space<vmem>> -> memref<1024xi32, #tpu.memory_space<vmem>>
        %dma_wait3A_383 = arith.constant 0 : i32
        %dma_wait3A_384 = tpu.memref_slice %arg3[%dma_wait3A_383] : memref<802816xi32, #tpu.memory_space<hbm>> -> memref<1024xi32, #tpu.memory_space<hbm>>
        %dma_wait3A_385 = arith.constant 0 : i32
        %dma_wait3A_386 = tpu.memref_slice %arg10[%dma_wait3A_385] : memref<2048xi32, #tpu.memory_space<vmem>> -> memref<1024xi32, #tpu.memory_space<vmem>>
        %dma_wait3A_387 = arith.constant 0 : i32
        %dma_wait3A_388 = tpu.memref_slice %arg3[%dma_wait3A_387] : memref<802816xi32, #tpu.memory_space<hbm>> -> memref<1024xi32, #tpu.memory_space<hbm>>
        tpu.wait_dma2 semaphore(%arg16 : memref<!tpu.dma_semaphore, #tpu.memory_space<semaphore_mem>>) src(%dma_wait3A_388 : memref<1024xi32, #tpu.memory_space<hbm>>) dst(%dma_wait3A_386 : memref<1024xi32, #tpu.memory_space<vmem>>)
        %jit3A_389 = arith.constant 8 : i32
        %div3A_390 = arith.divsi %scan3A_289, %jit3A_389 : i32
        %sign3A_391 = arith.constant 0 : i32
        %sign3A_392 = arith.cmpi sgt, %scan3A_289, %sign3A_391 : i32
        %sign3A_393 = arith.extui %sign3A_392 : i1 to i32
        %sign3A_394 = arith.constant 0 : i32
        %sign3A_395 = arith.cmpi slt, %scan3A_289, %sign3A_394 : i32
        %sign3A_396 = arith.extui %sign3A_395 : i1 to i32
        %sign3A_397 = arith.subi %sign3A_393, %sign3A_396 : i32
        %sign3A_398 = arith.constant 0 : i32
        %sign3A_399 = arith.cmpi sgt, %jit3A_389, %sign3A_398 : i32
        %sign3A_400 = arith.extui %sign3A_399 : i1 to i32
        %sign3A_401 = arith.constant 0 : i32
        %sign3A_402 = arith.cmpi slt, %jit3A_389, %sign3A_401 : i32
        %sign3A_403 = arith.extui %sign3A_402 : i1 to i32
        %sign3A_404 = arith.subi %sign3A_400, %sign3A_403 : i32
        %ne3A_405 = arith.cmpi ne, %sign3A_397, %sign3A_404 : i32
        %rem3A_406 = arith.remsi %scan3A_289, %jit3A_389 : i32
        %ne3A_407 = arith.constant 0 : i32
        %ne3A_408 = arith.cmpi ne, %rem3A_406, %ne3A_407 : i32
        %and3A_409 = arith.andi %ne3A_405, %ne3A_408 : i1
        %sub3A_410 = arith.constant 1 : i32
        %sub3A_411 = arith.subi %div3A_390, %sub3A_410 : i32
        %select_n3A_412 = arith.select %and3A_409, %sub3A_411, %div3A_390 : i32
        %jit3A_413 = arith.constant 2 : i32
        %eq3A_414 = arith.constant 0 : i32
        %eq3A_415 = arith.cmpi eq, %jit3A_413, %eq3A_414 : i32
        %jit3A_416 = arith.constant 1 : i32
        %select_n3A_417 = arith.select %eq3A_415, %jit3A_416, %jit3A_413 : i32
        %rem3A_418 = arith.remsi %select_n3A_412, %select_n3A_417 : i32
        %ne3A_419 = arith.constant 0 : i32
        %ne3A_420 = arith.cmpi ne, %rem3A_418, %ne3A_419 : i32
        %lt3A_421 = arith.constant 0 : i32
        %lt3A_422 = arith.cmpi slt, %rem3A_418, %lt3A_421 : i32
        %lt3A_423 = arith.constant 0 : i32
        %lt3A_424 = arith.cmpi slt, %select_n3A_417, %lt3A_423 : i32
        %ne3A_425 = arith.xori %lt3A_422, %lt3A_424 : i1
        %and3A_426 = arith.andi %ne3A_425, %ne3A_420 : i1
        %add3A_427 = arith.addi %rem3A_418, %select_n3A_417 : i32
        %select_n3A_428 = arith.select %and3A_426, %add3A_427, %rem3A_418 : i32
        %mul3A_429 = arith.constant 1024 : i32
        %mul3A_430 = arith.muli %select_n3A_428, %mul3A_429 : i32
        %scan3A_431 = arith.constant 0 : i32
        %scan3A_432 = arith.constant 0 : i32
        %scan3A_433 = arith.constant 64 : i32
        %scan3A_434 = arith.addi %scan3A_432, %scan3A_433 : i32
        %scan3A_435 = arith.constant 1 : i32
        %scan3A_436 = scf.for %scan3A_438 = %scan3A_432 to %scan3A_434 step %scan3A_435 iter_args(%scan3A_439 = %scan3A_431) -> (i32)  : i32 {
          %mul3A_440 = arith.constant 16 : i32
          %mul3A_441 = arith.muli %scan3A_438, %mul3A_440 : i32
          %add3A_442 = arith.addi %mul3A_430, %mul3A_441 : i32
          %get3A = arith.index_cast %add3A_442 : i32 to index
          %get3A_443 = tpu.vector_load %arg10[%get3A] {strides = array<i32>} : memref<2048xi32, #tpu.memory_space<vmem>>, vector<16xi32>,
          %get3A_444 = vector.shape_cast %get3A_443 : vector<16xi32> to vector<16xi32>
          %add3A_445 = vector.broadcast %mul3A_0 : i32 to vector<16xi32>
          %add3A_446 = arith.addi %get3A_444, %add3A_445 : vector<16xi32>
          %swap3A = arith.index_cast %add3A_442 : i32 to index
          %swap3A_447 = tpu.vector_load %arg10[%swap3A] {strides = array<i32>} : memref<2048xi32, #tpu.memory_space<vmem>>, vector<16xi32>,
          %swap3A_448 = vector.shape_cast %swap3A_447 : vector<16xi32> to vector<16xi32>
          %swap3A_449 = vector.shape_cast %add3A_446 : vector<16xi32> to vector<16xi32>
          tpu.vector_store %arg10[%swap3A], %swap3A_449 {strides = array<i32>} : memref<2048xi32, #tpu.memory_space<vmem>>, vector<16xi32>,
          %scan3A_450 = arith.constant 0 : i32
          scf.yield %scan3A_450 : i32
        }
        %scan3A_437 = arith.constant 64 : i32
      } else {
      }
      %jit3A_306 = arith.constant 8 : i32
      %eq3A_307 = arith.constant 0 : i32
      %eq3A_308 = arith.cmpi eq, %jit3A_306, %eq3A_307 : i32
      %jit3A_309 = arith.constant 1 : i32
      %select_n3A_310 = arith.select %eq3A_308, %jit3A_309, %jit3A_306 : i32
      %rem3A_311 = arith.remsi %scan3A_289, %select_n3A_310 : i32
      %ne3A_312 = arith.constant 0 : i32
      %ne3A_313 = arith.cmpi ne, %rem3A_311, %ne3A_312 : i32
      %lt3A_314 = arith.constant 0 : i32
      %lt3A_315 = arith.cmpi slt, %rem3A_311, %lt3A_314 : i32
      %lt3A_316 = arith.constant 0 : i32
      %lt3A_317 = arith.cmpi slt, %select_n3A_310, %lt3A_316 : i32
      %ne3A_318 = arith.xori %lt3A_315, %lt3A_317 : i1
      %and3A_319 = arith.andi %ne3A_318, %ne3A_313 : i1
      %add3A_320 = arith.addi %rem3A_311, %select_n3A_310 : i32
      %select_n3A_321 = arith.select %and3A_319, %add3A_320, %rem3A_311 : i32
      %eq3A_322 = arith.constant 3 : i32
      %eq3A_323 = arith.cmpi eq, %select_n3A_321, %eq3A_322 : i32
      %jit3A_324 = arith.constant 8 : i32
      %div3A = arith.divsi %scan3A_289, %jit3A_324 : i32
      %sign3A = arith.constant 0 : i32
      %sign3A_325 = arith.cmpi sgt, %scan3A_289, %sign3A : i32
      %sign3A_326 = arith.extui %sign3A_325 : i1 to i32
      %sign3A_327 = arith.constant 0 : i32
      %sign3A_328 = arith.cmpi slt, %scan3A_289, %sign3A_327 : i32
      %sign3A_329 = arith.extui %sign3A_328 : i1 to i32
      %sign3A_330 = arith.subi %sign3A_326, %sign3A_329 : i32
      %sign3A_331 = arith.constant 0 : i32
      %sign3A_332 = arith.cmpi sgt, %jit3A_324, %sign3A_331 : i32
      %sign3A_333 = arith.extui %sign3A_332 : i1 to i32
      %sign3A_334 = arith.constant 0 : i32
      %sign3A_335 = arith.cmpi slt, %jit3A_324, %sign3A_334 : i32
      %sign3A_336 = arith.extui %sign3A_335 : i1 to i32
      %sign3A_337 = arith.subi %sign3A_333, %sign3A_336 : i32
      %ne3A_338 = arith.cmpi ne, %sign3A_330, %sign3A_337 : i32
      %rem3A_339 = arith.remsi %scan3A_289, %jit3A_324 : i32
      %ne3A_340 = arith.constant 0 : i32
      %ne3A_341 = arith.cmpi ne, %rem3A_339, %ne3A_340 : i32
      %and3A_342 = arith.andi %ne3A_338, %ne3A_341 : i1
      %sub3A = arith.constant 1 : i32
      %sub3A_343 = arith.subi %div3A, %sub3A : i32
      %select_n3A_344 = arith.select %and3A_342, %sub3A_343, %div3A : i32
      %add3A_345 = arith.constant 1 : i32
      %add3A_346 = arith.addi %select_n3A_344, %add3A_345 : i32
      %lt3A_347 = arith.constant 49 : i32
      %lt3A_348 = arith.cmpi slt, %add3A_346, %lt3A_347 : i32
      %and3A_349 = arith.andi %eq3A_323, %lt3A_348 : i1
      %convert_element_type3A_350 = arith.extui %and3A_349 : i1 to i32
      %cond3A_351 = arith.constant 0 : i32
      %cond3A_352 = arith.cmpi ne, %convert_element_type3A_350, %cond3A_351 : i32
      scf.if %cond3A_352 {
        %jit3A_365 = arith.constant 8 : i32
        %div3A_366 = arith.divsi %scan3A_289, %jit3A_365 : i32
        %sign3A_367 = arith.constant 0 : i32
        %sign3A_368 = arith.cmpi sgt, %scan3A_289, %sign3A_367 : i32
        %sign3A_369 = arith.extui %sign3A_368 : i1 to i32
        %sign3A_370 = arith.constant 0 : i32
        %sign3A_371 = arith.cmpi slt, %scan3A_289, %sign3A_370 : i32
        %sign3A_372 = arith.extui %sign3A_371 : i1 to i32
        %sign3A_373 = arith.subi %sign3A_369, %sign3A_372 : i32
        %sign3A_374 = arith.constant 0 : i32
        %sign3A_375 = arith.cmpi sgt, %jit3A_365, %sign3A_374 : i32
        %sign3A_376 = arith.extui %sign3A_375 : i1 to i32
        %sign3A_377 = arith.constant 0 : i32
        %sign3A_378 = arith.cmpi slt, %jit3A_365, %sign3A_377 : i32
        %sign3A_379 = arith.extui %sign3A_378 : i1 to i32
        %sign3A_380 = arith.subi %sign3A_376, %sign3A_379 : i32
        %ne3A_381 = arith.cmpi ne, %sign3A_373, %sign3A_380 : i32
        %rem3A_382 = arith.remsi %scan3A_289, %jit3A_365 : i32
        %ne3A_383 = arith.constant 0 : i32
        %ne3A_384 = arith.cmpi ne, %rem3A_382, %ne3A_383 : i32
        %and3A_385 = arith.andi %ne3A_381, %ne3A_384 : i1
        %sub3A_386 = arith.constant 1 : i32
        %sub3A_387 = arith.subi %div3A_366, %sub3A_386 : i32
        %select_n3A_388 = arith.select %and3A_385, %sub3A_387, %div3A_366 : i32
        %add3A_389 = arith.constant 1 : i32
        %add3A_390 = arith.addi %select_n3A_388, %add3A_389 : i32
        %mul3A_391 = arith.constant 1024 : i32
        %mul3A_392 = arith.muli %add3A_390, %mul3A_391 : i32
        %add3A_393 = arith.addi %mul3A_2, %mul3A_392 : i32
        %jit3A_394 = arith.constant 2 : i32
        %eq3A_395 = arith.constant 0 : i32
        %eq3A_396 = arith.cmpi eq, %jit3A_394, %eq3A_395 : i32
        %jit3A_397 = arith.constant 1 : i32
        %select_n3A_398 = arith.select %eq3A_396, %jit3A_397, %jit3A_394 : i32
        %rem3A_399 = arith.remsi %add3A_390, %select_n3A_398 : i32
        %ne3A_400 = arith.constant 0 : i32
        %ne3A_401 = arith.cmpi ne, %rem3A_399, %ne3A_400 : i32
        %lt3A_402 = arith.constant 0 : i32
        %lt3A_403 = arith.cmpi slt, %rem3A_399, %lt3A_402 : i32
        %lt3A_404 = arith.constant 0 : i32
        %lt3A_405 = arith.cmpi slt, %select_n3A_398, %lt3A_404 : i32
        %ne3A_406 = arith.xori %lt3A_403, %lt3A_405 : i1
        %and3A_407 = arith.andi %ne3A_406, %ne3A_401 : i1
        %add3A_408 = arith.addi %rem3A_399, %select_n3A_398 : i32
        %select_n3A_409 = arith.select %and3A_407, %add3A_408, %rem3A_399 : i32
        %mul3A_410 = arith.constant 1024 : i32
        %mul3A_411 = arith.muli %select_n3A_409, %mul3A_410 : i32
        %dma_start3A_412 = tpu.memref_slice %arg10[%mul3A_411] : memref<2048xi32, #tpu.memory_space<vmem>> -> memref<1024xi32, #tpu.memory_space<vmem>>
        %dma_start3A_413 = tpu.memref_slice %arg3[%add3A_393] : memref<802816xi32, #tpu.memory_space<hbm>> -> memref<1024xi32, #tpu.memory_space<hbm>>
        %dma_start3A_414 = tpu.memref_slice %arg10[%mul3A_411] : memref<2048xi32, #tpu.memory_space<vmem>> -> memref<1024xi32, #tpu.memory_space<vmem>>
        %dma_start3A_415 = tpu.memref_slice %arg3[%add3A_393] : memref<802816xi32, #tpu.memory_space<hbm>> -> memref<1024xi32, #tpu.memory_space<hbm>>
        tpu.enqueue_dma source(%dma_start3A_415 : memref<1024xi32, #tpu.memory_space<hbm>>) target(%dma_start3A_414 : memref<1024xi32, #tpu.memory_space<vmem>>) target_semaphore(%arg16 : memref<!tpu.dma_semaphore, #tpu.memory_space<semaphore_mem>>)
        %dma_start3A_416 = tpu.memref_slice %arg11[%mul3A_411] : memref<2048xi32, #tpu.memory_space<vmem>> -> memref<1024xi32, #tpu.memory_space<vmem>>
        %dma_start3A_417 = tpu.memref_slice %arg4[%add3A_393] : memref<802816xi32, #tpu.memory_space<hbm>> -> memref<1024xi32, #tpu.memory_space<hbm>>
        %dma_start3A_418 = tpu.memref_slice %arg11[%mul3A_411] : memref<2048xi32, #tpu.memory_space<vmem>> -> memref<1024xi32, #tpu.memory_space<vmem>>
        %dma_start3A_419 = tpu.memref_slice %arg4[%add3A_393] : memref<802816xi32, #tpu.memory_space<hbm>> -> memref<1024xi32, #tpu.memory_space<hbm>>
        tpu.enqueue_dma source(%dma_start3A_419 : memref<1024xi32, #tpu.memory_space<hbm>>) target(%dma_start3A_418 : memref<1024xi32, #tpu.memory_space<vmem>>) target_semaphore(%arg16 : memref<!tpu.dma_semaphore, #tpu.memory_space<semaphore_mem>>)
        %dma_start3A_420 = tpu.memref_slice %arg12[%mul3A_411] : memref<2048xf32, #tpu.memory_space<vmem>> -> memref<1024xf32, #tpu.memory_space<vmem>>
        %dma_start3A_421 = tpu.memref_slice %arg5[%add3A_393] : memref<802816xf32, #tpu.memory_space<hbm>> -> memref<1024xf32, #tpu.memory_space<hbm>>
        %dma_start3A_422 = tpu.memref_slice %arg12[%mul3A_411] : memref<2048xf32, #tpu.memory_space<vmem>> -> memref<1024xf32, #tpu.memory_space<vmem>>
        %dma_start3A_423 = tpu.memref_slice %arg5[%add3A_393] : memref<802816xf32, #tpu.memory_space<hbm>> -> memref<1024xf32, #tpu.memory_space<hbm>>
        tpu.enqueue_dma source(%dma_start3A_423 : memref<1024xf32, #tpu.memory_space<hbm>>) target(%dma_start3A_422 : memref<1024xf32, #tpu.memory_space<vmem>>) target_semaphore(%arg16 : memref<!tpu.dma_semaphore, #tpu.memory_space<semaphore_mem>>)
      } else {
      }
      %lt3A_353 = arith.constant 392 : i32
      %lt3A_354 = arith.cmpi slt, %scan3A_289, %lt3A_353 : i32
      %convert_element_type3A_355 = arith.extui %lt3A_354 : i1 to i32
      %cond3A_356 = arith.constant 0 : i32
      %cond3A_357 = arith.cmpi ne, %convert_element_type3A_355, %cond3A_356 : i32
      scf.if %cond3A_357 {
        %ge3A_365 = arith.constant 5 : i32
        %ge3A_366 = arith.cmpi sge, %scan3A_289, %ge3A_365 : i32
        %convert_element_type3A_367 = arith.extui %ge3A_366 : i1 to i32
        %cond3A_368 = arith.constant 0 : i32
        %cond3A_369 = arith.cmpi ne, %convert_element_type3A_367, %cond3A_368 : i32
        scf.if %cond3A_369 {
          %jit3A_455 = arith.constant 5 : i32
          %eq3A_456 = arith.constant 0 : i32
          %eq3A_457 = arith.cmpi eq, %jit3A_455, %eq3A_456 : i32
          %jit3A_458 = arith.constant 1 : i32
          %select_n3A_459 = arith.select %eq3A_457, %jit3A_458, %jit3A_455 : i32
          %rem3A_460 = arith.remsi %scan3A_289, %select_n3A_459 : i32
          %ne3A_461 = arith.constant 0 : i32
          %ne3A_462 = arith.cmpi ne, %rem3A_460, %ne3A_461 : i32
          %lt3A_463 = arith.constant 0 : i32
          %lt3A_464 = arith.cmpi slt, %rem3A_460, %lt3A_463 : i32
          %lt3A_465 = arith.constant 0 : i32
          %lt3A_466 = arith.cmpi slt, %select_n3A_459, %lt3A_465 : i32
          %ne3A_467 = arith.xori %lt3A_464, %lt3A_466 : i1
          %and3A_468 = arith.andi %ne3A_467, %ne3A_462 : i1
          %add3A_469 = arith.addi %rem3A_460, %select_n3A_459 : i32
          %select_n3A_470 = arith.select %and3A_468, %add3A_469, %rem3A_460 : i32
          %mul3A_471 = arith.constant 128 : i32
          %mul3A_472 = arith.muli %select_n3A_470, %mul3A_471 : i32
          %dma_wait3A_473 = arith.constant 0 : i32
          %dma_wait3A_474 = tpu.memref_slice %arg14[%mul3A_472, %dma_wait3A_473] : memref<640x32xf32, #tpu.memory_space<vmem>> -> memref<128x32xf32, #tpu.memory_space<vmem>>
          %dma_wait3A_475 = arith.constant 0 : i32
          %dma_wait3A_476 = arith.constant 0 : i32
          %dma_wait3A_477 = tpu.memref_slice %arg15[%dma_wait3A_475, %dma_wait3A_476] : memref<50048x32xf32, #tpu.memory_space<vmem_shared>> -> memref<128x32xf32, #tpu.memory_space<vmem_shared>>
          %dma_wait3A_478 = arith.constant 0 : i32
          %dma_wait3A_479 = arith.constant 0 : i32
          %dma_wait3A_480 = tpu.memref_slice %arg15[%dma_wait3A_478, %dma_wait3A_479] : memref<50048x32xf32, #tpu.memory_space<vmem_shared>> -> memref<128x32xf32, #tpu.memory_space<vmem_shared>>
          %dma_wait3A_481 = arith.constant 0 : i32
          %dma_wait3A_482 = tpu.memref_slice %arg14[%mul3A_472, %dma_wait3A_481] : memref<640x32xf32, #tpu.memory_space<vmem>> -> memref<128x32xf32, #tpu.memory_space<vmem>>
          tpu.wait_dma2 semaphore(%arg18 : memref<!tpu.dma_semaphore, #tpu.memory_space<semaphore_mem>>) src(%dma_wait3A_482 : memref<128x32xf32, #tpu.memory_space<vmem>>) dst(%dma_wait3A_480 : memref<128x32xf32, #tpu.memory_space<vmem_shared>>)
        } else {
        }
        %jit3A_370 = arith.constant 8 : i32
        %div3A_371 = arith.divsi %scan3A_289, %jit3A_370 : i32
        %sign3A_372 = arith.constant 0 : i32
        %sign3A_373 = arith.cmpi sgt, %scan3A_289, %sign3A_372 : i32
        %sign3A_374 = arith.extui %sign3A_373 : i1 to i32
        %sign3A_375 = arith.constant 0 : i32
        %sign3A_376 = arith.cmpi slt, %scan3A_289, %sign3A_375 : i32
        %sign3A_377 = arith.extui %sign3A_376 : i1 to i32
        %sign3A_378 = arith.subi %sign3A_374, %sign3A_377 : i32
        %sign3A_379 = arith.constant 0 : i32
        %sign3A_380 = arith.cmpi sgt, %jit3A_370, %sign3A_379 : i32
        %sign3A_381 = arith.extui %sign3A_380 : i1 to i32
        %sign3A_382 = arith.constant 0 : i32
        %sign3A_383 = arith.cmpi slt, %jit3A_370, %sign3A_382 : i32
        %sign3A_384 = arith.extui %sign3A_383 : i1 to i32
        %sign3A_385 = arith.subi %sign3A_381, %sign3A_384 : i32
        %ne3A_386 = arith.cmpi ne, %sign3A_378, %sign3A_385 : i32
        %rem3A_387 = arith.remsi %scan3A_289, %jit3A_370 : i32
        %ne3A_388 = arith.constant 0 : i32
        %ne3A_389 = arith.cmpi ne, %rem3A_387, %ne3A_388 : i32
        %and3A_390 = arith.andi %ne3A_386, %ne3A_389 : i1
        %sub3A_391 = arith.constant 1 : i32
        %sub3A_392 = arith.subi %div3A_371, %sub3A_391 : i32
        %select_n3A_393 = arith.select %and3A_390, %sub3A_392, %div3A_371 : i32
        %jit3A_394 = arith.constant 2 : i32
        %eq3A_395 = arith.constant 0 : i32
        %eq3A_396 = arith.cmpi eq, %jit3A_394, %eq3A_395 : i32
        %jit3A_397 = arith.constant 1 : i32
        %select_n3A_398 = arith.select %eq3A_396, %jit3A_397, %jit3A_394 : i32
        %rem3A_399 = arith.remsi %select_n3A_393, %select_n3A_398 : i32
        %ne3A_400 = arith.constant 0 : i32
        %ne3A_401 = arith.cmpi ne, %rem3A_399, %ne3A_400 : i32
        %lt3A_402 = arith.constant 0 : i32
        %lt3A_403 = arith.cmpi slt, %rem3A_399, %lt3A_402 : i32
        %lt3A_404 = arith.constant 0 : i32
        %lt3A_405 = arith.cmpi slt, %select_n3A_398, %lt3A_404 : i32
        %ne3A_406 = arith.xori %lt3A_403, %lt3A_405 : i1
        %and3A_407 = arith.andi %ne3A_406, %ne3A_401 : i1
        %add3A_408 = arith.addi %rem3A_399, %select_n3A_398 : i32
        %select_n3A_409 = arith.select %and3A_407, %add3A_408, %rem3A_399 : i32
        %mul3A_410 = arith.constant 1024 : i32
        %mul3A_411 = arith.muli %select_n3A_409, %mul3A_410 : i32
        %jit3A_412 = arith.constant 8 : i32
        %eq3A_413 = arith.constant 0 : i32
        %eq3A_414 = arith.cmpi eq, %jit3A_412, %eq3A_413 : i32
        %jit3A_415 = arith.constant 1 : i32
        %select_n3A_416 = arith.select %eq3A_414, %jit3A_415, %jit3A_412 : i32
        %rem3A_417 = arith.remsi %scan3A_289, %select_n3A_416 : i32
        %ne3A_418 = arith.constant 0 : i32
        %ne3A_419 = arith.cmpi ne, %rem3A_417, %ne3A_418 : i32
        %lt3A_420 = arith.constant 0 : i32
        %lt3A_421 = arith.cmpi slt, %rem3A_417, %lt3A_420 : i32
        %lt3A_422 = arith.constant 0 : i32
        %lt3A_423 = arith.cmpi slt, %select_n3A_416, %lt3A_422 : i32
        %ne3A_424 = arith.xori %lt3A_421, %lt3A_423 : i1
        %and3A_425 = arith.andi %ne3A_424, %ne3A_419 : i1
        %add3A_426 = arith.addi %rem3A_417, %select_n3A_416 : i32
        %select_n3A_427 = arith.select %and3A_425, %add3A_426, %rem3A_417 : i32
        %mul3A_428 = arith.constant 128 : i32
        %mul3A_429 = arith.muli %select_n3A_427, %mul3A_428 : i32
        %add3A_430 = arith.addi %mul3A_411, %mul3A_429 : i32
        %jit3A_431 = arith.constant 5 : i32
        %eq3A_432 = arith.constant 0 : i32
        %eq3A_433 = arith.cmpi eq, %jit3A_431, %eq3A_432 : i32
        %jit3A_434 = arith.constant 1 : i32
        %select_n3A_435 = arith.select %eq3A_433, %jit3A_434, %jit3A_431 : i32
        %rem3A_436 = arith.remsi %scan3A_289, %select_n3A_435 : i32
        %ne3A_437 = arith.constant 0 : i32
        %ne3A_438 = arith.cmpi ne, %rem3A_436, %ne3A_437 : i32
        %lt3A_439 = arith.constant 0 : i32
        %lt3A_440 = arith.cmpi slt, %rem3A_436, %lt3A_439 : i32
        %lt3A_441 = arith.constant 0 : i32
        %lt3A_442 = arith.cmpi slt, %select_n3A_435, %lt3A_441 : i32
        %ne3A_443 = arith.xori %lt3A_440, %lt3A_442 : i1
        %and3A_444 = arith.andi %ne3A_443, %ne3A_438 : i1
        %add3A_445 = arith.addi %rem3A_436, %select_n3A_435 : i32
        %select_n3A_446 = arith.select %and3A_444, %add3A_445, %rem3A_436 : i32
        %mul3A_447 = arith.constant 128 : i32
        %mul3A_448 = arith.muli %select_n3A_446, %mul3A_447 : i32
        %dma_start3A_449 = arith.constant 0 : i32
        %dma_start3A_450 = tpu.memref_slice %arg14[%mul3A_448, %dma_start3A_449] : memref<640x32xf32, #tpu.memory_space<vmem>> -> memref<128x32xf32, #tpu.memory_space<vmem>>
        %dma_start3A_451 = tpu.memref_slice %arg10[%add3A_430] : memref<2048xi32, #tpu.memory_space<vmem>> -> memref<128xi32, #tpu.memory_space<vmem>>
        %dma_start3A_452 = arith.constant 0 : i32
        %dma_start3A_453 = arith.constant 0 : i32
        %dma_start3A_454 = tpu.memref_slice %arg8[%dma_start3A_452, %dma_start3A_453] : memref<100096x32xf32, #tpu.memory_space<hbm>> -> memref<100096x32xf32, #tpu.memory_space<hbm>>
        tpu.enqueue_indirect_dma source(%dma_start3A_454 : memref<100096x32xf32, #tpu.memory_space<hbm>>) target(%dma_start3A_450 : memref<128x32xf32, #tpu.memory_space<vmem>>) offsets(%dma_start3A_451 : memref<128xi32, #tpu.memory_space<vmem>>) semaphore(%arg17 : memref<!tpu.dma_semaphore, #tpu.memory_space<semaphore_mem>>)
      } else {
      }
      %sub3A_358 = arith.constant 3 : i32
      %sub3A_359 = arith.subi %scan3A_289, %sub3A_358 : i32
      %ge3A = arith.constant 3 : i32
      %ge3A_360 = arith.cmpi sge, %scan3A_289, %ge3A : i32
      %convert_element_type3A_361 = arith.extui %ge3A_360 : i1 to i32
      %cond3A_362 = arith.constant 0 : i32
      %cond3A_363 = arith.cmpi ne, %convert_element_type3A_361, %cond3A_362 : i32
      scf.if %cond3A_363 {
        %jit3A_365 = arith.constant 5 : i32
        %eq3A_366 = arith.constant 0 : i32
        %eq3A_367 = arith.cmpi eq, %jit3A_365, %eq3A_366 : i32
        %jit3A_368 = arith.constant 1 : i32
        %select_n3A_369 = arith.select %eq3A_367, %jit3A_368, %jit3A_365 : i32
        %rem3A_370 = arith.remsi %sub3A_359, %select_n3A_369 : i32
        %ne3A_371 = arith.constant 0 : i32
        %ne3A_372 = arith.cmpi ne, %rem3A_370, %ne3A_371 : i32
        %lt3A_373 = arith.constant 0 : i32
        %lt3A_374 = arith.cmpi slt, %rem3A_370, %lt3A_373 : i32
        %lt3A_375 = arith.constant 0 : i32
        %lt3A_376 = arith.cmpi slt, %select_n3A_369, %lt3A_375 : i32
        %ne3A_377 = arith.xori %lt3A_374, %lt3A_376 : i1
        %and3A_378 = arith.andi %ne3A_377, %ne3A_372 : i1
        %add3A_379 = arith.addi %rem3A_370, %select_n3A_369 : i32
        %select_n3A_380 = arith.select %and3A_378, %add3A_379, %rem3A_370 : i32
        %mul3A_381 = arith.constant 128 : i32
        %mul3A_382 = arith.muli %select_n3A_380, %mul3A_381 : i32
        %dma_wait3A_383 = arith.constant 0 : i32
        %dma_wait3A_384 = tpu.memref_slice %arg14[%mul3A_382, %dma_wait3A_383] : memref<640x32xf32, #tpu.memory_space<vmem>> -> memref<128x32xf32, #tpu.memory_space<vmem>>
        %dma_wait3A_385 = arith.constant 0 : i32
        %dma_wait3A_386 = arith.constant 0 : i32
        %dma_wait3A_387 = tpu.memref_slice %arg8[%dma_wait3A_385, %dma_wait3A_386] : memref<100096x32xf32, #tpu.memory_space<hbm>> -> memref<128x32xf32, #tpu.memory_space<hbm>>
        %dma_wait3A_388 = arith.constant 0 : i32
        %dma_wait3A_389 = tpu.memref_slice %arg14[%mul3A_382, %dma_wait3A_388] : memref<640x32xf32, #tpu.memory_space<vmem>> -> memref<128x32xf32, #tpu.memory_space<vmem>>
        %dma_wait3A_390 = arith.constant 0 : i32
        %dma_wait3A_391 = arith.constant 0 : i32
        %dma_wait3A_392 = tpu.memref_slice %arg8[%dma_wait3A_390, %dma_wait3A_391] : memref<100096x32xf32, #tpu.memory_space<hbm>> -> memref<128x32xf32, #tpu.memory_space<hbm>>
        tpu.wait_dma2 semaphore(%arg17 : memref<!tpu.dma_semaphore, #tpu.memory_space<semaphore_mem>>) src(%dma_wait3A_392 : memref<128x32xf32, #tpu.memory_space<hbm>>) dst(%dma_wait3A_389 : memref<128x32xf32, #tpu.memory_space<vmem>>)
        %jit3A_393 = arith.constant 8 : i32
        %div3A_394 = arith.divsi %sub3A_359, %jit3A_393 : i32
        %sign3A_395 = arith.constant 0 : i32
        %sign3A_396 = arith.cmpi sgt, %sub3A_359, %sign3A_395 : i32
        %sign3A_397 = arith.extui %sign3A_396 : i1 to i32
        %sign3A_398 = arith.constant 0 : i32
        %sign3A_399 = arith.cmpi slt, %sub3A_359, %sign3A_398 : i32
        %sign3A_400 = arith.extui %sign3A_399 : i1 to i32
        %sign3A_401 = arith.subi %sign3A_397, %sign3A_400 : i32
        %sign3A_402 = arith.constant 0 : i32
        %sign3A_403 = arith.cmpi sgt, %jit3A_393, %sign3A_402 : i32
        %sign3A_404 = arith.extui %sign3A_403 : i1 to i32
        %sign3A_405 = arith.constant 0 : i32
        %sign3A_406 = arith.cmpi slt, %jit3A_393, %sign3A_405 : i32
        %sign3A_407 = arith.extui %sign3A_406 : i1 to i32
        %sign3A_408 = arith.subi %sign3A_404, %sign3A_407 : i32
        %ne3A_409 = arith.cmpi ne, %sign3A_401, %sign3A_408 : i32
        %rem3A_410 = arith.remsi %sub3A_359, %jit3A_393 : i32
        %ne3A_411 = arith.constant 0 : i32
        %ne3A_412 = arith.cmpi ne, %rem3A_410, %ne3A_411 : i32
        %and3A_413 = arith.andi %ne3A_409, %ne3A_412 : i1
        %sub3A_414 = arith.constant 1 : i32
        %sub3A_415 = arith.subi %div3A_394, %sub3A_414 : i32
        %select_n3A_416 = arith.select %and3A_413, %sub3A_415, %div3A_394 : i32
        %jit3A_417 = arith.constant 2 : i32
        %eq3A_418 = arith.constant 0 : i32
        %eq3A_419 = arith.cmpi eq, %jit3A_417, %eq3A_418 : i32
        %jit3A_420 = arith.constant 1 : i32
        %select_n3A_421 = arith.select %eq3A_419, %jit3A_420, %jit3A_417 : i32
        %rem3A_422 = arith.remsi %select_n3A_416, %select_n3A_421 : i32
        %ne3A_423 = arith.constant 0 : i32
        %ne3A_424 = arith.cmpi ne, %rem3A_422, %ne3A_423 : i32
        %lt3A_425 = arith.constant 0 : i32
        %lt3A_426 = arith.cmpi slt, %rem3A_422, %lt3A_425 : i32
        %lt3A_427 = arith.constant 0 : i32
        %lt3A_428 = arith.cmpi slt, %select_n3A_421, %lt3A_427 : i32
        %ne3A_429 = arith.xori %lt3A_426, %lt3A_428 : i1
        %and3A_430 = arith.andi %ne3A_429, %ne3A_424 : i1
        %add3A_431 = arith.addi %rem3A_422, %select_n3A_421 : i32
        %select_n3A_432 = arith.select %and3A_430, %add3A_431, %rem3A_422 : i32
        %mul3A_433 = arith.constant 1024 : i32
        %mul3A_434 = arith.muli %select_n3A_432, %mul3A_433 : i32
        %jit3A_435 = arith.constant 8 : i32
        %eq3A_436 = arith.constant 0 : i32
        %eq3A_437 = arith.cmpi eq, %jit3A_435, %eq3A_436 : i32
        %jit3A_438 = arith.constant 1 : i32
        %select_n3A_439 = arith.select %eq3A_437, %jit3A_438, %jit3A_435 : i32
        %rem3A_440 = arith.remsi %sub3A_359, %select_n3A_439 : i32
        %ne3A_441 = arith.constant 0 : i32
        %ne3A_442 = arith.cmpi ne, %rem3A_440, %ne3A_441 : i32
        %lt3A_443 = arith.constant 0 : i32
        %lt3A_444 = arith.cmpi slt, %rem3A_440, %lt3A_443 : i32
        %lt3A_445 = arith.constant 0 : i32
        %lt3A_446 = arith.cmpi slt, %select_n3A_439, %lt3A_445 : i32
        %ne3A_447 = arith.xori %lt3A_444, %lt3A_446 : i1
        %and3A_448 = arith.andi %ne3A_447, %ne3A_442 : i1
        %add3A_449 = arith.addi %rem3A_440, %select_n3A_439 : i32
        %select_n3A_450 = arith.select %and3A_448, %add3A_449, %rem3A_440 : i32
        %mul3A_451 = arith.constant 128 : i32
        %mul3A_452 = arith.muli %select_n3A_450, %mul3A_451 : i32
        %add3A_453 = arith.addi %mul3A_434, %mul3A_452 : i32
        %jit3A_454 = arith.constant 5 : i32
        %eq3A_455 = arith.constant 0 : i32
        %eq3A_456 = arith.cmpi eq, %jit3A_454, %eq3A_455 : i32
        %jit3A_457 = arith.constant 1 : i32
        %select_n3A_458 = arith.select %eq3A_456, %jit3A_457, %jit3A_454 : i32
        %rem3A_459 = arith.remsi %sub3A_359, %select_n3A_458 : i32
        %ne3A_460 = arith.constant 0 : i32
        %ne3A_461 = arith.cmpi ne, %rem3A_459, %ne3A_460 : i32
        %lt3A_462 = arith.constant 0 : i32
        %lt3A_463 = arith.cmpi slt, %rem3A_459, %lt3A_462 : i32
        %lt3A_464 = arith.constant 0 : i32
        %lt3A_465 = arith.cmpi slt, %select_n3A_458, %lt3A_464 : i32
        %ne3A_466 = arith.xori %lt3A_463, %lt3A_465 : i1
        %and3A_467 = arith.andi %ne3A_466, %ne3A_461 : i1
        %add3A_468 = arith.addi %rem3A_459, %select_n3A_458 : i32
        %select_n3A_469 = arith.select %and3A_467, %add3A_468, %rem3A_459 : i32
        %mul3A_470 = arith.constant 128 : i32
        %mul3A_471 = arith.muli %select_n3A_469, %mul3A_470 : i32
        %scan3A_472 = arith.constant 0 : i32
        %scan3A_473 = arith.constant 0 : i32
        %scan3A_474 = arith.constant 8 : i32
        %scan3A_475 = arith.addi %scan3A_473, %scan3A_474 : i32
        %scan3A_476 = arith.constant 1 : i32
        %scan3A_477 = scf.for %scan3A_485 = %scan3A_473 to %scan3A_475 step %scan3A_476 iter_args(%scan3A_486 = %scan3A_472) -> (i32)  : i32 {
          %mul3A_487 = arith.constant 16 : i32
          %mul3A_488 = arith.muli %scan3A_485, %mul3A_487 : i32
          %add3A_489 = arith.addi %add3A_453, %mul3A_488 : i32
          %get3A = arith.index_cast %add3A_489 : i32 to index
          %get3A_490 = tpu.vector_load %arg12[%get3A] {strides = array<i32>} : memref<2048xf32, #tpu.memory_space<vmem>>, vector<16xf32>,
          %get3A_491 = vector.shape_cast %get3A_490 : vector<16xf32> to vector<16xf32>
          %get3A_492 = arith.index_cast %add3A_489 : i32 to index
          %get3A_493 = tpu.vector_load %arg11[%get3A_492] {strides = array<i32>} : memref<2048xi32, #tpu.memory_space<vmem>>, vector<16xi32>,
          %get3A_494 = vector.shape_cast %get3A_493 : vector<16xi32> to vector<16xi32>
          %mul3A_495 = arith.constant 16 : i32
          %mul3A_496 = arith.muli %scan3A_485, %mul3A_495 : i32
          %add3A_497 = arith.addi %mul3A_471, %mul3A_496 : i32
          %swap3A = arith.index_cast %add3A_497 : i32 to index
          %swap3A_498 = tpu.vector_load %arg13[%swap3A] {strides = array<i32>} : memref<640xi32, #tpu.memory_space<vmem>>, vector<16xi32>,
          %swap3A_499 = vector.shape_cast %swap3A_498 : vector<16xi32> to vector<16xi32>
          %swap3A_500 = vector.shape_cast %get3A_494 : vector<16xi32> to vector<16xi32>
          tpu.vector_store %arg13[%swap3A], %swap3A_500 {strides = array<i32>} : memref<640xi32, #tpu.memory_space<vmem>>, vector<16xi32>,
          %broadcast_in_dim3A = arith.constant 0 : i32
          %broadcast_in_dim3A_501 = vector.broadcast %broadcast_in_dim3A : i32 to vector<16x1xi32>
          %gather3A = vector.shape_cast %broadcast_in_dim3A_501 : vector<16x1xi32> to vector<16xi32>
          %gather3A_502 = tpu.dynamic_gather %get3A_491[%gather3A] in [0] : vector<16xf32>, vector<16xi32> -> vector<16xf32>
          %mul3A_503 = arith.constant 16 : i32
          %mul3A_504 = arith.muli %scan3A_485, %mul3A_503 : i32
          %add3A_505 = arith.addi %mul3A_471, %mul3A_504 : i32
          %add3A_506 = arith.constant 0 : i32
          %add3A_507 = arith.addi %add3A_505, %add3A_506 : i32
          %get3A_508 = arith.index_cast %add3A_507 : i32 to index
          %get3A_509 = arith.constant 0 : index
          %get3A_510 = tpu.vector_load %arg14[%get3A_508, %get3A_509] {strides = array<i32>} : memref<640x32xf32, #tpu.memory_space<vmem>>, vector<1x16xf32>,
          %get3A_511 = vector.shape_cast %get3A_510 : vector<1x16xf32> to vector<16xf32>
          %mul3A_512 = arith.mulf %get3A_511, %gather3A_502 : vector<16xf32>
          %swap3A_513 = arith.index_cast %add3A_507 : i32 to index
          %swap3A_514 = arith.constant 0 : index
          %swap3A_515 = tpu.vector_load %arg14[%swap3A_513, %swap3A_514] {strides = array<i32>} : memref<640x32xf32, #tpu.memory_space<vmem>>, vector<1x16xf32>,
          %swap3A_516 = vector.shape_cast %swap3A_515 : vector<1x16xf32> to vector<16xf32>
          %swap3A_517 = vector.shape_cast %mul3A_512 : vector<16xf32> to vector<1x16xf32>
          tpu.vector_store %arg14[%swap3A_513, %swap3A_514], %swap3A_517 {strides = array<i32>} : memref<640x32xf32, #tpu.memory_space<vmem>>, vector<1x16xf32>,
          %get3A_518 = arith.index_cast %add3A_507 : i32 to index
          %get3A_519 = arith.constant 16 : index
          %get3A_520 = tpu.vector_load %arg14[%get3A_518, %get3A_519] {strides = array<i32>} : memref<640x32xf32, #tpu.memory_space<vmem>>, vector<1x16xf32>,
          %get3A_521 = vector.shape_cast %get3A_520 : vector<1x16xf32> to vector<16xf32>
          %mul3A_522 = arith.mulf %get3A_521, %gather3A_502 : vector<16xf32>
          %swap3A_523 = arith.index_cast %add3A_507 : i32 to index
          %swap3A_524 = arith.constant 16 : index
          %swap3A_525 = tpu.vector_load %arg14[%swap3A_523, %swap3A_524] {strides = array<i32>} : memref<640x32xf32, #tpu.memory_space<vmem>>, vector<1x16xf32>,
          %swap3A_526 = vector.shape_cast %swap3A_525 : vector<1x16xf32> to vector<16xf32>
          %swap3A_527 = vector.shape_cast %mul3A_522 : vector<16xf32> to vector<1x16xf32>
          tpu.vector_store %arg14[%swap3A_523, %swap3A_524], %swap3A_527 {strides = array<i32>} : memref<640x32xf32, #tpu.memory_space<vmem>>, vector<1x16xf32>,
          %broadcast_in_dim3A_528 = arith.constant 1 : i32
          %broadcast_in_dim3A_529 = vector.broadcast %broadcast_in_dim3A_528 : i32 to vector<16x1xi32>
          %gather3A_530 = vector.shape_cast %broadcast_in_dim3A_529 : vector<16x1xi32> to vector<16xi32>
          %gather3A_531 = tpu.dynamic_gather %get3A_491[%gather3A_530] in [0] : vector<16xf32>, vector<16xi32> -> vector<16xf32>
          %mul3A_532 = arith.constant 16 : i32
          %mul3A_533 = arith.muli %scan3A_485, %mul3A_532 : i32
          %add3A_534 = arith.addi %mul3A_471, %mul3A_533 : i32
          %add3A_535 = arith.constant 1 : i32
          %add3A_536 = arith.addi %add3A_534, %add3A_535 : i32
          %get3A_537 = arith.index_cast %add3A_536 : i32 to index
          %get3A_538 = arith.constant 0 : index
          %get3A_539 = tpu.vector_load %arg14[%get3A_537, %get3A_538] {strides = array<i32>} : memref<640x32xf32, #tpu.memory_space<vmem>>, vector<1x16xf32>,
          %get3A_540 = vector.shape_cast %get3A_539 : vector<1x16xf32> to vector<16xf32>
          %mul3A_541 = arith.mulf %get3A_540, %gather3A_531 : vector<16xf32>
          %swap3A_542 = arith.index_cast %add3A_536 : i32 to index
          %swap3A_543 = arith.constant 0 : index
          %swap3A_544 = tpu.vector_load %arg14[%swap3A_542, %swap3A_543] {strides = array<i32>} : memref<640x32xf32, #tpu.memory_space<vmem>>, vector<1x16xf32>,
          %swap3A_545 = vector.shape_cast %swap3A_544 : vector<1x16xf32> to vector<16xf32>
          %swap3A_546 = vector.shape_cast %mul3A_541 : vector<16xf32> to vector<1x16xf32>
          tpu.vector_store %arg14[%swap3A_542, %swap3A_543], %swap3A_546 {strides = array<i32>} : memref<640x32xf32, #tpu.memory_space<vmem>>, vector<1x16xf32>,
          %get3A_547 = arith.index_cast %add3A_536 : i32 to index
          %get3A_548 = arith.constant 16 : index
          %get3A_549 = tpu.vector_load %arg14[%get3A_547, %get3A_548] {strides = array<i32>} : memref<640x32xf32, #tpu.memory_space<vmem>>, vector<1x16xf32>,
          %get3A_550 = vector.shape_cast %get3A_549 : vector<1x16xf32> to vector<16xf32>
          %mul3A_551 = arith.mulf %get3A_550, %gather3A_531 : vector<16xf32>
          %swap3A_552 = arith.index_cast %add3A_536 : i32 to index
          %swap3A_553 = arith.constant 16 : index
          %swap3A_554 = tpu.vector_load %arg14[%swap3A_552, %swap3A_553] {strides = array<i32>} : memref<640x32xf32, #tpu.memory_space<vmem>>, vector<1x16xf32>,
          %swap3A_555 = vector.shape_cast %swap3A_554 : vector<1x16xf32> to vector<16xf32>
          %swap3A_556 = vector.shape_cast %mul3A_551 : vector<16xf32> to vector<1x16xf32>
          tpu.vector_store %arg14[%swap3A_552, %swap3A_553], %swap3A_556 {strides = array<i32>} : memref<640x32xf32, #tpu.memory_space<vmem>>, vector<1x16xf32>,
          %broadcast_in_dim3A_557 = arith.constant 2 : i32
          %broadcast_in_dim3A_558 = vector.broadcast %broadcast_in_dim3A_557 : i32 to vector<16x1xi32>
          %gather3A_559 = vector.shape_cast %broadcast_in_dim3A_558 : vector<16x1xi32> to vector<16xi32>
          %gather3A_560 = tpu.dynamic_gather %get3A_491[%gather3A_559] in [0] : vector<16xf32>, vector<16xi32> -> vector<16xf32>
          %mul3A_561 = arith.constant 16 : i32
          %mul3A_562 = arith.muli %scan3A_485, %mul3A_561 : i32
          %add3A_563 = arith.addi %mul3A_471, %mul3A_562 : i32
          %add3A_564 = arith.constant 2 : i32
          %add3A_565 = arith.addi %add3A_563, %add3A_564 : i32
          %get3A_566 = arith.index_cast %add3A_565 : i32 to index
          %get3A_567 = arith.constant 0 : index
          %get3A_568 = tpu.vector_load %arg14[%get3A_566, %get3A_567] {strides = array<i32>} : memref<640x32xf32, #tpu.memory_space<vmem>>, vector<1x16xf32>,
          %get3A_569 = vector.shape_cast %get3A_568 : vector<1x16xf32> to vector<16xf32>
          %mul3A_570 = arith.mulf %get3A_569, %gather3A_560 : vector<16xf32>
          %swap3A_571 = arith.index_cast %add3A_565 : i32 to index
          %swap3A_572 = arith.constant 0 : index
          %swap3A_573 = tpu.vector_load %arg14[%swap3A_571, %swap3A_572] {strides = array<i32>} : memref<640x32xf32, #tpu.memory_space<vmem>>, vector<1x16xf32>,
          %swap3A_574 = vector.shape_cast %swap3A_573 : vector<1x16xf32> to vector<16xf32>
          %swap3A_575 = vector.shape_cast %mul3A_570 : vector<16xf32> to vector<1x16xf32>
          tpu.vector_store %arg14[%swap3A_571, %swap3A_572], %swap3A_575 {strides = array<i32>} : memref<640x32xf32, #tpu.memory_space<vmem>>, vector<1x16xf32>,
          %get3A_576 = arith.index_cast %add3A_565 : i32 to index
          %get3A_577 = arith.constant 16 : index
          %get3A_578 = tpu.vector_load %arg14[%get3A_576, %get3A_577] {strides = array<i32>} : memref<640x32xf32, #tpu.memory_space<vmem>>, vector<1x16xf32>,
          %get3A_579 = vector.shape_cast %get3A_578 : vector<1x16xf32> to vector<16xf32>
          %mul3A_580 = arith.mulf %get3A_579, %gather3A_560 : vector<16xf32>
          %swap3A_581 = arith.index_cast %add3A_565 : i32 to index
          %swap3A_582 = arith.constant 16 : index
          %swap3A_583 = tpu.vector_load %arg14[%swap3A_581, %swap3A_582] {strides = array<i32>} : memref<640x32xf32, #tpu.memory_space<vmem>>, vector<1x16xf32>,
          %swap3A_584 = vector.shape_cast %swap3A_583 : vector<1x16xf32> to vector<16xf32>
          %swap3A_585 = vector.shape_cast %mul3A_580 : vector<16xf32> to vector<1x16xf32>
          tpu.vector_store %arg14[%swap3A_581, %swap3A_582], %swap3A_585 {strides = array<i32>} : memref<640x32xf32, #tpu.memory_space<vmem>>, vector<1x16xf32>,
          %broadcast_in_dim3A_586 = arith.constant 3 : i32
          %broadcast_in_dim3A_587 = vector.broadcast %broadcast_in_dim3A_586 : i32 to vector<16x1xi32>
          %gather3A_588 = vector.shape_cast %broadcast_in_dim3A_587 : vector<16x1xi32> to vector<16xi32>
          %gather3A_589 = tpu.dynamic_gather %get3A_491[%gather3A_588] in [0] : vector<16xf32>, vector<16xi32> -> vector<16xf32>
          %mul3A_590 = arith.constant 16 : i32
          %mul3A_591 = arith.muli %scan3A_485, %mul3A_590 : i32
          %add3A_592 = arith.addi %mul3A_471, %mul3A_591 : i32
          %add3A_593 = arith.constant 3 : i32
          %add3A_594 = arith.addi %add3A_592, %add3A_593 : i32
          %get3A_595 = arith.index_cast %add3A_594 : i32 to index
          %get3A_596 = arith.constant 0 : index
          %get3A_597 = tpu.vector_load %arg14[%get3A_595, %get3A_596] {strides = array<i32>} : memref<640x32xf32, #tpu.memory_space<vmem>>, vector<1x16xf32>,
          %get3A_598 = vector.shape_cast %get3A_597 : vector<1x16xf32> to vector<16xf32>
          %mul3A_599 = arith.mulf %get3A_598, %gather3A_589 : vector<16xf32>
          %swap3A_600 = arith.index_cast %add3A_594 : i32 to index
          %swap3A_601 = arith.constant 0 : index
          %swap3A_602 = tpu.vector_load %arg14[%swap3A_600, %swap3A_601] {strides = array<i32>} : memref<640x32xf32, #tpu.memory_space<vmem>>, vector<1x16xf32>,
          %swap3A_603 = vector.shape_cast %swap3A_602 : vector<1x16xf32> to vector<16xf32>
          %swap3A_604 = vector.shape_cast %mul3A_599 : vector<16xf32> to vector<1x16xf32>
          tpu.vector_store %arg14[%swap3A_600, %swap3A_601], %swap3A_604 {strides = array<i32>} : memref<640x32xf32, #tpu.memory_space<vmem>>, vector<1x16xf32>,
          %get3A_605 = arith.index_cast %add3A_594 : i32 to index
          %get3A_606 = arith.constant 16 : index
          %get3A_607 = tpu.vector_load %arg14[%get3A_605, %get3A_606] {strides = array<i32>} : memref<640x32xf32, #tpu.memory_space<vmem>>, vector<1x16xf32>,
          %get3A_608 = vector.shape_cast %get3A_607 : vector<1x16xf32> to vector<16xf32>
          %mul3A_609 = arith.mulf %get3A_608, %gather3A_589 : vector<16xf32>
          %swap3A_610 = arith.index_cast %add3A_594 : i32 to index
          %swap3A_611 = arith.constant 16 : index
          %swap3A_612 = tpu.vector_load %arg14[%swap3A_610, %swap3A_611] {strides = array<i32>} : memref<640x32xf32, #tpu.memory_space<vmem>>, vector<1x16xf32>,
          %swap3A_613 = vector.shape_cast %swap3A_612 : vector<1x16xf32> to vector<16xf32>
          %swap3A_614 = vector.shape_cast %mul3A_609 : vector<16xf32> to vector<1x16xf32>
          tpu.vector_store %arg14[%swap3A_610, %swap3A_611], %swap3A_614 {strides = array<i32>} : memref<640x32xf32, #tpu.memory_space<vmem>>, vector<1x16xf32>,
          %broadcast_in_dim3A_615 = arith.constant 4 : i32
          %broadcast_in_dim3A_616 = vector.broadcast %broadcast_in_dim3A_615 : i32 to vector<16x1xi32>
          %gather3A_617 = vector.shape_cast %broadcast_in_dim3A_616 : vector<16x1xi32> to vector<16xi32>
          %gather3A_618 = tpu.dynamic_gather %get3A_491[%gather3A_617] in [0] : vector<16xf32>, vector<16xi32> -> vector<16xf32>
          %mul3A_619 = arith.constant 16 : i32
          %mul3A_620 = arith.muli %scan3A_485, %mul3A_619 : i32
          %add3A_621 = arith.addi %mul3A_471, %mul3A_620 : i32
          %add3A_622 = arith.constant 4 : i32
          %add3A_623 = arith.addi %add3A_621, %add3A_622 : i32
          %get3A_624 = arith.index_cast %add3A_623 : i32 to index
          %get3A_625 = arith.constant 0 : index
          %get3A_626 = tpu.vector_load %arg14[%get3A_624, %get3A_625] {strides = array<i32>} : memref<640x32xf32, #tpu.memory_space<vmem>>, vector<1x16xf32>,
          %get3A_627 = vector.shape_cast %get3A_626 : vector<1x16xf32> to vector<16xf32>
          %mul3A_628 = arith.mulf %get3A_627, %gather3A_618 : vector<16xf32>
          %swap3A_629 = arith.index_cast %add3A_623 : i32 to index
          %swap3A_630 = arith.constant 0 : index
          %swap3A_631 = tpu.vector_load %arg14[%swap3A_629, %swap3A_630] {strides = array<i32>} : memref<640x32xf32, #tpu.memory_space<vmem>>, vector<1x16xf32>,
          %swap3A_632 = vector.shape_cast %swap3A_631 : vector<1x16xf32> to vector<16xf32>
          %swap3A_633 = vector.shape_cast %mul3A_628 : vector<16xf32> to vector<1x16xf32>
          tpu.vector_store %arg14[%swap3A_629, %swap3A_630], %swap3A_633 {strides = array<i32>} : memref<640x32xf32, #tpu.memory_space<vmem>>, vector<1x16xf32>,
          %get3A_634 = arith.index_cast %add3A_623 : i32 to index
          %get3A_635 = arith.constant 16 : index
          %get3A_636 = tpu.vector_load %arg14[%get3A_634, %get3A_635] {strides = array<i32>} : memref<640x32xf32, #tpu.memory_space<vmem>>, vector<1x16xf32>,
          %get3A_637 = vector.shape_cast %get3A_636 : vector<1x16xf32> to vector<16xf32>
          %mul3A_638 = arith.mulf %get3A_637, %gather3A_618 : vector<16xf32>
          %swap3A_639 = arith.index_cast %add3A_623 : i32 to index
          %swap3A_640 = arith.constant 16 : index
          %swap3A_641 = tpu.vector_load %arg14[%swap3A_639, %swap3A_640] {strides = array<i32>} : memref<640x32xf32, #tpu.memory_space<vmem>>, vector<1x16xf32>,
          %swap3A_642 = vector.shape_cast %swap3A_641 : vector<1x16xf32> to vector<16xf32>
          %swap3A_643 = vector.shape_cast %mul3A_638 : vector<16xf32> to vector<1x16xf32>
          tpu.vector_store %arg14[%swap3A_639, %swap3A_640], %swap3A_643 {strides = array<i32>} : memref<640x32xf32, #tpu.memory_space<vmem>>, vector<1x16xf32>,
          %broadcast_in_dim3A_644 = arith.constant 5 : i32
          %broadcast_in_dim3A_645 = vector.broadcast %broadcast_in_dim3A_644 : i32 to vector<16x1xi32>
          %gather3A_646 = vector.shape_cast %broadcast_in_dim3A_645 : vector<16x1xi32> to vector<16xi32>
          %gather3A_647 = tpu.dynamic_gather %get3A_491[%gather3A_646] in [0] : vector<16xf32>, vector<16xi32> -> vector<16xf32>
          %mul3A_648 = arith.constant 16 : i32
          %mul3A_649 = arith.muli %scan3A_485, %mul3A_648 : i32
          %add3A_650 = arith.addi %mul3A_471, %mul3A_649 : i32
          %add3A_651 = arith.constant 5 : i32
          %add3A_652 = arith.addi %add3A_650, %add3A_651 : i32
          %get3A_653 = arith.index_cast %add3A_652 : i32 to index
          %get3A_654 = arith.constant 0 : index
          %get3A_655 = tpu.vector_load %arg14[%get3A_653, %get3A_654] {strides = array<i32>} : memref<640x32xf32, #tpu.memory_space<vmem>>, vector<1x16xf32>,
          %get3A_656 = vector.shape_cast %get3A_655 : vector<1x16xf32> to vector<16xf32>
          %mul3A_657 = arith.mulf %get3A_656, %gather3A_647 : vector<16xf32>
          %swap3A_658 = arith.index_cast %add3A_652 : i32 to index
          %swap3A_659 = arith.constant 0 : index
          %swap3A_660 = tpu.vector_load %arg14[%swap3A_658, %swap3A_659] {strides = array<i32>} : memref<640x32xf32, #tpu.memory_space<vmem>>, vector<1x16xf32>,
          %swap3A_661 = vector.shape_cast %swap3A_660 : vector<1x16xf32> to vector<16xf32>
          %swap3A_662 = vector.shape_cast %mul3A_657 : vector<16xf32> to vector<1x16xf32>
          tpu.vector_store %arg14[%swap3A_658, %swap3A_659], %swap3A_662 {strides = array<i32>} : memref<640x32xf32, #tpu.memory_space<vmem>>, vector<1x16xf32>,
          %get3A_663 = arith.index_cast %add3A_652 : i32 to index
          %get3A_664 = arith.constant 16 : index
          %get3A_665 = tpu.vector_load %arg14[%get3A_663, %get3A_664] {strides = array<i32>} : memref<640x32xf32, #tpu.memory_space<vmem>>, vector<1x16xf32>,
          %get3A_666 = vector.shape_cast %get3A_665 : vector<1x16xf32> to vector<16xf32>
          %mul3A_667 = arith.mulf %get3A_666, %gather3A_647 : vector<16xf32>
          %swap3A_668 = arith.index_cast %add3A_652 : i32 to index
          %swap3A_669 = arith.constant 16 : index
          %swap3A_670 = tpu.vector_load %arg14[%swap3A_668, %swap3A_669] {strides = array<i32>} : memref<640x32xf32, #tpu.memory_space<vmem>>, vector<1x16xf32>,
          %swap3A_671 = vector.shape_cast %swap3A_670 : vector<1x16xf32> to vector<16xf32>
          %swap3A_672 = vector.shape_cast %mul3A_667 : vector<16xf32> to vector<1x16xf32>
          tpu.vector_store %arg14[%swap3A_668, %swap3A_669], %swap3A_672 {strides = array<i32>} : memref<640x32xf32, #tpu.memory_space<vmem>>, vector<1x16xf32>,
          %broadcast_in_dim3A_673 = arith.constant 6 : i32
          %broadcast_in_dim3A_674 = vector.broadcast %broadcast_in_dim3A_673 : i32 to vector<16x1xi32>
          %gather3A_675 = vector.shape_cast %broadcast_in_dim3A_674 : vector<16x1xi32> to vector<16xi32>
          %gather3A_676 = tpu.dynamic_gather %get3A_491[%gather3A_675] in [0] : vector<16xf32>, vector<16xi32> -> vector<16xf32>
          %mul3A_677 = arith.constant 16 : i32
          %mul3A_678 = arith.muli %scan3A_485, %mul3A_677 : i32
          %add3A_679 = arith.addi %mul3A_471, %mul3A_678 : i32
          %add3A_680 = arith.constant 6 : i32
          %add3A_681 = arith.addi %add3A_679, %add3A_680 : i32
          %get3A_682 = arith.index_cast %add3A_681 : i32 to index
          %get3A_683 = arith.constant 0 : index
          %get3A_684 = tpu.vector_load %arg14[%get3A_682, %get3A_683] {strides = array<i32>} : memref<640x32xf32, #tpu.memory_space<vmem>>, vector<1x16xf32>,
          %get3A_685 = vector.shape_cast %get3A_684 : vector<1x16xf32> to vector<16xf32>
          %mul3A_686 = arith.mulf %get3A_685, %gather3A_676 : vector<16xf32>
          %swap3A_687 = arith.index_cast %add3A_681 : i32 to index
          %swap3A_688 = arith.constant 0 : index
          %swap3A_689 = tpu.vector_load %arg14[%swap3A_687, %swap3A_688] {strides = array<i32>} : memref<640x32xf32, #tpu.memory_space<vmem>>, vector<1x16xf32>,
          %swap3A_690 = vector.shape_cast %swap3A_689 : vector<1x16xf32> to vector<16xf32>
          %swap3A_691 = vector.shape_cast %mul3A_686 : vector<16xf32> to vector<1x16xf32>
          tpu.vector_store %arg14[%swap3A_687, %swap3A_688], %swap3A_691 {strides = array<i32>} : memref<640x32xf32, #tpu.memory_space<vmem>>, vector<1x16xf32>,
          %get3A_692 = arith.index_cast %add3A_681 : i32 to index
          %get3A_693 = arith.constant 16 : index
          %get3A_694 = tpu.vector_load %arg14[%get3A_692, %get3A_693] {strides = array<i32>} : memref<640x32xf32, #tpu.memory_space<vmem>>, vector<1x16xf32>,
          %get3A_695 = vector.shape_cast %get3A_694 : vector<1x16xf32> to vector<16xf32>
          %mul3A_696 = arith.mulf %get3A_695, %gather3A_676 : vector<16xf32>
          %swap3A_697 = arith.index_cast %add3A_681 : i32 to index
          %swap3A_698 = arith.constant 16 : index
          %swap3A_699 = tpu.vector_load %arg14[%swap3A_697, %swap3A_698] {strides = array<i32>} : memref<640x32xf32, #tpu.memory_space<vmem>>, vector<1x16xf32>,
          %swap3A_700 = vector.shape_cast %swap3A_699 : vector<1x16xf32> to vector<16xf32>
          %swap3A_701 = vector.shape_cast %mul3A_696 : vector<16xf32> to vector<1x16xf32>
          tpu.vector_store %arg14[%swap3A_697, %swap3A_698], %swap3A_701 {strides = array<i32>} : memref<640x32xf32, #tpu.memory_space<vmem>>, vector<1x16xf32>,
          %broadcast_in_dim3A_702 = arith.constant 7 : i32
          %broadcast_in_dim3A_703 = vector.broadcast %broadcast_in_dim3A_702 : i32 to vector<16x1xi32>
          %gather3A_704 = vector.shape_cast %broadcast_in_dim3A_703 : vector<16x1xi32> to vector<16xi32>
          %gather3A_705 = tpu.dynamic_gather %get3A_491[%gather3A_704] in [0] : vector<16xf32>, vector<16xi32> -> vector<16xf32>
          %mul3A_706 = arith.constant 16 : i32
          %mul3A_707 = arith.muli %scan3A_485, %mul3A_706 : i32
          %add3A_708 = arith.addi %mul3A_471, %mul3A_707 : i32
          %add3A_709 = arith.constant 7 : i32
          %add3A_710 = arith.addi %add3A_708, %add3A_709 : i32
          %get3A_711 = arith.index_cast %add3A_710 : i32 to index
          %get3A_712 = arith.constant 0 : index
          %get3A_713 = tpu.vector_load %arg14[%get3A_711, %get3A_712] {strides = array<i32>} : memref<640x32xf32, #tpu.memory_space<vmem>>, vector<1x16xf32>,
          %get3A_714 = vector.shape_cast %get3A_713 : vector<1x16xf32> to vector<16xf32>
          %mul3A_715 = arith.mulf %get3A_714, %gather3A_705 : vector<16xf32>
          %swap3A_716 = arith.index_cast %add3A_710 : i32 to index
          %swap3A_717 = arith.constant 0 : index
          %swap3A_718 = tpu.vector_load %arg14[%swap3A_716, %swap3A_717] {strides = array<i32>} : memref<640x32xf32, #tpu.memory_space<vmem>>, vector<1x16xf32>,
          %swap3A_719 = vector.shape_cast %swap3A_718 : vector<1x16xf32> to vector<16xf32>
          %swap3A_720 = vector.shape_cast %mul3A_715 : vector<16xf32> to vector<1x16xf32>
          tpu.vector_store %arg14[%swap3A_716, %swap3A_717], %swap3A_720 {strides = array<i32>} : memref<640x32xf32, #tpu.memory_space<vmem>>, vector<1x16xf32>,
          %get3A_721 = arith.index_cast %add3A_710 : i32 to index
          %get3A_722 = arith.constant 16 : index
          %get3A_723 = tpu.vector_load %arg14[%get3A_721, %get3A_722] {strides = array<i32>} : memref<640x32xf32, #tpu.memory_space<vmem>>, vector<1x16xf32>,
          %get3A_724 = vector.shape_cast %get3A_723 : vector<1x16xf32> to vector<16xf32>
          %mul3A_725 = arith.mulf %get3A_724, %gather3A_705 : vector<16xf32>
          %swap3A_726 = arith.index_cast %add3A_710 : i32 to index
          %swap3A_727 = arith.constant 16 : index
          %swap3A_728 = tpu.vector_load %arg14[%swap3A_726, %swap3A_727] {strides = array<i32>} : memref<640x32xf32, #tpu.memory_space<vmem>>, vector<1x16xf32>,
          %swap3A_729 = vector.shape_cast %swap3A_728 : vector<1x16xf32> to vector<16xf32>
          %swap3A_730 = vector.shape_cast %mul3A_725 : vector<16xf32> to vector<1x16xf32>
          tpu.vector_store %arg14[%swap3A_726, %swap3A_727], %swap3A_730 {strides = array<i32>} : memref<640x32xf32, #tpu.memory_space<vmem>>, vector<1x16xf32>,
          %broadcast_in_dim3A_731 = arith.constant 8 : i32
          %broadcast_in_dim3A_732 = vector.broadcast %broadcast_in_dim3A_731 : i32 to vector<16x1xi32>
          %gather3A_733 = vector.shape_cast %broadcast_in_dim3A_732 : vector<16x1xi32> to vector<16xi32>
          %gather3A_734 = tpu.dynamic_gather %get3A_491[%gather3A_733] in [0] : vector<16xf32>, vector<16xi32> -> vector<16xf32>
          %mul3A_735 = arith.constant 16 : i32
          %mul3A_736 = arith.muli %scan3A_485, %mul3A_735 : i32
          %add3A_737 = arith.addi %mul3A_471, %mul3A_736 : i32
          %add3A_738 = arith.constant 8 : i32
          %add3A_739 = arith.addi %add3A_737, %add3A_738 : i32
          %get3A_740 = arith.index_cast %add3A_739 : i32 to index
          %get3A_741 = arith.constant 0 : index
          %get3A_742 = tpu.vector_load %arg14[%get3A_740, %get3A_741] {strides = array<i32>} : memref<640x32xf32, #tpu.memory_space<vmem>>, vector<1x16xf32>,
          %get3A_743 = vector.shape_cast %get3A_742 : vector<1x16xf32> to vector<16xf32>
          %mul3A_744 = arith.mulf %get3A_743, %gather3A_734 : vector<16xf32>
          %swap3A_745 = arith.index_cast %add3A_739 : i32 to index
          %swap3A_746 = arith.constant 0 : index
          %swap3A_747 = tpu.vector_load %arg14[%swap3A_745, %swap3A_746] {strides = array<i32>} : memref<640x32xf32, #tpu.memory_space<vmem>>, vector<1x16xf32>,
          %swap3A_748 = vector.shape_cast %swap3A_747 : vector<1x16xf32> to vector<16xf32>
          %swap3A_749 = vector.shape_cast %mul3A_744 : vector<16xf32> to vector<1x16xf32>
          tpu.vector_store %arg14[%swap3A_745, %swap3A_746], %swap3A_749 {strides = array<i32>} : memref<640x32xf32, #tpu.memory_space<vmem>>, vector<1x16xf32>,
          %get3A_750 = arith.index_cast %add3A_739 : i32 to index
          %get3A_751 = arith.constant 16 : index
          %get3A_752 = tpu.vector_load %arg14[%get3A_750, %get3A_751] {strides = array<i32>} : memref<640x32xf32, #tpu.memory_space<vmem>>, vector<1x16xf32>,
          %get3A_753 = vector.shape_cast %get3A_752 : vector<1x16xf32> to vector<16xf32>
          %mul3A_754 = arith.mulf %get3A_753, %gather3A_734 : vector<16xf32>
          %swap3A_755 = arith.index_cast %add3A_739 : i32 to index
          %swap3A_756 = arith.constant 16 : index
          %swap3A_757 = tpu.vector_load %arg14[%swap3A_755, %swap3A_756] {strides = array<i32>} : memref<640x32xf32, #tpu.memory_space<vmem>>, vector<1x16xf32>,
          %swap3A_758 = vector.shape_cast %swap3A_757 : vector<1x16xf32> to vector<16xf32>
          %swap3A_759 = vector.shape_cast %mul3A_754 : vector<16xf32> to vector<1x16xf32>
          tpu.vector_store %arg14[%swap3A_755, %swap3A_756], %swap3A_759 {strides = array<i32>} : memref<640x32xf32, #tpu.memory_space<vmem>>, vector<1x16xf32>,
          %broadcast_in_dim3A_760 = arith.constant 9 : i32
          %broadcast_in_dim3A_761 = vector.broadcast %broadcast_in_dim3A_760 : i32 to vector<16x1xi32>
          %gather3A_762 = vector.shape_cast %broadcast_in_dim3A_761 : vector<16x1xi32> to vector<16xi32>
          %gather3A_763 = tpu.dynamic_gather %get3A_491[%gather3A_762] in [0] : vector<16xf32>, vector<16xi32> -> vector<16xf32>
          %mul3A_764 = arith.constant 16 : i32
          %mul3A_765 = arith.muli %scan3A_485, %mul3A_764 : i32
          %add3A_766 = arith.addi %mul3A_471, %mul3A_765 : i32
          %add3A_767 = arith.constant 9 : i32
          %add3A_768 = arith.addi %add3A_766, %add3A_767 : i32
          %get3A_769 = arith.index_cast %add3A_768 : i32 to index
          %get3A_770 = arith.constant 0 : index
          %get3A_771 = tpu.vector_load %arg14[%get3A_769, %get3A_770] {strides = array<i32>} : memref<640x32xf32, #tpu.memory_space<vmem>>, vector<1x16xf32>,
          %get3A_772 = vector.shape_cast %get3A_771 : vector<1x16xf32> to vector<16xf32>
          %mul3A_773 = arith.mulf %get3A_772, %gather3A_763 : vector<16xf32>
          %swap3A_774 = arith.index_cast %add3A_768 : i32 to index
          %swap3A_775 = arith.constant 0 : index
          %swap3A_776 = tpu.vector_load %arg14[%swap3A_774, %swap3A_775] {strides = array<i32>} : memref<640x32xf32, #tpu.memory_space<vmem>>, vector<1x16xf32>,
          %swap3A_777 = vector.shape_cast %swap3A_776 : vector<1x16xf32> to vector<16xf32>
          %swap3A_778 = vector.shape_cast %mul3A_773 : vector<16xf32> to vector<1x16xf32>
          tpu.vector_store %arg14[%swap3A_774, %swap3A_775], %swap3A_778 {strides = array<i32>} : memref<640x32xf32, #tpu.memory_space<vmem>>, vector<1x16xf32>,
          %get3A_779 = arith.index_cast %add3A_768 : i32 to index
          %get3A_780 = arith.constant 16 : index
          %get3A_781 = tpu.vector_load %arg14[%get3A_779, %get3A_780] {strides = array<i32>} : memref<640x32xf32, #tpu.memory_space<vmem>>, vector<1x16xf32>,
          %get3A_782 = vector.shape_cast %get3A_781 : vector<1x16xf32> to vector<16xf32>
          %mul3A_783 = arith.mulf %get3A_782, %gather3A_763 : vector<16xf32>
          %swap3A_784 = arith.index_cast %add3A_768 : i32 to index
          %swap3A_785 = arith.constant 16 : index
          %swap3A_786 = tpu.vector_load %arg14[%swap3A_784, %swap3A_785] {strides = array<i32>} : memref<640x32xf32, #tpu.memory_space<vmem>>, vector<1x16xf32>,
          %swap3A_787 = vector.shape_cast %swap3A_786 : vector<1x16xf32> to vector<16xf32>
          %swap3A_788 = vector.shape_cast %mul3A_783 : vector<16xf32> to vector<1x16xf32>
          tpu.vector_store %arg14[%swap3A_784, %swap3A_785], %swap3A_788 {strides = array<i32>} : memref<640x32xf32, #tpu.memory_space<vmem>>, vector<1x16xf32>,
          %broadcast_in_dim3A_789 = arith.constant 10 : i32
          %broadcast_in_dim3A_790 = vector.broadcast %broadcast_in_dim3A_789 : i32 to vector<16x1xi32>
          %gather3A_791 = vector.shape_cast %broadcast_in_dim3A_790 : vector<16x1xi32> to vector<16xi32>
          %gather3A_792 = tpu.dynamic_gather %get3A_491[%gather3A_791] in [0] : vector<16xf32>, vector<16xi32> -> vector<16xf32>
          %mul3A_793 = arith.constant 16 : i32
          %mul3A_794 = arith.muli %scan3A_485, %mul3A_793 : i32
          %add3A_795 = arith.addi %mul3A_471, %mul3A_794 : i32
          %add3A_796 = arith.constant 10 : i32
          %add3A_797 = arith.addi %add3A_795, %add3A_796 : i32
          %get3A_798 = arith.index_cast %add3A_797 : i32 to index
          %get3A_799 = arith.constant 0 : index
          %get3A_800 = tpu.vector_load %arg14[%get3A_798, %get3A_799] {strides = array<i32>} : memref<640x32xf32, #tpu.memory_space<vmem>>, vector<1x16xf32>,
          %get3A_801 = vector.shape_cast %get3A_800 : vector<1x16xf32> to vector<16xf32>
          %mul3A_802 = arith.mulf %get3A_801, %gather3A_792 : vector<16xf32>
          %swap3A_803 = arith.index_cast %add3A_797 : i32 to index
          %swap3A_804 = arith.constant 0 : index
          %swap3A_805 = tpu.vector_load %arg14[%swap3A_803, %swap3A_804] {strides = array<i32>} : memref<640x32xf32, #tpu.memory_space<vmem>>, vector<1x16xf32>,
          %swap3A_806 = vector.shape_cast %swap3A_805 : vector<1x16xf32> to vector<16xf32>
          %swap3A_807 = vector.shape_cast %mul3A_802 : vector<16xf32> to vector<1x16xf32>
          tpu.vector_store %arg14[%swap3A_803, %swap3A_804], %swap3A_807 {strides = array<i32>} : memref<640x32xf32, #tpu.memory_space<vmem>>, vector<1x16xf32>,
          %get3A_808 = arith.index_cast %add3A_797 : i32 to index
          %get3A_809 = arith.constant 16 : index
          %get3A_810 = tpu.vector_load %arg14[%get3A_808, %get3A_809] {strides = array<i32>} : memref<640x32xf32, #tpu.memory_space<vmem>>, vector<1x16xf32>,
          %get3A_811 = vector.shape_cast %get3A_810 : vector<1x16xf32> to vector<16xf32>
          %mul3A_812 = arith.mulf %get3A_811, %gather3A_792 : vector<16xf32>
          %swap3A_813 = arith.index_cast %add3A_797 : i32 to index
          %swap3A_814 = arith.constant 16 : index
          %swap3A_815 = tpu.vector_load %arg14[%swap3A_813, %swap3A_814] {strides = array<i32>} : memref<640x32xf32, #tpu.memory_space<vmem>>, vector<1x16xf32>,
          %swap3A_816 = vector.shape_cast %swap3A_815 : vector<1x16xf32> to vector<16xf32>
          %swap3A_817 = vector.shape_cast %mul3A_812 : vector<16xf32> to vector<1x16xf32>
          tpu.vector_store %arg14[%swap3A_813, %swap3A_814], %swap3A_817 {strides = array<i32>} : memref<640x32xf32, #tpu.memory_space<vmem>>, vector<1x16xf32>,
          %broadcast_in_dim3A_818 = arith.constant 11 : i32
          %broadcast_in_dim3A_819 = vector.broadcast %broadcast_in_dim3A_818 : i32 to vector<16x1xi32>
          %gather3A_820 = vector.shape_cast %broadcast_in_dim3A_819 : vector<16x1xi32> to vector<16xi32>
          %gather3A_821 = tpu.dynamic_gather %get3A_491[%gather3A_820] in [0] : vector<16xf32>, vector<16xi32> -> vector<16xf32>
          %mul3A_822 = arith.constant 16 : i32
          %mul3A_823 = arith.muli %scan3A_485, %mul3A_822 : i32
          %add3A_824 = arith.addi %mul3A_471, %mul3A_823 : i32
          %add3A_825 = arith.constant 11 : i32
          %add3A_826 = arith.addi %add3A_824, %add3A_825 : i32
          %get3A_827 = arith.index_cast %add3A_826 : i32 to index
          %get3A_828 = arith.constant 0 : index
          %get3A_829 = tpu.vector_load %arg14[%get3A_827, %get3A_828] {strides = array<i32>} : memref<640x32xf32, #tpu.memory_space<vmem>>, vector<1x16xf32>,
          %get3A_830 = vector.shape_cast %get3A_829 : vector<1x16xf32> to vector<16xf32>
          %mul3A_831 = arith.mulf %get3A_830, %gather3A_821 : vector<16xf32>
          %swap3A_832 = arith.index_cast %add3A_826 : i32 to index
          %swap3A_833 = arith.constant 0 : index
          %swap3A_834 = tpu.vector_load %arg14[%swap3A_832, %swap3A_833] {strides = array<i32>} : memref<640x32xf32, #tpu.memory_space<vmem>>, vector<1x16xf32>,
          %swap3A_835 = vector.shape_cast %swap3A_834 : vector<1x16xf32> to vector<16xf32>
          %swap3A_836 = vector.shape_cast %mul3A_831 : vector<16xf32> to vector<1x16xf32>
          tpu.vector_store %arg14[%swap3A_832, %swap3A_833], %swap3A_836 {strides = array<i32>} : memref<640x32xf32, #tpu.memory_space<vmem>>, vector<1x16xf32>,
          %get3A_837 = arith.index_cast %add3A_826 : i32 to index
          %get3A_838 = arith.constant 16 : index
          %get3A_839 = tpu.vector_load %arg14[%get3A_837, %get3A_838] {strides = array<i32>} : memref<640x32xf32, #tpu.memory_space<vmem>>, vector<1x16xf32>,
          %get3A_840 = vector.shape_cast %get3A_839 : vector<1x16xf32> to vector<16xf32>
          %mul3A_841 = arith.mulf %get3A_840, %gather3A_821 : vector<16xf32>
          %swap3A_842 = arith.index_cast %add3A_826 : i32 to index
          %swap3A_843 = arith.constant 16 : index
          %swap3A_844 = tpu.vector_load %arg14[%swap3A_842, %swap3A_843] {strides = array<i32>} : memref<640x32xf32, #tpu.memory_space<vmem>>, vector<1x16xf32>,
          %swap3A_845 = vector.shape_cast %swap3A_844 : vector<1x16xf32> to vector<16xf32>
          %swap3A_846 = vector.shape_cast %mul3A_841 : vector<16xf32> to vector<1x16xf32>
          tpu.vector_store %arg14[%swap3A_842, %swap3A_843], %swap3A_846 {strides = array<i32>} : memref<640x32xf32, #tpu.memory_space<vmem>>, vector<1x16xf32>,
          %broadcast_in_dim3A_847 = arith.constant 12 : i32
          %broadcast_in_dim3A_848 = vector.broadcast %broadcast_in_dim3A_847 : i32 to vector<16x1xi32>
          %gather3A_849 = vector.shape_cast %broadcast_in_dim3A_848 : vector<16x1xi32> to vector<16xi32>
          %gather3A_850 = tpu.dynamic_gather %get3A_491[%gather3A_849] in [0] : vector<16xf32>, vector<16xi32> -> vector<16xf32>
          %mul3A_851 = arith.constant 16 : i32
          %mul3A_852 = arith.muli %scan3A_485, %mul3A_851 : i32
          %add3A_853 = arith.addi %mul3A_471, %mul3A_852 : i32
          %add3A_854 = arith.constant 12 : i32
          %add3A_855 = arith.addi %add3A_853, %add3A_854 : i32
          %get3A_856 = arith.index_cast %add3A_855 : i32 to index
          %get3A_857 = arith.constant 0 : index
          %get3A_858 = tpu.vector_load %arg14[%get3A_856, %get3A_857] {strides = array<i32>} : memref<640x32xf32, #tpu.memory_space<vmem>>, vector<1x16xf32>,
          %get3A_859 = vector.shape_cast %get3A_858 : vector<1x16xf32> to vector<16xf32>
          %mul3A_860 = arith.mulf %get3A_859, %gather3A_850 : vector<16xf32>
          %swap3A_861 = arith.index_cast %add3A_855 : i32 to index
          %swap3A_862 = arith.constant 0 : index
          %swap3A_863 = tpu.vector_load %arg14[%swap3A_861, %swap3A_862] {strides = array<i32>} : memref<640x32xf32, #tpu.memory_space<vmem>>, vector<1x16xf32>,
          %swap3A_864 = vector.shape_cast %swap3A_863 : vector<1x16xf32> to vector<16xf32>
          %swap3A_865 = vector.shape_cast %mul3A_860 : vector<16xf32> to vector<1x16xf32>
          tpu.vector_store %arg14[%swap3A_861, %swap3A_862], %swap3A_865 {strides = array<i32>} : memref<640x32xf32, #tpu.memory_space<vmem>>, vector<1x16xf32>,
          %get3A_866 = arith.index_cast %add3A_855 : i32 to index
          %get3A_867 = arith.constant 16 : index
          %get3A_868 = tpu.vector_load %arg14[%get3A_866, %get3A_867] {strides = array<i32>} : memref<640x32xf32, #tpu.memory_space<vmem>>, vector<1x16xf32>,
          %get3A_869 = vector.shape_cast %get3A_868 : vector<1x16xf32> to vector<16xf32>
          %mul3A_870 = arith.mulf %get3A_869, %gather3A_850 : vector<16xf32>
          %swap3A_871 = arith.index_cast %add3A_855 : i32 to index
          %swap3A_872 = arith.constant 16 : index
          %swap3A_873 = tpu.vector_load %arg14[%swap3A_871, %swap3A_872] {strides = array<i32>} : memref<640x32xf32, #tpu.memory_space<vmem>>, vector<1x16xf32>,
          %swap3A_874 = vector.shape_cast %swap3A_873 : vector<1x16xf32> to vector<16xf32>
          %swap3A_875 = vector.shape_cast %mul3A_870 : vector<16xf32> to vector<1x16xf32>
          tpu.vector_store %arg14[%swap3A_871, %swap3A_872], %swap3A_875 {strides = array<i32>} : memref<640x32xf32, #tpu.memory_space<vmem>>, vector<1x16xf32>,
          %broadcast_in_dim3A_876 = arith.constant 13 : i32
          %broadcast_in_dim3A_877 = vector.broadcast %broadcast_in_dim3A_876 : i32 to vector<16x1xi32>
          %gather3A_878 = vector.shape_cast %broadcast_in_dim3A_877 : vector<16x1xi32> to vector<16xi32>
          %gather3A_879 = tpu.dynamic_gather %get3A_491[%gather3A_878] in [0] : vector<16xf32>, vector<16xi32> -> vector<16xf32>
          %mul3A_880 = arith.constant 16 : i32
          %mul3A_881 = arith.muli %scan3A_485, %mul3A_880 : i32
          %add3A_882 = arith.addi %mul3A_471, %mul3A_881 : i32
          %add3A_883 = arith.constant 13 : i32
          %add3A_884 = arith.addi %add3A_882, %add3A_883 : i32
          %get3A_885 = arith.index_cast %add3A_884 : i32 to index
          %get3A_886 = arith.constant 0 : index
          %get3A_887 = tpu.vector_load %arg14[%get3A_885, %get3A_886] {strides = array<i32>} : memref<640x32xf32, #tpu.memory_space<vmem>>, vector<1x16xf32>,
          %get3A_888 = vector.shape_cast %get3A_887 : vector<1x16xf32> to vector<16xf32>
          %mul3A_889 = arith.mulf %get3A_888, %gather3A_879 : vector<16xf32>
          %swap3A_890 = arith.index_cast %add3A_884 : i32 to index
          %swap3A_891 = arith.constant 0 : index
          %swap3A_892 = tpu.vector_load %arg14[%swap3A_890, %swap3A_891] {strides = array<i32>} : memref<640x32xf32, #tpu.memory_space<vmem>>, vector<1x16xf32>,
          %swap3A_893 = vector.shape_cast %swap3A_892 : vector<1x16xf32> to vector<16xf32>
          %swap3A_894 = vector.shape_cast %mul3A_889 : vector<16xf32> to vector<1x16xf32>
          tpu.vector_store %arg14[%swap3A_890, %swap3A_891], %swap3A_894 {strides = array<i32>} : memref<640x32xf32, #tpu.memory_space<vmem>>, vector<1x16xf32>,
          %get3A_895 = arith.index_cast %add3A_884 : i32 to index
          %get3A_896 = arith.constant 16 : index
          %get3A_897 = tpu.vector_load %arg14[%get3A_895, %get3A_896] {strides = array<i32>} : memref<640x32xf32, #tpu.memory_space<vmem>>, vector<1x16xf32>,
          %get3A_898 = vector.shape_cast %get3A_897 : vector<1x16xf32> to vector<16xf32>
          %mul3A_899 = arith.mulf %get3A_898, %gather3A_879 : vector<16xf32>
          %swap3A_900 = arith.index_cast %add3A_884 : i32 to index
          %swap3A_901 = arith.constant 16 : index
          %swap3A_902 = tpu.vector_load %arg14[%swap3A_900, %swap3A_901] {strides = array<i32>} : memref<640x32xf32, #tpu.memory_space<vmem>>, vector<1x16xf32>,
          %swap3A_903 = vector.shape_cast %swap3A_902 : vector<1x16xf32> to vector<16xf32>
          %swap3A_904 = vector.shape_cast %mul3A_899 : vector<16xf32> to vector<1x16xf32>
          tpu.vector_store %arg14[%swap3A_900, %swap3A_901], %swap3A_904 {strides = array<i32>} : memref<640x32xf32, #tpu.memory_space<vmem>>, vector<1x16xf32>,
          %broadcast_in_dim3A_905 = arith.constant 14 : i32
          %broadcast_in_dim3A_906 = vector.broadcast %broadcast_in_dim3A_905 : i32 to vector<16x1xi32>
          %gather3A_907 = vector.shape_cast %broadcast_in_dim3A_906 : vector<16x1xi32> to vector<16xi32>
          %gather3A_908 = tpu.dynamic_gather %get3A_491[%gather3A_907] in [0] : vector<16xf32>, vector<16xi32> -> vector<16xf32>
          %mul3A_909 = arith.constant 16 : i32
          %mul3A_910 = arith.muli %scan3A_485, %mul3A_909 : i32
          %add3A_911 = arith.addi %mul3A_471, %mul3A_910 : i32
          %add3A_912 = arith.constant 14 : i32
          %add3A_913 = arith.addi %add3A_911, %add3A_912 : i32
          %get3A_914 = arith.index_cast %add3A_913 : i32 to index
          %get3A_915 = arith.constant 0 : index
          %get3A_916 = tpu.vector_load %arg14[%get3A_914, %get3A_915] {strides = array<i32>} : memref<640x32xf32, #tpu.memory_space<vmem>>, vector<1x16xf32>,
          %get3A_917 = vector.shape_cast %get3A_916 : vector<1x16xf32> to vector<16xf32>
          %mul3A_918 = arith.mulf %get3A_917, %gather3A_908 : vector<16xf32>
          %swap3A_919 = arith.index_cast %add3A_913 : i32 to index
          %swap3A_920 = arith.constant 0 : index
          %swap3A_921 = tpu.vector_load %arg14[%swap3A_919, %swap3A_920] {strides = array<i32>} : memref<640x32xf32, #tpu.memory_space<vmem>>, vector<1x16xf32>,
          %swap3A_922 = vector.shape_cast %swap3A_921 : vector<1x16xf32> to vector<16xf32>
          %swap3A_923 = vector.shape_cast %mul3A_918 : vector<16xf32> to vector<1x16xf32>
          tpu.vector_store %arg14[%swap3A_919, %swap3A_920], %swap3A_923 {strides = array<i32>} : memref<640x32xf32, #tpu.memory_space<vmem>>, vector<1x16xf32>,
          %get3A_924 = arith.index_cast %add3A_913 : i32 to index
          %get3A_925 = arith.constant 16 : index
          %get3A_926 = tpu.vector_load %arg14[%get3A_924, %get3A_925] {strides = array<i32>} : memref<640x32xf32, #tpu.memory_space<vmem>>, vector<1x16xf32>,
          %get3A_927 = vector.shape_cast %get3A_926 : vector<1x16xf32> to vector<16xf32>
          %mul3A_928 = arith.mulf %get3A_927, %gather3A_908 : vector<16xf32>
          %swap3A_929 = arith.index_cast %add3A_913 : i32 to index
          %swap3A_930 = arith.constant 16 : index
          %swap3A_931 = tpu.vector_load %arg14[%swap3A_929, %swap3A_930] {strides = array<i32>} : memref<640x32xf32, #tpu.memory_space<vmem>>, vector<1x16xf32>,
          %swap3A_932 = vector.shape_cast %swap3A_931 : vector<1x16xf32> to vector<16xf32>
          %swap3A_933 = vector.shape_cast %mul3A_928 : vector<16xf32> to vector<1x16xf32>
          tpu.vector_store %arg14[%swap3A_929, %swap3A_930], %swap3A_933 {strides = array<i32>} : memref<640x32xf32, #tpu.memory_space<vmem>>, vector<1x16xf32>,
          %broadcast_in_dim3A_934 = arith.constant 15 : i32
          %broadcast_in_dim3A_935 = vector.broadcast %broadcast_in_dim3A_934 : i32 to vector<16x1xi32>
          %gather3A_936 = vector.shape_cast %broadcast_in_dim3A_935 : vector<16x1xi32> to vector<16xi32>
          %gather3A_937 = tpu.dynamic_gather %get3A_491[%gather3A_936] in [0] : vector<16xf32>, vector<16xi32> -> vector<16xf32>
          %mul3A_938 = arith.constant 16 : i32
          %mul3A_939 = arith.muli %scan3A_485, %mul3A_938 : i32
          %add3A_940 = arith.addi %mul3A_471, %mul3A_939 : i32
          %add3A_941 = arith.constant 15 : i32
          %add3A_942 = arith.addi %add3A_940, %add3A_941 : i32
          %get3A_943 = arith.index_cast %add3A_942 : i32 to index
          %get3A_944 = arith.constant 0 : index
          %get3A_945 = tpu.vector_load %arg14[%get3A_943, %get3A_944] {strides = array<i32>} : memref<640x32xf32, #tpu.memory_space<vmem>>, vector<1x16xf32>,
          %get3A_946 = vector.shape_cast %get3A_945 : vector<1x16xf32> to vector<16xf32>
          %mul3A_947 = arith.mulf %get3A_946, %gather3A_937 : vector<16xf32>
          %swap3A_948 = arith.index_cast %add3A_942 : i32 to index
          %swap3A_949 = arith.constant 0 : index
          %swap3A_950 = tpu.vector_load %arg14[%swap3A_948, %swap3A_949] {strides = array<i32>} : memref<640x32xf32, #tpu.memory_space<vmem>>, vector<1x16xf32>,
          %swap3A_951 = vector.shape_cast %swap3A_950 : vector<1x16xf32> to vector<16xf32>
          %swap3A_952 = vector.shape_cast %mul3A_947 : vector<16xf32> to vector<1x16xf32>
          tpu.vector_store %arg14[%swap3A_948, %swap3A_949], %swap3A_952 {strides = array<i32>} : memref<640x32xf32, #tpu.memory_space<vmem>>, vector<1x16xf32>,
          %get3A_953 = arith.index_cast %add3A_942 : i32 to index
          %get3A_954 = arith.constant 16 : index
          %get3A_955 = tpu.vector_load %arg14[%get3A_953, %get3A_954] {strides = array<i32>} : memref<640x32xf32, #tpu.memory_space<vmem>>, vector<1x16xf32>,
          %get3A_956 = vector.shape_cast %get3A_955 : vector<1x16xf32> to vector<16xf32>
          %mul3A_957 = arith.mulf %get3A_956, %gather3A_937 : vector<16xf32>
          %swap3A_958 = arith.index_cast %add3A_942 : i32 to index
          %swap3A_959 = arith.constant 16 : index
          %swap3A_960 = tpu.vector_load %arg14[%swap3A_958, %swap3A_959] {strides = array<i32>} : memref<640x32xf32, #tpu.memory_space<vmem>>, vector<1x16xf32>,
          %swap3A_961 = vector.shape_cast %swap3A_960 : vector<1x16xf32> to vector<16xf32>
          %swap3A_962 = vector.shape_cast %mul3A_957 : vector<16xf32> to vector<1x16xf32>
          tpu.vector_store %arg14[%swap3A_958, %swap3A_959], %swap3A_962 {strides = array<i32>} : memref<640x32xf32, #tpu.memory_space<vmem>>, vector<1x16xf32>,
          %scan3A_963 = arith.constant 0 : i32
          scf.yield %scan3A_963 : i32
        }
        %scan3A_478 = arith.constant 8 : i32
        %dma_start3A_479 = arith.constant 0 : i32
        %dma_start3A_480 = tpu.memref_slice %arg14[%mul3A_471, %dma_start3A_479] : memref<640x32xf32, #tpu.memory_space<vmem>> -> memref<128x32xf32, #tpu.memory_space<vmem>>
        %dma_start3A_481 = tpu.memref_slice %arg13[%mul3A_471] : memref<640xi32, #tpu.memory_space<vmem>> -> memref<128xi32, #tpu.memory_space<vmem>>
        %dma_start3A_482 = arith.constant 0 : i32
        %dma_start3A_483 = arith.constant 0 : i32
        %dma_start3A_484 = tpu.memref_slice %arg15[%dma_start3A_482, %dma_start3A_483] : memref<50048x32xf32, #tpu.memory_space<vmem_shared>> -> memref<50048x32xf32, #tpu.memory_space<vmem_shared>>
        tpu.enqueue_indirect_dma source(%dma_start3A_480 : memref<128x32xf32, #tpu.memory_space<vmem>>) target(%dma_start3A_484 : memref<50048x32xf32, #tpu.memory_space<vmem_shared>>) offsets(%dma_start3A_481 : memref<128xi32, #tpu.memory_space<vmem>>) semaphore(%arg18 : memref<!tpu.dma_semaphore, #tpu.memory_space<semaphore_mem>>) {add = true}
      } else {
      }
      %scan3A_364 = arith.constant 0 : i32
      scf.yield %scan3A_364 : i32
    }
    %scan3A_221 = arith.constant 395 : i32
    %dma_wait3A_222 = arith.constant 0 : i32
    %dma_wait3A_223 = arith.constant 0 : i32
    %dma_wait3A_224 = tpu.memref_slice %arg14[%dma_wait3A_222, %dma_wait3A_223] : memref<640x32xf32, #tpu.memory_space<vmem>> -> memref<128x32xf32, #tpu.memory_space<vmem>>
    %dma_wait3A_225 = arith.constant 0 : i32
    %dma_wait3A_226 = arith.constant 0 : i32
    %dma_wait3A_227 = tpu.memref_slice %arg15[%dma_wait3A_225, %dma_wait3A_226] : memref<50048x32xf32, #tpu.memory_space<vmem_shared>> -> memref<128x32xf32, #tpu.memory_space<vmem_shared>>
    %dma_wait3A_228 = arith.constant 0 : i32
    %dma_wait3A_229 = arith.constant 0 : i32
    %dma_wait3A_230 = tpu.memref_slice %arg15[%dma_wait3A_228, %dma_wait3A_229] : memref<50048x32xf32, #tpu.memory_space<vmem_shared>> -> memref<128x32xf32, #tpu.memory_space<vmem_shared>>
    %dma_wait3A_231 = arith.constant 0 : i32
    %dma_wait3A_232 = arith.constant 0 : i32
    %dma_wait3A_233 = tpu.memref_slice %arg14[%dma_wait3A_231, %dma_wait3A_232] : memref<640x32xf32, #tpu.memory_space<vmem>> -> memref<128x32xf32, #tpu.memory_space<vmem>>
    tpu.wait_dma2 semaphore(%arg18 : memref<!tpu.dma_semaphore, #tpu.memory_space<semaphore_mem>>) src(%dma_wait3A_233 : memref<128x32xf32, #tpu.memory_space<vmem>>) dst(%dma_wait3A_230 : memref<128x32xf32, #tpu.memory_space<vmem_shared>>)
    %dma_wait3A_234 = arith.constant 128 : i32
    %dma_wait3A_235 = arith.constant 0 : i32
    %dma_wait3A_236 = tpu.memref_slice %arg14[%dma_wait3A_234, %dma_wait3A_235] : memref<640x32xf32, #tpu.memory_space<vmem>> -> memref<128x32xf32, #tpu.memory_space<vmem>>
    %dma_wait3A_237 = arith.constant 0 : i32
    %dma_wait3A_238 = arith.constant 0 : i32
    %dma_wait3A_239 = tpu.memref_slice %arg15[%dma_wait3A_237, %dma_wait3A_238] : memref<50048x32xf32, #tpu.memory_space<vmem_shared>> -> memref<128x32xf32, #tpu.memory_space<vmem_shared>>
    %dma_wait3A_240 = arith.constant 0 : i32
    %dma_wait3A_241 = arith.constant 0 : i32
    %dma_wait3A_242 = tpu.memref_slice %arg15[%dma_wait3A_240, %dma_wait3A_241] : memref<50048x32xf32, #tpu.memory_space<vmem_shared>> -> memref<128x32xf32, #tpu.memory_space<vmem_shared>>
    %dma_wait3A_243 = arith.constant 128 : i32
    %dma_wait3A_244 = arith.constant 0 : i32
    %dma_wait3A_245 = tpu.memref_slice %arg14[%dma_wait3A_243, %dma_wait3A_244] : memref<640x32xf32, #tpu.memory_space<vmem>> -> memref<128x32xf32, #tpu.memory_space<vmem>>
    tpu.wait_dma2 semaphore(%arg18 : memref<!tpu.dma_semaphore, #tpu.memory_space<semaphore_mem>>) src(%dma_wait3A_245 : memref<128x32xf32, #tpu.memory_space<vmem>>) dst(%dma_wait3A_242 : memref<128x32xf32, #tpu.memory_space<vmem_shared>>)
    %dma_wait3A_246 = arith.constant 256 : i32
    %dma_wait3A_247 = arith.constant 0 : i32
    %dma_wait3A_248 = tpu.memref_slice %arg14[%dma_wait3A_246, %dma_wait3A_247] : memref<640x32xf32, #tpu.memory_space<vmem>> -> memref<128x32xf32, #tpu.memory_space<vmem>>
    %dma_wait3A_249 = arith.constant 0 : i32
    %dma_wait3A_250 = arith.constant 0 : i32
    %dma_wait3A_251 = tpu.memref_slice %arg15[%dma_wait3A_249, %dma_wait3A_250] : memref<50048x32xf32, #tpu.memory_space<vmem_shared>> -> memref<128x32xf32, #tpu.memory_space<vmem_shared>>
    %dma_wait3A_252 = arith.constant 0 : i32
    %dma_wait3A_253 = arith.constant 0 : i32
    %dma_wait3A_254 = tpu.memref_slice %arg15[%dma_wait3A_252, %dma_wait3A_253] : memref<50048x32xf32, #tpu.memory_space<vmem_shared>> -> memref<128x32xf32, #tpu.memory_space<vmem_shared>>
    %dma_wait3A_255 = arith.constant 256 : i32
    %dma_wait3A_256 = arith.constant 0 : i32
    %dma_wait3A_257 = tpu.memref_slice %arg14[%dma_wait3A_255, %dma_wait3A_256] : memref<640x32xf32, #tpu.memory_space<vmem>> -> memref<128x32xf32, #tpu.memory_space<vmem>>
    tpu.wait_dma2 semaphore(%arg18 : memref<!tpu.dma_semaphore, #tpu.memory_space<semaphore_mem>>) src(%dma_wait3A_257 : memref<128x32xf32, #tpu.memory_space<vmem>>) dst(%dma_wait3A_254 : memref<128x32xf32, #tpu.memory_space<vmem_shared>>)
    %dma_wait3A_258 = arith.constant 384 : i32
    %dma_wait3A_259 = arith.constant 0 : i32
    %dma_wait3A_260 = tpu.memref_slice %arg14[%dma_wait3A_258, %dma_wait3A_259] : memref<640x32xf32, #tpu.memory_space<vmem>> -> memref<128x32xf32, #tpu.memory_space<vmem>>
    %dma_wait3A_261 = arith.constant 0 : i32
    %dma_wait3A_262 = arith.constant 0 : i32
    %dma_wait3A_263 = tpu.memref_slice %arg15[%dma_wait3A_261, %dma_wait3A_262] : memref<50048x32xf32, #tpu.memory_space<vmem_shared>> -> memref<128x32xf32, #tpu.memory_space<vmem_shared>>
    %dma_wait3A_264 = arith.constant 0 : i32
    %dma_wait3A_265 = arith.constant 0 : i32
    %dma_wait3A_266 = tpu.memref_slice %arg15[%dma_wait3A_264, %dma_wait3A_265] : memref<50048x32xf32, #tpu.memory_space<vmem_shared>> -> memref<128x32xf32, #tpu.memory_space<vmem_shared>>
    %dma_wait3A_267 = arith.constant 384 : i32
    %dma_wait3A_268 = arith.constant 0 : i32
    %dma_wait3A_269 = tpu.memref_slice %arg14[%dma_wait3A_267, %dma_wait3A_268] : memref<640x32xf32, #tpu.memory_space<vmem>> -> memref<128x32xf32, #tpu.memory_space<vmem>>
    tpu.wait_dma2 semaphore(%arg18 : memref<!tpu.dma_semaphore, #tpu.memory_space<semaphore_mem>>) src(%dma_wait3A_269 : memref<128x32xf32, #tpu.memory_space<vmem>>) dst(%dma_wait3A_266 : memref<128x32xf32, #tpu.memory_space<vmem_shared>>)
    %dma_wait3A_270 = arith.constant 512 : i32
    %dma_wait3A_271 = arith.constant 0 : i32
    %dma_wait3A_272 = tpu.memref_slice %arg14[%dma_wait3A_270, %dma_wait3A_271] : memref<640x32xf32, #tpu.memory_space<vmem>> -> memref<128x32xf32, #tpu.memory_space<vmem>>
    %dma_wait3A_273 = arith.constant 0 : i32
    %dma_wait3A_274 = arith.constant 0 : i32
    %dma_wait3A_275 = tpu.memref_slice %arg15[%dma_wait3A_273, %dma_wait3A_274] : memref<50048x32xf32, #tpu.memory_space<vmem_shared>> -> memref<128x32xf32, #tpu.memory_space<vmem_shared>>
    %dma_wait3A_276 = arith.constant 0 : i32
    %dma_wait3A_277 = arith.constant 0 : i32
    %dma_wait3A_278 = tpu.memref_slice %arg15[%dma_wait3A_276, %dma_wait3A_277] : memref<50048x32xf32, #tpu.memory_space<vmem_shared>> -> memref<128x32xf32, #tpu.memory_space<vmem_shared>>
    %dma_wait3A_279 = arith.constant 512 : i32
    %dma_wait3A_280 = arith.constant 0 : i32
    %dma_wait3A_281 = tpu.memref_slice %arg14[%dma_wait3A_279, %dma_wait3A_280] : memref<640x32xf32, #tpu.memory_space<vmem>> -> memref<128x32xf32, #tpu.memory_space<vmem>>
    tpu.wait_dma2 semaphore(%arg18 : memref<!tpu.dma_semaphore, #tpu.memory_space<semaphore_mem>>) src(%dma_wait3A_281 : memref<128x32xf32, #tpu.memory_space<vmem>>) dst(%dma_wait3A_278 : memref<128x32xf32, #tpu.memory_space<vmem_shared>>)
    %barrier3A_282 = arith.constant 0 : index
    tpu.barrier barrier_id(%barrier3A_282)
    %mul3A_283 = arith.constant 3128 : i32
    %mul3A_284 = arith.muli %arg1, %mul3A_283 : i32
    %mul3A_285 = arith.constant 3128 : i32
    %mul3A_286 = arith.muli %arg1, %mul3A_285 : i32
    %add3A_287 = arith.addi %mul3A_0, %mul3A_286 : i32
    "tpu.region"() ({
      %run_scoped3A = tpu.sem_alloc : memref<!tpu.dma_semaphore, #tpu.memory_space<semaphore_mem>>
      %dma_start3A_289 = arith.constant 0 : i32
      %dma_start3A_290 = tpu.memref_slice %arg9[%add3A_287, %dma_start3A_289] : memref<100096x32xf32, #tpu.memory_space<hbm>> -> memref<3128x32xf32, #tpu.memory_space<hbm>>
      %dma_start3A_291 = arith.constant 0 : i32
      %dma_start3A_292 = tpu.memref_slice %arg15[%mul3A_284, %dma_start3A_291] : memref<50048x32xf32, #tpu.memory_space<vmem_shared>> -> memref<3128x32xf32, #tpu.memory_space<vmem_shared>>
      tpu.enqueue_dma source(%dma_start3A_292 : memref<3128x32xf32, #tpu.memory_space<vmem_shared>>) target(%dma_start3A_290 : memref<3128x32xf32, #tpu.memory_space<hbm>>) target_semaphore(%run_scoped3A : memref<!tpu.dma_semaphore, #tpu.memory_space<semaphore_mem>>)
      %dma_wait3A_293 = arith.constant 0 : i32
      %dma_wait3A_294 = tpu.memref_slice %arg9[%add3A_287, %dma_wait3A_293] : memref<100096x32xf32, #tpu.memory_space<hbm>> -> memref<3128x32xf32, #tpu.memory_space<hbm>>
      %dma_wait3A_295 = arith.constant 0 : i32
      %dma_wait3A_296 = tpu.memref_slice %arg15[%mul3A_284, %dma_wait3A_295] : memref<50048x32xf32, #tpu.memory_space<vmem_shared>> -> memref<3128x32xf32, #tpu.memory_space<vmem_shared>>
      tpu.wait_dma2 semaphore(%run_scoped3A : memref<!tpu.dma_semaphore, #tpu.memory_space<semaphore_mem>>) src(%dma_wait3A_296 : memref<3128x32xf32, #tpu.memory_space<vmem_shared>>) dst(%dma_wait3A_294 : memref<3128x32xf32, #tpu.memory_space<hbm>>)
      tpu.yield
    }) : () -> ()
    %barrier3A_288 = arith.constant 0 : index
    tpu.barrier barrier_id(%barrier3A_288)
    return
  }
}

#map = affine_map<(d0, d1) -> (0, 0)>
#map1 = affine_map<(d0, d1) -> (0)>
module attributes {stable_mosaic.version = 14 : i64} {
  func.func @gmean(%arg0: i32, %arg1: i32, %arg2: memref<100096x32xf32, #tpu.memory_space<hbm>>, %arg3: memref<100096x32xf32, #tpu.memory_space<hbm>>, %arg4: memref<100096x32xf32, #tpu.memory_space<hbm>>, %arg5: memref<100096x32xf32, #tpu.memory_space<hbm>>, %arg6: memref<8192xi32, #tpu.memory_space<hbm>>, %arg7: memref<8192xi32, #tpu.memory_space<hbm>>, %arg8: memref<8192x64xf32, #tpu.memory_space<hbm>>, %arg9: memref<256xi32, #tpu.memory_space<vmem>>, %arg10: memref<256xi32, #tpu.memory_space<vmem>>, %arg11: memref<2048x32xf32, #tpu.memory_space<vmem>>, %arg12: memref<256x64xf32, #tpu.memory_space<vmem>>, %arg13: memref<!tpu.dma_semaphore, #tpu.memory_space<semaphore_mem>>) attributes {dimension_semantics = [#tpu.dimension_semantics<core_parallel>, #tpu.dimension_semantics<subcore_parallel>], iteration_bounds = array<i64: 2, 16>, scalar_prefetch = 0 : i64, scratch_operands = 5 : i64, tpu.core_type = #tpu.core_type<sc_vector_subcore>, window_params = [{transform_indices = #map}, {transform_indices = #map}, {transform_indices = #map}, {transform_indices = #map}, {transform_indices = #map1}, {transform_indices = #map1}, {transform_indices = #map}]} {
    %mul3A = arith.constant 16 : i32
    %mul3A_0 = arith.muli %arg0, %mul3A : i32
    %add3A = arith.addi %mul3A_0, %arg1 : i32
    %mul3A_1 = arith.constant 256 : i32
    %mul3A_2 = arith.muli %add3A, %mul3A_1 : i32
    "tpu.region"() ({
      %run_scoped3A = tpu.sem_alloc : memref<!tpu.dma_semaphore, #tpu.memory_space<semaphore_mem>>
      %dma_start3A_267 = tpu.memref_slice %arg6[%mul3A_2] : memref<8192xi32, #tpu.memory_space<hbm>> -> memref<256xi32, #tpu.memory_space<hbm>>
      %dma_start3A_268 = tpu.memref_slice %arg6[%mul3A_2] : memref<8192xi32, #tpu.memory_space<hbm>> -> memref<256xi32, #tpu.memory_space<hbm>>
      tpu.enqueue_dma source(%dma_start3A_268 : memref<256xi32, #tpu.memory_space<hbm>>) target(%arg9 : memref<256xi32, #tpu.memory_space<vmem>>) target_semaphore(%run_scoped3A : memref<!tpu.dma_semaphore, #tpu.memory_space<semaphore_mem>>)
      %dma_wait3A_269 = tpu.memref_slice %arg6[%mul3A_2] : memref<8192xi32, #tpu.memory_space<hbm>> -> memref<256xi32, #tpu.memory_space<hbm>>
      %dma_wait3A_270 = tpu.memref_slice %arg6[%mul3A_2] : memref<8192xi32, #tpu.memory_space<hbm>> -> memref<256xi32, #tpu.memory_space<hbm>>
      tpu.wait_dma2 semaphore(%run_scoped3A : memref<!tpu.dma_semaphore, #tpu.memory_space<semaphore_mem>>) src(%dma_wait3A_270 : memref<256xi32, #tpu.memory_space<hbm>>) dst(%arg9 : memref<256xi32, #tpu.memory_space<vmem>>)
      tpu.yield
    }) : () -> ()
    %mul3A_3 = arith.constant 256 : i32
    %mul3A_4 = arith.muli %add3A, %mul3A_3 : i32
    "tpu.region"() ({
      %run_scoped3A = tpu.sem_alloc : memref<!tpu.dma_semaphore, #tpu.memory_space<semaphore_mem>>
      %dma_start3A_267 = tpu.memref_slice %arg7[%mul3A_4] : memref<8192xi32, #tpu.memory_space<hbm>> -> memref<256xi32, #tpu.memory_space<hbm>>
      %dma_start3A_268 = tpu.memref_slice %arg7[%mul3A_4] : memref<8192xi32, #tpu.memory_space<hbm>> -> memref<256xi32, #tpu.memory_space<hbm>>
      tpu.enqueue_dma source(%dma_start3A_268 : memref<256xi32, #tpu.memory_space<hbm>>) target(%arg10 : memref<256xi32, #tpu.memory_space<vmem>>) target_semaphore(%run_scoped3A : memref<!tpu.dma_semaphore, #tpu.memory_space<semaphore_mem>>)
      %dma_wait3A_269 = tpu.memref_slice %arg7[%mul3A_4] : memref<8192xi32, #tpu.memory_space<hbm>> -> memref<256xi32, #tpu.memory_space<hbm>>
      %dma_wait3A_270 = tpu.memref_slice %arg7[%mul3A_4] : memref<8192xi32, #tpu.memory_space<hbm>> -> memref<256xi32, #tpu.memory_space<hbm>>
      tpu.wait_dma2 semaphore(%run_scoped3A : memref<!tpu.dma_semaphore, #tpu.memory_space<semaphore_mem>>) src(%dma_wait3A_270 : memref<256xi32, #tpu.memory_space<hbm>>) dst(%arg10 : memref<256xi32, #tpu.memory_space<vmem>>)
      tpu.yield
    }) : () -> ()
    %dma_start3A = arith.constant 0 : i32
    %dma_start3A_5 = arith.constant 0 : i32
    %dma_start3A_6 = tpu.memref_slice %arg11[%dma_start3A, %dma_start3A_5] : memref<2048x32xf32, #tpu.memory_space<vmem>> -> memref<128x32xf32, #tpu.memory_space<vmem>>
    %dma_start3A_7 = arith.constant 0 : i32
    %dma_start3A_8 = tpu.memref_slice %arg9[%dma_start3A_7] : memref<256xi32, #tpu.memory_space<vmem>> -> memref<128xi32, #tpu.memory_space<vmem>>
    %dma_start3A_9 = arith.constant 0 : i32
    %dma_start3A_10 = arith.constant 0 : i32
    %dma_start3A_11 = tpu.memref_slice %arg2[%dma_start3A_9, %dma_start3A_10] : memref<100096x32xf32, #tpu.memory_space<hbm>> -> memref<100096x32xf32, #tpu.memory_space<hbm>>
    tpu.enqueue_indirect_dma source(%dma_start3A_11 : memref<100096x32xf32, #tpu.memory_space<hbm>>) target(%dma_start3A_6 : memref<128x32xf32, #tpu.memory_space<vmem>>) offsets(%dma_start3A_8 : memref<128xi32, #tpu.memory_space<vmem>>) semaphore(%arg13 : memref<!tpu.dma_semaphore, #tpu.memory_space<semaphore_mem>>)
    %dma_start3A_12 = arith.constant 128 : i32
    %dma_start3A_13 = arith.constant 0 : i32
    %dma_start3A_14 = tpu.memref_slice %arg11[%dma_start3A_12, %dma_start3A_13] : memref<2048x32xf32, #tpu.memory_space<vmem>> -> memref<128x32xf32, #tpu.memory_space<vmem>>
    %dma_start3A_15 = arith.constant 128 : i32
    %dma_start3A_16 = tpu.memref_slice %arg9[%dma_start3A_15] : memref<256xi32, #tpu.memory_space<vmem>> -> memref<128xi32, #tpu.memory_space<vmem>>
    %dma_start3A_17 = arith.constant 0 : i32
    %dma_start3A_18 = arith.constant 0 : i32
    %dma_start3A_19 = tpu.memref_slice %arg2[%dma_start3A_17, %dma_start3A_18] : memref<100096x32xf32, #tpu.memory_space<hbm>> -> memref<100096x32xf32, #tpu.memory_space<hbm>>
    tpu.enqueue_indirect_dma source(%dma_start3A_19 : memref<100096x32xf32, #tpu.memory_space<hbm>>) target(%dma_start3A_14 : memref<128x32xf32, #tpu.memory_space<vmem>>) offsets(%dma_start3A_16 : memref<128xi32, #tpu.memory_space<vmem>>) semaphore(%arg13 : memref<!tpu.dma_semaphore, #tpu.memory_space<semaphore_mem>>)
    %dma_start3A_20 = arith.constant 1024 : i32
    %dma_start3A_21 = arith.constant 0 : i32
    %dma_start3A_22 = tpu.memref_slice %arg11[%dma_start3A_20, %dma_start3A_21] : memref<2048x32xf32, #tpu.memory_space<vmem>> -> memref<128x32xf32, #tpu.memory_space<vmem>>
    %dma_start3A_23 = arith.constant 0 : i32
    %dma_start3A_24 = tpu.memref_slice %arg10[%dma_start3A_23] : memref<256xi32, #tpu.memory_space<vmem>> -> memref<128xi32, #tpu.memory_space<vmem>>
    %dma_start3A_25 = arith.constant 0 : i32
    %dma_start3A_26 = arith.constant 0 : i32
    %dma_start3A_27 = tpu.memref_slice %arg2[%dma_start3A_25, %dma_start3A_26] : memref<100096x32xf32, #tpu.memory_space<hbm>> -> memref<100096x32xf32, #tpu.memory_space<hbm>>
    tpu.enqueue_indirect_dma source(%dma_start3A_27 : memref<100096x32xf32, #tpu.memory_space<hbm>>) target(%dma_start3A_22 : memref<128x32xf32, #tpu.memory_space<vmem>>) offsets(%dma_start3A_24 : memref<128xi32, #tpu.memory_space<vmem>>) semaphore(%arg13 : memref<!tpu.dma_semaphore, #tpu.memory_space<semaphore_mem>>)
    %dma_start3A_28 = arith.constant 1152 : i32
    %dma_start3A_29 = arith.constant 0 : i32
    %dma_start3A_30 = tpu.memref_slice %arg11[%dma_start3A_28, %dma_start3A_29] : memref<2048x32xf32, #tpu.memory_space<vmem>> -> memref<128x32xf32, #tpu.memory_space<vmem>>
    %dma_start3A_31 = arith.constant 128 : i32
    %dma_start3A_32 = tpu.memref_slice %arg10[%dma_start3A_31] : memref<256xi32, #tpu.memory_space<vmem>> -> memref<128xi32, #tpu.memory_space<vmem>>
    %dma_start3A_33 = arith.constant 0 : i32
    %dma_start3A_34 = arith.constant 0 : i32
    %dma_start3A_35 = tpu.memref_slice %arg2[%dma_start3A_33, %dma_start3A_34] : memref<100096x32xf32, #tpu.memory_space<hbm>> -> memref<100096x32xf32, #tpu.memory_space<hbm>>
    tpu.enqueue_indirect_dma source(%dma_start3A_35 : memref<100096x32xf32, #tpu.memory_space<hbm>>) target(%dma_start3A_30 : memref<128x32xf32, #tpu.memory_space<vmem>>) offsets(%dma_start3A_32 : memref<128xi32, #tpu.memory_space<vmem>>) semaphore(%arg13 : memref<!tpu.dma_semaphore, #tpu.memory_space<semaphore_mem>>)
    %dma_start3A_36 = arith.constant 256 : i32
    %dma_start3A_37 = arith.constant 0 : i32
    %dma_start3A_38 = tpu.memref_slice %arg11[%dma_start3A_36, %dma_start3A_37] : memref<2048x32xf32, #tpu.memory_space<vmem>> -> memref<128x32xf32, #tpu.memory_space<vmem>>
    %dma_start3A_39 = arith.constant 0 : i32
    %dma_start3A_40 = tpu.memref_slice %arg9[%dma_start3A_39] : memref<256xi32, #tpu.memory_space<vmem>> -> memref<128xi32, #tpu.memory_space<vmem>>
    %dma_start3A_41 = arith.constant 0 : i32
    %dma_start3A_42 = arith.constant 0 : i32
    %dma_start3A_43 = tpu.memref_slice %arg3[%dma_start3A_41, %dma_start3A_42] : memref<100096x32xf32, #tpu.memory_space<hbm>> -> memref<100096x32xf32, #tpu.memory_space<hbm>>
    tpu.enqueue_indirect_dma source(%dma_start3A_43 : memref<100096x32xf32, #tpu.memory_space<hbm>>) target(%dma_start3A_38 : memref<128x32xf32, #tpu.memory_space<vmem>>) offsets(%dma_start3A_40 : memref<128xi32, #tpu.memory_space<vmem>>) semaphore(%arg13 : memref<!tpu.dma_semaphore, #tpu.memory_space<semaphore_mem>>)
    %dma_start3A_44 = arith.constant 384 : i32
    %dma_start3A_45 = arith.constant 0 : i32
    %dma_start3A_46 = tpu.memref_slice %arg11[%dma_start3A_44, %dma_start3A_45] : memref<2048x32xf32, #tpu.memory_space<vmem>> -> memref<128x32xf32, #tpu.memory_space<vmem>>
    %dma_start3A_47 = arith.constant 128 : i32
    %dma_start3A_48 = tpu.memref_slice %arg9[%dma_start3A_47] : memref<256xi32, #tpu.memory_space<vmem>> -> memref<128xi32, #tpu.memory_space<vmem>>
    %dma_start3A_49 = arith.constant 0 : i32
    %dma_start3A_50 = arith.constant 0 : i32
    %dma_start3A_51 = tpu.memref_slice %arg3[%dma_start3A_49, %dma_start3A_50] : memref<100096x32xf32, #tpu.memory_space<hbm>> -> memref<100096x32xf32, #tpu.memory_space<hbm>>
    tpu.enqueue_indirect_dma source(%dma_start3A_51 : memref<100096x32xf32, #tpu.memory_space<hbm>>) target(%dma_start3A_46 : memref<128x32xf32, #tpu.memory_space<vmem>>) offsets(%dma_start3A_48 : memref<128xi32, #tpu.memory_space<vmem>>) semaphore(%arg13 : memref<!tpu.dma_semaphore, #tpu.memory_space<semaphore_mem>>)
    %dma_start3A_52 = arith.constant 1280 : i32
    %dma_start3A_53 = arith.constant 0 : i32
    %dma_start3A_54 = tpu.memref_slice %arg11[%dma_start3A_52, %dma_start3A_53] : memref<2048x32xf32, #tpu.memory_space<vmem>> -> memref<128x32xf32, #tpu.memory_space<vmem>>
    %dma_start3A_55 = arith.constant 0 : i32
    %dma_start3A_56 = tpu.memref_slice %arg10[%dma_start3A_55] : memref<256xi32, #tpu.memory_space<vmem>> -> memref<128xi32, #tpu.memory_space<vmem>>
    %dma_start3A_57 = arith.constant 0 : i32
    %dma_start3A_58 = arith.constant 0 : i32
    %dma_start3A_59 = tpu.memref_slice %arg3[%dma_start3A_57, %dma_start3A_58] : memref<100096x32xf32, #tpu.memory_space<hbm>> -> memref<100096x32xf32, #tpu.memory_space<hbm>>
    tpu.enqueue_indirect_dma source(%dma_start3A_59 : memref<100096x32xf32, #tpu.memory_space<hbm>>) target(%dma_start3A_54 : memref<128x32xf32, #tpu.memory_space<vmem>>) offsets(%dma_start3A_56 : memref<128xi32, #tpu.memory_space<vmem>>) semaphore(%arg13 : memref<!tpu.dma_semaphore, #tpu.memory_space<semaphore_mem>>)
    %dma_start3A_60 = arith.constant 1408 : i32
    %dma_start3A_61 = arith.constant 0 : i32
    %dma_start3A_62 = tpu.memref_slice %arg11[%dma_start3A_60, %dma_start3A_61] : memref<2048x32xf32, #tpu.memory_space<vmem>> -> memref<128x32xf32, #tpu.memory_space<vmem>>
    %dma_start3A_63 = arith.constant 128 : i32
    %dma_start3A_64 = tpu.memref_slice %arg10[%dma_start3A_63] : memref<256xi32, #tpu.memory_space<vmem>> -> memref<128xi32, #tpu.memory_space<vmem>>
    %dma_start3A_65 = arith.constant 0 : i32
    %dma_start3A_66 = arith.constant 0 : i32
    %dma_start3A_67 = tpu.memref_slice %arg3[%dma_start3A_65, %dma_start3A_66] : memref<100096x32xf32, #tpu.memory_space<hbm>> -> memref<100096x32xf32, #tpu.memory_space<hbm>>
    tpu.enqueue_indirect_dma source(%dma_start3A_67 : memref<100096x32xf32, #tpu.memory_space<hbm>>) target(%dma_start3A_62 : memref<128x32xf32, #tpu.memory_space<vmem>>) offsets(%dma_start3A_64 : memref<128xi32, #tpu.memory_space<vmem>>) semaphore(%arg13 : memref<!tpu.dma_semaphore, #tpu.memory_space<semaphore_mem>>)
    %dma_start3A_68 = arith.constant 512 : i32
    %dma_start3A_69 = arith.constant 0 : i32
    %dma_start3A_70 = tpu.memref_slice %arg11[%dma_start3A_68, %dma_start3A_69] : memref<2048x32xf32, #tpu.memory_space<vmem>> -> memref<128x32xf32, #tpu.memory_space<vmem>>
    %dma_start3A_71 = arith.constant 0 : i32
    %dma_start3A_72 = tpu.memref_slice %arg9[%dma_start3A_71] : memref<256xi32, #tpu.memory_space<vmem>> -> memref<128xi32, #tpu.memory_space<vmem>>
    %dma_start3A_73 = arith.constant 0 : i32
    %dma_start3A_74 = arith.constant 0 : i32
    %dma_start3A_75 = tpu.memref_slice %arg4[%dma_start3A_73, %dma_start3A_74] : memref<100096x32xf32, #tpu.memory_space<hbm>> -> memref<100096x32xf32, #tpu.memory_space<hbm>>
    tpu.enqueue_indirect_dma source(%dma_start3A_75 : memref<100096x32xf32, #tpu.memory_space<hbm>>) target(%dma_start3A_70 : memref<128x32xf32, #tpu.memory_space<vmem>>) offsets(%dma_start3A_72 : memref<128xi32, #tpu.memory_space<vmem>>) semaphore(%arg13 : memref<!tpu.dma_semaphore, #tpu.memory_space<semaphore_mem>>)
    %dma_start3A_76 = arith.constant 640 : i32
    %dma_start3A_77 = arith.constant 0 : i32
    %dma_start3A_78 = tpu.memref_slice %arg11[%dma_start3A_76, %dma_start3A_77] : memref<2048x32xf32, #tpu.memory_space<vmem>> -> memref<128x32xf32, #tpu.memory_space<vmem>>
    %dma_start3A_79 = arith.constant 128 : i32
    %dma_start3A_80 = tpu.memref_slice %arg9[%dma_start3A_79] : memref<256xi32, #tpu.memory_space<vmem>> -> memref<128xi32, #tpu.memory_space<vmem>>
    %dma_start3A_81 = arith.constant 0 : i32
    %dma_start3A_82 = arith.constant 0 : i32
    %dma_start3A_83 = tpu.memref_slice %arg4[%dma_start3A_81, %dma_start3A_82] : memref<100096x32xf32, #tpu.memory_space<hbm>> -> memref<100096x32xf32, #tpu.memory_space<hbm>>
    tpu.enqueue_indirect_dma source(%dma_start3A_83 : memref<100096x32xf32, #tpu.memory_space<hbm>>) target(%dma_start3A_78 : memref<128x32xf32, #tpu.memory_space<vmem>>) offsets(%dma_start3A_80 : memref<128xi32, #tpu.memory_space<vmem>>) semaphore(%arg13 : memref<!tpu.dma_semaphore, #tpu.memory_space<semaphore_mem>>)
    %dma_start3A_84 = arith.constant 1536 : i32
    %dma_start3A_85 = arith.constant 0 : i32
    %dma_start3A_86 = tpu.memref_slice %arg11[%dma_start3A_84, %dma_start3A_85] : memref<2048x32xf32, #tpu.memory_space<vmem>> -> memref<128x32xf32, #tpu.memory_space<vmem>>
    %dma_start3A_87 = arith.constant 0 : i32
    %dma_start3A_88 = tpu.memref_slice %arg10[%dma_start3A_87] : memref<256xi32, #tpu.memory_space<vmem>> -> memref<128xi32, #tpu.memory_space<vmem>>
    %dma_start3A_89 = arith.constant 0 : i32
    %dma_start3A_90 = arith.constant 0 : i32
    %dma_start3A_91 = tpu.memref_slice %arg4[%dma_start3A_89, %dma_start3A_90] : memref<100096x32xf32, #tpu.memory_space<hbm>> -> memref<100096x32xf32, #tpu.memory_space<hbm>>
    tpu.enqueue_indirect_dma source(%dma_start3A_91 : memref<100096x32xf32, #tpu.memory_space<hbm>>) target(%dma_start3A_86 : memref<128x32xf32, #tpu.memory_space<vmem>>) offsets(%dma_start3A_88 : memref<128xi32, #tpu.memory_space<vmem>>) semaphore(%arg13 : memref<!tpu.dma_semaphore, #tpu.memory_space<semaphore_mem>>)
    %dma_start3A_92 = arith.constant 1664 : i32
    %dma_start3A_93 = arith.constant 0 : i32
    %dma_start3A_94 = tpu.memref_slice %arg11[%dma_start3A_92, %dma_start3A_93] : memref<2048x32xf32, #tpu.memory_space<vmem>> -> memref<128x32xf32, #tpu.memory_space<vmem>>
    %dma_start3A_95 = arith.constant 128 : i32
    %dma_start3A_96 = tpu.memref_slice %arg10[%dma_start3A_95] : memref<256xi32, #tpu.memory_space<vmem>> -> memref<128xi32, #tpu.memory_space<vmem>>
    %dma_start3A_97 = arith.constant 0 : i32
    %dma_start3A_98 = arith.constant 0 : i32
    %dma_start3A_99 = tpu.memref_slice %arg4[%dma_start3A_97, %dma_start3A_98] : memref<100096x32xf32, #tpu.memory_space<hbm>> -> memref<100096x32xf32, #tpu.memory_space<hbm>>
    tpu.enqueue_indirect_dma source(%dma_start3A_99 : memref<100096x32xf32, #tpu.memory_space<hbm>>) target(%dma_start3A_94 : memref<128x32xf32, #tpu.memory_space<vmem>>) offsets(%dma_start3A_96 : memref<128xi32, #tpu.memory_space<vmem>>) semaphore(%arg13 : memref<!tpu.dma_semaphore, #tpu.memory_space<semaphore_mem>>)
    %dma_start3A_100 = arith.constant 768 : i32
    %dma_start3A_101 = arith.constant 0 : i32
    %dma_start3A_102 = tpu.memref_slice %arg11[%dma_start3A_100, %dma_start3A_101] : memref<2048x32xf32, #tpu.memory_space<vmem>> -> memref<128x32xf32, #tpu.memory_space<vmem>>
    %dma_start3A_103 = arith.constant 0 : i32
    %dma_start3A_104 = tpu.memref_slice %arg9[%dma_start3A_103] : memref<256xi32, #tpu.memory_space<vmem>> -> memref<128xi32, #tpu.memory_space<vmem>>
    %dma_start3A_105 = arith.constant 0 : i32
    %dma_start3A_106 = arith.constant 0 : i32
    %dma_start3A_107 = tpu.memref_slice %arg5[%dma_start3A_105, %dma_start3A_106] : memref<100096x32xf32, #tpu.memory_space<hbm>> -> memref<100096x32xf32, #tpu.memory_space<hbm>>
    tpu.enqueue_indirect_dma source(%dma_start3A_107 : memref<100096x32xf32, #tpu.memory_space<hbm>>) target(%dma_start3A_102 : memref<128x32xf32, #tpu.memory_space<vmem>>) offsets(%dma_start3A_104 : memref<128xi32, #tpu.memory_space<vmem>>) semaphore(%arg13 : memref<!tpu.dma_semaphore, #tpu.memory_space<semaphore_mem>>)
    %dma_start3A_108 = arith.constant 896 : i32
    %dma_start3A_109 = arith.constant 0 : i32
    %dma_start3A_110 = tpu.memref_slice %arg11[%dma_start3A_108, %dma_start3A_109] : memref<2048x32xf32, #tpu.memory_space<vmem>> -> memref<128x32xf32, #tpu.memory_space<vmem>>
    %dma_start3A_111 = arith.constant 128 : i32
    %dma_start3A_112 = tpu.memref_slice %arg9[%dma_start3A_111] : memref<256xi32, #tpu.memory_space<vmem>> -> memref<128xi32, #tpu.memory_space<vmem>>
    %dma_start3A_113 = arith.constant 0 : i32
    %dma_start3A_114 = arith.constant 0 : i32
    %dma_start3A_115 = tpu.memref_slice %arg5[%dma_start3A_113, %dma_start3A_114] : memref<100096x32xf32, #tpu.memory_space<hbm>> -> memref<100096x32xf32, #tpu.memory_space<hbm>>
    tpu.enqueue_indirect_dma source(%dma_start3A_115 : memref<100096x32xf32, #tpu.memory_space<hbm>>) target(%dma_start3A_110 : memref<128x32xf32, #tpu.memory_space<vmem>>) offsets(%dma_start3A_112 : memref<128xi32, #tpu.memory_space<vmem>>) semaphore(%arg13 : memref<!tpu.dma_semaphore, #tpu.memory_space<semaphore_mem>>)
    %dma_start3A_116 = arith.constant 1792 : i32
    %dma_start3A_117 = arith.constant 0 : i32
    %dma_start3A_118 = tpu.memref_slice %arg11[%dma_start3A_116, %dma_start3A_117] : memref<2048x32xf32, #tpu.memory_space<vmem>> -> memref<128x32xf32, #tpu.memory_space<vmem>>
    %dma_start3A_119 = arith.constant 0 : i32
    %dma_start3A_120 = tpu.memref_slice %arg10[%dma_start3A_119] : memref<256xi32, #tpu.memory_space<vmem>> -> memref<128xi32, #tpu.memory_space<vmem>>
    %dma_start3A_121 = arith.constant 0 : i32
    %dma_start3A_122 = arith.constant 0 : i32
    %dma_start3A_123 = tpu.memref_slice %arg5[%dma_start3A_121, %dma_start3A_122] : memref<100096x32xf32, #tpu.memory_space<hbm>> -> memref<100096x32xf32, #tpu.memory_space<hbm>>
    tpu.enqueue_indirect_dma source(%dma_start3A_123 : memref<100096x32xf32, #tpu.memory_space<hbm>>) target(%dma_start3A_118 : memref<128x32xf32, #tpu.memory_space<vmem>>) offsets(%dma_start3A_120 : memref<128xi32, #tpu.memory_space<vmem>>) semaphore(%arg13 : memref<!tpu.dma_semaphore, #tpu.memory_space<semaphore_mem>>)
    %dma_start3A_124 = arith.constant 1920 : i32
    %dma_start3A_125 = arith.constant 0 : i32
    %dma_start3A_126 = tpu.memref_slice %arg11[%dma_start3A_124, %dma_start3A_125] : memref<2048x32xf32, #tpu.memory_space<vmem>> -> memref<128x32xf32, #tpu.memory_space<vmem>>
    %dma_start3A_127 = arith.constant 128 : i32
    %dma_start3A_128 = tpu.memref_slice %arg10[%dma_start3A_127] : memref<256xi32, #tpu.memory_space<vmem>> -> memref<128xi32, #tpu.memory_space<vmem>>
    %dma_start3A_129 = arith.constant 0 : i32
    %dma_start3A_130 = arith.constant 0 : i32
    %dma_start3A_131 = tpu.memref_slice %arg5[%dma_start3A_129, %dma_start3A_130] : memref<100096x32xf32, #tpu.memory_space<hbm>> -> memref<100096x32xf32, #tpu.memory_space<hbm>>
    tpu.enqueue_indirect_dma source(%dma_start3A_131 : memref<100096x32xf32, #tpu.memory_space<hbm>>) target(%dma_start3A_126 : memref<128x32xf32, #tpu.memory_space<vmem>>) offsets(%dma_start3A_128 : memref<128xi32, #tpu.memory_space<vmem>>) semaphore(%arg13 : memref<!tpu.dma_semaphore, #tpu.memory_space<semaphore_mem>>)
    %dma_wait3A = arith.constant 0 : i32
    %dma_wait3A_132 = arith.constant 0 : i32
    %dma_wait3A_133 = tpu.memref_slice %arg11[%dma_wait3A, %dma_wait3A_132] : memref<2048x32xf32, #tpu.memory_space<vmem>> -> memref<128x32xf32, #tpu.memory_space<vmem>>
    %dma_wait3A_134 = arith.constant 0 : i32
    %dma_wait3A_135 = tpu.memref_slice %arg9[%dma_wait3A_134] : memref<256xi32, #tpu.memory_space<vmem>> -> memref<128xi32, #tpu.memory_space<vmem>>
    %dma_wait3A_136 = arith.constant 0 : i32
    %dma_wait3A_137 = arith.constant 0 : i32
    %dma_wait3A_138 = tpu.memref_slice %arg2[%dma_wait3A_136, %dma_wait3A_137] : memref<100096x32xf32, #tpu.memory_space<hbm>> -> memref<100096x32xf32, #tpu.memory_space<hbm>>
    tpu.wait_indirect_dma semaphore(%arg13 : memref<!tpu.dma_semaphore, #tpu.memory_space<semaphore_mem>>) src(%dma_wait3A_138 : memref<100096x32xf32, #tpu.memory_space<hbm>>) dst(%dma_wait3A_133 : memref<128x32xf32, #tpu.memory_space<vmem>>)
    %dma_wait3A_139 = arith.constant 128 : i32
    %dma_wait3A_140 = arith.constant 0 : i32
    %dma_wait3A_141 = tpu.memref_slice %arg11[%dma_wait3A_139, %dma_wait3A_140] : memref<2048x32xf32, #tpu.memory_space<vmem>> -> memref<128x32xf32, #tpu.memory_space<vmem>>
    %dma_wait3A_142 = arith.constant 128 : i32
    %dma_wait3A_143 = tpu.memref_slice %arg9[%dma_wait3A_142] : memref<256xi32, #tpu.memory_space<vmem>> -> memref<128xi32, #tpu.memory_space<vmem>>
    %dma_wait3A_144 = arith.constant 0 : i32
    %dma_wait3A_145 = arith.constant 0 : i32
    %dma_wait3A_146 = tpu.memref_slice %arg2[%dma_wait3A_144, %dma_wait3A_145] : memref<100096x32xf32, #tpu.memory_space<hbm>> -> memref<100096x32xf32, #tpu.memory_space<hbm>>
    tpu.wait_indirect_dma semaphore(%arg13 : memref<!tpu.dma_semaphore, #tpu.memory_space<semaphore_mem>>) src(%dma_wait3A_146 : memref<100096x32xf32, #tpu.memory_space<hbm>>) dst(%dma_wait3A_141 : memref<128x32xf32, #tpu.memory_space<vmem>>)
    %dma_wait3A_147 = arith.constant 1024 : i32
    %dma_wait3A_148 = arith.constant 0 : i32
    %dma_wait3A_149 = tpu.memref_slice %arg11[%dma_wait3A_147, %dma_wait3A_148] : memref<2048x32xf32, #tpu.memory_space<vmem>> -> memref<128x32xf32, #tpu.memory_space<vmem>>
    %dma_wait3A_150 = arith.constant 0 : i32
    %dma_wait3A_151 = tpu.memref_slice %arg10[%dma_wait3A_150] : memref<256xi32, #tpu.memory_space<vmem>> -> memref<128xi32, #tpu.memory_space<vmem>>
    %dma_wait3A_152 = arith.constant 0 : i32
    %dma_wait3A_153 = arith.constant 0 : i32
    %dma_wait3A_154 = tpu.memref_slice %arg2[%dma_wait3A_152, %dma_wait3A_153] : memref<100096x32xf32, #tpu.memory_space<hbm>> -> memref<100096x32xf32, #tpu.memory_space<hbm>>
    tpu.wait_indirect_dma semaphore(%arg13 : memref<!tpu.dma_semaphore, #tpu.memory_space<semaphore_mem>>) src(%dma_wait3A_154 : memref<100096x32xf32, #tpu.memory_space<hbm>>) dst(%dma_wait3A_149 : memref<128x32xf32, #tpu.memory_space<vmem>>)
    %dma_wait3A_155 = arith.constant 1152 : i32
    %dma_wait3A_156 = arith.constant 0 : i32
    %dma_wait3A_157 = tpu.memref_slice %arg11[%dma_wait3A_155, %dma_wait3A_156] : memref<2048x32xf32, #tpu.memory_space<vmem>> -> memref<128x32xf32, #tpu.memory_space<vmem>>
    %dma_wait3A_158 = arith.constant 128 : i32
    %dma_wait3A_159 = tpu.memref_slice %arg10[%dma_wait3A_158] : memref<256xi32, #tpu.memory_space<vmem>> -> memref<128xi32, #tpu.memory_space<vmem>>
    %dma_wait3A_160 = arith.constant 0 : i32
    %dma_wait3A_161 = arith.constant 0 : i32
    %dma_wait3A_162 = tpu.memref_slice %arg2[%dma_wait3A_160, %dma_wait3A_161] : memref<100096x32xf32, #tpu.memory_space<hbm>> -> memref<100096x32xf32, #tpu.memory_space<hbm>>
    tpu.wait_indirect_dma semaphore(%arg13 : memref<!tpu.dma_semaphore, #tpu.memory_space<semaphore_mem>>) src(%dma_wait3A_162 : memref<100096x32xf32, #tpu.memory_space<hbm>>) dst(%dma_wait3A_157 : memref<128x32xf32, #tpu.memory_space<vmem>>)
    %dma_wait3A_163 = arith.constant 256 : i32
    %dma_wait3A_164 = arith.constant 0 : i32
    %dma_wait3A_165 = tpu.memref_slice %arg11[%dma_wait3A_163, %dma_wait3A_164] : memref<2048x32xf32, #tpu.memory_space<vmem>> -> memref<128x32xf32, #tpu.memory_space<vmem>>
    %dma_wait3A_166 = arith.constant 0 : i32
    %dma_wait3A_167 = tpu.memref_slice %arg9[%dma_wait3A_166] : memref<256xi32, #tpu.memory_space<vmem>> -> memref<128xi32, #tpu.memory_space<vmem>>
    %dma_wait3A_168 = arith.constant 0 : i32
    %dma_wait3A_169 = arith.constant 0 : i32
    %dma_wait3A_170 = tpu.memref_slice %arg3[%dma_wait3A_168, %dma_wait3A_169] : memref<100096x32xf32, #tpu.memory_space<hbm>> -> memref<100096x32xf32, #tpu.memory_space<hbm>>
    tpu.wait_indirect_dma semaphore(%arg13 : memref<!tpu.dma_semaphore, #tpu.memory_space<semaphore_mem>>) src(%dma_wait3A_170 : memref<100096x32xf32, #tpu.memory_space<hbm>>) dst(%dma_wait3A_165 : memref<128x32xf32, #tpu.memory_space<vmem>>)
    %dma_wait3A_171 = arith.constant 384 : i32
    %dma_wait3A_172 = arith.constant 0 : i32
    %dma_wait3A_173 = tpu.memref_slice %arg11[%dma_wait3A_171, %dma_wait3A_172] : memref<2048x32xf32, #tpu.memory_space<vmem>> -> memref<128x32xf32, #tpu.memory_space<vmem>>
    %dma_wait3A_174 = arith.constant 128 : i32
    %dma_wait3A_175 = tpu.memref_slice %arg9[%dma_wait3A_174] : memref<256xi32, #tpu.memory_space<vmem>> -> memref<128xi32, #tpu.memory_space<vmem>>
    %dma_wait3A_176 = arith.constant 0 : i32
    %dma_wait3A_177 = arith.constant 0 : i32
    %dma_wait3A_178 = tpu.memref_slice %arg3[%dma_wait3A_176, %dma_wait3A_177] : memref<100096x32xf32, #tpu.memory_space<hbm>> -> memref<100096x32xf32, #tpu.memory_space<hbm>>
    tpu.wait_indirect_dma semaphore(%arg13 : memref<!tpu.dma_semaphore, #tpu.memory_space<semaphore_mem>>) src(%dma_wait3A_178 : memref<100096x32xf32, #tpu.memory_space<hbm>>) dst(%dma_wait3A_173 : memref<128x32xf32, #tpu.memory_space<vmem>>)
    %dma_wait3A_179 = arith.constant 1280 : i32
    %dma_wait3A_180 = arith.constant 0 : i32
    %dma_wait3A_181 = tpu.memref_slice %arg11[%dma_wait3A_179, %dma_wait3A_180] : memref<2048x32xf32, #tpu.memory_space<vmem>> -> memref<128x32xf32, #tpu.memory_space<vmem>>
    %dma_wait3A_182 = arith.constant 0 : i32
    %dma_wait3A_183 = tpu.memref_slice %arg10[%dma_wait3A_182] : memref<256xi32, #tpu.memory_space<vmem>> -> memref<128xi32, #tpu.memory_space<vmem>>
    %dma_wait3A_184 = arith.constant 0 : i32
    %dma_wait3A_185 = arith.constant 0 : i32
    %dma_wait3A_186 = tpu.memref_slice %arg3[%dma_wait3A_184, %dma_wait3A_185] : memref<100096x32xf32, #tpu.memory_space<hbm>> -> memref<100096x32xf32, #tpu.memory_space<hbm>>
    tpu.wait_indirect_dma semaphore(%arg13 : memref<!tpu.dma_semaphore, #tpu.memory_space<semaphore_mem>>) src(%dma_wait3A_186 : memref<100096x32xf32, #tpu.memory_space<hbm>>) dst(%dma_wait3A_181 : memref<128x32xf32, #tpu.memory_space<vmem>>)
    %dma_wait3A_187 = arith.constant 1408 : i32
    %dma_wait3A_188 = arith.constant 0 : i32
    %dma_wait3A_189 = tpu.memref_slice %arg11[%dma_wait3A_187, %dma_wait3A_188] : memref<2048x32xf32, #tpu.memory_space<vmem>> -> memref<128x32xf32, #tpu.memory_space<vmem>>
    %dma_wait3A_190 = arith.constant 128 : i32
    %dma_wait3A_191 = tpu.memref_slice %arg10[%dma_wait3A_190] : memref<256xi32, #tpu.memory_space<vmem>> -> memref<128xi32, #tpu.memory_space<vmem>>
    %dma_wait3A_192 = arith.constant 0 : i32
    %dma_wait3A_193 = arith.constant 0 : i32
    %dma_wait3A_194 = tpu.memref_slice %arg3[%dma_wait3A_192, %dma_wait3A_193] : memref<100096x32xf32, #tpu.memory_space<hbm>> -> memref<100096x32xf32, #tpu.memory_space<hbm>>
    tpu.wait_indirect_dma semaphore(%arg13 : memref<!tpu.dma_semaphore, #tpu.memory_space<semaphore_mem>>) src(%dma_wait3A_194 : memref<100096x32xf32, #tpu.memory_space<hbm>>) dst(%dma_wait3A_189 : memref<128x32xf32, #tpu.memory_space<vmem>>)
    %dma_wait3A_195 = arith.constant 512 : i32
    %dma_wait3A_196 = arith.constant 0 : i32
    %dma_wait3A_197 = tpu.memref_slice %arg11[%dma_wait3A_195, %dma_wait3A_196] : memref<2048x32xf32, #tpu.memory_space<vmem>> -> memref<128x32xf32, #tpu.memory_space<vmem>>
    %dma_wait3A_198 = arith.constant 0 : i32
    %dma_wait3A_199 = tpu.memref_slice %arg9[%dma_wait3A_198] : memref<256xi32, #tpu.memory_space<vmem>> -> memref<128xi32, #tpu.memory_space<vmem>>
    %dma_wait3A_200 = arith.constant 0 : i32
    %dma_wait3A_201 = arith.constant 0 : i32
    %dma_wait3A_202 = tpu.memref_slice %arg4[%dma_wait3A_200, %dma_wait3A_201] : memref<100096x32xf32, #tpu.memory_space<hbm>> -> memref<100096x32xf32, #tpu.memory_space<hbm>>
    tpu.wait_indirect_dma semaphore(%arg13 : memref<!tpu.dma_semaphore, #tpu.memory_space<semaphore_mem>>) src(%dma_wait3A_202 : memref<100096x32xf32, #tpu.memory_space<hbm>>) dst(%dma_wait3A_197 : memref<128x32xf32, #tpu.memory_space<vmem>>)
    %dma_wait3A_203 = arith.constant 640 : i32
    %dma_wait3A_204 = arith.constant 0 : i32
    %dma_wait3A_205 = tpu.memref_slice %arg11[%dma_wait3A_203, %dma_wait3A_204] : memref<2048x32xf32, #tpu.memory_space<vmem>> -> memref<128x32xf32, #tpu.memory_space<vmem>>
    %dma_wait3A_206 = arith.constant 128 : i32
    %dma_wait3A_207 = tpu.memref_slice %arg9[%dma_wait3A_206] : memref<256xi32, #tpu.memory_space<vmem>> -> memref<128xi32, #tpu.memory_space<vmem>>
    %dma_wait3A_208 = arith.constant 0 : i32
    %dma_wait3A_209 = arith.constant 0 : i32
    %dma_wait3A_210 = tpu.memref_slice %arg4[%dma_wait3A_208, %dma_wait3A_209] : memref<100096x32xf32, #tpu.memory_space<hbm>> -> memref<100096x32xf32, #tpu.memory_space<hbm>>
    tpu.wait_indirect_dma semaphore(%arg13 : memref<!tpu.dma_semaphore, #tpu.memory_space<semaphore_mem>>) src(%dma_wait3A_210 : memref<100096x32xf32, #tpu.memory_space<hbm>>) dst(%dma_wait3A_205 : memref<128x32xf32, #tpu.memory_space<vmem>>)
    %dma_wait3A_211 = arith.constant 1536 : i32
    %dma_wait3A_212 = arith.constant 0 : i32
    %dma_wait3A_213 = tpu.memref_slice %arg11[%dma_wait3A_211, %dma_wait3A_212] : memref<2048x32xf32, #tpu.memory_space<vmem>> -> memref<128x32xf32, #tpu.memory_space<vmem>>
    %dma_wait3A_214 = arith.constant 0 : i32
    %dma_wait3A_215 = tpu.memref_slice %arg10[%dma_wait3A_214] : memref<256xi32, #tpu.memory_space<vmem>> -> memref<128xi32, #tpu.memory_space<vmem>>
    %dma_wait3A_216 = arith.constant 0 : i32
    %dma_wait3A_217 = arith.constant 0 : i32
    %dma_wait3A_218 = tpu.memref_slice %arg4[%dma_wait3A_216, %dma_wait3A_217] : memref<100096x32xf32, #tpu.memory_space<hbm>> -> memref<100096x32xf32, #tpu.memory_space<hbm>>
    tpu.wait_indirect_dma semaphore(%arg13 : memref<!tpu.dma_semaphore, #tpu.memory_space<semaphore_mem>>) src(%dma_wait3A_218 : memref<100096x32xf32, #tpu.memory_space<hbm>>) dst(%dma_wait3A_213 : memref<128x32xf32, #tpu.memory_space<vmem>>)
    %dma_wait3A_219 = arith.constant 1664 : i32
    %dma_wait3A_220 = arith.constant 0 : i32
    %dma_wait3A_221 = tpu.memref_slice %arg11[%dma_wait3A_219, %dma_wait3A_220] : memref<2048x32xf32, #tpu.memory_space<vmem>> -> memref<128x32xf32, #tpu.memory_space<vmem>>
    %dma_wait3A_222 = arith.constant 128 : i32
    %dma_wait3A_223 = tpu.memref_slice %arg10[%dma_wait3A_222] : memref<256xi32, #tpu.memory_space<vmem>> -> memref<128xi32, #tpu.memory_space<vmem>>
    %dma_wait3A_224 = arith.constant 0 : i32
    %dma_wait3A_225 = arith.constant 0 : i32
    %dma_wait3A_226 = tpu.memref_slice %arg4[%dma_wait3A_224, %dma_wait3A_225] : memref<100096x32xf32, #tpu.memory_space<hbm>> -> memref<100096x32xf32, #tpu.memory_space<hbm>>
    tpu.wait_indirect_dma semaphore(%arg13 : memref<!tpu.dma_semaphore, #tpu.memory_space<semaphore_mem>>) src(%dma_wait3A_226 : memref<100096x32xf32, #tpu.memory_space<hbm>>) dst(%dma_wait3A_221 : memref<128x32xf32, #tpu.memory_space<vmem>>)
    %dma_wait3A_227 = arith.constant 768 : i32
    %dma_wait3A_228 = arith.constant 0 : i32
    %dma_wait3A_229 = tpu.memref_slice %arg11[%dma_wait3A_227, %dma_wait3A_228] : memref<2048x32xf32, #tpu.memory_space<vmem>> -> memref<128x32xf32, #tpu.memory_space<vmem>>
    %dma_wait3A_230 = arith.constant 0 : i32
    %dma_wait3A_231 = tpu.memref_slice %arg9[%dma_wait3A_230] : memref<256xi32, #tpu.memory_space<vmem>> -> memref<128xi32, #tpu.memory_space<vmem>>
    %dma_wait3A_232 = arith.constant 0 : i32
    %dma_wait3A_233 = arith.constant 0 : i32
    %dma_wait3A_234 = tpu.memref_slice %arg5[%dma_wait3A_232, %dma_wait3A_233] : memref<100096x32xf32, #tpu.memory_space<hbm>> -> memref<100096x32xf32, #tpu.memory_space<hbm>>
    tpu.wait_indirect_dma semaphore(%arg13 : memref<!tpu.dma_semaphore, #tpu.memory_space<semaphore_mem>>) src(%dma_wait3A_234 : memref<100096x32xf32, #tpu.memory_space<hbm>>) dst(%dma_wait3A_229 : memref<128x32xf32, #tpu.memory_space<vmem>>)
    %dma_wait3A_235 = arith.constant 896 : i32
    %dma_wait3A_236 = arith.constant 0 : i32
    %dma_wait3A_237 = tpu.memref_slice %arg11[%dma_wait3A_235, %dma_wait3A_236] : memref<2048x32xf32, #tpu.memory_space<vmem>> -> memref<128x32xf32, #tpu.memory_space<vmem>>
    %dma_wait3A_238 = arith.constant 128 : i32
    %dma_wait3A_239 = tpu.memref_slice %arg9[%dma_wait3A_238] : memref<256xi32, #tpu.memory_space<vmem>> -> memref<128xi32, #tpu.memory_space<vmem>>
    %dma_wait3A_240 = arith.constant 0 : i32
    %dma_wait3A_241 = arith.constant 0 : i32
    %dma_wait3A_242 = tpu.memref_slice %arg5[%dma_wait3A_240, %dma_wait3A_241] : memref<100096x32xf32, #tpu.memory_space<hbm>> -> memref<100096x32xf32, #tpu.memory_space<hbm>>
    tpu.wait_indirect_dma semaphore(%arg13 : memref<!tpu.dma_semaphore, #tpu.memory_space<semaphore_mem>>) src(%dma_wait3A_242 : memref<100096x32xf32, #tpu.memory_space<hbm>>) dst(%dma_wait3A_237 : memref<128x32xf32, #tpu.memory_space<vmem>>)
    %dma_wait3A_243 = arith.constant 1792 : i32
    %dma_wait3A_244 = arith.constant 0 : i32
    %dma_wait3A_245 = tpu.memref_slice %arg11[%dma_wait3A_243, %dma_wait3A_244] : memref<2048x32xf32, #tpu.memory_space<vmem>> -> memref<128x32xf32, #tpu.memory_space<vmem>>
    %dma_wait3A_246 = arith.constant 0 : i32
    %dma_wait3A_247 = tpu.memref_slice %arg10[%dma_wait3A_246] : memref<256xi32, #tpu.memory_space<vmem>> -> memref<128xi32, #tpu.memory_space<vmem>>
    %dma_wait3A_248 = arith.constant 0 : i32
    %dma_wait3A_249 = arith.constant 0 : i32
    %dma_wait3A_250 = tpu.memref_slice %arg5[%dma_wait3A_248, %dma_wait3A_249] : memref<100096x32xf32, #tpu.memory_space<hbm>> -> memref<100096x32xf32, #tpu.memory_space<hbm>>
    tpu.wait_indirect_dma semaphore(%arg13 : memref<!tpu.dma_semaphore, #tpu.memory_space<semaphore_mem>>) src(%dma_wait3A_250 : memref<100096x32xf32, #tpu.memory_space<hbm>>) dst(%dma_wait3A_245 : memref<128x32xf32, #tpu.memory_space<vmem>>)
    %dma_wait3A_251 = arith.constant 1920 : i32
    %dma_wait3A_252 = arith.constant 0 : i32
    %dma_wait3A_253 = tpu.memref_slice %arg11[%dma_wait3A_251, %dma_wait3A_252] : memref<2048x32xf32, #tpu.memory_space<vmem>> -> memref<128x32xf32, #tpu.memory_space<vmem>>
    %dma_wait3A_254 = arith.constant 128 : i32
    %dma_wait3A_255 = tpu.memref_slice %arg10[%dma_wait3A_254] : memref<256xi32, #tpu.memory_space<vmem>> -> memref<128xi32, #tpu.memory_space<vmem>>
    %dma_wait3A_256 = arith.constant 0 : i32
    %dma_wait3A_257 = arith.constant 0 : i32
    %dma_wait3A_258 = tpu.memref_slice %arg5[%dma_wait3A_256, %dma_wait3A_257] : memref<100096x32xf32, #tpu.memory_space<hbm>> -> memref<100096x32xf32, #tpu.memory_space<hbm>>
    tpu.wait_indirect_dma semaphore(%arg13 : memref<!tpu.dma_semaphore, #tpu.memory_space<semaphore_mem>>) src(%dma_wait3A_258 : memref<100096x32xf32, #tpu.memory_space<hbm>>) dst(%dma_wait3A_253 : memref<128x32xf32, #tpu.memory_space<vmem>>)
    %scan3A = arith.constant 0 : i32
    %scan3A_259 = arith.constant 0 : i32
    %scan3A_260 = arith.constant 256 : i32
    %scan3A_261 = arith.addi %scan3A_259, %scan3A_260 : i32
    %scan3A_262 = arith.constant 1 : i32
    %scan3A_263 = scf.for %scan3A_267 = %scan3A_259 to %scan3A_261 step %scan3A_262 iter_args(%scan3A_268 = %scan3A) -> (i32)  : i32 {
      %add3A_269 = arith.constant 0 : i32
      %add3A_270 = arith.addi %add3A_269, %scan3A_267 : i32
      %get3A = arith.index_cast %add3A_270 : i32 to index
      %get3A_271 = arith.constant 0 : index
      %get3A_272 = tpu.vector_load %arg11[%get3A, %get3A_271] {strides = array<i32>} : memref<2048x32xf32, #tpu.memory_space<vmem>>, vector<1x16xf32>,
      %get3A_273 = vector.shape_cast %get3A_272 : vector<1x16xf32> to vector<16xf32>
      %add3A_274 = arith.constant 256 : i32
      %add3A_275 = arith.addi %add3A_274, %scan3A_267 : i32
      %get3A_276 = arith.index_cast %add3A_275 : i32 to index
      %get3A_277 = arith.constant 0 : index
      %get3A_278 = tpu.vector_load %arg11[%get3A_276, %get3A_277] {strides = array<i32>} : memref<2048x32xf32, #tpu.memory_space<vmem>>, vector<1x16xf32>,
      %get3A_279 = vector.shape_cast %get3A_278 : vector<1x16xf32> to vector<16xf32>
      %add3A_280 = arith.addf %get3A_273, %get3A_279 : vector<16xf32>
      %add3A_281 = arith.constant 512 : i32
      %add3A_282 = arith.addi %add3A_281, %scan3A_267 : i32
      %get3A_283 = arith.index_cast %add3A_282 : i32 to index
      %get3A_284 = arith.constant 0 : index
      %get3A_285 = tpu.vector_load %arg11[%get3A_283, %get3A_284] {strides = array<i32>} : memref<2048x32xf32, #tpu.memory_space<vmem>>, vector<1x16xf32>,
      %get3A_286 = vector.shape_cast %get3A_285 : vector<1x16xf32> to vector<16xf32>
      %add3A_287 = arith.addf %add3A_280, %get3A_286 : vector<16xf32>
      %add3A_288 = arith.constant 768 : i32
      %add3A_289 = arith.addi %add3A_288, %scan3A_267 : i32
      %get3A_290 = arith.index_cast %add3A_289 : i32 to index
      %get3A_291 = arith.constant 0 : index
      %get3A_292 = tpu.vector_load %arg11[%get3A_290, %get3A_291] {strides = array<i32>} : memref<2048x32xf32, #tpu.memory_space<vmem>>, vector<1x16xf32>,
      %get3A_293 = vector.shape_cast %get3A_292 : vector<1x16xf32> to vector<16xf32>
      %add3A_294 = arith.addf %add3A_287, %get3A_293 : vector<16xf32>
      %mul3A_295 = arith.constant 2.500000e-01 : f32
      %mul3A_296 = vector.broadcast %mul3A_295 : f32 to vector<16xf32>
      %mul3A_297 = arith.mulf %add3A_294, %mul3A_296 : vector<16xf32>
      %swap3A = arith.index_cast %scan3A_267 : i32 to index
      %swap3A_298 = arith.constant 0 : index
      %swap3A_299 = tpu.vector_load %arg12[%swap3A, %swap3A_298] {strides = array<i32>} : memref<256x64xf32, #tpu.memory_space<vmem>>, vector<1x16xf32>,
      %swap3A_300 = vector.shape_cast %swap3A_299 : vector<1x16xf32> to vector<16xf32>
      %swap3A_301 = vector.shape_cast %mul3A_297 : vector<16xf32> to vector<1x16xf32>
      tpu.vector_store %arg12[%swap3A, %swap3A_298], %swap3A_301 {strides = array<i32>} : memref<256x64xf32, #tpu.memory_space<vmem>>, vector<1x16xf32>,
      %add3A_302 = arith.constant 0 : i32
      %add3A_303 = arith.addi %add3A_302, %scan3A_267 : i32
      %get3A_304 = arith.index_cast %add3A_303 : i32 to index
      %get3A_305 = arith.constant 16 : index
      %get3A_306 = tpu.vector_load %arg11[%get3A_304, %get3A_305] {strides = array<i32>} : memref<2048x32xf32, #tpu.memory_space<vmem>>, vector<1x16xf32>,
      %get3A_307 = vector.shape_cast %get3A_306 : vector<1x16xf32> to vector<16xf32>
      %add3A_308 = arith.constant 256 : i32
      %add3A_309 = arith.addi %add3A_308, %scan3A_267 : i32
      %get3A_310 = arith.index_cast %add3A_309 : i32 to index
      %get3A_311 = arith.constant 16 : index
      %get3A_312 = tpu.vector_load %arg11[%get3A_310, %get3A_311] {strides = array<i32>} : memref<2048x32xf32, #tpu.memory_space<vmem>>, vector<1x16xf32>,
      %get3A_313 = vector.shape_cast %get3A_312 : vector<1x16xf32> to vector<16xf32>
      %add3A_314 = arith.addf %get3A_307, %get3A_313 : vector<16xf32>
      %add3A_315 = arith.constant 512 : i32
      %add3A_316 = arith.addi %add3A_315, %scan3A_267 : i32
      %get3A_317 = arith.index_cast %add3A_316 : i32 to index
      %get3A_318 = arith.constant 16 : index
      %get3A_319 = tpu.vector_load %arg11[%get3A_317, %get3A_318] {strides = array<i32>} : memref<2048x32xf32, #tpu.memory_space<vmem>>, vector<1x16xf32>,
      %get3A_320 = vector.shape_cast %get3A_319 : vector<1x16xf32> to vector<16xf32>
      %add3A_321 = arith.addf %add3A_314, %get3A_320 : vector<16xf32>
      %add3A_322 = arith.constant 768 : i32
      %add3A_323 = arith.addi %add3A_322, %scan3A_267 : i32
      %get3A_324 = arith.index_cast %add3A_323 : i32 to index
      %get3A_325 = arith.constant 16 : index
      %get3A_326 = tpu.vector_load %arg11[%get3A_324, %get3A_325] {strides = array<i32>} : memref<2048x32xf32, #tpu.memory_space<vmem>>, vector<1x16xf32>,
      %get3A_327 = vector.shape_cast %get3A_326 : vector<1x16xf32> to vector<16xf32>
      %add3A_328 = arith.addf %add3A_321, %get3A_327 : vector<16xf32>
      %mul3A_329 = arith.constant 2.500000e-01 : f32
      %mul3A_330 = vector.broadcast %mul3A_329 : f32 to vector<16xf32>
      %mul3A_331 = arith.mulf %add3A_328, %mul3A_330 : vector<16xf32>
      %swap3A_332 = arith.index_cast %scan3A_267 : i32 to index
      %swap3A_333 = arith.constant 16 : index
      %swap3A_334 = tpu.vector_load %arg12[%swap3A_332, %swap3A_333] {strides = array<i32>} : memref<256x64xf32, #tpu.memory_space<vmem>>, vector<1x16xf32>,
      %swap3A_335 = vector.shape_cast %swap3A_334 : vector<1x16xf32> to vector<16xf32>
      %swap3A_336 = vector.shape_cast %mul3A_331 : vector<16xf32> to vector<1x16xf32>
      tpu.vector_store %arg12[%swap3A_332, %swap3A_333], %swap3A_336 {strides = array<i32>} : memref<256x64xf32, #tpu.memory_space<vmem>>, vector<1x16xf32>,
      %add3A_337 = arith.constant 1024 : i32
      %add3A_338 = arith.addi %add3A_337, %scan3A_267 : i32
      %get3A_339 = arith.index_cast %add3A_338 : i32 to index
      %get3A_340 = arith.constant 0 : index
      %get3A_341 = tpu.vector_load %arg11[%get3A_339, %get3A_340] {strides = array<i32>} : memref<2048x32xf32, #tpu.memory_space<vmem>>, vector<1x16xf32>,
      %get3A_342 = vector.shape_cast %get3A_341 : vector<1x16xf32> to vector<16xf32>
      %add3A_343 = arith.constant 1280 : i32
      %add3A_344 = arith.addi %add3A_343, %scan3A_267 : i32
      %get3A_345 = arith.index_cast %add3A_344 : i32 to index
      %get3A_346 = arith.constant 0 : index
      %get3A_347 = tpu.vector_load %arg11[%get3A_345, %get3A_346] {strides = array<i32>} : memref<2048x32xf32, #tpu.memory_space<vmem>>, vector<1x16xf32>,
      %get3A_348 = vector.shape_cast %get3A_347 : vector<1x16xf32> to vector<16xf32>
      %add3A_349 = arith.addf %get3A_342, %get3A_348 : vector<16xf32>
      %add3A_350 = arith.constant 1536 : i32
      %add3A_351 = arith.addi %add3A_350, %scan3A_267 : i32
      %get3A_352 = arith.index_cast %add3A_351 : i32 to index
      %get3A_353 = arith.constant 0 : index
      %get3A_354 = tpu.vector_load %arg11[%get3A_352, %get3A_353] {strides = array<i32>} : memref<2048x32xf32, #tpu.memory_space<vmem>>, vector<1x16xf32>,
      %get3A_355 = vector.shape_cast %get3A_354 : vector<1x16xf32> to vector<16xf32>
      %add3A_356 = arith.addf %add3A_349, %get3A_355 : vector<16xf32>
      %add3A_357 = arith.constant 1792 : i32
      %add3A_358 = arith.addi %add3A_357, %scan3A_267 : i32
      %get3A_359 = arith.index_cast %add3A_358 : i32 to index
      %get3A_360 = arith.constant 0 : index
      %get3A_361 = tpu.vector_load %arg11[%get3A_359, %get3A_360] {strides = array<i32>} : memref<2048x32xf32, #tpu.memory_space<vmem>>, vector<1x16xf32>,
      %get3A_362 = vector.shape_cast %get3A_361 : vector<1x16xf32> to vector<16xf32>
      %add3A_363 = arith.addf %add3A_356, %get3A_362 : vector<16xf32>
      %mul3A_364 = arith.constant 2.500000e-01 : f32
      %mul3A_365 = vector.broadcast %mul3A_364 : f32 to vector<16xf32>
      %mul3A_366 = arith.mulf %add3A_363, %mul3A_365 : vector<16xf32>
      %swap3A_367 = arith.index_cast %scan3A_267 : i32 to index
      %swap3A_368 = arith.constant 32 : index
      %swap3A_369 = tpu.vector_load %arg12[%swap3A_367, %swap3A_368] {strides = array<i32>} : memref<256x64xf32, #tpu.memory_space<vmem>>, vector<1x16xf32>,
      %swap3A_370 = vector.shape_cast %swap3A_369 : vector<1x16xf32> to vector<16xf32>
      %swap3A_371 = vector.shape_cast %mul3A_366 : vector<16xf32> to vector<1x16xf32>
      tpu.vector_store %arg12[%swap3A_367, %swap3A_368], %swap3A_371 {strides = array<i32>} : memref<256x64xf32, #tpu.memory_space<vmem>>, vector<1x16xf32>,
      %add3A_372 = arith.constant 1024 : i32
      %add3A_373 = arith.addi %add3A_372, %scan3A_267 : i32
      %get3A_374 = arith.index_cast %add3A_373 : i32 to index
      %get3A_375 = arith.constant 16 : index
      %get3A_376 = tpu.vector_load %arg11[%get3A_374, %get3A_375] {strides = array<i32>} : memref<2048x32xf32, #tpu.memory_space<vmem>>, vector<1x16xf32>,
      %get3A_377 = vector.shape_cast %get3A_376 : vector<1x16xf32> to vector<16xf32>
      %add3A_378 = arith.constant 1280 : i32
      %add3A_379 = arith.addi %add3A_378, %scan3A_267 : i32
      %get3A_380 = arith.index_cast %add3A_379 : i32 to index
      %get3A_381 = arith.constant 16 : index
      %get3A_382 = tpu.vector_load %arg11[%get3A_380, %get3A_381] {strides = array<i32>} : memref<2048x32xf32, #tpu.memory_space<vmem>>, vector<1x16xf32>,
      %get3A_383 = vector.shape_cast %get3A_382 : vector<1x16xf32> to vector<16xf32>
      %add3A_384 = arith.addf %get3A_377, %get3A_383 : vector<16xf32>
      %add3A_385 = arith.constant 1536 : i32
      %add3A_386 = arith.addi %add3A_385, %scan3A_267 : i32
      %get3A_387 = arith.index_cast %add3A_386 : i32 to index
      %get3A_388 = arith.constant 16 : index
      %get3A_389 = tpu.vector_load %arg11[%get3A_387, %get3A_388] {strides = array<i32>} : memref<2048x32xf32, #tpu.memory_space<vmem>>, vector<1x16xf32>,
      %get3A_390 = vector.shape_cast %get3A_389 : vector<1x16xf32> to vector<16xf32>
      %add3A_391 = arith.addf %add3A_384, %get3A_390 : vector<16xf32>
      %add3A_392 = arith.constant 1792 : i32
      %add3A_393 = arith.addi %add3A_392, %scan3A_267 : i32
      %get3A_394 = arith.index_cast %add3A_393 : i32 to index
      %get3A_395 = arith.constant 16 : index
      %get3A_396 = tpu.vector_load %arg11[%get3A_394, %get3A_395] {strides = array<i32>} : memref<2048x32xf32, #tpu.memory_space<vmem>>, vector<1x16xf32>,
      %get3A_397 = vector.shape_cast %get3A_396 : vector<1x16xf32> to vector<16xf32>
      %add3A_398 = arith.addf %add3A_391, %get3A_397 : vector<16xf32>
      %mul3A_399 = arith.constant 2.500000e-01 : f32
      %mul3A_400 = vector.broadcast %mul3A_399 : f32 to vector<16xf32>
      %mul3A_401 = arith.mulf %add3A_398, %mul3A_400 : vector<16xf32>
      %swap3A_402 = arith.index_cast %scan3A_267 : i32 to index
      %swap3A_403 = arith.constant 48 : index
      %swap3A_404 = tpu.vector_load %arg12[%swap3A_402, %swap3A_403] {strides = array<i32>} : memref<256x64xf32, #tpu.memory_space<vmem>>, vector<1x16xf32>,
      %swap3A_405 = vector.shape_cast %swap3A_404 : vector<1x16xf32> to vector<16xf32>
      %swap3A_406 = vector.shape_cast %mul3A_401 : vector<16xf32> to vector<1x16xf32>
      tpu.vector_store %arg12[%swap3A_402, %swap3A_403], %swap3A_406 {strides = array<i32>} : memref<256x64xf32, #tpu.memory_space<vmem>>, vector<1x16xf32>,
      %scan3A_407 = arith.constant 0 : i32
      scf.yield %scan3A_407 : i32
    }
    %scan3A_264 = arith.constant 256 : i32
    %mul3A_265 = arith.constant 256 : i32
    %mul3A_266 = arith.muli %add3A, %mul3A_265 : i32
    "tpu.region"() ({
      %run_scoped3A = tpu.sem_alloc : memref<!tpu.dma_semaphore, #tpu.memory_space<semaphore_mem>>
      %dma_start3A_267 = arith.constant 0 : i32
      %dma_start3A_268 = tpu.memref_slice %arg8[%mul3A_266, %dma_start3A_267] : memref<8192x64xf32, #tpu.memory_space<hbm>> -> memref<256x64xf32, #tpu.memory_space<hbm>>
      %dma_start3A_269 = arith.constant 0 : i32
      %dma_start3A_270 = tpu.memref_slice %arg8[%mul3A_266, %dma_start3A_269] : memref<8192x64xf32, #tpu.memory_space<hbm>> -> memref<256x64xf32, #tpu.memory_space<hbm>>
      tpu.enqueue_dma source(%arg12 : memref<256x64xf32, #tpu.memory_space<vmem>>) target(%dma_start3A_270 : memref<256x64xf32, #tpu.memory_space<hbm>>) target_semaphore(%run_scoped3A : memref<!tpu.dma_semaphore, #tpu.memory_space<semaphore_mem>>)
      %dma_wait3A_271 = arith.constant 0 : i32
      %dma_wait3A_272 = tpu.memref_slice %arg8[%mul3A_266, %dma_wait3A_271] : memref<8192x64xf32, #tpu.memory_space<hbm>> -> memref<256x64xf32, #tpu.memory_space<hbm>>
      %dma_wait3A_273 = arith.constant 0 : i32
      %dma_wait3A_274 = tpu.memref_slice %arg8[%mul3A_266, %dma_wait3A_273] : memref<8192x64xf32, #tpu.memory_space<hbm>> -> memref<256x64xf32, #tpu.memory_space<hbm>>
      tpu.wait_dma2 semaphore(%run_scoped3A : memref<!tpu.dma_semaphore, #tpu.memory_space<semaphore_mem>>) src(%arg12 : memref<256x64xf32, #tpu.memory_space<vmem>>) dst(%dma_wait3A_274 : memref<256x64xf32, #tpu.memory_space<hbm>>)
      tpu.yield
    }) : () -> ()
    return
  }
}

module attributes {stable_mosaic.version = 14 : i64} {
  func.func @_dense_body(%arg0: i32, %arg1: memref<512x64xf32, #tpu.memory_space<vmem>>, %arg2: memref<512x64xf32, #tpu.memory_space<vmem>>, %arg3: memref<4x64x64xf32, #tpu.memory_space<vmem>>, %arg4: memref<4x64xf32, #tpu.memory_space<vmem>>, %arg5: memref<4x4xf32, #tpu.memory_space<vmem>>, %arg6: memref<512xf32, #tpu.memory_space<vmem>>) attributes {dimension_semantics = [#tpu.dimension_semantics<arbitrary>], iteration_bounds = array<i64: 8>, scalar_prefetch = 0 : i64, scratch_operands = 0 : i64, tpu.core_type = #tpu.core_type<tc>, window_params = [{transform_indices = @transform_0, window_bounds = array<i64: 512, 64>}, {transform_indices = @transform_1, window_bounds = array<i64: 512, 64>}, {pipeline_mode = #tpu.pipeline_mode<synchronous>, transform_indices = @transform_2, window_bounds = array<i64: 4, 64, 64>}, {pipeline_mode = #tpu.pipeline_mode<synchronous>, transform_indices = @transform_3, window_bounds = array<i64: 4, 64>}, {pipeline_mode = #tpu.pipeline_mode<synchronous>, transform_indices = @transform_4, window_bounds = array<i64: 4, 4>}, {transform_indices = @transform_5, window_bounds = array<i64: 512>}]} {
    %get3A = arith.constant 0 : index
    %get3A_0 = arith.constant 0 : index
    %get3A_1 = vector.load %arg1[%get3A, %get3A_0] : memref<512x64xf32, #tpu.memory_space<vmem>>, vector<512x64xf32>
    %get3A_2 = arith.constant 0 : index
    %get3A_3 = arith.constant 0 : index
    %get3A_4 = vector.load %arg2[%get3A_2, %get3A_3] : memref<512x64xf32, #tpu.memory_space<vmem>>, vector<512x64xf32>
    %get3A_5 = arith.constant 0 : index
    %get3A_6 = arith.constant 0 : index
    %get3A_7 = arith.constant 0 : index
    %get3A_8 = vector.load %arg3[%get3A_5, %get3A_6, %get3A_7] : memref<4x64x64xf32, #tpu.memory_space<vmem>>, vector<1x64x64xf32>
    %get3A_9 = vector.shape_cast %get3A_8 : vector<1x64x64xf32> to vector<64x64xf32>
    %dot_general3A = arith.constant dense<0.000000e+00> : vector<512x64xf32>
    %dot_general3A_10 = tpu.matmul %get3A_1, %get3A_9, %dot_general3A {dimension_numbers = #tpu.dot_dimension_numbers<[1], [1], [0], [0], [0, 0, 1, 0], [], []>, precision = #tpu.contract_precision<fp32>, transpose_lhs_hint = false} : vector<512x64xf32>, vector<64x64xf32>, vector<512x64xf32> -> vector<512x64xf32>
    %get3A_11 = arith.constant 0 : index
    %get3A_12 = arith.constant 0 : index
    %get3A_13 = vector.load %arg4[%get3A_11, %get3A_12] : memref<4x64xf32, #tpu.memory_space<vmem>>, vector<1x64xf32>
    %get3A_14 = vector.shape_cast %get3A_13 : vector<1x64xf32> to vector<64xf32>
    %broadcast_in_dim3A = vector.shape_cast %get3A_14 : vector<64xf32> to vector<1x64xf32>
    %add3A = vector.broadcast %broadcast_in_dim3A : vector<1x64xf32> to vector<512x64xf32>
    %add3A_15 = arith.addf %dot_general3A_10, %add3A : vector<512x64xf32>
    %max3A = arith.constant 0.000000e+00 : f32
    %max3A_16 = vector.broadcast %max3A : f32 to vector<512x64xf32>
    %max3A_17 = arith.maximumf %add3A_15, %max3A_16 : vector<512x64xf32>
    %mul3A = arith.mulf %max3A_17, %max3A_17 : vector<512x64xf32>
    %reduce_sum3A = arith.constant dense<0.000000e+00> : vector<512xf32>
    %reduce_sum3A_18 = vector.multi_reduction <add>, %mul3A, %reduce_sum3A [1] : vector<512x64xf32> to vector<512xf32>
    %broadcast_in_dim3A_19 = vector.shape_cast %reduce_sum3A_18 : vector<512xf32> to vector<512x1xf32>
    %sqrt3A = math.sqrt %broadcast_in_dim3A_19 : vector<512x1xf32>
    %max3A_20 = arith.constant 9.99999996E-13 : f32
    %max3A_21 = vector.broadcast %max3A_20 : f32 to vector<512x1xf32>
    %max3A_22 = arith.maximumf %sqrt3A, %max3A_21 : vector<512x1xf32>
    %div3A = vector.broadcast %max3A_22 : vector<512x1xf32> to vector<512x64xf32>
    %div3A_23 = arith.divf %max3A_17, %div3A : vector<512x64xf32>
    %get3A_24 = arith.constant 1 : index
    %get3A_25 = arith.constant 0 : index
    %get3A_26 = arith.constant 0 : index
    %get3A_27 = vector.load %arg3[%get3A_24, %get3A_25, %get3A_26] : memref<4x64x64xf32, #tpu.memory_space<vmem>>, vector<1x64x64xf32>
    %get3A_28 = vector.shape_cast %get3A_27 : vector<1x64x64xf32> to vector<64x64xf32>
    %dot_general3A_29 = arith.constant dense<0.000000e+00> : vector<512x64xf32>
    %dot_general3A_30 = tpu.matmul %get3A_1, %get3A_28, %dot_general3A_29 {dimension_numbers = #tpu.dot_dimension_numbers<[1], [1], [0], [0], [0, 0, 1, 0], [], []>, precision = #tpu.contract_precision<fp32>, transpose_lhs_hint = false} : vector<512x64xf32>, vector<64x64xf32>, vector<512x64xf32> -> vector<512x64xf32>
    %get3A_31 = arith.constant 1 : index
    %get3A_32 = arith.constant 0 : index
    %get3A_33 = vector.load %arg4[%get3A_31, %get3A_32] : memref<4x64xf32, #tpu.memory_space<vmem>>, vector<1x64xf32>
    %get3A_34 = vector.shape_cast %get3A_33 : vector<1x64xf32> to vector<64xf32>
    %broadcast_in_dim3A_35 = vector.shape_cast %get3A_34 : vector<64xf32> to vector<1x64xf32>
    %add3A_36 = vector.broadcast %broadcast_in_dim3A_35 : vector<1x64xf32> to vector<512x64xf32>
    %add3A_37 = arith.addf %dot_general3A_30, %add3A_36 : vector<512x64xf32>
    %max3A_38 = arith.constant 0.000000e+00 : f32
    %max3A_39 = vector.broadcast %max3A_38 : f32 to vector<512x64xf32>
    %max3A_40 = arith.maximumf %add3A_37, %max3A_39 : vector<512x64xf32>
    %mul3A_41 = arith.mulf %max3A_40, %max3A_40 : vector<512x64xf32>
    %reduce_sum3A_42 = arith.constant dense<0.000000e+00> : vector<512xf32>
    %reduce_sum3A_43 = vector.multi_reduction <add>, %mul3A_41, %reduce_sum3A_42 [1] : vector<512x64xf32> to vector<512xf32>
    %broadcast_in_dim3A_44 = vector.shape_cast %reduce_sum3A_43 : vector<512xf32> to vector<512x1xf32>
    %sqrt3A_45 = math.sqrt %broadcast_in_dim3A_44 : vector<512x1xf32>
    %max3A_46 = arith.constant 9.99999996E-13 : f32
    %max3A_47 = vector.broadcast %max3A_46 : f32 to vector<512x1xf32>
    %max3A_48 = arith.maximumf %sqrt3A_45, %max3A_47 : vector<512x1xf32>
    %div3A_49 = vector.broadcast %max3A_48 : vector<512x1xf32> to vector<512x64xf32>
    %div3A_50 = arith.divf %max3A_40, %div3A_49 : vector<512x64xf32>
    %get3A_51 = arith.constant 2 : index
    %get3A_52 = arith.constant 0 : index
    %get3A_53 = arith.constant 0 : index
    %get3A_54 = vector.load %arg3[%get3A_51, %get3A_52, %get3A_53] : memref<4x64x64xf32, #tpu.memory_space<vmem>>, vector<1x64x64xf32>
    %get3A_55 = vector.shape_cast %get3A_54 : vector<1x64x64xf32> to vector<64x64xf32>
    %dot_general3A_56 = arith.constant dense<0.000000e+00> : vector<512x64xf32>
    %dot_general3A_57 = tpu.matmul %get3A_1, %get3A_55, %dot_general3A_56 {dimension_numbers = #tpu.dot_dimension_numbers<[1], [1], [0], [0], [0, 0, 1, 0], [], []>, precision = #tpu.contract_precision<fp32>, transpose_lhs_hint = false} : vector<512x64xf32>, vector<64x64xf32>, vector<512x64xf32> -> vector<512x64xf32>
    %get3A_58 = arith.constant 2 : index
    %get3A_59 = arith.constant 0 : index
    %get3A_60 = vector.load %arg4[%get3A_58, %get3A_59] : memref<4x64xf32, #tpu.memory_space<vmem>>, vector<1x64xf32>
    %get3A_61 = vector.shape_cast %get3A_60 : vector<1x64xf32> to vector<64xf32>
    %broadcast_in_dim3A_62 = vector.shape_cast %get3A_61 : vector<64xf32> to vector<1x64xf32>
    %add3A_63 = vector.broadcast %broadcast_in_dim3A_62 : vector<1x64xf32> to vector<512x64xf32>
    %add3A_64 = arith.addf %dot_general3A_57, %add3A_63 : vector<512x64xf32>
    %max3A_65 = arith.constant 0.000000e+00 : f32
    %max3A_66 = vector.broadcast %max3A_65 : f32 to vector<512x64xf32>
    %max3A_67 = arith.maximumf %add3A_64, %max3A_66 : vector<512x64xf32>
    %mul3A_68 = arith.mulf %max3A_67, %max3A_67 : vector<512x64xf32>
    %reduce_sum3A_69 = arith.constant dense<0.000000e+00> : vector<512xf32>
    %reduce_sum3A_70 = vector.multi_reduction <add>, %mul3A_68, %reduce_sum3A_69 [1] : vector<512x64xf32> to vector<512xf32>
    %broadcast_in_dim3A_71 = vector.shape_cast %reduce_sum3A_70 : vector<512xf32> to vector<512x1xf32>
    %sqrt3A_72 = math.sqrt %broadcast_in_dim3A_71 : vector<512x1xf32>
    %max3A_73 = arith.constant 9.99999996E-13 : f32
    %max3A_74 = vector.broadcast %max3A_73 : f32 to vector<512x1xf32>
    %max3A_75 = arith.maximumf %sqrt3A_72, %max3A_74 : vector<512x1xf32>
    %div3A_76 = vector.broadcast %max3A_75 : vector<512x1xf32> to vector<512x64xf32>
    %div3A_77 = arith.divf %max3A_67, %div3A_76 : vector<512x64xf32>
    %get3A_78 = arith.constant 3 : index
    %get3A_79 = arith.constant 0 : index
    %get3A_80 = arith.constant 0 : index
    %get3A_81 = vector.load %arg3[%get3A_78, %get3A_79, %get3A_80] : memref<4x64x64xf32, #tpu.memory_space<vmem>>, vector<1x64x64xf32>
    %get3A_82 = vector.shape_cast %get3A_81 : vector<1x64x64xf32> to vector<64x64xf32>
    %dot_general3A_83 = arith.constant dense<0.000000e+00> : vector<512x64xf32>
    %dot_general3A_84 = tpu.matmul %get3A_1, %get3A_82, %dot_general3A_83 {dimension_numbers = #tpu.dot_dimension_numbers<[1], [1], [0], [0], [0, 0, 1, 0], [], []>, precision = #tpu.contract_precision<fp32>, transpose_lhs_hint = false} : vector<512x64xf32>, vector<64x64xf32>, vector<512x64xf32> -> vector<512x64xf32>
    %get3A_85 = arith.constant 3 : index
    %get3A_86 = arith.constant 0 : index
    %get3A_87 = vector.load %arg4[%get3A_85, %get3A_86] : memref<4x64xf32, #tpu.memory_space<vmem>>, vector<1x64xf32>
    %get3A_88 = vector.shape_cast %get3A_87 : vector<1x64xf32> to vector<64xf32>
    %broadcast_in_dim3A_89 = vector.shape_cast %get3A_88 : vector<64xf32> to vector<1x64xf32>
    %add3A_90 = vector.broadcast %broadcast_in_dim3A_89 : vector<1x64xf32> to vector<512x64xf32>
    %add3A_91 = arith.addf %dot_general3A_84, %add3A_90 : vector<512x64xf32>
    %max3A_92 = arith.constant 0.000000e+00 : f32
    %max3A_93 = vector.broadcast %max3A_92 : f32 to vector<512x64xf32>
    %max3A_94 = arith.maximumf %add3A_91, %max3A_93 : vector<512x64xf32>
    %mul3A_95 = arith.mulf %max3A_94, %max3A_94 : vector<512x64xf32>
    %reduce_sum3A_96 = arith.constant dense<0.000000e+00> : vector<512xf32>
    %reduce_sum3A_97 = vector.multi_reduction <add>, %mul3A_95, %reduce_sum3A_96 [1] : vector<512x64xf32> to vector<512xf32>
    %broadcast_in_dim3A_98 = vector.shape_cast %reduce_sum3A_97 : vector<512xf32> to vector<512x1xf32>
    %sqrt3A_99 = math.sqrt %broadcast_in_dim3A_98 : vector<512x1xf32>
    %max3A_100 = arith.constant 9.99999996E-13 : f32
    %max3A_101 = vector.broadcast %max3A_100 : f32 to vector<512x1xf32>
    %max3A_102 = arith.maximumf %sqrt3A_99, %max3A_101 : vector<512x1xf32>
    %div3A_103 = vector.broadcast %max3A_102 : vector<512x1xf32> to vector<512x64xf32>
    %div3A_104 = arith.divf %max3A_94, %div3A_103 : vector<512x64xf32>
    %get3A_105 = arith.constant 0 : index
    %get3A_106 = arith.constant 0 : index
    %get3A_107 = arith.constant 0 : index
    %get3A_108 = vector.load %arg3[%get3A_105, %get3A_106, %get3A_107] : memref<4x64x64xf32, #tpu.memory_space<vmem>>, vector<1x64x64xf32>
    %get3A_109 = vector.shape_cast %get3A_108 : vector<1x64x64xf32> to vector<64x64xf32>
    %dot_general3A_110 = arith.constant dense<0.000000e+00> : vector<512x64xf32>
    %dot_general3A_111 = tpu.matmul %get3A_4, %get3A_109, %dot_general3A_110 {dimension_numbers = #tpu.dot_dimension_numbers<[1], [1], [0], [0], [0, 0, 1, 0], [], []>, precision = #tpu.contract_precision<fp32>, transpose_lhs_hint = false} : vector<512x64xf32>, vector<64x64xf32>, vector<512x64xf32> -> vector<512x64xf32>
    %get3A_112 = arith.constant 0 : index
    %get3A_113 = arith.constant 0 : index
    %get3A_114 = vector.load %arg4[%get3A_112, %get3A_113] : memref<4x64xf32, #tpu.memory_space<vmem>>, vector<1x64xf32>
    %get3A_115 = vector.shape_cast %get3A_114 : vector<1x64xf32> to vector<64xf32>
    %broadcast_in_dim3A_116 = vector.shape_cast %get3A_115 : vector<64xf32> to vector<1x64xf32>
    %add3A_117 = vector.broadcast %broadcast_in_dim3A_116 : vector<1x64xf32> to vector<512x64xf32>
    %add3A_118 = arith.addf %dot_general3A_111, %add3A_117 : vector<512x64xf32>
    %max3A_119 = arith.constant 0.000000e+00 : f32
    %max3A_120 = vector.broadcast %max3A_119 : f32 to vector<512x64xf32>
    %max3A_121 = arith.maximumf %add3A_118, %max3A_120 : vector<512x64xf32>
    %mul3A_122 = arith.mulf %max3A_121, %max3A_121 : vector<512x64xf32>
    %reduce_sum3A_123 = arith.constant dense<0.000000e+00> : vector<512xf32>
    %reduce_sum3A_124 = vector.multi_reduction <add>, %mul3A_122, %reduce_sum3A_123 [1] : vector<512x64xf32> to vector<512xf32>
    %broadcast_in_dim3A_125 = vector.shape_cast %reduce_sum3A_124 : vector<512xf32> to vector<512x1xf32>
    %sqrt3A_126 = math.sqrt %broadcast_in_dim3A_125 : vector<512x1xf32>
    %max3A_127 = arith.constant 9.99999996E-13 : f32
    %max3A_128 = vector.broadcast %max3A_127 : f32 to vector<512x1xf32>
    %max3A_129 = arith.maximumf %sqrt3A_126, %max3A_128 : vector<512x1xf32>
    %div3A_130 = vector.broadcast %max3A_129 : vector<512x1xf32> to vector<512x64xf32>
    %div3A_131 = arith.divf %max3A_121, %div3A_130 : vector<512x64xf32>
    %get3A_132 = arith.constant 1 : index
    %get3A_133 = arith.constant 0 : index
    %get3A_134 = arith.constant 0 : index
    %get3A_135 = vector.load %arg3[%get3A_132, %get3A_133, %get3A_134] : memref<4x64x64xf32, #tpu.memory_space<vmem>>, vector<1x64x64xf32>
    %get3A_136 = vector.shape_cast %get3A_135 : vector<1x64x64xf32> to vector<64x64xf32>
    %dot_general3A_137 = arith.constant dense<0.000000e+00> : vector<512x64xf32>
    %dot_general3A_138 = tpu.matmul %get3A_4, %get3A_136, %dot_general3A_137 {dimension_numbers = #tpu.dot_dimension_numbers<[1], [1], [0], [0], [0, 0, 1, 0], [], []>, precision = #tpu.contract_precision<fp32>, transpose_lhs_hint = false} : vector<512x64xf32>, vector<64x64xf32>, vector<512x64xf32> -> vector<512x64xf32>
    %get3A_139 = arith.constant 1 : index
    %get3A_140 = arith.constant 0 : index
    %get3A_141 = vector.load %arg4[%get3A_139, %get3A_140] : memref<4x64xf32, #tpu.memory_space<vmem>>, vector<1x64xf32>
    %get3A_142 = vector.shape_cast %get3A_141 : vector<1x64xf32> to vector<64xf32>
    %broadcast_in_dim3A_143 = vector.shape_cast %get3A_142 : vector<64xf32> to vector<1x64xf32>
    %add3A_144 = vector.broadcast %broadcast_in_dim3A_143 : vector<1x64xf32> to vector<512x64xf32>
    %add3A_145 = arith.addf %dot_general3A_138, %add3A_144 : vector<512x64xf32>
    %max3A_146 = arith.constant 0.000000e+00 : f32
    %max3A_147 = vector.broadcast %max3A_146 : f32 to vector<512x64xf32>
    %max3A_148 = arith.maximumf %add3A_145, %max3A_147 : vector<512x64xf32>
    %mul3A_149 = arith.mulf %max3A_148, %max3A_148 : vector<512x64xf32>
    %reduce_sum3A_150 = arith.constant dense<0.000000e+00> : vector<512xf32>
    %reduce_sum3A_151 = vector.multi_reduction <add>, %mul3A_149, %reduce_sum3A_150 [1] : vector<512x64xf32> to vector<512xf32>
    %broadcast_in_dim3A_152 = vector.shape_cast %reduce_sum3A_151 : vector<512xf32> to vector<512x1xf32>
    %sqrt3A_153 = math.sqrt %broadcast_in_dim3A_152 : vector<512x1xf32>
    %max3A_154 = arith.constant 9.99999996E-13 : f32
    %max3A_155 = vector.broadcast %max3A_154 : f32 to vector<512x1xf32>
    %max3A_156 = arith.maximumf %sqrt3A_153, %max3A_155 : vector<512x1xf32>
    %div3A_157 = vector.broadcast %max3A_156 : vector<512x1xf32> to vector<512x64xf32>
    %div3A_158 = arith.divf %max3A_148, %div3A_157 : vector<512x64xf32>
    %get3A_159 = arith.constant 2 : index
    %get3A_160 = arith.constant 0 : index
    %get3A_161 = arith.constant 0 : index
    %get3A_162 = vector.load %arg3[%get3A_159, %get3A_160, %get3A_161] : memref<4x64x64xf32, #tpu.memory_space<vmem>>, vector<1x64x64xf32>
    %get3A_163 = vector.shape_cast %get3A_162 : vector<1x64x64xf32> to vector<64x64xf32>
    %dot_general3A_164 = arith.constant dense<0.000000e+00> : vector<512x64xf32>
    %dot_general3A_165 = tpu.matmul %get3A_4, %get3A_163, %dot_general3A_164 {dimension_numbers = #tpu.dot_dimension_numbers<[1], [1], [0], [0], [0, 0, 1, 0], [], []>, precision = #tpu.contract_precision<fp32>, transpose_lhs_hint = false} : vector<512x64xf32>, vector<64x64xf32>, vector<512x64xf32> -> vector<512x64xf32>
    %get3A_166 = arith.constant 2 : index
    %get3A_167 = arith.constant 0 : index
    %get3A_168 = vector.load %arg4[%get3A_166, %get3A_167] : memref<4x64xf32, #tpu.memory_space<vmem>>, vector<1x64xf32>
    %get3A_169 = vector.shape_cast %get3A_168 : vector<1x64xf32> to vector<64xf32>
    %broadcast_in_dim3A_170 = vector.shape_cast %get3A_169 : vector<64xf32> to vector<1x64xf32>
    %add3A_171 = vector.broadcast %broadcast_in_dim3A_170 : vector<1x64xf32> to vector<512x64xf32>
    %add3A_172 = arith.addf %dot_general3A_165, %add3A_171 : vector<512x64xf32>
    %max3A_173 = arith.constant 0.000000e+00 : f32
    %max3A_174 = vector.broadcast %max3A_173 : f32 to vector<512x64xf32>
    %max3A_175 = arith.maximumf %add3A_172, %max3A_174 : vector<512x64xf32>
    %mul3A_176 = arith.mulf %max3A_175, %max3A_175 : vector<512x64xf32>
    %reduce_sum3A_177 = arith.constant dense<0.000000e+00> : vector<512xf32>
    %reduce_sum3A_178 = vector.multi_reduction <add>, %mul3A_176, %reduce_sum3A_177 [1] : vector<512x64xf32> to vector<512xf32>
    %broadcast_in_dim3A_179 = vector.shape_cast %reduce_sum3A_178 : vector<512xf32> to vector<512x1xf32>
    %sqrt3A_180 = math.sqrt %broadcast_in_dim3A_179 : vector<512x1xf32>
    %max3A_181 = arith.constant 9.99999996E-13 : f32
    %max3A_182 = vector.broadcast %max3A_181 : f32 to vector<512x1xf32>
    %max3A_183 = arith.maximumf %sqrt3A_180, %max3A_182 : vector<512x1xf32>
    %div3A_184 = vector.broadcast %max3A_183 : vector<512x1xf32> to vector<512x64xf32>
    %div3A_185 = arith.divf %max3A_175, %div3A_184 : vector<512x64xf32>
    %get3A_186 = arith.constant 3 : index
    %get3A_187 = arith.constant 0 : index
    %get3A_188 = arith.constant 0 : index
    %get3A_189 = vector.load %arg3[%get3A_186, %get3A_187, %get3A_188] : memref<4x64x64xf32, #tpu.memory_space<vmem>>, vector<1x64x64xf32>
    %get3A_190 = vector.shape_cast %get3A_189 : vector<1x64x64xf32> to vector<64x64xf32>
    %dot_general3A_191 = arith.constant dense<0.000000e+00> : vector<512x64xf32>
    %dot_general3A_192 = tpu.matmul %get3A_4, %get3A_190, %dot_general3A_191 {dimension_numbers = #tpu.dot_dimension_numbers<[1], [1], [0], [0], [0, 0, 1, 0], [], []>, precision = #tpu.contract_precision<fp32>, transpose_lhs_hint = false} : vector<512x64xf32>, vector<64x64xf32>, vector<512x64xf32> -> vector<512x64xf32>
    %get3A_193 = arith.constant 3 : index
    %get3A_194 = arith.constant 0 : index
    %get3A_195 = vector.load %arg4[%get3A_193, %get3A_194] : memref<4x64xf32, #tpu.memory_space<vmem>>, vector<1x64xf32>
    %get3A_196 = vector.shape_cast %get3A_195 : vector<1x64xf32> to vector<64xf32>
    %broadcast_in_dim3A_197 = vector.shape_cast %get3A_196 : vector<64xf32> to vector<1x64xf32>
    %add3A_198 = vector.broadcast %broadcast_in_dim3A_197 : vector<1x64xf32> to vector<512x64xf32>
    %add3A_199 = arith.addf %dot_general3A_192, %add3A_198 : vector<512x64xf32>
    %max3A_200 = arith.constant 0.000000e+00 : f32
    %max3A_201 = vector.broadcast %max3A_200 : f32 to vector<512x64xf32>
    %max3A_202 = arith.maximumf %add3A_199, %max3A_201 : vector<512x64xf32>
    %mul3A_203 = arith.mulf %max3A_202, %max3A_202 : vector<512x64xf32>
    %reduce_sum3A_204 = arith.constant dense<0.000000e+00> : vector<512xf32>
    %reduce_sum3A_205 = vector.multi_reduction <add>, %mul3A_203, %reduce_sum3A_204 [1] : vector<512x64xf32> to vector<512xf32>
    %broadcast_in_dim3A_206 = vector.shape_cast %reduce_sum3A_205 : vector<512xf32> to vector<512x1xf32>
    %sqrt3A_207 = math.sqrt %broadcast_in_dim3A_206 : vector<512x1xf32>
    %max3A_208 = arith.constant 9.99999996E-13 : f32
    %max3A_209 = vector.broadcast %max3A_208 : f32 to vector<512x1xf32>
    %max3A_210 = arith.maximumf %sqrt3A_207, %max3A_209 : vector<512x1xf32>
    %div3A_211 = vector.broadcast %max3A_210 : vector<512x1xf32> to vector<512x64xf32>
    %div3A_212 = arith.divf %max3A_202, %div3A_211 : vector<512x64xf32>
    %broadcast_in_dim3A_213 = arith.constant 0.000000e+00 : f32
    %broadcast_in_dim3A_214 = vector.broadcast %broadcast_in_dim3A_213 : f32 to vector<512xf32>
    %get3A_215 = arith.constant 0 : index
    %get3A_216 = arith.constant 0 : index
    %get3A_217 = vector.load %arg5[%get3A_215, %get3A_216] : memref<4x4xf32, #tpu.memory_space<vmem>>, vector<1x1xf32>
    %get3A_218 = vector.extract %get3A_217[0, 0] : f32 from vector<1x1xf32>
    %mul3A_219 = arith.mulf %div3A_23, %div3A_131 : vector<512x64xf32>
    %reduce_sum3A_220 = arith.constant dense<0.000000e+00> : vector<512xf32>
    %reduce_sum3A_221 = vector.multi_reduction <add>, %mul3A_219, %reduce_sum3A_220 [1] : vector<512x64xf32> to vector<512xf32>
    %mul3A_222 = vector.broadcast %get3A_218 : f32 to vector<512xf32>
    %mul3A_223 = arith.mulf %mul3A_222, %reduce_sum3A_221 : vector<512xf32>
    %add3A_224 = arith.addf %broadcast_in_dim3A_214, %mul3A_223 : vector<512xf32>
    %get3A_225 = arith.constant 0 : index
    %get3A_226 = arith.constant 1 : index
    %get3A_227 = vector.load %arg5[%get3A_225, %get3A_226] : memref<4x4xf32, #tpu.memory_space<vmem>>, vector<1x1xf32>
    %get3A_228 = vector.extract %get3A_227[0, 0] : f32 from vector<1x1xf32>
    %mul3A_229 = arith.mulf %div3A_23, %div3A_158 : vector<512x64xf32>
    %reduce_sum3A_230 = arith.constant dense<0.000000e+00> : vector<512xf32>
    %reduce_sum3A_231 = vector.multi_reduction <add>, %mul3A_229, %reduce_sum3A_230 [1] : vector<512x64xf32> to vector<512xf32>
    %mul3A_232 = vector.broadcast %get3A_228 : f32 to vector<512xf32>
    %mul3A_233 = arith.mulf %mul3A_232, %reduce_sum3A_231 : vector<512xf32>
    %add3A_234 = arith.addf %add3A_224, %mul3A_233 : vector<512xf32>
    %get3A_235 = arith.constant 0 : index
    %get3A_236 = arith.constant 2 : index
    %get3A_237 = vector.load %arg5[%get3A_235, %get3A_236] : memref<4x4xf32, #tpu.memory_space<vmem>>, vector<1x1xf32>
    %get3A_238 = vector.extract %get3A_237[0, 0] : f32 from vector<1x1xf32>
    %mul3A_239 = arith.mulf %div3A_23, %div3A_185 : vector<512x64xf32>
    %reduce_sum3A_240 = arith.constant dense<0.000000e+00> : vector<512xf32>
    %reduce_sum3A_241 = vector.multi_reduction <add>, %mul3A_239, %reduce_sum3A_240 [1] : vector<512x64xf32> to vector<512xf32>
    %mul3A_242 = vector.broadcast %get3A_238 : f32 to vector<512xf32>
    %mul3A_243 = arith.mulf %mul3A_242, %reduce_sum3A_241 : vector<512xf32>
    %add3A_244 = arith.addf %add3A_234, %mul3A_243 : vector<512xf32>
    %get3A_245 = arith.constant 0 : index
    %get3A_246 = arith.constant 3 : index
    %get3A_247 = vector.load %arg5[%get3A_245, %get3A_246] : memref<4x4xf32, #tpu.memory_space<vmem>>, vector<1x1xf32>
    %get3A_248 = vector.extract %get3A_247[0, 0] : f32 from vector<1x1xf32>
    %mul3A_249 = arith.mulf %div3A_23, %div3A_212 : vector<512x64xf32>
    %reduce_sum3A_250 = arith.constant dense<0.000000e+00> : vector<512xf32>
    %reduce_sum3A_251 = vector.multi_reduction <add>, %mul3A_249, %reduce_sum3A_250 [1] : vector<512x64xf32> to vector<512xf32>
    %mul3A_252 = vector.broadcast %get3A_248 : f32 to vector<512xf32>
    %mul3A_253 = arith.mulf %mul3A_252, %reduce_sum3A_251 : vector<512xf32>
    %add3A_254 = arith.addf %add3A_244, %mul3A_253 : vector<512xf32>
    %get3A_255 = arith.constant 1 : index
    %get3A_256 = arith.constant 0 : index
    %get3A_257 = vector.load %arg5[%get3A_255, %get3A_256] : memref<4x4xf32, #tpu.memory_space<vmem>>, vector<1x1xf32>
    %get3A_258 = vector.extract %get3A_257[0, 0] : f32 from vector<1x1xf32>
    %mul3A_259 = arith.mulf %div3A_50, %div3A_131 : vector<512x64xf32>
    %reduce_sum3A_260 = arith.constant dense<0.000000e+00> : vector<512xf32>
    %reduce_sum3A_261 = vector.multi_reduction <add>, %mul3A_259, %reduce_sum3A_260 [1] : vector<512x64xf32> to vector<512xf32>
    %mul3A_262 = vector.broadcast %get3A_258 : f32 to vector<512xf32>
    %mul3A_263 = arith.mulf %mul3A_262, %reduce_sum3A_261 : vector<512xf32>
    %add3A_264 = arith.addf %add3A_254, %mul3A_263 : vector<512xf32>
    %get3A_265 = arith.constant 1 : index
    %get3A_266 = arith.constant 1 : index
    %get3A_267 = vector.load %arg5[%get3A_265, %get3A_266] : memref<4x4xf32, #tpu.memory_space<vmem>>, vector<1x1xf32>
    %get3A_268 = vector.extract %get3A_267[0, 0] : f32 from vector<1x1xf32>
    %mul3A_269 = arith.mulf %div3A_50, %div3A_158 : vector<512x64xf32>
    %reduce_sum3A_270 = arith.constant dense<0.000000e+00> : vector<512xf32>
    %reduce_sum3A_271 = vector.multi_reduction <add>, %mul3A_269, %reduce_sum3A_270 [1] : vector<512x64xf32> to vector<512xf32>
    %mul3A_272 = vector.broadcast %get3A_268 : f32 to vector<512xf32>
    %mul3A_273 = arith.mulf %mul3A_272, %reduce_sum3A_271 : vector<512xf32>
    %add3A_274 = arith.addf %add3A_264, %mul3A_273 : vector<512xf32>
    %get3A_275 = arith.constant 1 : index
    %get3A_276 = arith.constant 2 : index
    %get3A_277 = vector.load %arg5[%get3A_275, %get3A_276] : memref<4x4xf32, #tpu.memory_space<vmem>>, vector<1x1xf32>
    %get3A_278 = vector.extract %get3A_277[0, 0] : f32 from vector<1x1xf32>
    %mul3A_279 = arith.mulf %div3A_50, %div3A_185 : vector<512x64xf32>
    %reduce_sum3A_280 = arith.constant dense<0.000000e+00> : vector<512xf32>
    %reduce_sum3A_281 = vector.multi_reduction <add>, %mul3A_279, %reduce_sum3A_280 [1] : vector<512x64xf32> to vector<512xf32>
    %mul3A_282 = vector.broadcast %get3A_278 : f32 to vector<512xf32>
    %mul3A_283 = arith.mulf %mul3A_282, %reduce_sum3A_281 : vector<512xf32>
    %add3A_284 = arith.addf %add3A_274, %mul3A_283 : vector<512xf32>
    %get3A_285 = arith.constant 1 : index
    %get3A_286 = arith.constant 3 : index
    %get3A_287 = vector.load %arg5[%get3A_285, %get3A_286] : memref<4x4xf32, #tpu.memory_space<vmem>>, vector<1x1xf32>
    %get3A_288 = vector.extract %get3A_287[0, 0] : f32 from vector<1x1xf32>
    %mul3A_289 = arith.mulf %div3A_50, %div3A_212 : vector<512x64xf32>
    %reduce_sum3A_290 = arith.constant dense<0.000000e+00> : vector<512xf32>
    %reduce_sum3A_291 = vector.multi_reduction <add>, %mul3A_289, %reduce_sum3A_290 [1] : vector<512x64xf32> to vector<512xf32>
    %mul3A_292 = vector.broadcast %get3A_288 : f32 to vector<512xf32>
    %mul3A_293 = arith.mulf %mul3A_292, %reduce_sum3A_291 : vector<512xf32>
    %add3A_294 = arith.addf %add3A_284, %mul3A_293 : vector<512xf32>
    %get3A_295 = arith.constant 2 : index
    %get3A_296 = arith.constant 0 : index
    %get3A_297 = vector.load %arg5[%get3A_295, %get3A_296] : memref<4x4xf32, #tpu.memory_space<vmem>>, vector<1x1xf32>
    %get3A_298 = vector.extract %get3A_297[0, 0] : f32 from vector<1x1xf32>
    %mul3A_299 = arith.mulf %div3A_77, %div3A_131 : vector<512x64xf32>
    %reduce_sum3A_300 = arith.constant dense<0.000000e+00> : vector<512xf32>
    %reduce_sum3A_301 = vector.multi_reduction <add>, %mul3A_299, %reduce_sum3A_300 [1] : vector<512x64xf32> to vector<512xf32>
    %mul3A_302 = vector.broadcast %get3A_298 : f32 to vector<512xf32>
    %mul3A_303 = arith.mulf %mul3A_302, %reduce_sum3A_301 : vector<512xf32>
    %add3A_304 = arith.addf %add3A_294, %mul3A_303 : vector<512xf32>
    %get3A_305 = arith.constant 2 : index
    %get3A_306 = arith.constant 1 : index
    %get3A_307 = vector.load %arg5[%get3A_305, %get3A_306] : memref<4x4xf32, #tpu.memory_space<vmem>>, vector<1x1xf32>
    %get3A_308 = vector.extract %get3A_307[0, 0] : f32 from vector<1x1xf32>
    %mul3A_309 = arith.mulf %div3A_77, %div3A_158 : vector<512x64xf32>
    %reduce_sum3A_310 = arith.constant dense<0.000000e+00> : vector<512xf32>
    %reduce_sum3A_311 = vector.multi_reduction <add>, %mul3A_309, %reduce_sum3A_310 [1] : vector<512x64xf32> to vector<512xf32>
    %mul3A_312 = vector.broadcast %get3A_308 : f32 to vector<512xf32>
    %mul3A_313 = arith.mulf %mul3A_312, %reduce_sum3A_311 : vector<512xf32>
    %add3A_314 = arith.addf %add3A_304, %mul3A_313 : vector<512xf32>
    %get3A_315 = arith.constant 2 : index
    %get3A_316 = arith.constant 2 : index
    %get3A_317 = vector.load %arg5[%get3A_315, %get3A_316] : memref<4x4xf32, #tpu.memory_space<vmem>>, vector<1x1xf32>
    %get3A_318 = vector.extract %get3A_317[0, 0] : f32 from vector<1x1xf32>
    %mul3A_319 = arith.mulf %div3A_77, %div3A_185 : vector<512x64xf32>
    %reduce_sum3A_320 = arith.constant dense<0.000000e+00> : vector<512xf32>
    %reduce_sum3A_321 = vector.multi_reduction <add>, %mul3A_319, %reduce_sum3A_320 [1] : vector<512x64xf32> to vector<512xf32>
    %mul3A_322 = vector.broadcast %get3A_318 : f32 to vector<512xf32>
    %mul3A_323 = arith.mulf %mul3A_322, %reduce_sum3A_321 : vector<512xf32>
    %add3A_324 = arith.addf %add3A_314, %mul3A_323 : vector<512xf32>
    %get3A_325 = arith.constant 2 : index
    %get3A_326 = arith.constant 3 : index
    %get3A_327 = vector.load %arg5[%get3A_325, %get3A_326] : memref<4x4xf32, #tpu.memory_space<vmem>>, vector<1x1xf32>
    %get3A_328 = vector.extract %get3A_327[0, 0] : f32 from vector<1x1xf32>
    %mul3A_329 = arith.mulf %div3A_77, %div3A_212 : vector<512x64xf32>
    %reduce_sum3A_330 = arith.constant dense<0.000000e+00> : vector<512xf32>
    %reduce_sum3A_331 = vector.multi_reduction <add>, %mul3A_329, %reduce_sum3A_330 [1] : vector<512x64xf32> to vector<512xf32>
    %mul3A_332 = vector.broadcast %get3A_328 : f32 to vector<512xf32>
    %mul3A_333 = arith.mulf %mul3A_332, %reduce_sum3A_331 : vector<512xf32>
    %add3A_334 = arith.addf %add3A_324, %mul3A_333 : vector<512xf32>
    %get3A_335 = arith.constant 3 : index
    %get3A_336 = arith.constant 0 : index
    %get3A_337 = vector.load %arg5[%get3A_335, %get3A_336] : memref<4x4xf32, #tpu.memory_space<vmem>>, vector<1x1xf32>
    %get3A_338 = vector.extract %get3A_337[0, 0] : f32 from vector<1x1xf32>
    %mul3A_339 = arith.mulf %div3A_104, %div3A_131 : vector<512x64xf32>
    %reduce_sum3A_340 = arith.constant dense<0.000000e+00> : vector<512xf32>
    %reduce_sum3A_341 = vector.multi_reduction <add>, %mul3A_339, %reduce_sum3A_340 [1] : vector<512x64xf32> to vector<512xf32>
    %mul3A_342 = vector.broadcast %get3A_338 : f32 to vector<512xf32>
    %mul3A_343 = arith.mulf %mul3A_342, %reduce_sum3A_341 : vector<512xf32>
    %add3A_344 = arith.addf %add3A_334, %mul3A_343 : vector<512xf32>
    %get3A_345 = arith.constant 3 : index
    %get3A_346 = arith.constant 1 : index
    %get3A_347 = vector.load %arg5[%get3A_345, %get3A_346] : memref<4x4xf32, #tpu.memory_space<vmem>>, vector<1x1xf32>
    %get3A_348 = vector.extract %get3A_347[0, 0] : f32 from vector<1x1xf32>
    %mul3A_349 = arith.mulf %div3A_104, %div3A_158 : vector<512x64xf32>
    %reduce_sum3A_350 = arith.constant dense<0.000000e+00> : vector<512xf32>
    %reduce_sum3A_351 = vector.multi_reduction <add>, %mul3A_349, %reduce_sum3A_350 [1] : vector<512x64xf32> to vector<512xf32>
    %mul3A_352 = vector.broadcast %get3A_348 : f32 to vector<512xf32>
    %mul3A_353 = arith.mulf %mul3A_352, %reduce_sum3A_351 : vector<512xf32>
    %add3A_354 = arith.addf %add3A_344, %mul3A_353 : vector<512xf32>
    %get3A_355 = arith.constant 3 : index
    %get3A_356 = arith.constant 2 : index
    %get3A_357 = vector.load %arg5[%get3A_355, %get3A_356] : memref<4x4xf32, #tpu.memory_space<vmem>>, vector<1x1xf32>
    %get3A_358 = vector.extract %get3A_357[0, 0] : f32 from vector<1x1xf32>
    %mul3A_359 = arith.mulf %div3A_104, %div3A_185 : vector<512x64xf32>
    %reduce_sum3A_360 = arith.constant dense<0.000000e+00> : vector<512xf32>
    %reduce_sum3A_361 = vector.multi_reduction <add>, %mul3A_359, %reduce_sum3A_360 [1] : vector<512x64xf32> to vector<512xf32>
    %mul3A_362 = vector.broadcast %get3A_358 : f32 to vector<512xf32>
    %mul3A_363 = arith.mulf %mul3A_362, %reduce_sum3A_361 : vector<512xf32>
    %add3A_364 = arith.addf %add3A_354, %mul3A_363 : vector<512xf32>
    %get3A_365 = arith.constant 3 : index
    %get3A_366 = arith.constant 3 : index
    %get3A_367 = vector.load %arg5[%get3A_365, %get3A_366] : memref<4x4xf32, #tpu.memory_space<vmem>>, vector<1x1xf32>
    %get3A_368 = vector.extract %get3A_367[0, 0] : f32 from vector<1x1xf32>
    %mul3A_369 = arith.mulf %div3A_104, %div3A_212 : vector<512x64xf32>
    %reduce_sum3A_370 = arith.constant dense<0.000000e+00> : vector<512xf32>
    %reduce_sum3A_371 = vector.multi_reduction <add>, %mul3A_369, %reduce_sum3A_370 [1] : vector<512x64xf32> to vector<512xf32>
    %mul3A_372 = vector.broadcast %get3A_368 : f32 to vector<512xf32>
    %mul3A_373 = arith.mulf %mul3A_372, %reduce_sum3A_371 : vector<512xf32>
    %add3A_374 = arith.addf %add3A_364, %mul3A_373 : vector<512xf32>
    %swap3A = arith.constant 0 : index
    %swap3A_375 = vector.load %arg6[%swap3A] : memref<512xf32, #tpu.memory_space<vmem>>, vector<512xf32>
    tpu.vector_store %arg6[%swap3A], %add3A_374 {strides = array<i32>} : memref<512xf32, #tpu.memory_space<vmem>>, vector<512xf32>,
    return
  }
  func.func @transform_0(%arg0: i32) -> (i32, i32) {
    %c0_i32 = arith.constant 0 : i32
    %c0_i32_0 = arith.constant 0 : i32
    return %arg0, %c0_i32 : i32, i32
  }
  func.func @transform_1(%arg0: i32) -> (i32, i32) {
    %c0_i32 = arith.constant 0 : i32
    %c0_i32_0 = arith.constant 0 : i32
    return %arg0, %c0_i32 : i32, i32
  }
  func.func @transform_2(%arg0: i32) -> (i32, i32, i32) {
    %c0_i32 = arith.constant 0 : i32
    %c0_i32_0 = arith.constant 0 : i32
    %c0_i32_1 = arith.constant 0 : i32
    %c0_i32_2 = arith.constant 0 : i32
    return %c0_i32, %c0_i32_0, %c0_i32_1 : i32, i32, i32
  }
  func.func @transform_3(%arg0: i32) -> (i32, i32) {
    %c0_i32 = arith.constant 0 : i32
    %c0_i32_0 = arith.constant 0 : i32
    %c0_i32_1 = arith.constant 0 : i32
    return %c0_i32, %c0_i32_0 : i32, i32
  }
  func.func @transform_4(%arg0: i32) -> (i32, i32) {
    %c0_i32 = arith.constant 0 : i32
    %c0_i32_0 = arith.constant 0 : i32
    %c0_i32_1 = arith.constant 0 : i32
    return %c0_i32, %c0_i32_0 : i32, i32
  }
  func.func @transform_5(%arg0: i32) -> i32 {
    %c0_i32 = arith.constant 0 : i32
    return %arg0 : i32
  }
}

</mosaic_0001>

<sc_bundles>
// kernel: kernel.5.cloned.1.call-start
scs
__scs_entry_jumppad:
0x0: {  	(pc) =	sbr.rel $0x88, $3  }
0x1: {  	(tag) =	ssettag $0x0;
	lr =	simm.s32 $0x1  }
0x2: {  	[smem:$0x3F98] =	sst lr;
	_ =	strace $0xD0000000  }
0x3: {  	_ = 	snop  }
0x4: {  	_ = 	snop  }
0x5: {  	_ = 	snop  }
0x6: {  	_ = 	snop  }
0x7: {  	_ = 	snop  }
__scs_overlays_trampoline_lowered:
0x8: {  	[smem:$0x3FA7] =	sst s0  }
0x9: {  	[smem:$0x3FA8] =	sst s1  }
0xa: {  	[smem:$0x3FA9] =	sst s2  }
0xb: {  	[smem:$0x3FAA] =	sst s3  }
0xc: {  	[smem:$0x3FAB] =	sst s4  }
0xd: {  	[smem:$0x3FAC] =	sst s5  }
0xe: {  	[smem:$0x3FAD] =	sst s6  }
0xf: {  	[smem:$0x3FAE] =	sst s7  }
0x10: {  	[smem:$0x3FAF] =	sst s8  }
0x11: {  	[smem:$0x3FB0] =	sst s9;
	s0 =	simm.s32 @!p0 $0x0  }
0x12: {  	s1 =	sld [smem:$0x3F96];
	s0 =	simm.s32 @p0 $0x1  }
0x13: {  	[smem:$0x3FB1] =	sst s0;
	s0 =	simm.s32 @!p1 $0x0  }
0x14: {  	s2 =	sld [smem:$0x3F95];
	s0 =	simm.s32 @p1 $0x1  }
0x15: {  	[smem:$0x3FB2] =	sst s0;
	s0 =	simm.s32 @!p2 $0x0  }
0x16: {  	s3 =	sld [smem:$0x3FDB];
	s0 =	simm.s32 @p2 $0x1  }
0x17: {  	s4 =	simm.s32 $0x1BF5;
	[smem:$0x3FB4] =	sst s0  }
0x18: {  	s0 =	sld [smem:$0x3F97];
	_ =	swait.ge [sflag:s4], $0x0  }
0x19: {  	s7 =	sld [smem:$0x3F98]  }
0x1a: {  	s8 =	sadd.s32 $0xFFFFE003, lr  }
0x1b: {  	s9 =	sadd.s32 $0xFFFFFEF7, lr;
	s5 =	simm.s32 $0xFFFFFFFF;
	p2 =	slt.u32 s8, $0xFFFFF086  }
0x1c: {  	p1 =	slt.u32 s9, $0xF7A;
	s5 =	simm.s32 @!p2 $0x0  }
0x1d: {  	s5 =	simm.s32 @p1 $0x1;
	p0 =	seq.s32 s7, s2  }
0x1e: {  	s7 =	smul.u32 @!p0 $0xF7A, s2;
	p2 =	seq.s32 @!p0 s5, $0x0  }
0x1f: {  	s9 =	smul.u32 $0xF7A, s1;
	s8 =	simm.s32 @!p0 $0x1BF5;
	p2 =	por !p2, p0  }
0x20: {  	[sflag:s8] =	ssyncset.s32 @!p0 $0xFFFFF086;
	s6 =	sadd.s32 @!p0 s3, s7;
	s7 =	simm.s32 @!p0 $0x108  }
0x21: {  	s3 =	sadd.s32 s3, s9;
	s6 =	sadd.s32 @!p0 $0x88, s6;
	s7 =	simm.s32 @p2 $0x1082  }
0x22: {  	[simem:s7], [sflag:s8] =	dma.local @!p0 [hbm:s6], $0xF7A  }
0x23: {  	s9 =	sor.u32 $0xD0000000, s2;
	s6 =	simm.s32 $0x108;
	_ =	swait.ge @!p0 [sflag:s8], $0x0  }
0x24: {  	s3 =	sadd.s32 $0x88, s3;
	s6 =	simm.s32 @!p1 $0x1082;
	[sflag:s4] =	ssyncset.s32 $0xFFFFF086  }
0x25: {  	[simem:s6], [sflag:s4] =	dma.local [hbm:s3], $0xF7A  }
0x26: {  	[smem:$0x3F98] =	sst s1;
	(tag) =	ssettag s2;
	_ =	strace s9  }
0x27: {  	s1 =	sld [smem:$0x3FA8]  }
0x28: {  	s2 =	sld [smem:$0x3FA9]  }
0x29: {  	s4 =	sld [smem:$0x3FAB]  }
0x2a: {  	p0 =	seq.s32 s5, $0x0;
	s5 =	sld [smem:$0x3FAC]  }
0x2b: {  	s6 =	sld [smem:$0x3FAD]  }
0x2c: {  	s7 =	sld [smem:$0x3FAE]  }
0x2d: {  	s3 =	simm.s32 $0x108;
	s8 =	sld [smem:$0x3FAF]  }
0x2e: {  	s3 =	simm.s32 @!p0 $0x1082;
	s9 =	sld [smem:$0x3FB0]  }
0x2f: {  	lr =	sadd.s32 s0, s3;
	s0 =	sld [smem:$0x3FA7]  }
0x30: {  	s3 =	sld [smem:$0x3FAA]  }
0x31: {  	[smem:$0x3FB3] =	sst s10  }
0x32: {  	s10 =	sld [smem:$0x3FB1];
	_ =	sdelay $0x3  }
0x33: {  	p0 =	seq.s32 s10, $0x1;
	s10 =	sld [smem:$0x3FB3];
	_ =	sdelay $0x3  }
0x34: {  	[smem:$0x3FB3] =	sst s10  }
0x35: {  	s10 =	sld [smem:$0x3FB2];
	_ =	sdelay $0x3  }
0x36: {  	p1 =	seq.s32 s10, $0x1;
	s10 =	sld [smem:$0x3FB3];
	_ =	sdelay $0x3  }
0x37: {  	[smem:$0x3FB3] =	sst s10  }
0x38: {  	s10 =	sld [smem:$0x3FB4]  }
0x39: {  	_ = 	snop;
	(pc) =	sbr.ind lr, $3  }
0x3a: {  	_ = 	snop  }
0x3b: {  	_ = 	snop  }
0x3c: {  	p2 =	seq.s32 s10, $0x1;
	s10 =	sld [smem:$0x3FB3]  }
0x3d: {  	_ =	shalt  }
0x3e: {  	_ =	shalt  }
0x3f: {  	_ =	shalt  }
0x40: {  	_ =	shalt  }
0x41: {  	_ =	shalt  }
0x42: {  	_ =	shalt  }
0x43: {  	_ =	shalt  }
0x44: {  	_ =	shalt  }
0x45: {  	_ =	shalt  }
0x46: {  	_ =	shalt  }
0x47: {  	_ =	shalt  }
0x48: {  	_ =	shalt  }
0x49: {  	_ =	shalt  }
0x4a: {  	_ =	shalt  }
0x4b: {  	_ =	shalt  }
0x4c: {  	_ =	shalt  }
0x4d: {  	_ =	shalt  }
0x4e: {  	_ =	shalt  }
0x4f: {  	_ =	shalt  }
0x50: {  	_ =	shalt  }
0x51: {  	_ =	shalt  }
0x52: {  	_ =	shalt  }
0x53: {  	_ =	shalt  }
0x54: {  	_ =	shalt  }
0x55: {  	_ =	shalt  }
0x56: {  	_ =	shalt  }
0x57: {  	_ =	shalt  }
0x58: {  	_ =	shalt  }
0x59: {  	_ =	shalt  }
0x5a: {  	_ =	shalt  }
0x5b: {  	_ =	shalt  }
0x5c: {  	_ =	shalt  }
0x5d: {  	_ =	shalt  }
0x5e: {  	_ =	shalt  }
0x5f: {  	_ =	shalt  }
0x60: {  	_ =	shalt  }
0x61: {  	_ =	shalt  }
0x62: {  	_ =	shalt  }
0x63: {  	_ =	shalt  }
0x64: {  	_ =	shalt  }
0x65: {  	_ =	shalt  }
0x66: {  	_ =	shalt  }
0x67: {  	_ =	shalt  }
0x68: {  	_ =	shalt  }
0x69: {  	_ =	shalt  }
0x6a: {  	_ =	shalt  }
0x6b: {  	_ =	shalt  }
0x6c: {  	_ =	shalt  }
0x6d: {  	_ =	shalt  }
0x6e: {  	_ =	shalt  }
0x6f: {  	_ =	shalt  }
0x70: {  	_ =	shalt  }
0x71: {  	_ =	shalt  }
0x72: {  	_ =	shalt  }
0x73: {  	_ =	shalt  }
0x74: {  	_ =	shalt  }
0x75: {  	_ =	shalt  }
0x76: {  	_ =	shalt  }
0x77: {  	_ =	shalt  }
0x78: {  	_ =	shalt  }
0x79: {  	_ =	shalt  }
0x7a: {  	_ =	shalt  }
0x7b: {  	_ =	shalt  }
0x7c: {  	_ =	shalt  }
0x7d: {  	_ =	shalt  }
0x7e: {  	_ =	shalt  }
0x7f: {  	_ =	shalt  }
0x80: {  	_ =	shalt  }
0x81: {  	_ =	shalt  }
0x82: {  	_ =	shalt  }
0x83: {  	_ =	shalt  }
0x84: {  	_ =	shalt  }
0x85: {  	_ =	shalt  }
0x86: {  	_ =	shalt  }
0x87: {  	_ =	shalt  }
.Lfunc_end0:
.L_simem_size_0:
called_computation_lowered:
.L_overlay_start_0:
0x88: {  	s2 =	sld [smem:$0x3FD9]  }
0x89: {  	s3 =	sld [smem:$0x3FFE];
	_ =	sdelay $0x1  }
0x8a: {  	s1 =	srdreg.scid  }
0x8b: {  	s0 =	sand.u32 $0x1, s1  }
0x8c: {  	s16 =	sshll.u32 s0, $0xA;
	s2 =	sadd.s32 s3, s2  }
0x8d: {  	s2 =	sadd.s32 s2, s16  }
0x8e: {  	[smem:$0x3FBF] =	sst s2  }
0x8f: {  	_ = 	snop  }
0x90: {  	(tm) =	ssettm $0x1  }
0x91: {  	s17 =	sld [smem:$0x3FFB];
	_ =	sdelay $0x3  }
0x92: {  	_ =	strace s17  }
0x93: {  	s2 =	sld [smem:$0x3FFC];
	_ =	sdelay $0x3  }
0x94: {  	_ =	strace s2  }
0x95: {  	s2 =	sld [smem:$0x3FFD];
	_ =	sdelay $0x3  }
0x96: {  	_ =	strace s2  }
0x97: {  	_ =	strace $0x8FFFFFFF  }
0x98: {  	s18 =	sld [smem:$0x3FDB];
	_ =	sdelay $0x1  }
0x99: {  	s19 =	simm.s32 $_scs_section_size  }
0x9a: {  	s4 =	simm.s32 $_size__tile_overlayer_lowered;
	s5 =	simm.s32 $_tile_overlayer_lowered  }
0x9b: {  	s22 =	simm.s32 $0x1BFF;
	s21 =	sshll.u32 s5, $0x1;
	s2 =	sadd.s32 s19, s18  }
0x9c: {  	s6 =	simm.s32 $0x0;
	s20 =	sshll.u32 s4, $0x1;
	s4 =	sadd.s32 s21, s2  }
0x9d: {  	[timem:s6], [sflag:s22] =	dma.local [hbm:s4], s20  }
0x9e: {  	_ =	swait.ge [sflag:s22], s20  }
0x9f: {  	s3 =	ssub.s32 $0x0, s20;
	[sflag:s22] =	ssyncset.done $0x0  }
0xa0: {  	[sflag:s22] =	ssyncadd.s32 s3;
	_ =	sdelay $0x1  }
0xa1: {  	s23 =	simm.s32 $0x1B8B  }
0xa2: {  	_ =	swait.ge [sflag:s23], $0x1  }
0xa3: {  	[sflag:s23] =	ssyncset.done $0x0  }
0xa4: {  	s25 =	simm.s32 $0x1B8E;
	s24 =	sld [smem:$0x3FFE];
	[sflag:s23] =	ssyncadd.s32 $0xFFFFFFFF  }
0xa5: {  	s26 =	simm.s32 $execute0_lowered;
	[smem:$0x3FD2] =	sst s25  }
0xa6: {  	s4 =	sshll.u32 s26, $0x1;
	_ =	strace $0x80000046;
	[dreg:$0x1] =	wrdreg $0xFFFFFFFF  }
0xa7: {  	s28 =	simm.s32 $_size_execute0_lowered;
	s2 =	sadd.s32 s2, s4;
	[dreg:$0x0] =	wrdreg $0x0  }
0xa8: {  	s4 =	sshll.u32 s28, $0x1;
	[dreg:$0x2] =	wrdreg s2  }
0xa9: {  	[dreg:$0x3] =	wrdreg s4  }
0xaa: {  	[dreg:$0x4] =	wrdreg $0xC0  }
0xab: {  	_ =	task [dreg:s6], $0x5FFFF  }
0xac: {  	[dreg:$0x1] =	wrdreg $0xFFFFFFFF  }
0xad: {  	[dreg:$0x0] =	wrdreg $0x60  }
0xae: {  	[dreg:$0x2] =	wrdreg s24  }
0xaf: {  	[dreg:$0x3] =	wrdreg $0x6A800  }
0xb0: {  	[dreg:$0x4] =	wrdreg $0x9  }
0xb1: {  	_ =	task.clear_ibuf [dreg:s6], $0x5FFFF;
	_ =	strace $0x90000046  }
0xb2: {  	s29 =	simm.s32 $0x9;
	_ =	strace $0x80000048  }
0xb3: {  	_ =	swait.ge [sflag:s29], $0x1  }
0xb4: {  	[sflag:s29] =	ssyncadd.s32 $0xFFFFFFFF  }
0xb5: {  	_ =	strace $0x90000048  }
0xb6: {  	_ =	sfence  }
0xb7: {  	s30 =	sld [smem:$0x0];
	_ =	sdelay $0x2  }
0xb8: {  	s31 =	sshll.u32 s1, $0xD;
	s1 =	sshrl.u32 s1, $0x2  }
0xb9: {  	s3 =	sand.u32 $0x4000, s31;
	s1 =	sadd.s32 s1, s30  }
0xba: {  	s0 =	sor.u32 s3, s0;
	s1 =	sshll.u32 s1, $0x11  }
0xbb: {  	s0 =	sor.u32 s1, s0  }
0xbc: {  	s0 =	sadd.s32 $0x8F2B, s0  }
0xbd: {  	[sflag:s0] =	ssyncadd.remote.s32 $0x1  }
0xbe: {  	_ =	sfence.sel $0xFFFF  }
0xbf: {  	[dreg:$0x0] =	wrdreg $0xFFFFFFFF;
	(pc) =	sbr.abs _section_cstart, $3  }
0xc0: {  	[dreg:$0x1] =	wrdreg $0xFFFFFFFF  }
0xc1: {  	_ =	task.clear_ibuf [dreg:s6], $0x2FFFF;
	_ =	strace $0x9FFFFFFF  }
0xc2: {  	(tm) =	ssettm $0x7FFFFFFF  }
0xc3: {  	_ =	shalt  }
tec
execute0_lowered:
.L_overlay_start_1:
0x0: {  	(tag) =	ssettag $0x1  }
0x1: {  	s0 =	rddreg [dreg:$0x0]  }
0x2: {  	s1 =	rddreg [dreg:$0x1];
	s2 =	simm.s32 $0x0  }
0x3: {  	s3 =	srdreg.scid;
	s15 =	stileid.u32;
	s21 =	simm.s32 $0x4  }
0x4: {  	s28 =	simm.s32 $0x3;
	s29 =	simm.s32 $0x0;
	[smem:$0x7FF] =	sst s2  }
0x5: {  	s3 =	sand.u32 $0x1, s3;
	s4 =	sadd.s32 $0x188E00, s0;
	s5 =	sadd.s32 $0x1E00, s0  }
0x6: {  	s6 =	sadd.s32 $0x1A600, s0;
	s10 =	smul.u32 $0xC38, s15;
	s7 =	sadd.s32 $0x32E00, s0  }
0x7: {  	s9 =	sadd.s32 $0x4B600, s0;
	s14 =	smul.u32 $0x61C00, s15;
	s23 =	sshll.u32 s15, $0x6  }
0x8: {  	_ =	strace $0x80000047;
	s8 =	smul.u32 $0xC380, s3;
	s3 =	ssub.s32 $0x2, s3  }
0x9: {  	[dreg:$0x3] =	wrdreg s9;
	s9 =	sadd.s32 $0x4E800, s0;
	s12 =	sshrl.u32 s3, $0x1  }
0xa: {  	s22 =	sshrl.u32 s14, $0x2;
	s11 =	sadd.s32 s10, s8;
	s10 =	smul.u32 $0xC400, s15  }
0xb: {  	s3 =	ssub.s32 s3, s12;
	s16 =	sadd.s32 s22, s1;
	s12 =	sor.u32 $0x1C04, s23  }
0xc: {  	s13 =	sshll.u32 s11, $0x2;
	s11 =	sadd.s32 $0xB0400, s0;
	s31 =	smax.u32 s3, $0x1  }
0xd: {  	v1 =	vimm.s32 $0x0;
	v2 =	vimm.s32 $0x1;
	s20 =	sshrl.u32 s16, $0x3;
	s0 =	sadd.s32 s13, s0;
	s24 =	sshrl.u32 s10, $0x3  }
.Ltmp0:
0xe: {  	v3 =	vimm.s32 $0x2;
	v4 =	vimm.s32 $0x3;
	v5 =	vimm.s32 $0x4;
	s26 =	sadd.s32 s9, s13;
	[dreg:$0x8] =	wrdreg s31;
	(pc) =	sbr.rel .LBB2_1-.Ltmp0, $4  }
0xf: {  	v6 =	vimm.s32 $0x5;
	v7 =	vimm.s32 $0x6;
	v8 =	vimm.s32 $0x7;
	s30 =	sadd.s32 s11, s13;
	s25 =	sadd.s32 s5, s24;
	[dreg:$0x5] =	wrdreg s26  }
0x10: {  	v9 =	vimm.s32 $0x8;
	v10 =	vimm.s32 $0x9;
	v11 =	vimm.s32 $0xA;
	s14 =	sadd.s32 s6, s24;
	s15 =	sadd.s32 s7, s24;
	[dreg:$0x6] =	wrdreg s30  }
0x11: {  	v12 =	vimm.s32 $0xB;
	v13 =	vimm.s32 $0xC;
	v14 =	vimm.s32 $0xD;
	s0 =	sadd.s32 $0x112000, s0;
	s24 =	simm.s32 $0x1;
	[dreg:$0x4] =	wrdreg s25  }
0x12: {  	v15 =	vimm.s32 $0xE;
	v16 =	vimm.s32 $0xF;
	v0 =	vmov s8;
	s26 =	simm.s32 $0x2;
	[dreg:$0x7] =	wrdreg s0;
	s25 =	simm.s32 $0x80  }
.LBB2_40:
0x13: {  	_ =	swait.ge [sflag:s28], $0x1000  }
0x14: {  	[sflag:s28] =	ssyncset.done $0x0  }
0x15: {  	[sflag:s28] =	ssyncadd.s32 $0xFFFFF000  }
0x16: {  	_ =	swait.ge [sflag:s28], $0x1000  }
0x17: {  	[sflag:s28] =	ssyncset.done $0x0  }
0x18: {  	[sflag:s28] =	ssyncadd.s32 $0xFFFFF000  }
0x19: {  	_ =	swait.ge [sflag:s28], $0x1000  }
0x1a: {  	[sflag:s28] =	ssyncset.done $0x0  }
0x1b: {  	[sflag:s28] =	ssyncadd.s32 $0xFFFFF000  }
0x1c: {  	_ =	swait.ge [sflag:s28], $0x1000  }
0x1d: {  	[sflag:s28] =	ssyncset.done $0x0  }
0x1e: {  	[sflag:s28] =	ssyncadd.s32 $0xFFFFF000  }
0x1f: {  	_ =	swait.ge [sflag:s28], $0x1000  }
0x20: {  	[sflag:s28] =	ssyncset.done $0x0  }
0x21: {  	[sflag:s28] =	ssyncadd.s32 $0xFFFFF000  }
0x22: {  	[bflag:$0x0] =	sbarrier.arrive $0xFFFF  }
0x23: {  	s0 =	rddreg [dreg:$0x7]  }
0x24: {  	[hbm:s0], [sflag:s12] =	dma.local [spmem:s20], $0x30E0  }
0x25: {  	_ =	swait.ge [sflag:s21], $0x30E0  }
0x26: {  	s29 =	sadd.s32 $0x1, s29;
	s31 =	rddreg [dreg:$0x8]  }
0x27: {  	p0 =	sne.s32 s29, s31  }
.Ltmp1:
0x28: {  	_ = 	snop;
	(pc) =	sbr.rel @!p0 .LBB2_41-.Ltmp1, $3  }
0x29: {  	[sflag:s21] =	ssyncset.done $0x0  }
0x2a: {  	[sflag:s21] =	ssyncadd.s32 $0xFFFFCF20  }
0x2b: {  	[bflag:$0x0] =	sbarrier.arrive $0xFFFF;
	_ =	sdelay $0x1  }
.LBB2_1:
0x2c: {  	s0 =	rddreg [dreg:$0x3]  }
0x2d: {  	[spmem:s20], [sflag:s12] =	dma.local [hbm:s0], $0x30E0  }
0x2e: {  	_ =	swait.ge [sflag:s21], $0x30E0  }
0x2f: {  	[sflag:s21] =	ssyncset.done $0x0  }
0x30: {  	[sflag:s21] =	ssyncadd.s32 $0xFFFFCF20  }
0x31: {  	[bflag:$0x0] =	sbarrier.arrive $0xFFFF  }
0x32: {  	s19 =	rddreg [dreg:$0x4]  }
0x33: {  	[tilespmem:s2], [sflag:$0x1] =	stream.linear.gather [hbm4b:s19+s2], $0x400, $0x38;
	[tilespmem:$0x1F180] =	vst v63  }
.Ltmp2:
0x34: {  	s22 =	simm.s32 $0x800;
	s23 =	simm.s32 $0x1000;
	(pc) =	sbr.rel .LBB2_2-.Ltmp2, $4  }
0x35: {  	s30 =	simm.s32 $0xFFFFEA80;
	s31 =	simm.s32 $0xFFFFFFFD;
	s3 =	simm.s32 $0x1680  }
0x36: {  	[tilespmem:s22], [sflag:$0x1] =	stream.linear.gather [hbm4b:s14+s2], $0x400, $0x38;
	[tilespmem:$0x1F180] =	vst v63  }
0x37: {  	s16 =	simm.s32 $0x0;
	s17 =	simm.s32 $0x0;
	s0 =	simm.s32 $0xFFFFFE80  }
0x38: {  	[tilespmem:s23], [sflag:$0x1] =	stream.linear.gather [hbm4b:s15+s2], $0x400, $0x38;
	[tilespmem:$0x1F180] =	vst v63  }
.LBB2_13:
0x39: {  	s17 =	sadd.s32 $0x1, s17  }
0x3a: {  	p0 =	sne.s32 s17, $0x18B  }
.Ltmp3:
0x3b: {  	_ = 	snop;
	(pc) =	sbr.rel @!p0 .LBB2_14-.Ltmp3, $3  }
0x3c: {  	_ =	sdelay $0x1  }
0x3d: {  	s16 =	sadd.s32 $0x80, s16;
	s30 =	sadd.s32 $0x1000, s30  }
0x3e: {  	s31 =	sadd.s32 $0x1, s31;
	s0 =	sadd.s32 $0x80, s0;
	s3 =	sadd.s32 $0x80, s3  }
.LBB2_2:
0x3f: {  	s8 =	sand.u32 $0x7, s17;
	p0 =	sgt.u32 s17, $0x187  }
0x40: {  	p1 =	sne.s32 @!p0 s8, $0x0  }
0x41: {  	p1 =	por p0, p1  }
.Ltmp4:
0x42: {  	_ = 	snop;
	(pc) =	sbr.rel @p1 .LBB2_6-.Ltmp4, $1  }
0x43: {  	_ =	sdelay $0x3  }
0x44: {  	_ =	swait.ge [sflag:s24], $0x400  }
0x45: {  	[sflag:s24] =	ssyncset.done $0x0  }
0x46: {  	[sflag:s24] =	ssyncadd.s32 $0xFFFFFC00  }
0x47: {  	s13 =	sand.u32 $0x400, s16;
	_ =	swait.ge [sflag:s24], $0x400  }
0x48: {  	v17 =	vmov s13;
	[sflag:s24] =	ssyncset.done $0x0  }
0x49: {  	[sflag:s24] =	ssyncadd.s32 $0xFFFFFC00  }
0x4a: {  	_ =	swait.ge [sflag:s24], $0x400  }
0x4b: {  	[sflag:s24] =	ssyncset.done $0x0  }
0x4c: {  	s18 =	simm.s32 $0x40;
	s13 =	simm.s32 $0x0;
	[sflag:s24] =	ssyncadd.s32 $0xFFFFFC00  }
.LBB2_4:
0x4d: {  	p0 =	sne.s32 s18, $0xFC0;
	v18 =	vld.idx.msk [tilespmem:v17+s13+$0x0 ss:$0x1], $0xffff;
	_ =	sdelay $0x2  }
.Ltmp5:
0x4e: {  	(pc) =	sbr.rel @p0 .LBB2_4-.Ltmp5, $3  }
0x4f: {  	_ =	sdelay $0x1  }
0x50: {  	v18 =	vadd.s32 v0, v18  }
0x51: {  	[tilespmem:v17+s13+$0x0 ss:$0x1] =	vst.idx.msk $0xffff, v18;
	s13 =	sshra.s32 s18, $0x2;
	s18 =	sadd.s32 $0x40, s18  }
0x52: {  	_ =	sdelay $0x3  }
0x53: {  	v18 =	vld.idx.msk [tilespmem:v17+s13+$0x0 ss:$0x1], $0xffff;
	_ =	sdelay $0x1  }
.Ltmp6:
0x54: {  	_ = 	snop;
	(pc) =	sbr.rel .LBB2_9-.Ltmp6, $3  }
0x55: {  	_ =	sdelay $0x1  }
0x56: {  	v18 =	vadd.s32 v0, v18  }
0x57: {  	[tilespmem:v17+s13+$0x0 ss:$0x1] =	vst.idx.msk $0xffff, v18;
	s13 =	sshrl.u32 s17, $0x3  }
.LBB2_6:
0x58: {  	p1 =	sgt.u32 s17, $0x17F  }
0x59: {  	p2 =	sne.s32 @!p1 s8, $0x3  }
0x5a: {  	p1 =	por p1, p2  }
.Ltmp7:
0x5b: {  	_ = 	snop;
	(pc) =	sbr.rel @p1 .LBB2_8-.Ltmp7, $2  }
0x5c: {  	_ =	sdelay $0x2  }
0x5d: {  	s13 =	sshrl.u32 s17, $0x3  }
0x5e: {  	s18 =	sshll.u32 s13, $0xA  }
0x5f: {  	s18 =	sadd.s32 $0x400, s18  }
0x60: {  	s19 =	sadd.s32 s10, s18  }
0x61: {  	s19 =	sshrl.u32 s19, $0x3  }
0x62: {  	s18 =	sand.u32 $0x400, s18;
	s22 =	sadd.s32 s5, s19  }
0x63: {  	[tilespmem:s18], [sflag:$0x1] =	stream.linear.gather [hbm4b:s22+s2], $0x400, $0x38;
	[tilespmem:$0x1F180] =	vst v63  }
0x64: {  	s23 =	sadd.s32 s6, s19;
	s22 =	sor.u32 $0x800, s18  }
0x65: {  	[tilespmem:s22], [sflag:$0x1] =	stream.linear.gather [hbm4b:s23+s2], $0x400, $0x38;
	[tilespmem:$0x1F180] =	vst v63  }
0x66: {  	s19 =	sadd.s32 s7, s19;
	s18 =	sor.u32 $0x1000, s18  }
0x67: {  	[tilespmem:s18], [sflag:$0x1] =	stream.linear.gather [hbm4b:s19+s2], $0x400, $0x38;
	[tilespmem:$0x1F180] =	vst v63  }
.LBB2_9:
0x68: {  	s18 =	smul.u32 $0xCCCD, s17;
	p0 =	slt.u32 s17, $0x5  }
0x69: {  	s19 =	simm.s32 @!p0 $0x3  }
0x6a: {  	s18 =	sshrl.u32 s18, $0x12;
	_ =	swait.ge @!p0 [sflag:s19], $0x1000  }
0x6b: {  	s18 =	smul.u32 $0x5, s18;
	[sflag:s19] =	ssyncset.done @!p0 $0x0  }
0x6c: {  	[sflag:s19] =	ssyncadd.s32 @!p0 $0xFFFFF000;
	p0 =	slt.u32 s17, $0x3  }
.Ltmp8:
0x6d: {  	s18 =	ssub.s32 s17, s18;
	(pc) =	sbr.rel @p0 .LBB2_13-.Ltmp8, $4  }
0x6e: {  	s13 =	sshll.u32 s13, $0xA;
	s18 =	sand.u32 $0xFFFF, s18  }
0x6f: {  	s8 =	sshll.u32 s8, $0x7;
	s13 =	sand.u32 $0x400, s13;
	s18 =	sshll.u32 s18, $0xC  }
0x70: {  	s8 =	sor.u32 s8, s13;
	s18 =	sadd.s32 $0x1A80, s18  }
0x71: {  	[tilespmem:s18], [sflag:$0x2] =	stream.indirect.gather [hbm4b:s4+s25], $0x20, s8, s25, $0xb8;
	[tilespmem:$0x1F180] =	vst v63  }
.LBB2_10:
0x72: {  	s8 =	smulhi.u32 $0xCCCCCCCD, s31  }
0x73: {  	s13 =	sand.u32 $0x780, s0  }
0x74: {  	s18 =	sor.u32 $0x800, s13;
	s8 =	sshrl.u32 s8, $0x2  }
0x75: {  	v18 =	vmov s18;
	s18 =	smul.u32 $0xFFFEC000, s8  }
0x76: {  	s19 =	sadd.s32 $0xFFFFFFFD, s17;
	_ =	swait.ge [sflag:s26], $0x1000;
	s8 =	smul.u32 $0xFFFFF600, s8  }
0x77: {  	s13 =	sor.u32 $0x1000, s13;
	s22 =	smulhi.u32 $0xCCCCCCCD, s19;
	[sflag:s26] =	ssyncset.done $0x0  }
0x78: {  	v19 =	vmov s13;
	[sflag:s26] =	ssyncadd.s32 $0xFFFFF000;
	s8 =	sshra.s32 s8, $0x2  }
0x79: {  	s13 =	simm.s32 $0x0;
	s23 =	sshrl.u32 s22, $0x2;
	s8 =	sadd.s32 s8, s3  }
0x7a: {  	s22 =	smul.u32 $0x5, s23;
	v21 =	vld.idx.msk [tilespmem:v18+s13+$0x0 ss:$0x1], $0xffff;
	v20 =	vmov s8  }
0x7b: {  	s18 =	sshra.s32 s18, $0x2  }
0x7c: {  	s23 =	sadd.s32 s18, s30;
	s19 =	ssub.s32 s19, s22  }
0x7d: {  	s18 =	sshll.u32 s19, $0x7;
	s8 =	simm.s32 $0x40;
	v17 =	vld.idx.msk [tilespmem:v19+s13+$0x0 ss:$0x1], $0xffff;
	s22 =	smov.u32 s23  }
.LBB2_11:
0x7e: {  	p0 =	sne.s32 s8, $0x1C0  }
0x7f: {  	s23 =	sadd.s32 $0x200, s23;
	[tilespmem:v20+s13+$0x0 ss:$0x1] =	vst.idx.msk $0xffff, v21;
	s13 =	smov.u32 s8;
	s8 =	sadd.s32 $0x40, s8  }
0x80: {  	v21 =	vld [tilespmem:s22+$0x1C0]  }
0x81: {  	v22 =	vld [tilespmem:s22+$0x1D0]  }
0x82: {  	v23 =	vperm.xlane v17, v16;
	v24 =	vld [tilespmem:s22+$0x1F0]  }
0x83: {  	v25 =	vperm.xlane v17, v15;
	v26 =	vld [tilespmem:s22+$0x1E0];
	_ =	sdelay $0x1  }
0x84: {  	v21 =	vmul.f32 v21, v25  }
0x85: {  	v27 =	vld [tilespmem:s22+$0x1B0];
	v22 =	vmul.f32 v22, v25  }
0x86: {  	v25 =	vld [tilespmem:s22+$0x1A0];
	[tilespmem:s22+$0x1C0] =	vst v21;
	v21 =	vmul.f32 v24, v23  }
0x87: {  	v24 =	vld [tilespmem:s22+$0x190];
	[tilespmem:s22+$0x1D0] =	vst v22;
	v22 =	vmul.f32 v26, v23  }
0x88: {  	v26 =	vperm.xlane v17, v14;
	v23 =	vld [tilespmem:s22+$0x180];
	[tilespmem:s22+$0x1F0] =	vst v21  }
0x89: {  	v21 =	vld [tilespmem:s22+$0x170];
	[tilespmem:s22+$0x1E0] =	vst v22  }
0x8a: {  	v28 =	vperm.xlane v17, v13;
	v22 =	vld [tilespmem:s22+$0x160];
	v27 =	vmul.f32 v27, v26  }
0x8b: {  	v29 =	vld [tilespmem:s22+$0x150];
	v25 =	vmul.f32 v25, v26  }
0x8c: {  	v26 =	vld [tilespmem:s22+$0x140];
	v24 =	vmul.f32 v24, v28;
	[tilespmem:s22+$0x1B0] =	vst v27  }
0x8d: {  	v30 =	vperm.xlane v17, v12;
	v27 =	vld [tilespmem:s22+$0x130];
	v23 =	vmul.f32 v23, v28;
	[tilespmem:s22+$0x1A0] =	vst v25  }
0x8e: {  	v28 =	vperm.xlane v17, v11;
	v25 =	vld [tilespmem:s22+$0x120];
	[tilespmem:s22+$0x190] =	vst v24  }
0x8f: {  	v21 =	vmul.f32 v21, v30;
	v24 =	vld [tilespmem:s22+$0x110];
	v22 =	vmul.f32 v22, v30;
	[tilespmem:s22+$0x180] =	vst v23  }
0x90: {  	v30 =	vperm.xlane v17, v10;
	v23 =	vld [tilespmem:s22+$0x100];
	v29 =	vmul.f32 v29, v28  }
0x91: {  	v31 =	vld [tilespmem:s22+$0xF0];
	v26 =	vmul.f32 v26, v28;
	[tilespmem:s22+$0x170] =	vst v21  }
0x92: {  	v28 =	vperm.xlane v17, v9;
	v21 =	vld [tilespmem:s22+$0xE0];
	v27 =	vmul.f32 v27, v30;
	[tilespmem:s22+$0x150] =	vst v29  }
0x93: {  	v29 =	vld [tilespmem:s22+$0xD0];
	v25 =	vmul.f32 v25, v30;
	[tilespmem:s22+$0x140] =	vst v26  }
0x94: {  	v30 =	vperm.xlane v17, v8;
	v26 =	vld [tilespmem:s22+$0xC0];
	v24 =	vmul.f32 v24, v28;
	[tilespmem:s22+$0x130] =	vst v27  }
0x95: {  	v27 =	vld [tilespmem:s22+$0xB0];
	v23 =	vmul.f32 v23, v28;
	[tilespmem:s22+$0x120] =	vst v25  }
0x96: {  	v28 =	vperm.xlane v17, v7;
	v25 =	vld [tilespmem:s22+$0xA0];
	v31 =	vmul.f32 v31, v30;
	[tilespmem:s22+$0x110] =	vst v24  }
0x97: {  	v24 =	vld [tilespmem:s22+$0x90];
	v21 =	vmul.f32 v21, v30;
	[tilespmem:s22+$0x100] =	vst v23  }
0x98: {  	v30 =	vperm.xlane v17, v6;
	v23 =	vld [tilespmem:s22+$0x80];
	v29 =	vmul.f32 v29, v28;
	[tilespmem:s22+$0xF0] =	vst v31  }
0x99: {  	v31 =	vld [tilespmem:s22+$0x70];
	v26 =	vmul.f32 v26, v28;
	[tilespmem:s22+$0xE0] =	vst v21  }
0x9a: {  	v28 =	vperm.xlane v17, v5;
	v21 =	vld [tilespmem:s22+$0x60];
	v27 =	vmul.f32 v27, v30;
	[tilespmem:s22+$0xD0] =	vst v29  }
0x9b: {  	v29 =	vld [tilespmem:s22+$0x50];
	v25 =	vmul.f32 v25, v30;
	[tilespmem:s22+$0xC0] =	vst v26  }
0x9c: {  	v30 =	vperm.xlane v17, v4;
	v26 =	vld [tilespmem:s22+$0x40];
	v24 =	vmul.f32 v24, v28;
	[tilespmem:s22+$0xB0] =	vst v27  }
0x9d: {  	v27 =	vld [tilespmem:s22+$0x30];
	v23 =	vmul.f32 v23, v28;
	[tilespmem:s22+$0xA0] =	vst v25  }
0x9e: {  	v25 =	vld [tilespmem:s22+$0x20];
	v28 =	vmul.f32 v31, v30;
	[tilespmem:s22+$0x90] =	vst v24  }
0x9f: {  	v31 =	vperm.xlane v17, v3;
	v24 =	vld [tilespmem:s22+$0x10];
	v21 =	vmul.f32 v21, v30;
	[tilespmem:s22+$0x80] =	vst v23  }
0xa0: {  	s13 =	sshra.s32 s13, $0x2;
	v30 =	vperm.xlane v17, v2;
	v23 =	vld [tilespmem:s22+$0x0];
	[tilespmem:s22+$0x70] =	vst v28  }
0xa1: {  	v28 =	vmul.f32 v29, v31;
	v26 =	vmul.f32 v26, v31;
	[tilespmem:s22+$0x60] =	vst v21  }
0xa2: {  	v17 =	vperm.xlane v17, v1;
	v21 =	vmul.f32 v27, v30;
	[tilespmem:s22+$0x160] =	vst v22  }
0xa3: {  	v22 =	vmul.f32 v25, v30;
	[tilespmem:s22+$0x40] =	vst v26  }
0xa4: {  	v24 =	vmul.f32 v24, v17;
	[tilespmem:s22+$0x30] =	vst v21  }
0xa5: {  	v17 =	vmul.f32 v23, v17;
	[tilespmem:s22+$0x50] =	vst v28  }
0xa6: {  	[tilespmem:s22+$0x10] =	vst v24  }
0xa7: {  	[tilespmem:s22+$0x0] =	vst v17  }
.Ltmp9:
0xa8: {  	[tilespmem:s22+$0x20] =	vst v22;
	s22 =	smov.u32 s23;
	(pc) =	sbr.rel @p0 .LBB2_11-.Ltmp9, $2  }
0xa9: {  	v21 =	vld.idx.msk [tilespmem:v18+s13+$0x0 ss:$0x1], $0xffff;
	_ =	sdelay $0x2  }
0xaa: {  	v17 =	vld.idx.msk [tilespmem:v19+s13+$0x0 ss:$0x1], $0xffff  }
0xab: {  	_ =	sdelay $0x3  }
0xac: {  	[tilespmem:v20+s13+$0x0 ss:$0x1] =	vst.idx.msk $0xffff, v21  }
0xad: {  	v18 =	vld [tilespmem:s22+$0x1C0]  }
0xae: {  	v19 =	vld [tilespmem:s22+$0x1D0]  }
0xaf: {  	v20 =	vld [tilespmem:s22+$0x1F0]  }
0xb0: {  	v23 =	vld [tilespmem:s22+$0x1B0]  }
0xb1: {  	v25 =	vld [tilespmem:s22+$0x190];
	v30 =	vperm.xlane v17, v15  }
0xb2: {  	v27 =	vld [tilespmem:s22+$0x170]  }
0xb3: {  	v34 =	vld [tilespmem:s22+$0x150];
	v26 =	vperm.xlane v17, v14;
	v18 =	vmul.f32 v18, v30  }
0xb4: {  	v22 =	vld [tilespmem:s22+$0x1E0];
	v32 =	vperm.xlane v17, v13;
	v19 =	vmul.f32 v19, v30  }
0xb5: {  	v35 =	vld [tilespmem:s22+$0x140];
	v37 =	vperm.xlane v17, v12;
	v33 =	vmul.f32 v23, v26;
	[tilespmem:s22+$0x1C0] =	vst v18  }
0xb6: {  	v24 =	vld [tilespmem:s22+$0x1A0];
	v38 =	vperm.xlane v17, v11;
	v25 =	vmul.f32 v25, v32;
	[tilespmem:s22+$0x1D0] =	vst v19  }
0xb7: {  	v57 =	vld [tilespmem:s22+$0x30];
	v27 =	vmul.f32 v27, v37;
	v18 =	vperm.xlane v17, v16;
	[tilespmem:s22+$0x1B0] =	vst v33  }
0xb8: {  	v39 =	vld [tilespmem:s22+$0x110];
	v23 =	vmul.f32 v34, v38;
	[tilespmem:s22+$0x190] =	vst v25  }
0xb9: {  	v45 =	vld [tilespmem:s22+$0xC0];
	[tilespmem:s22+$0x170] =	vst v27;
	v20 =	vmul.f32 v20, v18;
	v18 =	vmul.f32 v22, v18  }
0xba: {  	v47 =	vld [tilespmem:s22+$0xB0];
	v61 =	vperm.xlane v17, v2;
	v21 =	vmul.f32 v35, v38;
	[tilespmem:s22+$0x150] =	vst v23  }
0xbb: {  	v49 =	vld [tilespmem:s22+$0x90];
	v43 =	vperm.xlane v17, v9;
	[tilespmem:s22+$0x1E0] =	vst v18;
	v18 =	vmul.f32 v24, v26  }
0xbc: {  	v48 =	vperm.xlane v17, v7;
	v63 =	vmul.f32 v57, v61;
	[tilespmem:s22+$0x140] =	vst v21  }
0xbd: {  	v51 =	vperm.xlane v17, v6;
	v25 =	vmul.f32 v39, v43;
	[tilespmem:s22+$0x1A0] =	vst v18;
	v18 =	vld [tilespmem:s22+$0x120]  }
0xbe: {  	v36 =	vld [tilespmem:s22+$0x130];
	v54 =	vperm.xlane v17, v5;
	v21 =	vmul.f32 v45, v48;
	[tilespmem:s22+$0x30] =	vst v63  }
0xbf: {  	v52 =	vld [tilespmem:s22+$0x70];
	v23 =	vmul.f32 v47, v51;
	[tilespmem:s22+$0x110] =	vst v25  }
0xc0: {  	v55 =	vld [tilespmem:s22+$0x40];
	v28 =	vperm.xlane v17, v10;
	v27 =	vmul.f32 v49, v54;
	[tilespmem:s22+$0xC0] =	vst v21  }
0xc1: {  	v31 =	vld [tilespmem:s22+$0x180];
	[tilespmem:s22+$0xB0] =	vst v23  }
0xc2: {  	v41 =	vld [tilespmem:s22+$0xF0];
	v56 =	vperm.xlane v17, v4;
	[tilespmem:s22+$0x90] =	vst v27;
	v18 =	vmul.f32 v18, v28  }
0xc3: {  	v42 =	vld [tilespmem:s22+$0xE0];
	v59 =	vperm.xlane v17, v3;
	v22 =	vmul.f32 v36, v28;
	[tilespmem:s22+$0x1F0] =	vst v20  }
0xc4: {  	v25 =	vmul.f32 v52, v56;
	[tilespmem:s22+$0x120] =	vst v18;
	v18 =	vld [tilespmem:s22+$0xA0]  }
0xc5: {  	v46 =	vperm.xlane v17, v8;
	v19 =	vld [tilespmem:s22+$0x160];
	v21 =	vmul.f32 v55, v59;
	[tilespmem:s22+$0x130] =	vst v22  }
0xc6: {  	v40 =	vld [tilespmem:s22+$0x100];
	v20 =	vmul.f32 v31, v32;
	[tilespmem:s22+$0x70] =	vst v25  }
0xc7: {  	v53 =	vld [tilespmem:s22+$0x60];
	v24 =	vmul.f32 v41, v46;
	[tilespmem:s22+$0x40] =	vst v21  }
0xc8: {  	v58 =	vld [tilespmem:s22+$0x10];
	v22 =	vmul.f32 v42, v46;
	[tilespmem:s22+$0x180] =	vst v20  }
0xc9: {  	v60 =	vld [tilespmem:s22+$0x0];
	[tilespmem:s22+$0xF0] =	vst v24;
	v18 =	vmul.f32 v18, v51  }
0xca: {  	v50 =	vld [tilespmem:s22+$0x80];
	v19 =	vmul.f32 v19, v37;
	[tilespmem:s22+$0xE0] =	vst v22  }
0xcb: {  	v17 =	vperm.xlane v17, v1;
	v20 =	vmul.f32 v40, v43;
	[tilespmem:s22+$0xA0] =	vst v18;
	v18 =	vld [tilespmem:s22+$0x50]  }
0xcc: {  	v44 =	vld [tilespmem:s22+$0xD0];
	v22 =	vmul.f32 v53, v56;
	[tilespmem:s22+$0x160] =	vst v19  }
0xcd: {  	v62 =	vld [tilespmem:s22+$0x20];
	v19 =	vmul.f32 v58, v17;
	[tilespmem:s22+$0x100] =	vst v20  }
0xce: {  	v17 =	vmul.f32 v60, v17;
	[tilespmem:s22+$0x60] =	vst v22  }
0xcf: {  	v20 =	vmul.f32 v50, v54;
	[tilespmem:s22+$0x10] =	vst v19  }
0xd0: {  	[tilespmem:s22+$0x0] =	vst v17;
	v18 =	vmul.f32 v18, v59  }
.Ltmp10:
0xd1: {  	[tilespmem:s22+$0x80] =	vst v20;
	v28 =	vmul.f32 v44, v48;
	(pc) =	sbr.rel .LBB2_13-.Ltmp10, $4  }
0xd2: {  	s8 =	sshll.u32 s19, $0xC;
	[tilespmem:s22+$0x50] =	vst v18;
	v18 =	vmul.f32 v62, v61  }
0xd3: {  	s8 =	sand.u32 $0x3FFFF000, s8;
	[tilespmem:s22+$0xD0] =	vst v28  }
0xd4: {  	s23 =	sadd.s32 $0x1800, s18;
	s8 =	sadd.s32 $0x1A80, s8;
	[tilespmem:s22+$0x20] =	vst v18  }
0xd5: {  	[spmem:s1] =	stream.indirect.scatter.add.f32 [tilespmem:s8], [sflag:$0x3], $0x20, s23, s25, $0xb8;
	[tilespmem:$0x1F180] =	vst v63  }
.LBB2_8:
.Ltmp11:
0xd6: {  	(pc) =	sbr.rel @p0 .LBB2_10-.Ltmp11, $4  }
.Ltmp12:
0xd7: {  	(pc) =	sbr.rel @!p0 .LBB2_9-.Ltmp12, $4  }
0xd8: {  	_ = 	snop  }
0xd9: {  	_ = 	snop  }
0xda: {  	_ = 	snop  }
0xdb: {  	_ = 	snop  }
.LBB2_14:
0xdc: {  	_ =	swait.ge [sflag:s28], $0x1000  }
0xdd: {  	[sflag:s28] =	ssyncset.done $0x0  }
0xde: {  	[sflag:s28] =	ssyncadd.s32 $0xFFFFF000  }
0xdf: {  	_ =	swait.ge [sflag:s28], $0x1000  }
0xe0: {  	[sflag:s28] =	ssyncset.done $0x0  }
0xe1: {  	[sflag:s28] =	ssyncadd.s32 $0xFFFFF000  }
0xe2: {  	_ =	swait.ge [sflag:s28], $0x1000  }
0xe3: {  	[sflag:s28] =	ssyncset.done $0x0  }
0xe4: {  	[sflag:s28] =	ssyncadd.s32 $0xFFFFF000  }
0xe5: {  	_ =	swait.ge [sflag:s28], $0x1000  }
0xe6: {  	[sflag:s28] =	ssyncset.done $0x0  }
0xe7: {  	[sflag:s28] =	ssyncadd.s32 $0xFFFFF000  }
0xe8: {  	_ =	swait.ge [sflag:s28], $0x1000  }
0xe9: {  	[sflag:s28] =	ssyncset.done $0x0  }
0xea: {  	[sflag:s28] =	ssyncadd.s32 $0xFFFFF000  }
0xeb: {  	[bflag:$0x0] =	sbarrier.arrive $0xFFFF  }
0xec: {  	s0 =	rddreg [dreg:$0x5]  }
0xed: {  	[hbm:s0], [sflag:s12] =	dma.local [spmem:s20], $0x30E0  }
0xee: {  	_ =	swait.ge [sflag:s21], $0x30E0  }
0xef: {  	[sflag:s21] =	ssyncset.done $0x0  }
0xf0: {  	[sflag:s21] =	ssyncadd.s32 $0xFFFFCF20  }
0xf1: {  	[bflag:$0x0] =	sbarrier.arrive $0xFFFF  }
0xf2: {  	s18 =	rddreg [dreg:$0x3]  }
0xf3: {  	[spmem:s20], [sflag:s12] =	dma.local [hbm:s18], $0x30E0  }
0xf4: {  	_ =	swait.ge [sflag:s21], $0x30E0  }
0xf5: {  	[sflag:s21] =	ssyncset.done $0x0  }
0xf6: {  	[sflag:s21] =	ssyncadd.s32 $0xFFFFCF20  }
0xf7: {  	[bflag:$0x0] =	sbarrier.arrive $0xFFFF  }
0xf8: {  	s30 =	simm.s32 $0x0;
	s19 =	rddreg [dreg:$0x4]  }
0xf9: {  	[tilespmem:s30], [sflag:$0x1] =	stream.linear.gather [hbm4b:s19+s30], $0x400, $0x38;
	[tilespmem:$0x1F180] =	vst v63  }
.Ltmp13:
0xfa: {  	s22 =	simm.s32 $0x800;
	(pc) =	sbr.rel .LBB2_15-.Ltmp13, $4  }
0xfb: {  	s23 =	simm.s32 $0x1000;
	s31 =	simm.s32 $0xFFFFEA80;
	s3 =	simm.s32 $0xFFFFFE80  }
0xfc: {  	[tilespmem:s22], [sflag:$0x1] =	stream.linear.gather [hbm4b:s14+s30], $0x400, $0x38;
	[tilespmem:$0x1F180] =	vst v63  }
0xfd: {  	s16 =	simm.s32 $0x1680;
	s17 =	simm.s32 $0x0;
	s0 =	simm.s32 $0xFFFFFFFD  }
0xfe: {  	[tilespmem:s23], [sflag:$0x1] =	stream.linear.gather [hbm4b:s15+s30], $0x400, $0x38;
	[tilespmem:$0x1F180] =	vst v63  }
.LBB2_26:
0xff: {  	s17 =	sadd.s32 $0x1, s17  }
0x100: {  	p0 =	sne.s32 s17, $0x18B  }
.Ltmp14:
0x101: {  	_ = 	snop;
	(pc) =	sbr.rel @!p0 .LBB2_27-.Ltmp14, $3  }
0x102: {  	_ =	sdelay $0x1  }
0x103: {  	s30 =	sadd.s32 $0x80, s30;
	s31 =	sadd.s32 $0x1000, s31  }
0x104: {  	s0 =	sadd.s32 $0x1, s0;
	s3 =	sadd.s32 $0x80, s3;
	s16 =	sadd.s32 $0x80, s16  }
.LBB2_15:
0x105: {  	s8 =	sand.u32 $0x7, s17;
	p0 =	sgt.u32 s17, $0x187  }
0x106: {  	p1 =	sne.s32 @!p0 s8, $0x0  }
0x107: {  	p1 =	por p0, p1  }
.Ltmp15:
0x108: {  	_ = 	snop;
	(pc) =	sbr.rel @p1 .LBB2_19-.Ltmp15, $1  }
0x109: {  	_ =	sdelay $0x3  }
0x10a: {  	_ =	swait.ge [sflag:s24], $0x400  }
0x10b: {  	[sflag:s24] =	ssyncset.done $0x0  }
0x10c: {  	[sflag:s24] =	ssyncadd.s32 $0xFFFFFC00  }
0x10d: {  	s13 =	sand.u32 $0x400, s30;
	_ =	swait.ge [sflag:s24], $0x400  }
0x10e: {  	v17 =	vmov s13;
	[sflag:s24] =	ssyncset.done $0x0  }
0x10f: {  	[sflag:s24] =	ssyncadd.s32 $0xFFFFFC00  }
0x110: {  	_ =	swait.ge [sflag:s24], $0x400  }
0x111: {  	[sflag:s24] =	ssyncset.done $0x0  }
0x112: {  	s18 =	simm.s32 $0x40;
	s13 =	simm.s32 $0x0;
	[sflag:s24] =	ssyncadd.s32 $0xFFFFFC00  }
.LBB2_17:
0x113: {  	p0 =	sne.s32 s18, $0xFC0;
	v18 =	vld.idx.msk [tilespmem:v17+s13+$0x0 ss:$0x1], $0xffff;
	_ =	sdelay $0x2  }
.Ltmp16:
0x114: {  	(pc) =	sbr.rel @p0 .LBB2_17-.Ltmp16, $3  }
0x115: {  	_ =	sdelay $0x1  }
0x116: {  	v18 =	vadd.s32 v0, v18  }
0x117: {  	[tilespmem:v17+s13+$0x0 ss:$0x1] =	vst.idx.msk $0xffff, v18;
	s13 =	sshra.s32 s18, $0x2;
	s18 =	sadd.s32 $0x40, s18  }
0x118: {  	_ =	sdelay $0x3  }
0x119: {  	v18 =	vld.idx.msk [tilespmem:v17+s13+$0x0 ss:$0x1], $0xffff;
	_ =	sdelay $0x1  }
.Ltmp17:
0x11a: {  	_ = 	snop;
	(pc) =	sbr.rel .LBB2_22-.Ltmp17, $3  }
0x11b: {  	_ =	sdelay $0x1  }
0x11c: {  	v18 =	vadd.s32 v0, v18  }
0x11d: {  	[tilespmem:v17+s13+$0x0 ss:$0x1] =	vst.idx.msk $0xffff, v18;
	s13 =	sshrl.u32 s17, $0x3  }
.LBB2_19:
0x11e: {  	p1 =	sgt.u32 s17, $0x17F  }
0x11f: {  	p2 =	sne.s32 @!p1 s8, $0x3  }
0x120: {  	p1 =	por p1, p2  }
.Ltmp18:
0x121: {  	_ = 	snop;
	(pc) =	sbr.rel @p1 .LBB2_21-.Ltmp18, $2  }
0x122: {  	_ =	sdelay $0x2  }
0x123: {  	s13 =	sshrl.u32 s17, $0x3  }
0x124: {  	s18 =	sshll.u32 s13, $0xA  }
0x125: {  	s18 =	sadd.s32 $0x400, s18  }
0x126: {  	s19 =	sadd.s32 s10, s18  }
0x127: {  	s19 =	sshrl.u32 s19, $0x3  }
0x128: {  	s18 =	sand.u32 $0x400, s18;
	s22 =	sadd.s32 s5, s19  }
0x129: {  	[tilespmem:s18], [sflag:$0x1] =	stream.linear.gather [hbm4b:s22+s2], $0x400, $0x38;
	[tilespmem:$0x1F180] =	vst v63  }
0x12a: {  	s23 =	sadd.s32 s6, s19;
	s22 =	sor.u32 $0x800, s18  }
0x12b: {  	[tilespmem:s22], [sflag:$0x1] =	stream.linear.gather [hbm4b:s23+s2], $0x400, $0x38;
	[tilespmem:$0x1F180] =	vst v63  }
0x12c: {  	s19 =	sadd.s32 s7, s19;
	s18 =	sor.u32 $0x1000, s18  }
0x12d: {  	[tilespmem:s18], [sflag:$0x1] =	stream.linear.gather [hbm4b:s19+s2], $0x400, $0x38;
	[tilespmem:$0x1F180] =	vst v63  }
.LBB2_22:
0x12e: {  	s18 =	smul.u32 $0xCCCD, s17;
	p0 =	slt.u32 s17, $0x5  }
0x12f: {  	s19 =	simm.s32 @!p0 $0x3  }
0x130: {  	s18 =	sshrl.u32 s18, $0x12;
	_ =	swait.ge @!p0 [sflag:s19], $0x1000  }
0x131: {  	s18 =	smul.u32 $0x5, s18;
	[sflag:s19] =	ssyncset.done @!p0 $0x0  }
0x132: {  	[sflag:s19] =	ssyncadd.s32 @!p0 $0xFFFFF000;
	p0 =	slt.u32 s17, $0x3  }
.Ltmp19:
0x133: {  	s18 =	ssub.s32 s17, s18;
	(pc) =	sbr.rel @p0 .LBB2_26-.Ltmp19, $4  }
0x134: {  	s13 =	sshll.u32 s13, $0xA;
	s18 =	sand.u32 $0xFFFF, s18  }
0x135: {  	s8 =	sshll.u32 s8, $0x7;
	s13 =	sand.u32 $0x400, s13;
	s18 =	sshll.u32 s18, $0xC  }
0x136: {  	s8 =	sor.u32 s8, s13;
	s18 =	sadd.s32 $0x1A80, s18  }
0x137: {  	[tilespmem:s18], [sflag:$0x2] =	stream.indirect.gather [hbm4b:s9+s25], $0x20, s8, s25, $0xb8;
	[tilespmem:$0x1F180] =	vst v63  }
.LBB2_23:
0x138: {  	s8 =	smulhi.u32 $0xCCCCCCCD, s0  }
0x139: {  	s13 =	sand.u32 $0x780, s3  }
0x13a: {  	s18 =	sor.u32 $0x800, s13;
	s8 =	sshrl.u32 s8, $0x2  }
0x13b: {  	v18 =	vmov s18;
	s18 =	smul.u32 $0xFFFEC000, s8  }
0x13c: {  	s19 =	sadd.s32 $0xFFFFFFFD, s17;
	_ =	swait.ge [sflag:s26], $0x1000;
	s8 =	smul.u32 $0xFFFFF600, s8  }
0x13d: {  	s13 =	sor.u32 $0x1000, s13;
	s22 =	smulhi.u32 $0xCCCCCCCD, s19;
	[sflag:s26] =	ssyncset.done $0x0  }
0x13e: {  	v19 =	vmov s13;
	[sflag:s26] =	ssyncadd.s32 $0xFFFFF000;
	s8 =	sshra.s32 s8, $0x2  }
0x13f: {  	s13 =	simm.s32 $0x0;
	s23 =	sshrl.u32 s22, $0x2;
	s8 =	sadd.s32 s8, s16  }
0x140: {  	s22 =	smul.u32 $0x5, s23;
	v21 =	vld.idx.msk [tilespmem:v18+s13+$0x0 ss:$0x1], $0xffff;
	v20 =	vmov s8  }
0x141: {  	s18 =	sshra.s32 s18, $0x2  }
0x142: {  	s23 =	sadd.s32 s18, s31;
	s19 =	ssub.s32 s19, s22  }
0x143: {  	s18 =	sshll.u32 s19, $0x7;
	s8 =	simm.s32 $0x40;
	v17 =	vld.idx.msk [tilespmem:v19+s13+$0x0 ss:$0x1], $0xffff;
	s22 =	smov.u32 s23  }
.LBB2_24:
0x144: {  	p0 =	sne.s32 s8, $0x1C0  }
0x145: {  	s23 =	sadd.s32 $0x200, s23;
	[tilespmem:v20+s13+$0x0 ss:$0x1] =	vst.idx.msk $0xffff, v21;
	s13 =	smov.u32 s8;
	s8 =	sadd.s32 $0x40, s8  }
0x146: {  	v21 =	vld [tilespmem:s22+$0x1C0]  }
0x147: {  	v22 =	vld [tilespmem:s22+$0x1D0]  }
0x148: {  	v23 =	vperm.xlane v17, v16;
	v24 =	vld [tilespmem:s22+$0x1F0]  }
0x149: {  	v25 =	vperm.xlane v17, v15;
	v26 =	vld [tilespmem:s22+$0x1E0];
	_ =	sdelay $0x1  }
0x14a: {  	v21 =	vmul.f32 v21, v25  }
0x14b: {  	v27 =	vld [tilespmem:s22+$0x1B0];
	v22 =	vmul.f32 v22, v25  }
0x14c: {  	v25 =	vld [tilespmem:s22+$0x1A0];
	[tilespmem:s22+$0x1C0] =	vst v21;
	v21 =	vmul.f32 v24, v23  }
0x14d: {  	v24 =	vld [tilespmem:s22+$0x190];
	[tilespmem:s22+$0x1D0] =	vst v22;
	v22 =	vmul.f32 v26, v23  }
0x14e: {  	v26 =	vperm.xlane v17, v14;
	v23 =	vld [tilespmem:s22+$0x180];
	[tilespmem:s22+$0x1F0] =	vst v21  }
0x14f: {  	v21 =	vld [tilespmem:s22+$0x170];
	[tilespmem:s22+$0x1E0] =	vst v22  }
0x150: {  	v28 =	vperm.xlane v17, v13;
	v22 =	vld [tilespmem:s22+$0x160];
	v27 =	vmul.f32 v27, v26  }
0x151: {  	v29 =	vld [tilespmem:s22+$0x150];
	v25 =	vmul.f32 v25, v26  }
0x152: {  	v26 =	vld [tilespmem:s22+$0x140];
	v24 =	vmul.f32 v24, v28;
	[tilespmem:s22+$0x1B0] =	vst v27  }
0x153: {  	v30 =	vperm.xlane v17, v12;
	v27 =	vld [tilespmem:s22+$0x130];
	v23 =	vmul.f32 v23, v28;
	[tilespmem:s22+$0x1A0] =	vst v25  }
0x154: {  	v28 =	vperm.xlane v17, v11;
	v25 =	vld [tilespmem:s22+$0x120];
	[tilespmem:s22+$0x190] =	vst v24  }
0x155: {  	v21 =	vmul.f32 v21, v30;
	v24 =	vld [tilespmem:s22+$0x110];
	v22 =	vmul.f32 v22, v30;
	[tilespmem:s22+$0x180] =	vst v23  }
0x156: {  	v30 =	vperm.xlane v17, v10;
	v23 =	vld [tilespmem:s22+$0x100];
	v29 =	vmul.f32 v29, v28  }
0x157: {  	v31 =	vld [tilespmem:s22+$0xF0];
	v26 =	vmul.f32 v26, v28;
	[tilespmem:s22+$0x170] =	vst v21  }
0x158: {  	v28 =	vperm.xlane v17, v9;
	v21 =	vld [tilespmem:s22+$0xE0];
	v27 =	vmul.f32 v27, v30;
	[tilespmem:s22+$0x150] =	vst v29  }
0x159: {  	v29 =	vld [tilespmem:s22+$0xD0];
	v25 =	vmul.f32 v25, v30;
	[tilespmem:s22+$0x140] =	vst v26  }
0x15a: {  	v30 =	vperm.xlane v17, v8;
	v26 =	vld [tilespmem:s22+$0xC0];
	v24 =	vmul.f32 v24, v28;
	[tilespmem:s22+$0x130] =	vst v27  }
0x15b: {  	v27 =	vld [tilespmem:s22+$0xB0];
	v23 =	vmul.f32 v23, v28;
	[tilespmem:s22+$0x120] =	vst v25  }
0x15c: {  	v28 =	vperm.xlane v17, v7;
	v25 =	vld [tilespmem:s22+$0xA0];
	v31 =	vmul.f32 v31, v30;
	[tilespmem:s22+$0x110] =	vst v24  }
0x15d: {  	v24 =	vld [tilespmem:s22+$0x90];
	v21 =	vmul.f32 v21, v30;
	[tilespmem:s22+$0x100] =	vst v23  }
0x15e: {  	v30 =	vperm.xlane v17, v6;
	v23 =	vld [tilespmem:s22+$0x80];
	v29 =	vmul.f32 v29, v28;
	[tilespmem:s22+$0xF0] =	vst v31  }
0x15f: {  	v31 =	vld [tilespmem:s22+$0x70];
	v26 =	vmul.f32 v26, v28;
	[tilespmem:s22+$0xE0] =	vst v21  }
0x160: {  	v28 =	vperm.xlane v17, v5;
	v21 =	vld [tilespmem:s22+$0x60];
	v27 =	vmul.f32 v27, v30;
	[tilespmem:s22+$0xD0] =	vst v29  }
0x161: {  	v29 =	vld [tilespmem:s22+$0x50];
	v25 =	vmul.f32 v25, v30;
	[tilespmem:s22+$0xC0] =	vst v26  }
0x162: {  	v30 =	vperm.xlane v17, v4;
	v26 =	vld [tilespmem:s22+$0x40];
	v24 =	vmul.f32 v24, v28;
	[tilespmem:s22+$0xB0] =	vst v27  }
0x163: {  	v27 =	vld [tilespmem:s22+$0x30];
	v23 =	vmul.f32 v23, v28;
	[tilespmem:s22+$0xA0] =	vst v25  }
0x164: {  	v25 =	vld [tilespmem:s22+$0x20];
	v28 =	vmul.f32 v31, v30;
	[tilespmem:s22+$0x90] =	vst v24  }
0x165: {  	v31 =	vperm.xlane v17, v3;
	v24 =	vld [tilespmem:s22+$0x10];
	v21 =	vmul.f32 v21, v30;
	[tilespmem:s22+$0x80] =	vst v23  }
0x166: {  	s13 =	sshra.s32 s13, $0x2;
	v30 =	vperm.xlane v17, v2;
	v23 =	vld [tilespmem:s22+$0x0];
	[tilespmem:s22+$0x70] =	vst v28  }
0x167: {  	v28 =	vmul.f32 v29, v31;
	v26 =	vmul.f32 v26, v31;
	[tilespmem:s22+$0x60] =	vst v21  }
0x168: {  	v17 =	vperm.xlane v17, v1;
	v21 =	vmul.f32 v27, v30;
	[tilespmem:s22+$0x160] =	vst v22  }
0x169: {  	v22 =	vmul.f32 v25, v30;
	[tilespmem:s22+$0x40] =	vst v26  }
0x16a: {  	v24 =	vmul.f32 v24, v17;
	[tilespmem:s22+$0x30] =	vst v21  }
0x16b: {  	v17 =	vmul.f32 v23, v17;
	[tilespmem:s22+$0x50] =	vst v28  }
0x16c: {  	[tilespmem:s22+$0x10] =	vst v24  }
0x16d: {  	[tilespmem:s22+$0x0] =	vst v17  }
.Ltmp20:
0x16e: {  	[tilespmem:s22+$0x20] =	vst v22;
	s22 =	smov.u32 s23;
	(pc) =	sbr.rel @p0 .LBB2_24-.Ltmp20, $2  }
0x16f: {  	v21 =	vld.idx.msk [tilespmem:v18+s13+$0x0 ss:$0x1], $0xffff;
	_ =	sdelay $0x2  }
0x170: {  	v17 =	vld.idx.msk [tilespmem:v19+s13+$0x0 ss:$0x1], $0xffff  }
0x171: {  	_ =	sdelay $0x3  }
0x172: {  	[tilespmem:v20+s13+$0x0 ss:$0x1] =	vst.idx.msk $0xffff, v21  }
0x173: {  	v18 =	vld [tilespmem:s22+$0x1C0]  }
0x174: {  	v19 =	vld [tilespmem:s22+$0x1D0]  }
0x175: {  	v20 =	vld [tilespmem:s22+$0x1F0]  }
0x176: {  	v23 =	vld [tilespmem:s22+$0x1B0]  }
0x177: {  	v25 =	vld [tilespmem:s22+$0x190];
	v30 =	vperm.xlane v17, v15  }
0x178: {  	v27 =	vld [tilespmem:s22+$0x170]  }
0x179: {  	v34 =	vld [tilespmem:s22+$0x150];
	v26 =	vperm.xlane v17, v14;
	v18 =	vmul.f32 v18, v30  }
0x17a: {  	v22 =	vld [tilespmem:s22+$0x1E0];
	v32 =	vperm.xlane v17, v13;
	v19 =	vmul.f32 v19, v30  }
0x17b: {  	v35 =	vld [tilespmem:s22+$0x140];
	v37 =	vperm.xlane v17, v12;
	v33 =	vmul.f32 v23, v26;
	[tilespmem:s22+$0x1C0] =	vst v18  }
0x17c: {  	v24 =	vld [tilespmem:s22+$0x1A0];
	v38 =	vperm.xlane v17, v11;
	v25 =	vmul.f32 v25, v32;
	[tilespmem:s22+$0x1D0] =	vst v19  }
0x17d: {  	v57 =	vld [tilespmem:s22+$0x30];
	v27 =	vmul.f32 v27, v37;
	v18 =	vperm.xlane v17, v16;
	[tilespmem:s22+$0x1B0] =	vst v33  }
0x17e: {  	v39 =	vld [tilespmem:s22+$0x110];
	v23 =	vmul.f32 v34, v38;
	[tilespmem:s22+$0x190] =	vst v25  }
0x17f: {  	v45 =	vld [tilespmem:s22+$0xC0];
	[tilespmem:s22+$0x170] =	vst v27;
	v20 =	vmul.f32 v20, v18;
	v18 =	vmul.f32 v22, v18  }
0x180: {  	v47 =	vld [tilespmem:s22+$0xB0];
	v61 =	vperm.xlane v17, v2;
	v21 =	vmul.f32 v35, v38;
	[tilespmem:s22+$0x150] =	vst v23  }
0x181: {  	v49 =	vld [tilespmem:s22+$0x90];
	v43 =	vperm.xlane v17, v9;
	[tilespmem:s22+$0x1E0] =	vst v18;
	v18 =	vmul.f32 v24, v26  }
0x182: {  	v48 =	vperm.xlane v17, v7;
	v63 =	vmul.f32 v57, v61;
	[tilespmem:s22+$0x140] =	vst v21  }
0x183: {  	v51 =	vperm.xlane v17, v6;
	v25 =	vmul.f32 v39, v43;
	[tilespmem:s22+$0x1A0] =	vst v18;
	v18 =	vld [tilespmem:s22+$0x120]  }
0x184: {  	v36 =	vld [tilespmem:s22+$0x130];
	v54 =	vperm.xlane v17, v5;
	v21 =	vmul.f32 v45, v48;
	[tilespmem:s22+$0x30] =	vst v63  }
0x185: {  	v52 =	vld [tilespmem:s22+$0x70];
	v23 =	vmul.f32 v47, v51;
	[tilespmem:s22+$0x110] =	vst v25  }
0x186: {  	v55 =	vld [tilespmem:s22+$0x40];
	v28 =	vperm.xlane v17, v10;
	v27 =	vmul.f32 v49, v54;
	[tilespmem:s22+$0xC0] =	vst v21  }
0x187: {  	v31 =	vld [tilespmem:s22+$0x180];
	[tilespmem:s22+$0xB0] =	vst v23  }
0x188: {  	v41 =	vld [tilespmem:s22+$0xF0];
	v56 =	vperm.xlane v17, v4;
	[tilespmem:s22+$0x90] =	vst v27;
	v18 =	vmul.f32 v18, v28  }
0x189: {  	v42 =	vld [tilespmem:s22+$0xE0];
	v59 =	vperm.xlane v17, v3;
	v22 =	vmul.f32 v36, v28;
	[tilespmem:s22+$0x1F0] =	vst v20  }
0x18a: {  	v25 =	vmul.f32 v52, v56;
	[tilespmem:s22+$0x120] =	vst v18;
	v18 =	vld [tilespmem:s22+$0xA0]  }
0x18b: {  	v46 =	vperm.xlane v17, v8;
	v19 =	vld [tilespmem:s22+$0x160];
	v21 =	vmul.f32 v55, v59;
	[tilespmem:s22+$0x130] =	vst v22  }
0x18c: {  	v40 =	vld [tilespmem:s22+$0x100];
	v20 =	vmul.f32 v31, v32;
	[tilespmem:s22+$0x70] =	vst v25  }
0x18d: {  	v53 =	vld [tilespmem:s22+$0x60];
	v24 =	vmul.f32 v41, v46;
	[tilespmem:s22+$0x40] =	vst v21  }
0x18e: {  	v58 =	vld [tilespmem:s22+$0x10];
	v22 =	vmul.f32 v42, v46;
	[tilespmem:s22+$0x180] =	vst v20  }
0x18f: {  	v60 =	vld [tilespmem:s22+$0x0];
	[tilespmem:s22+$0xF0] =	vst v24;
	v18 =	vmul.f32 v18, v51  }
0x190: {  	v50 =	vld [tilespmem:s22+$0x80];
	v19 =	vmul.f32 v19, v37;
	[tilespmem:s22+$0xE0] =	vst v22  }
0x191: {  	v17 =	vperm.xlane v17, v1;
	v20 =	vmul.f32 v40, v43;
	[tilespmem:s22+$0xA0] =	vst v18;
	v18 =	vld [tilespmem:s22+$0x50]  }
0x192: {  	v44 =	vld [tilespmem:s22+$0xD0];
	v22 =	vmul.f32 v53, v56;
	[tilespmem:s22+$0x160] =	vst v19  }
0x193: {  	v62 =	vld [tilespmem:s22+$0x20];
	v19 =	vmul.f32 v58, v17;
	[tilespmem:s22+$0x100] =	vst v20  }
0x194: {  	v17 =	vmul.f32 v60, v17;
	[tilespmem:s22+$0x60] =	vst v22  }
0x195: {  	v20 =	vmul.f32 v50, v54;
	[tilespmem:s22+$0x10] =	vst v19  }
0x196: {  	[tilespmem:s22+$0x0] =	vst v17;
	v18 =	vmul.f32 v18, v59  }
.Ltmp21:
0x197: {  	[tilespmem:s22+$0x80] =	vst v20;
	v28 =	vmul.f32 v44, v48;
	(pc) =	sbr.rel .LBB2_26-.Ltmp21, $4  }
0x198: {  	s8 =	sshll.u32 s19, $0xC;
	[tilespmem:s22+$0x50] =	vst v18;
	v18 =	vmul.f32 v62, v61  }
0x199: {  	s8 =	sand.u32 $0x3FFFF000, s8;
	[tilespmem:s22+$0xD0] =	vst v28  }
0x19a: {  	s23 =	sadd.s32 $0x1800, s18;
	s8 =	sadd.s32 $0x1A80, s8;
	[tilespmem:s22+$0x20] =	vst v18  }
0x19b: {  	[spmem:s1] =	stream.indirect.scatter.add.f32 [tilespmem:s8], [sflag:$0x3], $0x20, s23, s25, $0xb8;
	[tilespmem:$0x1F180] =	vst v63  }
.LBB2_21:
.Ltmp22:
0x19c: {  	(pc) =	sbr.rel @p0 .LBB2_23-.Ltmp22, $4  }
.Ltmp23:
0x19d: {  	(pc) =	sbr.rel @!p0 .LBB2_22-.Ltmp23, $4  }
0x19e: {  	_ = 	snop  }
0x19f: {  	_ = 	snop  }
0x1a0: {  	_ = 	snop  }
0x1a1: {  	_ = 	snop  }
.LBB2_27:
0x1a2: {  	_ =	swait.ge [sflag:s28], $0x1000  }
0x1a3: {  	[sflag:s28] =	ssyncset.done $0x0  }
0x1a4: {  	[sflag:s28] =	ssyncadd.s32 $0xFFFFF000  }
0x1a5: {  	_ =	swait.ge [sflag:s28], $0x1000  }
0x1a6: {  	[sflag:s28] =	ssyncset.done $0x0  }
0x1a7: {  	[sflag:s28] =	ssyncadd.s32 $0xFFFFF000  }
0x1a8: {  	_ =	swait.ge [sflag:s28], $0x1000  }
0x1a9: {  	[sflag:s28] =	ssyncset.done $0x0  }
0x1aa: {  	[sflag:s28] =	ssyncadd.s32 $0xFFFFF000  }
0x1ab: {  	_ =	swait.ge [sflag:s28], $0x1000  }
0x1ac: {  	[sflag:s28] =	ssyncset.done $0x0  }
0x1ad: {  	[sflag:s28] =	ssyncadd.s32 $0xFFFFF000  }
0x1ae: {  	_ =	swait.ge [sflag:s28], $0x1000  }
0x1af: {  	[sflag:s28] =	ssyncset.done $0x0  }
0x1b0: {  	[sflag:s28] =	ssyncadd.s32 $0xFFFFF000  }
0x1b1: {  	[bflag:$0x0] =	sbarrier.arrive $0xFFFF  }
0x1b2: {  	s0 =	rddreg [dreg:$0x6]  }
0x1b3: {  	[hbm:s0], [sflag:s12] =	dma.local [spmem:s20], $0x30E0  }
0x1b4: {  	_ =	swait.ge [sflag:s21], $0x30E0  }
0x1b5: {  	[sflag:s21] =	ssyncset.done $0x0  }
0x1b6: {  	[sflag:s21] =	ssyncadd.s32 $0xFFFFCF20  }
0x1b7: {  	[bflag:$0x0] =	sbarrier.arrive $0xFFFF  }
0x1b8: {  	s18 =	rddreg [dreg:$0x3]  }
0x1b9: {  	[spmem:s20], [sflag:s12] =	dma.local [hbm:s18], $0x30E0  }
0x1ba: {  	_ =	swait.ge [sflag:s21], $0x30E0  }
0x1bb: {  	[sflag:s21] =	ssyncset.done $0x0  }
0x1bc: {  	[sflag:s21] =	ssyncadd.s32 $0xFFFFCF20  }
0x1bd: {  	[bflag:$0x0] =	sbarrier.arrive $0xFFFF  }
0x1be: {  	s30 =	simm.s32 $0x0;
	s19 =	rddreg [dreg:$0x4]  }
0x1bf: {  	[tilespmem:s30], [sflag:$0x1] =	stream.linear.gather [hbm4b:s19+s30], $0x400, $0x38;
	[tilespmem:$0x1F180] =	vst v63  }
.Ltmp24:
0x1c0: {  	s22 =	simm.s32 $0x800;
	(pc) =	sbr.rel .LBB2_28-.Ltmp24, $4  }
0x1c1: {  	s23 =	simm.s32 $0x1000;
	s31 =	simm.s32 $0xFFFFEA80;
	s3 =	simm.s32 $0xFFFFFE80  }
0x1c2: {  	[tilespmem:s22], [sflag:$0x1] =	stream.linear.gather [hbm4b:s14+s30], $0x400, $0x38;
	[tilespmem:$0x1F180] =	vst v63  }
0x1c3: {  	s16 =	simm.s32 $0x1680;
	s17 =	simm.s32 $0x0;
	s0 =	simm.s32 $0xFFFFFFFD  }
0x1c4: {  	[tilespmem:s23], [sflag:$0x1] =	stream.linear.gather [hbm4b:s15+s30], $0x400, $0x38;
	[tilespmem:$0x1F180] =	vst v63  }
.LBB2_39:
0x1c5: {  	s17 =	sadd.s32 $0x1, s17  }
0x1c6: {  	p0 =	sne.s32 s17, $0x18B  }
.Ltmp25:
0x1c7: {  	_ = 	snop;
	(pc) =	sbr.rel @!p0 .LBB2_40-.Ltmp25, $3  }
0x1c8: {  	_ =	sdelay $0x1  }
0x1c9: {  	s30 =	sadd.s32 $0x80, s30;
	s31 =	sadd.s32 $0x1000, s31  }
0x1ca: {  	s0 =	sadd.s32 $0x1, s0;
	s3 =	sadd.s32 $0x80, s3;
	s16 =	sadd.s32 $0x80, s16  }
.LBB2_28:
0x1cb: {  	s8 =	sand.u32 $0x7, s17;
	p0 =	sgt.u32 s17, $0x187  }
0x1cc: {  	p1 =	sne.s32 @!p0 s8, $0x0  }
0x1cd: {  	p1 =	por p0, p1  }
.Ltmp26:
0x1ce: {  	_ = 	snop;
	(pc) =	sbr.rel @p1 .LBB2_32-.Ltmp26, $1  }
0x1cf: {  	_ =	sdelay $0x3  }
0x1d0: {  	_ =	swait.ge [sflag:s24], $0x400  }
0x1d1: {  	[sflag:s24] =	ssyncset.done $0x0  }
0x1d2: {  	[sflag:s24] =	ssyncadd.s32 $0xFFFFFC00  }
0x1d3: {  	s13 =	sand.u32 $0x400, s30;
	_ =	swait.ge [sflag:s24], $0x400  }
0x1d4: {  	v17 =	vmov s13;
	[sflag:s24] =	ssyncset.done $0x0  }
0x1d5: {  	[sflag:s24] =	ssyncadd.s32 $0xFFFFFC00  }
0x1d6: {  	_ =	swait.ge [sflag:s24], $0x400  }
0x1d7: {  	[sflag:s24] =	ssyncset.done $0x0  }
0x1d8: {  	s18 =	simm.s32 $0x40;
	s13 =	simm.s32 $0x0;
	[sflag:s24] =	ssyncadd.s32 $0xFFFFFC00  }
.LBB2_30:
0x1d9: {  	p0 =	sne.s32 s18, $0xFC0;
	v18 =	vld.idx.msk [tilespmem:v17+s13+$0x0 ss:$0x1], $0xffff;
	_ =	sdelay $0x2  }
.Ltmp27:
0x1da: {  	(pc) =	sbr.rel @p0 .LBB2_30-.Ltmp27, $3  }
0x1db: {  	_ =	sdelay $0x1  }
0x1dc: {  	v18 =	vadd.s32 v0, v18  }
0x1dd: {  	[tilespmem:v17+s13+$0x0 ss:$0x1] =	vst.idx.msk $0xffff, v18;
	s13 =	sshra.s32 s18, $0x2;
	s18 =	sadd.s32 $0x40, s18  }
0x1de: {  	_ =	sdelay $0x3  }
0x1df: {  	v18 =	vld.idx.msk [tilespmem:v17+s13+$0x0 ss:$0x1], $0xffff;
	_ =	sdelay $0x1  }
.Ltmp28:
0x1e0: {  	_ = 	snop;
	(pc) =	sbr.rel .LBB2_35-.Ltmp28, $3  }
0x1e1: {  	_ =	sdelay $0x1  }
0x1e2: {  	v18 =	vadd.s32 v0, v18  }
0x1e3: {  	[tilespmem:v17+s13+$0x0 ss:$0x1] =	vst.idx.msk $0xffff, v18;
	s13 =	sshrl.u32 s17, $0x3  }
.LBB2_32:
0x1e4: {  	p1 =	sgt.u32 s17, $0x17F  }
0x1e5: {  	p2 =	sne.s32 @!p1 s8, $0x3  }
0x1e6: {  	p1 =	por p1, p2  }
.Ltmp29:
0x1e7: {  	_ = 	snop;
	(pc) =	sbr.rel @p1 .LBB2_34-.Ltmp29, $2  }
0x1e8: {  	_ =	sdelay $0x2  }
0x1e9: {  	s13 =	sshrl.u32 s17, $0x3  }
0x1ea: {  	s18 =	sshll.u32 s13, $0xA  }
0x1eb: {  	s18 =	sadd.s32 $0x400, s18  }
0x1ec: {  	s19 =	sadd.s32 s10, s18  }
0x1ed: {  	s19 =	sshrl.u32 s19, $0x3  }
0x1ee: {  	s18 =	sand.u32 $0x400, s18;
	s22 =	sadd.s32 s5, s19  }
0x1ef: {  	[tilespmem:s18], [sflag:$0x1] =	stream.linear.gather [hbm4b:s22+s2], $0x400, $0x38;
	[tilespmem:$0x1F180] =	vst v63  }
0x1f0: {  	s23 =	sadd.s32 s6, s19;
	s22 =	sor.u32 $0x800, s18  }
0x1f1: {  	[tilespmem:s22], [sflag:$0x1] =	stream.linear.gather [hbm4b:s23+s2], $0x400, $0x38;
	[tilespmem:$0x1F180] =	vst v63  }
0x1f2: {  	s19 =	sadd.s32 s7, s19;
	s18 =	sor.u32 $0x1000, s18  }
0x1f3: {  	[tilespmem:s18], [sflag:$0x1] =	stream.linear.gather [hbm4b:s19+s2], $0x400, $0x38;
	[tilespmem:$0x1F180] =	vst v63  }
.LBB2_35:
0x1f4: {  	s18 =	smul.u32 $0xCCCD, s17;
	p0 =	slt.u32 s17, $0x5  }
0x1f5: {  	s19 =	simm.s32 @!p0 $0x3  }
0x1f6: {  	s18 =	sshrl.u32 s18, $0x12;
	_ =	swait.ge @!p0 [sflag:s19], $0x1000  }
0x1f7: {  	s18 =	smul.u32 $0x5, s18;
	[sflag:s19] =	ssyncset.done @!p0 $0x0  }
0x1f8: {  	[sflag:s19] =	ssyncadd.s32 @!p0 $0xFFFFF000;
	p0 =	slt.u32 s17, $0x3  }
.Ltmp30:
0x1f9: {  	s18 =	ssub.s32 s17, s18;
	(pc) =	sbr.rel @p0 .LBB2_39-.Ltmp30, $4  }
0x1fa: {  	s13 =	sshll.u32 s13, $0xA;
	s18 =	sand.u32 $0xFFFF, s18  }
0x1fb: {  	s8 =	sshll.u32 s8, $0x7;
	s13 =	sand.u32 $0x400, s13;
	s18 =	sshll.u32 s18, $0xC  }
0x1fc: {  	s8 =	sor.u32 s8, s13;
	s18 =	sadd.s32 $0x1A80, s18  }
0x1fd: {  	[tilespmem:s18], [sflag:$0x2] =	stream.indirect.gather [hbm4b:s11+s25], $0x20, s8, s25, $0xb8;
	[tilespmem:$0x1F180] =	vst v63  }
.LBB2_36:
0x1fe: {  	s8 =	smulhi.u32 $0xCCCCCCCD, s0  }
0x1ff: {  	s13 =	sand.u32 $0x780, s3  }
0x200: {  	s18 =	sor.u32 $0x800, s13;
	s8 =	sshrl.u32 s8, $0x2  }
0x201: {  	v18 =	vmov s18;
	s18 =	smul.u32 $0xFFFEC000, s8  }
0x202: {  	s19 =	sadd.s32 $0xFFFFFFFD, s17;
	_ =	swait.ge [sflag:s26], $0x1000;
	s8 =	smul.u32 $0xFFFFF600, s8  }
0x203: {  	s13 =	sor.u32 $0x1000, s13;
	s22 =	smulhi.u32 $0xCCCCCCCD, s19;
	[sflag:s26] =	ssyncset.done $0x0  }
0x204: {  	v19 =	vmov s13;
	[sflag:s26] =	ssyncadd.s32 $0xFFFFF000;
	s8 =	sshra.s32 s8, $0x2  }
0x205: {  	s13 =	simm.s32 $0x0;
	s23 =	sshrl.u32 s22, $0x2;
	s8 =	sadd.s32 s8, s16  }
0x206: {  	s22 =	smul.u32 $0x5, s23;
	v21 =	vld.idx.msk [tilespmem:v18+s13+$0x0 ss:$0x1], $0xffff;
	v20 =	vmov s8  }
0x207: {  	s18 =	sshra.s32 s18, $0x2  }
0x208: {  	s23 =	sadd.s32 s18, s31;
	s19 =	ssub.s32 s19, s22  }
0x209: {  	s18 =	sshll.u32 s19, $0x7;
	s8 =	simm.s32 $0x40;
	v17 =	vld.idx.msk [tilespmem:v19+s13+$0x0 ss:$0x1], $0xffff;
	s22 =	smov.u32 s23  }
.LBB2_37:
0x20a: {  	p0 =	sne.s32 s8, $0x1C0  }
0x20b: {  	s23 =	sadd.s32 $0x200, s23;
	[tilespmem:v20+s13+$0x0 ss:$0x1] =	vst.idx.msk $0xffff, v21;
	s13 =	smov.u32 s8;
	s8 =	sadd.s32 $0x40, s8  }
0x20c: {  	v21 =	vld [tilespmem:s22+$0x1C0]  }
0x20d: {  	v22 =	vld [tilespmem:s22+$0x1D0]  }
0x20e: {  	v23 =	vperm.xlane v17, v16;
	v24 =	vld [tilespmem:s22+$0x1F0]  }
0x20f: {  	v25 =	vperm.xlane v17, v15;
	v26 =	vld [tilespmem:s22+$0x1E0];
	_ =	sdelay $0x1  }
0x210: {  	v21 =	vmul.f32 v21, v25  }
0x211: {  	v27 =	vld [tilespmem:s22+$0x1B0];
	v22 =	vmul.f32 v22, v25  }
0x212: {  	v25 =	vld [tilespmem:s22+$0x1A0];
	[tilespmem:s22+$0x1C0] =	vst v21;
	v21 =	vmul.f32 v24, v23  }
0x213: {  	v24 =	vld [tilespmem:s22+$0x190];
	[tilespmem:s22+$0x1D0] =	vst v22;
	v22 =	vmul.f32 v26, v23  }
0x214: {  	v26 =	vperm.xlane v17, v14;
	v23 =	vld [tilespmem:s22+$0x180];
	[tilespmem:s22+$0x1F0] =	vst v21  }
0x215: {  	v21 =	vld [tilespmem:s22+$0x170];
	[tilespmem:s22+$0x1E0] =	vst v22  }
0x216: {  	v28 =	vperm.xlane v17, v13;
	v22 =	vld [tilespmem:s22+$0x160];
	v27 =	vmul.f32 v27, v26  }
0x217: {  	v29 =	vld [tilespmem:s22+$0x150];
	v25 =	vmul.f32 v25, v26  }
0x218: {  	v26 =	vld [tilespmem:s22+$0x140];
	v24 =	vmul.f32 v24, v28;
	[tilespmem:s22+$0x1B0] =	vst v27  }
0x219: {  	v30 =	vperm.xlane v17, v12;
	v27 =	vld [tilespmem:s22+$0x130];
	v23 =	vmul.f32 v23, v28;
	[tilespmem:s22+$0x1A0] =	vst v25  }
0x21a: {  	v28 =	vperm.xlane v17, v11;
	v25 =	vld [tilespmem:s22+$0x120];
	[tilespmem:s22+$0x190] =	vst v24  }
0x21b: {  	v21 =	vmul.f32 v21, v30;
	v24 =	vld [tilespmem:s22+$0x110];
	v22 =	vmul.f32 v22, v30;
	[tilespmem:s22+$0x180] =	vst v23  }
0x21c: {  	v30 =	vperm.xlane v17, v10;
	v23 =	vld [tilespmem:s22+$0x100];
	v29 =	vmul.f32 v29, v28  }
0x21d: {  	v31 =	vld [tilespmem:s22+$0xF0];
	v26 =	vmul.f32 v26, v28;
	[tilespmem:s22+$0x170] =	vst v21  }
0x21e: {  	v28 =	vperm.xlane v17, v9;
	v21 =	vld [tilespmem:s22+$0xE0];
	v27 =	vmul.f32 v27, v30;
	[tilespmem:s22+$0x150] =	vst v29  }
0x21f: {  	v29 =	vld [tilespmem:s22+$0xD0];
	v25 =	vmul.f32 v25, v30;
	[tilespmem:s22+$0x140] =	vst v26  }
0x220: {  	v30 =	vperm.xlane v17, v8;
	v26 =	vld [tilespmem:s22+$0xC0];
	v24 =	vmul.f32 v24, v28;
	[tilespmem:s22+$0x130] =	vst v27  }
0x221: {  	v27 =	vld [tilespmem:s22+$0xB0];
	v23 =	vmul.f32 v23, v28;
	[tilespmem:s22+$0x120] =	vst v25  }
0x222: {  	v28 =	vperm.xlane v17, v7;
	v25 =	vld [tilespmem:s22+$0xA0];
	v31 =	vmul.f32 v31, v30;
	[tilespmem:s22+$0x110] =	vst v24  }
0x223: {  	v24 =	vld [tilespmem:s22+$0x90];
	v21 =	vmul.f32 v21, v30;
	[tilespmem:s22+$0x100] =	vst v23  }
0x224: {  	v30 =	vperm.xlane v17, v6;
	v23 =	vld [tilespmem:s22+$0x80];
	v29 =	vmul.f32 v29, v28;
	[tilespmem:s22+$0xF0] =	vst v31  }
0x225: {  	v31 =	vld [tilespmem:s22+$0x70];
	v26 =	vmul.f32 v26, v28;
	[tilespmem:s22+$0xE0] =	vst v21  }
0x226: {  	v28 =	vperm.xlane v17, v5;
	v21 =	vld [tilespmem:s22+$0x60];
	v27 =	vmul.f32 v27, v30;
	[tilespmem:s22+$0xD0] =	vst v29  }
0x227: {  	v29 =	vld [tilespmem:s22+$0x50];
	v25 =	vmul.f32 v25, v30;
	[tilespmem:s22+$0xC0] =	vst v26  }
0x228: {  	v30 =	vperm.xlane v17, v4;
	v26 =	vld [tilespmem:s22+$0x40];
	v24 =	vmul.f32 v24, v28;
	[tilespmem:s22+$0xB0] =	vst v27  }
0x229: {  	v27 =	vld [tilespmem:s22+$0x30];
	v23 =	vmul.f32 v23, v28;
	[tilespmem:s22+$0xA0] =	vst v25  }
0x22a: {  	v25 =	vld [tilespmem:s22+$0x20];
	v28 =	vmul.f32 v31, v30;
	[tilespmem:s22+$0x90] =	vst v24  }
0x22b: {  	v31 =	vperm.xlane v17, v3;
	v24 =	vld [tilespmem:s22+$0x10];
	v21 =	vmul.f32 v21, v30;
	[tilespmem:s22+$0x80] =	vst v23  }
0x22c: {  	s13 =	sshra.s32 s13, $0x2;
	v30 =	vperm.xlane v17, v2;
	v23 =	vld [tilespmem:s22+$0x0];
	[tilespmem:s22+$0x70] =	vst v28  }
0x22d: {  	v28 =	vmul.f32 v29, v31;
	v26 =	vmul.f32 v26, v31;
	[tilespmem:s22+$0x60] =	vst v21  }
0x22e: {  	v17 =	vperm.xlane v17, v1;
	v21 =	vmul.f32 v27, v30;
	[tilespmem:s22+$0x160] =	vst v22  }
0x22f: {  	v22 =	vmul.f32 v25, v30;
	[tilespmem:s22+$0x40] =	vst v26  }
0x230: {  	v24 =	vmul.f32 v24, v17;
	[tilespmem:s22+$0x30] =	vst v21  }
0x231: {  	v17 =	vmul.f32 v23, v17;
	[tilespmem:s22+$0x50] =	vst v28  }
0x232: {  	[tilespmem:s22+$0x10] =	vst v24  }
0x233: {  	[tilespmem:s22+$0x0] =	vst v17  }
.Ltmp31:
0x234: {  	[tilespmem:s22+$0x20] =	vst v22;
	s22 =	smov.u32 s23;
	(pc) =	sbr.rel @p0 .LBB2_37-.Ltmp31, $2  }
0x235: {  	v21 =	vld.idx.msk [tilespmem:v18+s13+$0x0 ss:$0x1], $0xffff;
	_ =	sdelay $0x2  }
0x236: {  	v17 =	vld.idx.msk [tilespmem:v19+s13+$0x0 ss:$0x1], $0xffff  }
0x237: {  	_ =	sdelay $0x3  }
0x238: {  	[tilespmem:v20+s13+$0x0 ss:$0x1] =	vst.idx.msk $0xffff, v21  }
0x239: {  	v18 =	vld [tilespmem:s22+$0x1C0]  }
0x23a: {  	v19 =	vld [tilespmem:s22+$0x1D0]  }
0x23b: {  	v20 =	vld [tilespmem:s22+$0x1F0]  }
0x23c: {  	v23 =	vld [tilespmem:s22+$0x1B0]  }
0x23d: {  	v25 =	vld [tilespmem:s22+$0x190];
	v30 =	vperm.xlane v17, v15  }
0x23e: {  	v27 =	vld [tilespmem:s22+$0x170]  }
0x23f: {  	v34 =	vld [tilespmem:s22+$0x150];
	v26 =	vperm.xlane v17, v14;
	v18 =	vmul.f32 v18, v30  }
0x240: {  	v22 =	vld [tilespmem:s22+$0x1E0];
	v32 =	vperm.xlane v17, v13;
	v19 =	vmul.f32 v19, v30  }
0x241: {  	v35 =	vld [tilespmem:s22+$0x140];
	v37 =	vperm.xlane v17, v12;
	v33 =	vmul.f32 v23, v26;
	[tilespmem:s22+$0x1C0] =	vst v18  }
0x242: {  	v24 =	vld [tilespmem:s22+$0x1A0];
	v38 =	vperm.xlane v17, v11;
	v25 =	vmul.f32 v25, v32;
	[tilespmem:s22+$0x1D0] =	vst v19  }
0x243: {  	v57 =	vld [tilespmem:s22+$0x30];
	v27 =	vmul.f32 v27, v37;
	v18 =	vperm.xlane v17, v16;
	[tilespmem:s22+$0x1B0] =	vst v33  }
0x244: {  	v39 =	vld [tilespmem:s22+$0x110];
	v23 =	vmul.f32 v34, v38;
	[tilespmem:s22+$0x190] =	vst v25  }
0x245: {  	v45 =	vld [tilespmem:s22+$0xC0];
	[tilespmem:s22+$0x170] =	vst v27;
	v20 =	vmul.f32 v20, v18;
	v18 =	vmul.f32 v22, v18  }
0x246: {  	v47 =	vld [tilespmem:s22+$0xB0];
	v61 =	vperm.xlane v17, v2;
	v21 =	vmul.f32 v35, v38;
	[tilespmem:s22+$0x150] =	vst v23  }
0x247: {  	v49 =	vld [tilespmem:s22+$0x90];
	v43 =	vperm.xlane v17, v9;
	[tilespmem:s22+$0x1E0] =	vst v18;
	v18 =	vmul.f32 v24, v26  }
0x248: {  	v48 =	vperm.xlane v17, v7;
	v63 =	vmul.f32 v57, v61;
	[tilespmem:s22+$0x140] =	vst v21  }
0x249: {  	v51 =	vperm.xlane v17, v6;
	v25 =	vmul.f32 v39, v43;
	[tilespmem:s22+$0x1A0] =	vst v18;
	v18 =	vld [tilespmem:s22+$0x120]  }
0x24a: {  	v36 =	vld [tilespmem:s22+$0x130];
	v54 =	vperm.xlane v17, v5;
	v21 =	vmul.f32 v45, v48;
	[tilespmem:s22+$0x30] =	vst v63  }
0x24b: {  	v52 =	vld [tilespmem:s22+$0x70];
	v23 =	vmul.f32 v47, v51;
	[tilespmem:s22+$0x110] =	vst v25  }
0x24c: {  	v55 =	vld [tilespmem:s22+$0x40];
	v28 =	vperm.xlane v17, v10;
	v27 =	vmul.f32 v49, v54;
	[tilespmem:s22+$0xC0] =	vst v21  }
0x24d: {  	v31 =	vld [tilespmem:s22+$0x180];
	[tilespmem:s22+$0xB0] =	vst v23  }
0x24e: {  	v41 =	vld [tilespmem:s22+$0xF0];
	v56 =	vperm.xlane v17, v4;
	[tilespmem:s22+$0x90] =	vst v27;
	v18 =	vmul.f32 v18, v28  }
0x24f: {  	v42 =	vld [tilespmem:s22+$0xE0];
	v59 =	vperm.xlane v17, v3;
	v22 =	vmul.f32 v36, v28;
	[tilespmem:s22+$0x1F0] =	vst v20  }
0x250: {  	v25 =	vmul.f32 v52, v56;
	[tilespmem:s22+$0x120] =	vst v18;
	v18 =	vld [tilespmem:s22+$0xA0]  }
0x251: {  	v46 =	vperm.xlane v17, v8;
	v19 =	vld [tilespmem:s22+$0x160];
	v21 =	vmul.f32 v55, v59;
	[tilespmem:s22+$0x130] =	vst v22  }
0x252: {  	v40 =	vld [tilespmem:s22+$0x100];
	v20 =	vmul.f32 v31, v32;
	[tilespmem:s22+$0x70] =	vst v25  }
0x253: {  	v53 =	vld [tilespmem:s22+$0x60];
	v24 =	vmul.f32 v41, v46;
	[tilespmem:s22+$0x40] =	vst v21  }
0x254: {  	v58 =	vld [tilespmem:s22+$0x10];
	v22 =	vmul.f32 v42, v46;
	[tilespmem:s22+$0x180] =	vst v20  }
0x255: {  	v60 =	vld [tilespmem:s22+$0x0];
	[tilespmem:s22+$0xF0] =	vst v24;
	v18 =	vmul.f32 v18, v51  }
0x256: {  	v50 =	vld [tilespmem:s22+$0x80];
	v19 =	vmul.f32 v19, v37;
	[tilespmem:s22+$0xE0] =	vst v22  }
0x257: {  	v17 =	vperm.xlane v17, v1;
	v20 =	vmul.f32 v40, v43;
	[tilespmem:s22+$0xA0] =	vst v18;
	v18 =	vld [tilespmem:s22+$0x50]  }
0x258: {  	v44 =	vld [tilespmem:s22+$0xD0];
	v22 =	vmul.f32 v53, v56;
	[tilespmem:s22+$0x160] =	vst v19  }
0x259: {  	v62 =	vld [tilespmem:s22+$0x20];
	v19 =	vmul.f32 v58, v17;
	[tilespmem:s22+$0x100] =	vst v20  }
0x25a: {  	v17 =	vmul.f32 v60, v17;
	[tilespmem:s22+$0x60] =	vst v22  }
0x25b: {  	v20 =	vmul.f32 v50, v54;
	[tilespmem:s22+$0x10] =	vst v19  }
0x25c: {  	[tilespmem:s22+$0x0] =	vst v17;
	v18 =	vmul.f32 v18, v59  }
.Ltmp32:
0x25d: {  	[tilespmem:s22+$0x80] =	vst v20;
	v28 =	vmul.f32 v44, v48;
	(pc) =	sbr.rel .LBB2_39-.Ltmp32, $4  }
0x25e: {  	s8 =	sshll.u32 s19, $0xC;
	[tilespmem:s22+$0x50] =	vst v18;
	v18 =	vmul.f32 v62, v61  }
0x25f: {  	s8 =	sand.u32 $0x3FFFF000, s8;
	[tilespmem:s22+$0xD0] =	vst v28  }
0x260: {  	s23 =	sadd.s32 $0x1800, s18;
	s8 =	sadd.s32 $0x1A80, s8;
	[tilespmem:s22+$0x20] =	vst v18  }
0x261: {  	[spmem:s1] =	stream.indirect.scatter.add.f32 [tilespmem:s8], [sflag:$0x3], $0x20, s23, s25, $0xb8;
	[tilespmem:$0x1F180] =	vst v63  }
.LBB2_34:
.Ltmp33:
0x262: {  	(pc) =	sbr.rel @p0 .LBB2_36-.Ltmp33, $4  }
.Ltmp34:
0x263: {  	(pc) =	sbr.rel @!p0 .LBB2_35-.Ltmp34, $4  }
0x264: {  	_ = 	snop  }
0x265: {  	_ = 	snop  }
0x266: {  	_ = 	snop  }
0x267: {  	_ = 	snop  }
.LBB2_41:
0x268: {  	_ =	sfence.sel $0x180000  }
0x269: {  	[bflag:$0x0] =	sbarrier.arrive $0xFFFF  }
0x26a: {  	_ =	strace $0x90000047  }
0x26b: {  	s0 =	stileid.u32;
	[bflag:$0x2] =	sbarrier.arrive $0xFFFF  }
0x26c: {  	p0 =	sne.s32 s0, $0x0;
	s0 =	rddreg [dreg:$0x2]  }
0x26d: {  	s0 =	sadd.s32 @!p0 $0x100000, s0  }
0x26e: {  	[sflag:s0] =	ssyncadd.tile.s32 @!p0 $0x1;
	_ =	shalt  }
.Lfunc_end2:
_tile_overlayer_lowered:
.L_overlay_start_2:
0x26f: {  	(tag) =	ssettag $0x2  }
0x270: {  	s0 =	rddreg [dreg:$0x0];
	s2 =	stileid.u32  }
0x271: {  	s1 =	rddreg [dreg:$0x1];
	p0 =	sne.s32 s2, $0x0  }
0x272: {  	s3 =	rddreg [dreg:$0x2];
	[bflag:$0x3] =	sbarrier.arrive $0xFFFF;
	s2 =	simm.s32 @!p0 $0x1C04  }
0x273: {  	[timem:s3], [sflag:s2] =	dma.local @!p0 [hbm:s0], s1  }
0x274: {  	s0 =	simm.s32 @!p0 $0x4  }
0x275: {  	_ =	swait.ge @!p0 [sflag:s0], s1  }
0x276: {  	s1 =	ssub.s32 @!p0 $0x0, s1;
	[sflag:s0] =	ssyncset.done @!p0 $0x0  }
0x277: {  	[sflag:s0] =	ssyncadd.s32 @!p0 s1  }
0x278: {  	[bflag:$0x3] =	sbarrier.arrive $0xFFFF  }
0x279: {  	_ =	shalt  }

// kernel: kernel.8.cloned.1.call-start
scs
__scs_entry_jumppad:
0x0: {  	(pc) =	sbr.rel $0x88, $3  }
0x1: {  	(tag) =	ssettag $0x0;
	lr =	simm.s32 $0x1  }
0x2: {  	[smem:$0x3F98] =	sst lr;
	_ =	strace $0xD0000000  }
0x3: {  	_ = 	snop  }
0x4: {  	_ = 	snop  }
0x5: {  	_ = 	snop  }
0x6: {  	_ = 	snop  }
0x7: {  	_ = 	snop  }
__scs_overlays_trampoline_lowered:
0x8: {  	[smem:$0x3FA7] =	sst s0  }
0x9: {  	[smem:$0x3FA8] =	sst s1  }
0xa: {  	[smem:$0x3FA9] =	sst s2  }
0xb: {  	[smem:$0x3FAA] =	sst s3  }
0xc: {  	[smem:$0x3FAB] =	sst s4  }
0xd: {  	[smem:$0x3FAC] =	sst s5  }
0xe: {  	[smem:$0x3FAD] =	sst s6  }
0xf: {  	[smem:$0x3FAE] =	sst s7  }
0x10: {  	[smem:$0x3FAF] =	sst s8  }
0x11: {  	[smem:$0x3FB0] =	sst s9;
	s0 =	simm.s32 @!p0 $0x0  }
0x12: {  	s1 =	sld [smem:$0x3F96];
	s0 =	simm.s32 @p0 $0x1  }
0x13: {  	[smem:$0x3FB1] =	sst s0;
	s0 =	simm.s32 @!p1 $0x0  }
0x14: {  	s2 =	sld [smem:$0x3F95];
	s0 =	simm.s32 @p1 $0x1  }
0x15: {  	[smem:$0x3FB2] =	sst s0;
	s0 =	simm.s32 @!p2 $0x0  }
0x16: {  	s3 =	sld [smem:$0x3FDB];
	s0 =	simm.s32 @p2 $0x1  }
0x17: {  	s4 =	simm.s32 $0x1BF5;
	[smem:$0x3FB4] =	sst s0  }
0x18: {  	s0 =	sld [smem:$0x3F97];
	_ =	swait.ge [sflag:s4], $0x0  }
0x19: {  	s7 =	sld [smem:$0x3F98]  }
0x1a: {  	s8 =	sadd.s32 $0xFFFFE003, lr  }
0x1b: {  	s9 =	sadd.s32 $0xFFFFFEF7, lr;
	s5 =	simm.s32 $0xFFFFFFFF;
	p2 =	slt.u32 s8, $0xFFFFF086  }
0x1c: {  	p1 =	slt.u32 s9, $0xF7A;
	s5 =	simm.s32 @!p2 $0x0  }
0x1d: {  	s5 =	simm.s32 @p1 $0x1;
	p0 =	seq.s32 s7, s2  }
0x1e: {  	s7 =	smul.u32 @!p0 $0xF7A, s2;
	p2 =	seq.s32 @!p0 s5, $0x0  }
0x1f: {  	s9 =	smul.u32 $0xF7A, s1;
	s8 =	simm.s32 @!p0 $0x1BF5;
	p2 =	por !p2, p0  }
0x20: {  	[sflag:s8] =	ssyncset.s32 @!p0 $0xFFFFF086;
	s6 =	sadd.s32 @!p0 s3, s7;
	s7 =	simm.s32 @!p0 $0x108  }
0x21: {  	s3 =	sadd.s32 s3, s9;
	s6 =	sadd.s32 @!p0 $0x88, s6;
	s7 =	simm.s32 @p2 $0x1082  }
0x22: {  	[simem:s7], [sflag:s8] =	dma.local @!p0 [hbm:s6], $0xF7A  }
0x23: {  	s9 =	sor.u32 $0xD0000000, s2;
	s6 =	simm.s32 $0x108;
	_ =	swait.ge @!p0 [sflag:s8], $0x0  }
0x24: {  	s3 =	sadd.s32 $0x88, s3;
	s6 =	simm.s32 @!p1 $0x1082;
	[sflag:s4] =	ssyncset.s32 $0xFFFFF086  }
0x25: {  	[simem:s6], [sflag:s4] =	dma.local [hbm:s3], $0xF7A  }
0x26: {  	[smem:$0x3F98] =	sst s1;
	(tag) =	ssettag s2;
	_ =	strace s9  }
0x27: {  	s1 =	sld [smem:$0x3FA8]  }
0x28: {  	s2 =	sld [smem:$0x3FA9]  }
0x29: {  	s4 =	sld [smem:$0x3FAB]  }
0x2a: {  	p0 =	seq.s32 s5, $0x0;
	s5 =	sld [smem:$0x3FAC]  }
0x2b: {  	s6 =	sld [smem:$0x3FAD]  }
0x2c: {  	s7 =	sld [smem:$0x3FAE]  }
0x2d: {  	s3 =	simm.s32 $0x108;
	s8 =	sld [smem:$0x3FAF]  }
0x2e: {  	s3 =	simm.s32 @!p0 $0x1082;
	s9 =	sld [smem:$0x3FB0]  }
0x2f: {  	lr =	sadd.s32 s0, s3;
	s0 =	sld [smem:$0x3FA7]  }
0x30: {  	s3 =	sld [smem:$0x3FAA]  }
0x31: {  	[smem:$0x3FB3] =	sst s10  }
0x32: {  	s10 =	sld [smem:$0x3FB1];
	_ =	sdelay $0x3  }
0x33: {  	p0 =	seq.s32 s10, $0x1;
	s10 =	sld [smem:$0x3FB3];
	_ =	sdelay $0x3  }
0x34: {  	[smem:$0x3FB3] =	sst s10  }
0x35: {  	s10 =	sld [smem:$0x3FB2];
	_ =	sdelay $0x3  }
0x36: {  	p1 =	seq.s32 s10, $0x1;
	s10 =	sld [smem:$0x3FB3];
	_ =	sdelay $0x3  }
0x37: {  	[smem:$0x3FB3] =	sst s10  }
0x38: {  	s10 =	sld [smem:$0x3FB4]  }
0x39: {  	_ = 	snop;
	(pc) =	sbr.ind lr, $3  }
0x3a: {  	_ = 	snop  }
0x3b: {  	_ = 	snop  }
0x3c: {  	p2 =	seq.s32 s10, $0x1;
	s10 =	sld [smem:$0x3FB3]  }
0x3d: {  	_ =	shalt  }
0x3e: {  	_ =	shalt  }
0x3f: {  	_ =	shalt  }
0x40: {  	_ =	shalt  }
0x41: {  	_ =	shalt  }
0x42: {  	_ =	shalt  }
0x43: {  	_ =	shalt  }
0x44: {  	_ =	shalt  }
0x45: {  	_ =	shalt  }
0x46: {  	_ =	shalt  }
0x47: {  	_ =	shalt  }
0x48: {  	_ =	shalt  }
0x49: {  	_ =	shalt  }
0x4a: {  	_ =	shalt  }
0x4b: {  	_ =	shalt  }
0x4c: {  	_ =	shalt  }
0x4d: {  	_ =	shalt  }
0x4e: {  	_ =	shalt  }
0x4f: {  	_ =	shalt  }
0x50: {  	_ =	shalt  }
0x51: {  	_ =	shalt  }
0x52: {  	_ =	shalt  }
0x53: {  	_ =	shalt  }
0x54: {  	_ =	shalt  }
0x55: {  	_ =	shalt  }
0x56: {  	_ =	shalt  }
0x57: {  	_ =	shalt  }
0x58: {  	_ =	shalt  }
0x59: {  	_ =	shalt  }
0x5a: {  	_ =	shalt  }
0x5b: {  	_ =	shalt  }
0x5c: {  	_ =	shalt  }
0x5d: {  	_ =	shalt  }
0x5e: {  	_ =	shalt  }
0x5f: {  	_ =	shalt  }
0x60: {  	_ =	shalt  }
0x61: {  	_ =	shalt  }
0x62: {  	_ =	shalt  }
0x63: {  	_ =	shalt  }
0x64: {  	_ =	shalt  }
0x65: {  	_ =	shalt  }
0x66: {  	_ =	shalt  }
0x67: {  	_ =	shalt  }
0x68: {  	_ =	shalt  }
0x69: {  	_ =	shalt  }
0x6a: {  	_ =	shalt  }
0x6b: {  	_ =	shalt  }
0x6c: {  	_ =	shalt  }
0x6d: {  	_ =	shalt  }
0x6e: {  	_ =	shalt  }
0x6f: {  	_ =	shalt  }
0x70: {  	_ =	shalt  }
0x71: {  	_ =	shalt  }
0x72: {  	_ =	shalt  }
0x73: {  	_ =	shalt  }
0x74: {  	_ =	shalt  }
0x75: {  	_ =	shalt  }
0x76: {  	_ =	shalt  }
0x77: {  	_ =	shalt  }
0x78: {  	_ =	shalt  }
0x79: {  	_ =	shalt  }
0x7a: {  	_ =	shalt  }
0x7b: {  	_ =	shalt  }
0x7c: {  	_ =	shalt  }
0x7d: {  	_ =	shalt  }
0x7e: {  	_ =	shalt  }
0x7f: {  	_ =	shalt  }
0x80: {  	_ =	shalt  }
0x81: {  	_ =	shalt  }
0x82: {  	_ =	shalt  }
0x83: {  	_ =	shalt  }
0x84: {  	_ =	shalt  }
0x85: {  	_ =	shalt  }
0x86: {  	_ =	shalt  }
0x87: {  	_ =	shalt  }
.Lfunc_end0:
.L_simem_size_0:
called_computation.1_lowered:
.L_overlay_start_0:
0x88: {  	s2 =	sld [smem:$0x3FD9]  }
0x89: {  	s3 =	sld [smem:$0x3FFE];
	_ =	sdelay $0x1  }
0x8a: {  	s1 =	srdreg.scid  }
0x8b: {  	s0 =	sand.u32 $0x1, s1  }
0x8c: {  	s16 =	sshll.u32 s0, $0xA;
	s2 =	sadd.s32 s3, s2  }
0x8d: {  	s2 =	sadd.s32 s2, s16  }
0x8e: {  	[smem:$0x3FBF] =	sst s2  }
0x8f: {  	_ = 	snop  }
0x90: {  	(tm) =	ssettm $0x1  }
0x91: {  	s17 =	sld [smem:$0x3FFB];
	_ =	sdelay $0x3  }
0x92: {  	_ =	strace s17  }
0x93: {  	s2 =	sld [smem:$0x3FFC];
	_ =	sdelay $0x3  }
0x94: {  	_ =	strace s2  }
0x95: {  	s2 =	sld [smem:$0x3FFD];
	_ =	sdelay $0x3  }
0x96: {  	_ =	strace s2  }
0x97: {  	_ =	strace $0x8FFFFFFF  }
0x98: {  	s18 =	sld [smem:$0x3FDB];
	_ =	sdelay $0x1  }
0x99: {  	s19 =	simm.s32 $_scs_section_size  }
0x9a: {  	s4 =	simm.s32 $_size__tile_overlayer_lowered;
	s5 =	simm.s32 $_tile_overlayer_lowered  }
0x9b: {  	s22 =	simm.s32 $0x1BFF;
	s21 =	sshll.u32 s5, $0x1;
	s2 =	sadd.s32 s19, s18  }
0x9c: {  	s6 =	simm.s32 $0x0;
	s20 =	sshll.u32 s4, $0x1;
	s4 =	sadd.s32 s21, s2  }
0x9d: {  	[timem:s6], [sflag:s22] =	dma.local [hbm:s4], s20  }
0x9e: {  	_ =	swait.ge [sflag:s22], s20  }
0x9f: {  	s3 =	ssub.s32 $0x0, s20;
	[sflag:s22] =	ssyncset.done $0x0  }
0xa0: {  	[sflag:s22] =	ssyncadd.s32 s3;
	_ =	sdelay $0x1  }
0xa1: {  	s23 =	simm.s32 $0x1B8B  }
0xa2: {  	_ =	swait.ge [sflag:s23], $0x1  }
0xa3: {  	[sflag:s23] =	ssyncset.done $0x0  }
0xa4: {  	s25 =	simm.s32 $0x1B8E;
	s24 =	sld [smem:$0x3FFE];
	[sflag:s23] =	ssyncadd.s32 $0xFFFFFFFF  }
0xa5: {  	s26 =	simm.s32 $execute0_lowered;
	[smem:$0x3FD2] =	sst s25  }
0xa6: {  	s4 =	sshll.u32 s26, $0x1;
	_ =	strace $0x80000049;
	[dreg:$0x1] =	wrdreg $0xFFFFFFFF  }
0xa7: {  	s28 =	simm.s32 $_size_execute0_lowered;
	s2 =	sadd.s32 s2, s4;
	[dreg:$0x0] =	wrdreg $0x0  }
0xa8: {  	s4 =	sshll.u32 s28, $0x1;
	[dreg:$0x2] =	wrdreg s2  }
0xa9: {  	[dreg:$0x3] =	wrdreg s4  }
0xaa: {  	[dreg:$0x4] =	wrdreg $0xC0  }
0xab: {  	_ =	task [dreg:s6], $0x5FFFF  }
0xac: {  	[dreg:$0x1] =	wrdreg $0xFFFFFFFF  }
0xad: {  	[dreg:$0x0] =	wrdreg $0x60  }
0xae: {  	[dreg:$0x2] =	wrdreg s24  }
0xaf: {  	[dreg:$0x3] =	wrdreg $0x9  }
0xb0: {  	_ =	task.clear_ibuf [dreg:s6], $0x4FFFF;
	_ =	strace $0x90000049  }
0xb1: {  	s29 =	simm.s32 $0x9;
	_ =	strace $0x8000004B  }
0xb2: {  	_ =	swait.ge [sflag:s29], $0x1  }
0xb3: {  	[sflag:s29] =	ssyncadd.s32 $0xFFFFFFFF  }
0xb4: {  	_ =	strace $0x9000004B  }
0xb5: {  	_ =	sfence  }
0xb6: {  	s30 =	sld [smem:$0x0];
	_ =	sdelay $0x2  }
0xb7: {  	s31 =	sshll.u32 s1, $0xD;
	s1 =	sshrl.u32 s1, $0x2  }
0xb8: {  	s3 =	sand.u32 $0x4000, s31;
	s1 =	sadd.s32 s1, s30  }
0xb9: {  	s0 =	sor.u32 s3, s0;
	s1 =	sshll.u32 s1, $0x11  }
0xba: {  	s0 =	sor.u32 s1, s0  }
0xbb: {  	s0 =	sadd.s32 $0x8F2B, s0  }
0xbc: {  	[sflag:s0] =	ssyncadd.remote.s32 $0x1  }
0xbd: {  	_ =	sfence.sel $0xFFFF  }
0xbe: {  	[dreg:$0x0] =	wrdreg $0xFFFFFFFF;
	(pc) =	sbr.abs _section_cstart, $3  }
0xbf: {  	[dreg:$0x1] =	wrdreg $0xFFFFFFFF  }
0xc0: {  	_ =	task.clear_ibuf [dreg:s6], $0x2FFFF;
	_ =	strace $0x9FFFFFFF  }
0xc1: {  	(tm) =	ssettm $0x7FFFFFFF  }
tec
execute0_lowered:
.L_overlay_start_1:
0x0: {  	(tag) =	ssettag $0x1  }
0x1: {  	s0 =	rddreg [dreg:$0x0]  }
0x2: {  	s2 =	simm.s32 $0x0;
	s1 =	srdreg.scid;
	s3 =	stileid.u32  }
0x3: {  	s11 =	simm.s32 $0x2;
	s12 =	simm.s32 $0x100;
	s13 =	simm.s32 $0x80  }
0x4: {  	s17 =	simm.s32 $0x180;
	s20 =	simm.s32 $0x3200;
	s21 =	simm.s32 $0xA200  }
0x5: {  	s22 =	simm.s32 $0xB200;
	s23 =	simm.s32 $0x4200;
	s24 =	simm.s32 $0x5200  }
0x6: {  	s25 =	simm.s32 $0xC200;
	s26 =	simm.s32 $0xD200;
	s28 =	simm.s32 $0x6200  }
0x7: {  	s29 =	simm.s32 $0x7200;
	s30 =	simm.s32 $0xE200;
	s31 =	simm.s32 $0xF200  }
0x8: {  	s14 =	simm.s32 $0x0;
	[smem:$0x7FF] =	sst s2;
	s1 =	sand.u32 $0x1, s1  }
0x9: {  	s6 =	sshll.u32 s3, $0x8;
	s3 =	sadd.s32 $0x188E00, s0;
	s4 =	sadd.s32 $0x4E800, s0  }
0xa: {  	_ =	strace $0x8000004A;
	s5 =	sshll.u32 s1, $0xC;
	s1 =	ssub.s32 $0x2, s1  }
0xb: {  	s7 =	sor.u32 s6, s5;
	s5 =	sadd.s32 $0xB0400, s0;
	s6 =	sadd.s32 $0x112000, s0  }
0xc: {  	s9 =	sshrl.u32 s1, $0x1;
	s8 =	sshrl.u32 s7, $0x3;
	s7 =	sshll.u32 s7, $0x3  }
0xd: {  	s1 =	ssub.s32 s1, s9;
	s8 =	sadd.s32 s8, s0;
	s0 =	sadd.s32 s7, s0  }
0xe: {  	s10 =	smax.u32 s1, $0x1;
	s1 =	simm.s32 $0x10200;
	s7 =	sadd.s32 $0x174000, s8  }
0xf: {  	s8 =	sadd.s32 $0x173C00, s8;
	s9 =	sadd.s32 $0x174400, s0;
	s0 =	simm.s32 $0x1  }
.LBB2_1:
0x10: {  	[tilespmem:s2], [sflag:$0x2] =	stream.linear.gather [hbm4b:s7+s2], $0x100, $0x38;
	[tilespmem:$0x14200] =	vst v63  }
0x11: {  	_ =	swait.ge [sflag:s11], $0x100  }
0x12: {  	[sflag:s11] =	ssyncset.done $0x0  }
0x13: {  	[sflag:s11] =	ssyncadd.s32 $0xFFFFFF00  }
0x14: {  	[tilespmem:s12], [sflag:$0x2] =	stream.linear.gather [hbm4b:s8+s2], $0x100, $0x38;
	[tilespmem:$0x14200] =	vst v63  }
0x15: {  	_ =	swait.ge [sflag:s11], $0x100  }
0x16: {  	[sflag:s11] =	ssyncset.done $0x0  }
0x17: {  	s15 =	simm.s32 $0x200;
	[sflag:s11] =	ssyncadd.s32 $0xFFFFFF00  }
0x18: {  	[tilespmem:s15], [sflag:$0x1] =	stream.indirect.gather [hbm4b:s3+s13], $0x20, s2, s13, $0xb8;
	[tilespmem:$0x14200] =	vst v63  }
0x19: {  	s19 =	simm.s32 $0x1200  }
0x1a: {  	[tilespmem:s19], [sflag:$0x1] =	stream.indirect.gather [hbm4b:s3+s13], $0x20, s13, s13, $0xb8;
	[tilespmem:$0x14200] =	vst v63  }
0x1b: {  	s16 =	simm.s32 $0x8200  }
0x1c: {  	[tilespmem:s16], [sflag:$0x1] =	stream.indirect.gather [hbm4b:s3+s13], $0x20, s12, s13, $0xb8;
	[tilespmem:$0x14200] =	vst v63  }
0x1d: {  	s18 =	simm.s32 $0x9200  }
0x1e: {  	[tilespmem:s18], [sflag:$0x1] =	stream.indirect.gather [hbm4b:s3+s13], $0x20, s17, s13, $0xb8;
	[tilespmem:$0x14200] =	vst v63  }
0x1f: {  	s19 =	simm.s32 $0x2200  }
0x20: {  	[tilespmem:s19], [sflag:$0x1] =	stream.indirect.gather [hbm4b:s4+s13], $0x20, s2, s13, $0xb8;
	[tilespmem:$0x14200] =	vst v63  }
0x21: {  	_ = 	snop  }
0x22: {  	[tilespmem:s20], [sflag:$0x1] =	stream.indirect.gather [hbm4b:s4+s13], $0x20, s13, s13, $0xb8;
	[tilespmem:$0x14200] =	vst v63  }
0x23: {  	_ = 	snop  }
0x24: {  	[tilespmem:s21], [sflag:$0x1] =	stream.indirect.gather [hbm4b:s4+s13], $0x20, s12, s13, $0xb8;
	[tilespmem:$0x14200] =	vst v63  }
0x25: {  	_ = 	snop  }
0x26: {  	[tilespmem:s22], [sflag:$0x1] =	stream.indirect.gather [hbm4b:s4+s13], $0x20, s17, s13, $0xb8;
	[tilespmem:$0x14200] =	vst v63  }
0x27: {  	_ = 	snop  }
0x28: {  	[tilespmem:s23], [sflag:$0x1] =	stream.indirect.gather [hbm4b:s5+s13], $0x20, s2, s13, $0xb8;
	[tilespmem:$0x14200] =	vst v63  }
0x29: {  	_ = 	snop  }
0x2a: {  	[tilespmem:s24], [sflag:$0x1] =	stream.indirect.gather [hbm4b:s5+s13], $0x20, s13, s13, $0xb8;
	[tilespmem:$0x14200] =	vst v63  }
0x2b: {  	_ = 	snop  }
0x2c: {  	[tilespmem:s25], [sflag:$0x1] =	stream.indirect.gather [hbm4b:s5+s13], $0x20, s12, s13, $0xb8;
	[tilespmem:$0x14200] =	vst v63  }
0x2d: {  	_ = 	snop  }
0x2e: {  	[tilespmem:s26], [sflag:$0x1] =	stream.indirect.gather [hbm4b:s5+s13], $0x20, s17, s13, $0xb8;
	[tilespmem:$0x14200] =	vst v63  }
0x2f: {  	_ = 	snop  }
0x30: {  	[tilespmem:s28], [sflag:$0x1] =	stream.indirect.gather [hbm4b:s6+s13], $0x20, s2, s13, $0xb8;
	[tilespmem:$0x14200] =	vst v63  }
0x31: {  	_ = 	snop  }
0x32: {  	[tilespmem:s29], [sflag:$0x1] =	stream.indirect.gather [hbm4b:s6+s13], $0x20, s13, s13, $0xb8;
	[tilespmem:$0x14200] =	vst v63  }
0x33: {  	_ = 	snop  }
0x34: {  	[tilespmem:s30], [sflag:$0x1] =	stream.indirect.gather [hbm4b:s6+s13], $0x20, s12, s13, $0xb8;
	[tilespmem:$0x14200] =	vst v63  }
0x35: {  	_ = 	snop  }
0x36: {  	[tilespmem:s31], [sflag:$0x1] =	stream.indirect.gather [hbm4b:s6+s13], $0x20, s17, s13, $0xb8;
	[tilespmem:$0x14200] =	vst v63  }
0x37: {  	_ =	swait.ge [sflag:s0], $0x1000  }
0x38: {  	[sflag:s0] =	ssyncset.done $0x0  }
0x39: {  	[sflag:s0] =	ssyncadd.s32 $0xFFFFF000  }
0x3a: {  	_ =	swait.ge [sflag:s0], $0x1000  }
0x3b: {  	[sflag:s0] =	ssyncset.done $0x0  }
0x3c: {  	[sflag:s0] =	ssyncadd.s32 $0xFFFFF000  }
0x3d: {  	_ =	swait.ge [sflag:s0], $0x1000  }
0x3e: {  	[sflag:s0] =	ssyncset.done $0x0  }
0x3f: {  	[sflag:s0] =	ssyncadd.s32 $0xFFFFF000  }
0x40: {  	_ =	swait.ge [sflag:s0], $0x1000  }
0x41: {  	[sflag:s0] =	ssyncset.done $0x0  }
0x42: {  	[sflag:s0] =	ssyncadd.s32 $0xFFFFF000  }
0x43: {  	_ =	swait.ge [sflag:s0], $0x1000  }
0x44: {  	[sflag:s0] =	ssyncset.done $0x0  }
0x45: {  	[sflag:s0] =	ssyncadd.s32 $0xFFFFF000  }
0x46: {  	_ =	swait.ge [sflag:s0], $0x1000  }
0x47: {  	[sflag:s0] =	ssyncset.done $0x0  }
0x48: {  	[sflag:s0] =	ssyncadd.s32 $0xFFFFF000  }
0x49: {  	_ =	swait.ge [sflag:s0], $0x1000  }
0x4a: {  	[sflag:s0] =	ssyncset.done $0x0  }
0x4b: {  	[sflag:s0] =	ssyncadd.s32 $0xFFFFF000  }
0x4c: {  	_ =	swait.ge [sflag:s0], $0x1000  }
0x4d: {  	[sflag:s0] =	ssyncset.done $0x0  }
0x4e: {  	[sflag:s0] =	ssyncadd.s32 $0xFFFFF000  }
0x4f: {  	_ =	swait.ge [sflag:s0], $0x1000  }
0x50: {  	[sflag:s0] =	ssyncset.done $0x0  }
0x51: {  	[sflag:s0] =	ssyncadd.s32 $0xFFFFF000  }
0x52: {  	_ =	swait.ge [sflag:s0], $0x1000  }
0x53: {  	[sflag:s0] =	ssyncset.done $0x0  }
0x54: {  	[sflag:s0] =	ssyncadd.s32 $0xFFFFF000  }
0x55: {  	_ =	swait.ge [sflag:s0], $0x1000  }
0x56: {  	[sflag:s0] =	ssyncset.done $0x0  }
0x57: {  	[sflag:s0] =	ssyncadd.s32 $0xFFFFF000  }
0x58: {  	_ =	swait.ge [sflag:s0], $0x1000  }
0x59: {  	[sflag:s0] =	ssyncset.done $0x0  }
0x5a: {  	[sflag:s0] =	ssyncadd.s32 $0xFFFFF000  }
0x5b: {  	_ =	swait.ge [sflag:s0], $0x1000  }
0x5c: {  	[sflag:s0] =	ssyncset.done $0x0  }
0x5d: {  	[sflag:s0] =	ssyncadd.s32 $0xFFFFF000  }
0x5e: {  	_ =	swait.ge [sflag:s0], $0x1000  }
0x5f: {  	[sflag:s0] =	ssyncset.done $0x0  }
0x60: {  	[sflag:s0] =	ssyncadd.s32 $0xFFFFF000  }
0x61: {  	_ =	swait.ge [sflag:s0], $0x1000  }
0x62: {  	[sflag:s0] =	ssyncset.done $0x0  }
0x63: {  	[sflag:s0] =	ssyncadd.s32 $0xFFFFF000  }
0x64: {  	_ =	swait.ge [sflag:s0], $0x1000  }
0x65: {  	[sflag:s0] =	ssyncset.done $0x0  }
0x66: {  	s18 =	simm.s32 $0x0;
	[sflag:s0] =	ssyncadd.s32 $0xFFFFF000  }
0x67: {  	v0 =	vld [tilespmem:s18+$0x200]  }
0x68: {  	v1 =	vld [tilespmem:s18+$0x2200];
	_ =	sdelay $0x1  }
0x69: {  	v2 =	vld [tilespmem:s18+$0x4200];
	_ =	sdelay $0x1  }
0x6a: {  	v3 =	vld [tilespmem:s18+$0x6200]  }
0x6b: {  	v0 =	vadd.f32 v1, v0;
	_ =	sdelay $0x1  }
0x6c: {  	v0 =	vadd.f32 v2, v0;
	_ =	sdelay $0x1  }
0x6d: {  	v0 =	vadd.f32 v3, v0;
	_ =	sdelay $0x1  }
0x6e: {  	v0 =	vmul.f32 $2.500000000e-01, v0  }
0x6f: {  	s15 =	simm.s32 $0x10220  }
0x70: {  	[tilespmem:s15+$0xFFFFFFE0] =	vst v0  }
0x71: {  	v0 =	vld [tilespmem:s18+$0x210]  }
0x72: {  	v1 =	vld [tilespmem:s18+$0x2210];
	_ =	sdelay $0x1  }
0x73: {  	v2 =	vld [tilespmem:s18+$0x4210];
	_ =	sdelay $0x1  }
0x74: {  	v3 =	vld [tilespmem:s18+$0x6210]  }
0x75: {  	v0 =	vadd.f32 v1, v0;
	_ =	sdelay $0x1  }
0x76: {  	v0 =	vadd.f32 v2, v0;
	_ =	sdelay $0x1  }
0x77: {  	v0 =	vadd.f32 v3, v0;
	_ =	sdelay $0x1  }
0x78: {  	v0 =	vmul.f32 $2.500000000e-01, v0;
	_ =	sdelay $0x1  }
0x79: {  	[tilespmem:s15+$0xFFFFFFF0] =	vst v0  }
0x7a: {  	v0 =	vld [tilespmem:s18+$0x8200]  }
0x7b: {  	v1 =	vld [tilespmem:s18+$0xA200];
	_ =	sdelay $0x1  }
0x7c: {  	v2 =	vld [tilespmem:s18+$0xC200];
	_ =	sdelay $0x1  }
0x7d: {  	v3 =	vld [tilespmem:s18+$0xE200]  }
0x7e: {  	v0 =	vadd.f32 v1, v0;
	_ =	sdelay $0x1  }
0x7f: {  	v0 =	vadd.f32 v2, v0;
	_ =	sdelay $0x1  }
0x80: {  	v0 =	vadd.f32 v3, v0;
	_ =	sdelay $0x1  }
0x81: {  	v0 =	vmul.f32 $2.500000000e-01, v0;
	_ =	sdelay $0x1  }
0x82: {  	[tilespmem:s15+$0x0] =	vst v0  }
0x83: {  	v0 =	vld [tilespmem:s18+$0x8210]  }
0x84: {  	v1 =	vld [tilespmem:s18+$0xA210];
	_ =	sdelay $0x1  }
0x85: {  	v2 =	vld [tilespmem:s18+$0xC210];
	_ =	sdelay $0x2  }
0x86: {  	v1 =	vadd.f32 v1, v0;
	v0 =	vld [tilespmem:s18+$0xE210];
	_ =	sdelay $0x1  }
0x87: {  	s16 =	simm.s32 $0x80;
	s18 =	simm.s32 $0x10220;
	v1 =	vadd.f32 v2, v1  }
.LBB2_2:
0x88: {  	p0 =	sne.s32 s16, $0x7F80  }
0x89: {  	s15 =	sadd.s32 $0x40, s15;
	s19 =	smov.u32 s16;
	s16 =	sadd.s32 $0x80, s16  }
0x8a: {  	v0 =	vadd.f32 v0, v1;
	_ =	sdelay $0x1  }
0x8b: {  	v0 =	vmul.f32 $2.500000000e-01, v0  }
0x8c: {  	s19 =	sshra.s32 s19, $0x2  }
0x8d: {  	[tilespmem:s18+$0x10] =	vst v0;
	s18 =	smov.u32 s15  }
0x8e: {  	v0 =	vld [tilespmem:s19+$0x200]  }
0x8f: {  	v1 =	vld [tilespmem:s19+$0x2200];
	_ =	sdelay $0x1  }
0x90: {  	v2 =	vld [tilespmem:s19+$0x4200];
	_ =	sdelay $0x1  }
0x91: {  	v3 =	vld [tilespmem:s19+$0x6200]  }
0x92: {  	v0 =	vadd.f32 v1, v0;
	_ =	sdelay $0x1  }
0x93: {  	v0 =	vadd.f32 v2, v0;
	_ =	sdelay $0x1  }
0x94: {  	v0 =	vadd.f32 v3, v0;
	_ =	sdelay $0x1  }
0x95: {  	v0 =	vmul.f32 $2.500000000e-01, v0;
	_ =	sdelay $0x1  }
0x96: {  	[tilespmem:s15+$0xFFFFFFE0] =	vst v0  }
0x97: {  	v0 =	vld [tilespmem:s19+$0x210]  }
0x98: {  	v1 =	vld [tilespmem:s19+$0x2210];
	_ =	sdelay $0x1  }
0x99: {  	v2 =	vld [tilespmem:s19+$0x4210];
	_ =	sdelay $0x1  }
0x9a: {  	v3 =	vld [tilespmem:s19+$0x6210]  }
0x9b: {  	v0 =	vadd.f32 v1, v0;
	_ =	sdelay $0x1  }
0x9c: {  	v0 =	vadd.f32 v2, v0;
	_ =	sdelay $0x1  }
0x9d: {  	v0 =	vadd.f32 v3, v0;
	_ =	sdelay $0x1  }
0x9e: {  	v0 =	vmul.f32 $2.500000000e-01, v0;
	_ =	sdelay $0x1  }
0x9f: {  	[tilespmem:s15+$0xFFFFFFF0] =	vst v0  }
0xa0: {  	v0 =	vld [tilespmem:s19+$0x8200]  }
0xa1: {  	v1 =	vld [tilespmem:s19+$0xA200];
	_ =	sdelay $0x1  }
0xa2: {  	v2 =	vld [tilespmem:s19+$0xC200];
	_ =	sdelay $0x1  }
0xa3: {  	v3 =	vld [tilespmem:s19+$0xE200]  }
0xa4: {  	v0 =	vadd.f32 v1, v0;
	_ =	sdelay $0x1  }
0xa5: {  	v0 =	vadd.f32 v2, v0;
	_ =	sdelay $0x1  }
0xa6: {  	v0 =	vadd.f32 v3, v0;
	_ =	sdelay $0x1  }
0xa7: {  	v0 =	vmul.f32 $2.500000000e-01, v0;
	_ =	sdelay $0x1  }
0xa8: {  	[tilespmem:s15+$0x0] =	vst v0  }
0xa9: {  	v1 =	vld [tilespmem:s19+$0x8210]  }
0xaa: {  	v2 =	vld [tilespmem:s19+$0xA210]  }
0xab: {  	v3 =	vld [tilespmem:s19+$0xC210]  }
0xac: {  	v0 =	vld [tilespmem:s19+$0xE210]  }
.Ltmp0:
0xad: {  	(pc) =	sbr.rel @p0 .LBB2_2-.Ltmp0, $3  }
0xae: {  	_ = 	snop  }
0xaf: {  	v1 =	vadd.f32 v2, v1;
	_ =	sdelay $0x1  }
0xb0: {  	v1 =	vadd.f32 v3, v1  }
0xb1: {  	_ = 	snop  }
0xb2: {  	v0 =	vadd.f32 v0, v1;
	_ =	sdelay $0x1  }
0xb3: {  	s14 =	sadd.s32 $0x1, s14;
	v0 =	vmul.f32 $2.500000000e-01, v0  }
0xb4: {  	p0 =	sne.s32 s14, s10  }
.Ltmp1:
0xb5: {  	[tilespmem:s18+$0x10] =	vst v0;
	(pc) =	sbr.rel @p0 .LBB2_1-.Ltmp1, $4  }
0xb6: {  	[hbm4b:s9+s2] =	stream.linear.scatter [tilespmem:s1], [sflag:$0x2], $0x4000, $0x38;
	[tilespmem:$0x14200] =	vst v63  }
0xb7: {  	_ =	swait.ge [sflag:s11], $0x4000  }
0xb8: {  	[sflag:s11] =	ssyncset.done $0x0  }
0xb9: {  	[sflag:s11] =	ssyncadd.s32 $0xFFFFC000  }
0xba: {  	_ =	sfence.sel $0x180000  }
0xbb: {  	[bflag:$0x0] =	sbarrier.arrive $0xFFFF  }
0xbc: {  	_ =	strace $0x9000004A  }
0xbd: {  	s0 =	stileid.u32;
	[bflag:$0x2] =	sbarrier.arrive $0xFFFF  }
0xbe: {  	p0 =	sne.s32 s0, $0x0;
	s0 =	rddreg [dreg:$0x1]  }
0xbf: {  	s0 =	sadd.s32 @!p0 $0x100000, s0  }
0xc0: {  	[sflag:s0] =	ssyncadd.tile.s32 @!p0 $0x1;
	_ =	shalt  }
.Lfunc_end2:
_tile_overlayer_lowered:
.L_overlay_start_2:
0xc1: {  	(tag) =	ssettag $0x2  }
0xc2: {  	s0 =	rddreg [dreg:$0x0];
	s2 =	stileid.u32  }
0xc3: {  	s1 =	rddreg [dreg:$0x1];
	p0 =	sne.s32 s2, $0x0  }
0xc4: {  	s3 =	rddreg [dreg:$0x2];
	[bflag:$0x3] =	sbarrier.arrive $0xFFFF;
	s2 =	simm.s32 @!p0 $0x1C02  }
0xc5: {  	[timem:s3], [sflag:s2] =	dma.local @!p0 [hbm:s0], s1  }
0xc6: {  	s0 =	simm.s32 @!p0 $0x2  }
0xc7: {  	_ =	swait.ge @!p0 [sflag:s0], s1  }
0xc8: {  	s1 =	ssub.s32 @!p0 $0x0, s1;
	[sflag:s0] =	ssyncset.done @!p0 $0x0  }
0xc9: {  	[sflag:s0] =	ssyncadd.s32 @!p0 s1  }
0xca: {  	[bflag:$0x3] =	sbarrier.arrive $0xFFFF  }
0xcb: {  	_ =	shalt  }

</sc_bundles>
